<compile_context>
chip_gen: v7x
topology: tpu7x:2x2x1
jax: 0.10.2.dev20260603
libtpu: 0.0.44.dev20260713+nightly
codegen_flags: <defaults>
</compile_context>

<pallas_src>
import functools
import jax
import jax.numpy as jnp
from jax import lax
from jax.experimental import pallas as pl
from jax.experimental.pallas import tpu as pltpu
from jax.experimental.pallas import tpu_sc as plsc

_NS = 10000
_NA = 10000
_E = 320000
_H = 128
_M = 64

_BN = 2000
_BE = 12800

_NC = 2
_NT = 16
_NW = _NC * _NT
_NSP = 10240
_ROWS_PER_TILE = _NSP // _NT

_mesh = lambda: plsc.VectorSubcoreMesh(core_axis_name="c", subcore_axis_name="s")



def _node_mlp_body(u_ref, h_ref,
                   uuW1, uuW2, uuW3,
                   hhW1, hhb1, hhW2, hhb2, hhW3, hhb3,
                   s_out, msg_out):
    f32 = jnp.float32
    s = jnp.tanh(jnp.dot(u_ref[...], uuW1[...], preferred_element_type=f32))
    s = jnp.tanh(jnp.dot(s, uuW2[...], preferred_element_type=f32))
    s_out[...] = jnp.dot(s, uuW3[...], preferred_element_type=f32)
    m = jnp.tanh(jnp.dot(h_ref[...], hhW1[...], preferred_element_type=f32) + hhb1[...])
    m = jnp.tanh(jnp.dot(m, hhW2[...], preferred_element_type=f32) + hhb2[...])
    msg_out[...] = jnp.dot(m, hhW3[...], preferred_element_type=f32) + hhb3[...]


def _node_mlps(u, h, p):
    grid = (_NS // _BN,)
    bspec = pl.BlockSpec((_BN, _H), lambda i: (i, 0))
    wspec = lambda shape: pl.BlockSpec(shape, lambda i: tuple(0 for _ in shape))
    out_shape = [jax.ShapeDtypeStruct((_NS, _H), jnp.float32)] * 2
    return pl.pallas_call(
        _node_mlp_body,
        grid=grid,
        in_specs=[bspec, bspec,
                  wspec((_H, _M)), wspec((_M, _M)), wspec((_M, _H)),
                  wspec((_H, _M)), wspec((_M,)), wspec((_M, _M)),
                  wspec((_M,)), wspec((_M, _H)), wspec((_H,))],
        out_specs=[bspec, bspec],
        out_shape=out_shape,
    )(u, h, p['uu_W1'], p['uu_W2'], p['uu_W3'],
      p['hh_W1'], p['hh_b1'], p['hh_W2'], p['hh_b2'], p['hh_W3'], p['hh_b3'])


def _edge_mlp_body(act, in5_ref, W1, b1, W2, b2, W3, b3, out_ref):
    f32 = jnp.float32
    pre = lax.dot_general(in5_ref[...], W1[...],
                          dimension_numbers=(((0,), (0,)), ((), ())),
                          preferred_element_type=f32)
    t = jnp.tanh(pre + b1[...])
    t = jnp.tanh(jnp.dot(t, W2[...], preferred_element_type=f32) + b2[...])
    z = jnp.dot(t, W3[...], preferred_element_type=f32) + b3[...]
    if act == 'sigmoid':
        out_ref[...] = jax.nn.sigmoid(z)
    else:
        out_ref[...] = jnp.exp(z)


def _edge_mlp(in5t, W1, b1, W2, b2, W3, b3, act):
    grid = (_E // _BE,)
    wspec = lambda shape: pl.BlockSpec(shape, lambda i: tuple(0 for _ in shape))
    return pl.pallas_call(
        functools.partial(_edge_mlp_body, act),
        grid=grid,
        in_specs=[pl.BlockSpec((5, _BE), lambda i: (0, i)),
                  wspec((5, _M)), wspec((_M,)), wspec((_M, _M)),
                  wspec((_M,)), wspec((_M, _H)), wspec((_H,))],
        out_specs=pl.BlockSpec((_BE, _H), lambda i: (i, 0)),
        out_shape=jax.ShapeDtypeStruct((_E, _H), jnp.float32),
    )(in5t, W1, b1, W2, b2, W3, b3)


def _update_body(sp_ref, h_ref, su_ref, num_ref, den_ref,
                 W1a, W1b, W1c, W1d, b1, W2, b2, W3, b3, out_ref):
    f32 = jnp.float32
    su = su_ref[0] + su_ref[1]
    sum_h = num_ref[...] / (den_ref[...] + 1e-16)
    pre = (jnp.dot(sp_ref[...], W1a[...], preferred_element_type=f32)
           + jnp.dot(h_ref[...], W1b[...], preferred_element_type=f32)
           + jnp.dot(su, W1c[...], preferred_element_type=f32)
           + jnp.dot(sum_h, W1d[...], preferred_element_type=f32)
           + b1[...])
    t = jnp.tanh(pre)
    t = jnp.tanh(jnp.dot(t, W2[...], preferred_element_type=f32) + b2[...])
    out_ref[...] = jnp.dot(t, W3[...], preferred_element_type=f32) + b3[...]


def _update_mlp(sp, h, su_part, num, den, p):
    W1 = p['up_W1']
    grid = (_NS // _BN,)
    bspec = pl.BlockSpec((_BN, _H), lambda i: (i, 0))
    wspec = lambda shape: pl.BlockSpec(shape, lambda i: tuple(0 for _ in shape))
    return pl.pallas_call(
        _update_body,
        grid=grid,
        in_specs=[pl.BlockSpec((_BN, 2), lambda i: (i, 0)),
                  bspec,
                  pl.BlockSpec((_NC, _BN, _H), lambda i: (0, i, 0)),
                  bspec, bspec,
                  wspec((2, _M)), wspec((_H, _M)), wspec((_H, _M)), wspec((_H, _M)),
                  wspec((_M,)), wspec((_M, _M)), wspec((_M,)), wspec((_M, _H)), wspec((_H,))],
        out_specs=bspec,
        out_shape=jax.ShapeDtypeStruct((_NS, _H), jnp.float32),
    )(sp, h, su_part, num, den,
      W1[0:2], W1[2:130], W1[130:258], W1[258:386],
      p['up_b1'], p['up_W2'], p['up_b2'], p['up_W3'], p['up_b3'])



_C5 = 2000
_G5 = _C5 // 16
_N5 = _E // _NW // _C5


def _in5_body(stage_ap, ap_hbm, sp_hbm, src_hbm, dst_hbm, dis_hbm, out_hbm,
              ap_v, sp_v, src_v, dst_v, dis_v, out_v):
    cid = lax.axis_index("c")
    sid = lax.axis_index("s")
    wid = sid * _NC + cid
    base = wid * (_E // _NW)

    if stage_ap:
        pltpu.sync_copy(ap_hbm, ap_v)
        src_tab = ap_v
    else:
        src_tab = sp_v
    pltpu.sync_copy(sp_hbm, sp_v)
    dst_tab = sp_v

    iota = lax.iota(jnp.int32, 16)

    def chunk_body(k, _):
        off = base + k * _C5
        pltpu.sync_copy(src_hbm.at[pl.ds(off, _C5)], src_v)
        pltpu.sync_copy(dst_hbm.at[pl.ds(off, _C5)], dst_v)
        pltpu.sync_copy(dis_hbm.at[pl.ds(off, _C5)], dis_v)

        def group_body(g, _):
            isrc = src_v[pl.ds(g * 16, 16)]
            idst = dst_v[pl.ds(g * 16, 16)]
            xs = plsc.load_gather(src_tab, [isrc * 2])
            ys = plsc.load_gather(src_tab, [isrc * 2 + 1])
            xd = plsc.load_gather(dst_tab, [idst * 2])
            yd = plsc.load_gather(dst_tab, [idst * 2 + 1])
            d = dis_v[pl.ds(g * 16, 16)]
            lanes = g * 16 + iota
            plsc.store_scatter(out_v, [lanes], xs)
            plsc.store_scatter(out_v, [_C5 + lanes], ys)
            plsc.store_scatter(out_v, [2 * _C5 + lanes], xd)
            plsc.store_scatter(out_v, [3 * _C5 + lanes], yd)
            plsc.store_scatter(out_v, [4 * _C5 + lanes], d)
            return 0

        lax.fori_loop(0, _G5, group_body, 0)
        for c in range(5):
            pltpu.sync_copy(out_v.at[pl.ds(c * _C5, _C5)],
                            out_hbm.at[pl.ds(c * _E + off, _C5)])
        return 0

    lax.fori_loop(0, _N5, chunk_body, 0)


def _sc_in5(stage_ap, ap_flat, sp_flat, src, dst, dis):
    f = pl.kernel(
        functools.partial(_in5_body, stage_ap),
        out_type=jax.ShapeDtypeStruct((5 * _E,), jnp.float32),
        mesh=_mesh(),
        scratch_types=[
            pltpu.VMEM((2 * _NA,), jnp.float32),
            pltpu.VMEM((2 * _NS,), jnp.float32),
            pltpu.VMEM((_C5,), jnp.int32),
            pltpu.VMEM((_C5,), jnp.int32),
            pltpu.VMEM((_C5,), jnp.float32),
            pltpu.VMEM((5 * _C5,), jnp.float32),
        ],
        compiler_params=pltpu.CompilerParams(needs_layout_passes=False),
    )
    return f(ap_flat, sp_flat, src, dst, dis)



_CA = 80


def _zero_acc_stripe(zeros_hbm, acc, sid):
    pltpu.sync_copy(zeros_hbm,
                    acc.at[pl.ds(sid * _ROWS_PER_TILE, _ROWS_PER_TILE)])


def _dump_acc_stripe(acc, sid, dst_hbm_slice_fn):
    off = sid * _ROWS_PER_TILE
    pltpu.sync_copy(acc.at[pl.ds(off, _ROWS_PER_TILE)], dst_hbm_slice_fn(off))


def _pipe_gather_mul_scatter(nch, base, lin_hbm, src_hbm, dst_hbm, tab_hbm, acc,
                             isrc, idst, sidx, rows, lin, si, sd, ss):
    def off(k):
        return base + k * _CA

    pltpu.sync_copy(src_hbm.at[pl.ds(off(0), _CA)], isrc[0])
    pltpu.sync_copy(dst_hbm.at[pl.ds(off(0), _CA)], idst[0])
    pltpu.async_copy(tab_hbm.at[isrc[0]], rows[0], sd[0])
    pltpu.async_copy(lin_hbm.at[pl.ds(off(0), _CA)], lin[0], sd[0])
    pltpu.async_copy(src_hbm.at[pl.ds(off(1), _CA)], isrc[1], si[1])
    pltpu.async_copy(dst_hbm.at[pl.ds(off(1), _CA)], idst[1], si[1])

    def block(k, b):
        o = off(k)
        pltpu.make_async_copy(tab_hbm.at[isrc[b]], rows[b], sd[b]).wait()
        pltpu.make_async_copy(lin_hbm.at[pl.ds(o, _CA)], lin[b], sd[b]).wait()

        nb = 1 - b

        @pl.when(k + 1 < nch)
        def _():
            @pl.when(k >= 1)
            def _():
                pltpu.make_async_copy(rows[nb], acc.at[sidx[nb]], ss[nb]).wait()
            pltpu.make_async_copy(src_hbm.at[pl.ds(off(k + 1), _CA)],
                                  isrc[nb], si[nb]).wait()
            pltpu.make_async_copy(dst_hbm.at[pl.ds(off(k + 1), _CA)],
                                  idst[nb], si[nb]).wait()
            pltpu.async_copy(tab_hbm.at[isrc[nb]], rows[nb], sd[nb])
            pltpu.async_copy(lin_hbm.at[pl.ds(off(k + 1), _CA)], lin[nb], sd[nb])

        @plsc.parallel_loop(0, _CA, unroll=4)
        def _(j):
            for c in range(_H // 16):
                s = pl.ds(c * 16, 16)
                rows[b][j, s] = rows[b][j, s] * lin[b][j, s]

        for c in range(_CA // 16):
            s = pl.ds(c * 16, 16)
            sidx[b][s] = idst[b][s]
        pltpu.async_copy(rows[b], acc.at[sidx[b]], ss[b], add=True)

        @pl.when(k + 2 < nch)
        def _():
            pltpu.async_copy(src_hbm.at[pl.ds(off(k + 2), _CA)], isrc[b], si[b])
            pltpu.async_copy(dst_hbm.at[pl.ds(off(k + 2), _CA)], idst[b], si[b])

    def pair(j, _):
        k0 = 2 * j
        block(k0, 0)

        @pl.when(k0 + 1 < nch)
        def _():
            block(k0 + 1, 1)

        return 0

    lax.fori_loop(0, (nch + 1) // 2, pair, 0)
    pltpu.make_async_copy(rows[0], acc.at[sidx[0]], ss[0]).wait()
    pltpu.make_async_copy(rows[1], acc.at[sidx[1]], ss[1]).wait()


_AGG_SCRATCH = [
    pltpu.VMEM((_CA,), jnp.int32), pltpu.VMEM((_CA,), jnp.int32),
    pltpu.VMEM((_CA,), jnp.int32), pltpu.VMEM((_CA,), jnp.int32),
    pltpu.VMEM((_CA,), jnp.int32), pltpu.VMEM((_CA,), jnp.int32),
    pltpu.VMEM((_CA, _H), jnp.float32), pltpu.VMEM((_CA, _H), jnp.float32),
    pltpu.VMEM((_CA, _H), jnp.float32), pltpu.VMEM((_CA, _H), jnp.float32),
    pltpu.VMEM_SHARED((_NSP, _H), jnp.float32),
    pltpu.SemaphoreType.DMA, pltpu.SemaphoreType.DMA,
    pltpu.SemaphoreType.DMA, pltpu.SemaphoreType.DMA,
    pltpu.SemaphoreType.DMA, pltpu.SemaphoreType.DMA,
]


_EA0 = 51 * _NT * _CA


def _agg_body(gate_hbm, asrc_hbm, adst_hbm, sall_hbm,
              ex_hbm, ssrc_hbm, sdst_hbm, msg_hbm,
              zeros_hbm, su_hbm, num_hbm, den_hbm,
              isrc0, isrc1, idst0, idst1, sidx0, sidx1,
              rows0, rows1, lin0, lin1, acc,
              si0, si1, sd0, sd1, ss0, ss1):
    cid = lax.axis_index("c")
    sid = lax.axis_index("s")
    bufs = ((isrc0, isrc1), (idst0, idst1), (sidx0, sidx1),
            (rows0, rows1), (lin0, lin1),
            (si0, si1), (sd0, sd1), (ss0, ss1))

    _zero_acc_stripe(zeros_hbm, acc, sid)
    plsc.subcore_barrier()

    @pl.when(cid == 0)
    def _():
        _pipe_gather_mul_scatter(_EA0 // _NT // _CA, sid * (_EA0 // _NT),
                                 gate_hbm, asrc_hbm, adst_hbm, sall_hbm, acc,
                                 *bufs)

    @pl.when(cid == 1)
    def _():
        _pipe_gather_mul_scatter((_E - _EA0) // _NT // _CA,
                                 _EA0 + sid * ((_E - _EA0) // _NT),
                                 gate_hbm, asrc_hbm, adst_hbm, sall_hbm, acc,
                                 *bufs)

    plsc.subcore_barrier()
    _dump_acc_stripe(acc, sid,
                     lambda off: su_hbm.at[cid, pl.ds(off, _ROWS_PER_TILE)])

    _zero_acc_stripe(zeros_hbm, acc, sid)
    plsc.subcore_barrier()

    base = sid * (_E // _NT)

    @pl.when(cid == 0)
    def _():
        _pipe_gather_mul_scatter(_E // _NT // _CA, base,
                                 ex_hbm, ssrc_hbm, sdst_hbm, msg_hbm, acc,
                                 *bufs)

    @pl.when(cid == 1)
    def _():
        nch = _E // _NT // _CA
        idx3 = (idst0, idst1, isrc0)
        lin3 = (lin0, lin1, rows0)
        ld3 = (sd0, sd1, si0)
        sc3 = (ss0, ss1, si1)

        def off(k):
            return base + k * _CA

        pltpu.sync_copy(sdst_hbm.at[pl.ds(off(0), _CA)], idx3[0])
        pltpu.sync_copy(ex_hbm.at[pl.ds(off(0), _CA)], lin3[0].at[pl.ds(0, _CA)])
        pltpu.async_copy(sdst_hbm.at[pl.ds(off(1), _CA)], idx3[1], ld3[1])
        pltpu.async_copy(ex_hbm.at[pl.ds(off(1), _CA)], lin3[1].at[pl.ds(0, _CA)], ld3[1])

        def den_block(k, r):
            @pl.when(k >= 1)
            def _():
                pltpu.make_async_copy(sdst_hbm.at[pl.ds(off(k), _CA)],
                                      idx3[r], ld3[r]).wait()
                pltpu.make_async_copy(ex_hbm.at[pl.ds(off(k), _CA)],
                                      lin3[r].at[pl.ds(0, _CA)], ld3[r]).wait()
            pltpu.async_copy(lin3[r].at[pl.ds(0, _CA)], acc.at[idx3[r]],
                             sc3[r], add=True)
            r2 = (r + 2) % 3

            @pl.when(k + 2 < nch)
            def _():
                @pl.when(k >= 1)
                def _():
                    pltpu.make_async_copy(lin3[r2].at[pl.ds(0, _CA)],
                                          acc.at[idx3[r2]], sc3[r2]).wait()
                pltpu.async_copy(sdst_hbm.at[pl.ds(off(k + 2), _CA)],
                                 idx3[r2], ld3[r2])
                pltpu.async_copy(ex_hbm.at[pl.ds(off(k + 2), _CA)],
                                 lin3[r2].at[pl.ds(0, _CA)], ld3[r2])

        def triple(j, _):
            k0 = 3 * j
            for r in range(3):
                @pl.when(k0 + r < nch)
                def _():
                    den_block(k0 + r, r)
            return 0

        lax.fori_loop(0, (nch + 2) // 3, triple, 0)
        for r in range(3):
            pltpu.make_async_copy(lin3[r].at[pl.ds(0, _CA)],
                                  acc.at[idx3[r]], sc3[r]).wait()

    plsc.subcore_barrier()

    @pl.when(cid == 0)
    def _():
        _dump_acc_stripe(acc, sid,
                         lambda off: num_hbm.at[pl.ds(off, _ROWS_PER_TILE)])

    @pl.when(cid == 1)
    def _():
        _dump_acc_stripe(acc, sid,
                         lambda off: den_hbm.at[pl.ds(off, _ROWS_PER_TILE)])


def _sc_agg(gate, a_src, a_dst, s_all, ex, s_src, s_dst, msg_all, zeros_stripe):
    f = pl.kernel(
        _agg_body,
        out_type=[jax.ShapeDtypeStruct((_NC, _NSP, _H), jnp.float32),
                  jax.ShapeDtypeStruct((_NSP, _H), jnp.float32),
                  jax.ShapeDtypeStruct((_NSP, _H), jnp.float32)],
        mesh=_mesh(),
        scratch_types=list(_AGG_SCRATCH),
        compiler_params=pltpu.CompilerParams(needs_layout_passes=False),
    )
    return f(gate, a_src, a_dst, s_all, ex, s_src, s_dst, msg_all, zeros_stripe)



def kernel(h, u, state_pos, action_pos, a2s_src, a2s_dst, a2s_dis,
           s2s_src, s2s_dst, s2s_dis, params):
    p = params
    ap_flat = jnp.reshape(action_pos, (-1,))
    sp_flat = jnp.reshape(state_pos, (-1,))
    a_dis = jnp.reshape(a2s_dis, (-1,))
    s_dis = jnp.reshape(s2s_dis, (-1,))

    in5a_flat = _sc_in5(True, ap_flat, sp_flat, a2s_src, a2s_dst, a_dis)
    in5a = jnp.reshape(in5a_flat, (5, _E))
    gate = _edge_mlp(in5a, p['ud_W1'], p['ud_b1'], p['ud_W2'], p['ud_b2'],
                     p['ud_W3'], p['ud_b3'], 'sigmoid')

    in5s_flat = _sc_in5(False, ap_flat, sp_flat, s2s_src, s2s_dst, s_dis)
    in5s = jnp.reshape(in5s_flat, (5, _E))
    ex = _edge_mlp(in5s, p['hd_W1'], p['hd_b1'], p['hd_W2'], p['hd_b2'],
                   p['hd_W3'], p['hd_b3'], 'exp')

    s_all, msg_all = _node_mlps(u, h, p)

    zeros_stripe = jnp.zeros((_ROWS_PER_TILE, _H), jnp.float32)
    su_part, num, den = _sc_agg(gate, a2s_src, a2s_dst, s_all,
                                ex, s2s_src, s2s_dst, msg_all, zeros_stripe)

    return _update_mlp(state_pos, h, su_part, num, den, p)

# --- scband reference (transcript-rebuilt; emitter-appended) ---
"""Pipeline reference for scband-encoder-gat-3917010174724 (READ-ONLY COPY).

The authoritative reference and input builder live on the scoring server;
editing this copy changes nothing except your own understanding.
"""

import jax, jax.numpy as jnp
import numpy as np

N_S = 10000
N_A = 10000
E_A2S = 320000
E_S2S = 320000
U_DIM = 128
H_DIM = 128
M_DIM = 64


def _mk_params(key):
    def glorot(k, shape):
        return jax.random.normal(k, shape, dtype=jnp.float32) / jnp.sqrt(jnp.float32(shape[0]))
    ks = jax.random.split(key, 32)
    p = {}
    # u2h_enc_dis: Linear(5,64)+Tanh, Linear(64,64)+Tanh, Linear(64,H)+Sigmoid
    p['ud_W1'] = glorot(ks[0], (5, M_DIM)); p['ud_b1'] = jnp.zeros((M_DIM,), jnp.float32)
    p['ud_W2'] = glorot(ks[1], (M_DIM, M_DIM)); p['ud_b2'] = jnp.zeros((M_DIM,), jnp.float32)
    p['ud_W3'] = glorot(ks[2], (M_DIM, H_DIM)); p['ud_b3'] = jnp.zeros((H_DIM,), jnp.float32)
    # u2h_enc_u: Linear(U,64,no bias)+Tanh, Linear(64,64,no bias)+Tanh, Linear(64,H,no bias)
    p['uu_W1'] = glorot(ks[3], (U_DIM, M_DIM))
    p['uu_W2'] = glorot(ks[4], (M_DIM, M_DIM))
    p['uu_W3'] = glorot(ks[5], (M_DIM, H_DIM))
    # h2h_enc_dis: Linear(5,64)+Tanh, Linear(64,64)+Tanh, Linear(64,H)
    p['hd_W1'] = glorot(ks[6], (5, M_DIM)); p['hd_b1'] = jnp.zeros((M_DIM,), jnp.float32)
    p['hd_W2'] = glorot(ks[7], (M_DIM, M_DIM)); p['hd_b2'] = jnp.zeros((M_DIM,), jnp.float32)
    p['hd_W3'] = glorot(ks[8], (M_DIM, H_DIM)); p['hd_b3'] = jnp.zeros((H_DIM,), jnp.float32)
    # h2h_enc_h: Linear(H,64)+Tanh, Linear(64,64)+Tanh, Linear(64,H)
    p['hh_W1'] = glorot(ks[9], (H_DIM, M_DIM)); p['hh_b1'] = jnp.zeros((M_DIM,), jnp.float32)
    p['hh_W2'] = glorot(ks[10], (M_DIM, M_DIM)); p['hh_b2'] = jnp.zeros((M_DIM,), jnp.float32)
    p['hh_W3'] = glorot(ks[11], (M_DIM, H_DIM)); p['hh_b3'] = jnp.zeros((H_DIM,), jnp.float32)
    # h_updater: Linear(2+3H,64)+Tanh, Linear(64,64)+Tanh, Linear(64,H)
    p['up_W1'] = glorot(ks[12], (2 + 3 * H_DIM, M_DIM)); p['up_b1'] = jnp.zeros((M_DIM,), jnp.float32)
    p['up_W2'] = glorot(ks[13], (M_DIM, M_DIM)); p['up_b2'] = jnp.zeros((M_DIM,), jnp.float32)
    p['up_W3'] = glorot(ks[14], (M_DIM, H_DIM)); p['up_b3'] = jnp.zeros((H_DIM,), jnp.float32)
    return p


def setup_inputs(seed: int = 0) -> dict:
    key = jax.random.key(seed)
    ks = jax.random.split(key, 12)
    inp = {}
    inp['h'] = jax.random.normal(ks[0], (N_S, H_DIM), dtype=jnp.float32)
    inp['u'] = jax.random.normal(ks[1], (N_A, U_DIM), dtype=jnp.float32)
    inp['state_pos'] = jax.random.normal(ks[2], (N_S, 2), dtype=jnp.float32)
    inp['action_pos'] = jax.random.normal(ks[3], (N_A, 2), dtype=jnp.float32)
    inp['a2s_src'] = jax.random.randint(ks[4], (E_A2S,), 0, N_A, dtype=jnp.int32)
    inp['a2s_dst'] = jax.random.randint(ks[5], (E_A2S,), 0, N_S, dtype=jnp.int32)
    inp['a2s_dis'] = jax.random.uniform(ks[6], (E_A2S, 1), dtype=jnp.float32)
    inp['s2s_src'] = jax.random.randint(ks[7], (E_S2S,), 0, N_S, dtype=jnp.int32)
    inp['s2s_dst'] = jax.random.randint(ks[8], (E_S2S,), 0, N_S, dtype=jnp.int32)
    inp['s2s_dis'] = jax.random.uniform(ks[9], (E_S2S, 1), dtype=jnp.float32)
    inp['params'] = _mk_params(ks[10])
    return inp


def _forward(h, u, state_pos, action_pos, a2s_dis, s2s_dis, params, a2s_src, a2s_dst, s2s_src, s2s_dst):
    p = params
    # --- a2s: u2h messages (gated by distance MLP), sum-aggregated per dst state node ---
    inp_a = jnp.concatenate([action_pos[a2s_src], state_pos[a2s_dst], a2s_dis], axis=-1)
    t = jnp.tanh(inp_a @ p['ud_W1'] + p['ud_b1'])
    t = jnp.tanh(t @ p['ud_W2'] + p['ud_b2'])
    gate = jax.nn.sigmoid(t @ p['ud_W3'] + p['ud_b3'])
    s = jnp.tanh(u[a2s_src] @ p['uu_W1'])
    s = jnp.tanh(s @ p['uu_W2'])
    s = s @ p['uu_W3']
    sum_u = jax.ops.segment_sum(gate * s, a2s_dst, num_segments=N_S)
    # --- s2s: attention logits + messages ---
    inp_s = jnp.concatenate([state_pos[s2s_src], state_pos[s2s_dst], s2s_dis], axis=-1)
    t2 = jnp.tanh(inp_s @ p['hd_W1'] + p['hd_b1'])
    t2 = jnp.tanh(t2 @ p['hd_W2'] + p['hd_b2'])
    logit = t2 @ p['hd_W3'] + p['hd_b3']
    m = jnp.tanh(h[s2s_src] @ p['hh_W1'] + p['hh_b1'])
    m = jnp.tanh(m @ p['hh_W2'] + p['hh_b2'])
    h2h_msg = m @ p['hh_W3'] + p['hh_b3']
    # edge softmax over incoming edges of each dst state node (per channel)
    seg_max = jax.ops.segment_max(logit, s2s_dst, num_segments=N_S)
    seg_max = jnp.where(jnp.isfinite(seg_max), seg_max, jnp.float32(0.0))
    ex = jnp.exp(logit - seg_max[s2s_dst])
    denom = jax.ops.segment_sum(ex, s2s_dst, num_segments=N_S)
    attn = ex / (denom[s2s_dst] + 1e-16)
    sum_h = jax.ops.segment_sum(attn * h2h_msg, s2s_dst, num_segments=N_S)
    # --- node update ---
    inp2 = jnp.concatenate([state_pos, h, sum_u, sum_h], axis=-1)
    t3 = jnp.tanh(inp2 @ p['up_W1'] + p['up_b1'])
    t3 = jnp.tanh(t3 @ p['up_W2'] + p['up_b2'])
    return t3 @ p['up_W3'] + p['up_b3']


def reference(h, u, state_pos, action_pos, a2s_src, a2s_dst, a2s_dis, s2s_src, s2s_dst, s2s_dis, params):
    return _forward(h, u, state_pos, action_pos, a2s_dis, s2s_dis, params, a2s_src, a2s_dst, s2s_src, s2s_dst)

if __name__ == "__main__":
    import jax
    _d = setup_inputs()
    print(jax.jit(kernel)(*tuple(_d.values())))

</pallas_src>

<mosaic_0001>
#map = affine_map<(d0, d1) -> (0)>
module attributes {stable_mosaic.version = 14 : i64} {
  func.func @_in5_body(%arg0: i32, %arg1: i32, %arg2: memref<20000xf32, #tpu.memory_space<hbm>>, %arg3: memref<20000xf32, #tpu.memory_space<hbm>>, %arg4: memref<320000xi32, #tpu.memory_space<hbm>>, %arg5: memref<320000xi32, #tpu.memory_space<hbm>>, %arg6: memref<320000xf32, #tpu.memory_space<hbm>>, %arg7: memref<1600000xf32, #tpu.memory_space<hbm>>, %arg8: memref<20000xf32, #tpu.memory_space<vmem>>, %arg9: memref<20000xf32, #tpu.memory_space<vmem>>, %arg10: memref<2000xi32, #tpu.memory_space<vmem>>, %arg11: memref<2000xi32, #tpu.memory_space<vmem>>, %arg12: memref<2000xf32, #tpu.memory_space<vmem>>, %arg13: memref<10000xf32, #tpu.memory_space<vmem>>) attributes {dimension_semantics = [#tpu.dimension_semantics<core_parallel>, #tpu.dimension_semantics<subcore_parallel>], iteration_bounds = array<i64: 2, 16>, scalar_prefetch = 0 : i64, scratch_operands = 6 : i64, tpu.core_type = #tpu.core_type<sc_vector_subcore>, window_params = [{transform_indices = #map}, {transform_indices = #map}, {transform_indices = #map}, {transform_indices = #map}, {transform_indices = #map}, {transform_indices = #map}]} {
    %mul3A = arith.constant 2 : i32
    %mul3A_0 = arith.muli %arg1, %mul3A : i32
    %add3A = arith.addi %mul3A_0, %arg0 : i32
    %mul3A_1 = arith.constant 10000 : i32
    %mul3A_2 = arith.muli %add3A, %mul3A_1 : i32
    "tpu.region"() ({
      %run_scoped3A = tpu.sem_alloc : memref<!tpu.dma_semaphore, #tpu.memory_space<semaphore_mem>>
      tpu.enqueue_dma source(%arg2 : memref<20000xf32, #tpu.memory_space<hbm>>) target(%arg8 : memref<20000xf32, #tpu.memory_space<vmem>>) target_semaphore(%run_scoped3A : memref<!tpu.dma_semaphore, #tpu.memory_space<semaphore_mem>>)
      tpu.wait_dma2 semaphore(%run_scoped3A : memref<!tpu.dma_semaphore, #tpu.memory_space<semaphore_mem>>) src(%arg2 : memref<20000xf32, #tpu.memory_space<hbm>>) dst(%arg8 : memref<20000xf32, #tpu.memory_space<vmem>>)
      tpu.yield
    }) : () -> ()
    "tpu.region"() ({
      %run_scoped3A = tpu.sem_alloc : memref<!tpu.dma_semaphore, #tpu.memory_space<semaphore_mem>>
      tpu.enqueue_dma source(%arg3 : memref<20000xf32, #tpu.memory_space<hbm>>) target(%arg9 : memref<20000xf32, #tpu.memory_space<vmem>>) target_semaphore(%run_scoped3A : memref<!tpu.dma_semaphore, #tpu.memory_space<semaphore_mem>>)
      tpu.wait_dma2 semaphore(%run_scoped3A : memref<!tpu.dma_semaphore, #tpu.memory_space<semaphore_mem>>) src(%arg3 : memref<20000xf32, #tpu.memory_space<hbm>>) dst(%arg9 : memref<20000xf32, #tpu.memory_space<vmem>>)
      tpu.yield
    }) : () -> ()
    %iota3A = tpu.iota {dimensions = array<i32: 0>} : vector<16xi32>
    %scan3A = arith.constant 0 : i32
    %scan3A_3 = arith.constant 0 : i32
    %scan3A_4 = arith.constant 5 : i32
    %scan3A_5 = arith.addi %scan3A_3, %scan3A_4 : i32
    %scan3A_6 = arith.constant 1 : i32
    %scan3A_7 = scf.for %scan3A_9 = %scan3A_3 to %scan3A_5 step %scan3A_6 iter_args(%scan3A_10 = %scan3A) -> (i32)  : i32 {
      %mul3A_11 = arith.constant 2000 : i32
      %mul3A_12 = arith.muli %scan3A_9, %mul3A_11 : i32
      %add3A_13 = arith.addi %mul3A_2, %mul3A_12 : i32
      "tpu.region"() ({
        %run_scoped3A = tpu.sem_alloc : memref<!tpu.dma_semaphore, #tpu.memory_space<semaphore_mem>>
        %dma_start3A = tpu.memref_slice %arg4[%add3A_13] : memref<320000xi32, #tpu.memory_space<hbm>> -> memref<2000xi32, #tpu.memory_space<hbm>>
        %dma_start3A_32 = tpu.memref_slice %arg4[%add3A_13] : memref<320000xi32, #tpu.memory_space<hbm>> -> memref<2000xi32, #tpu.memory_space<hbm>>
        tpu.enqueue_dma source(%dma_start3A_32 : memref<2000xi32, #tpu.memory_space<hbm>>) target(%arg10 : memref<2000xi32, #tpu.memory_space<vmem>>) target_semaphore(%run_scoped3A : memref<!tpu.dma_semaphore, #tpu.memory_space<semaphore_mem>>)
        %dma_wait3A = tpu.memref_slice %arg4[%add3A_13] : memref<320000xi32, #tpu.memory_space<hbm>> -> memref<2000xi32, #tpu.memory_space<hbm>>
        %dma_wait3A_33 = tpu.memref_slice %arg4[%add3A_13] : memref<320000xi32, #tpu.memory_space<hbm>> -> memref<2000xi32, #tpu.memory_space<hbm>>
        tpu.wait_dma2 semaphore(%run_scoped3A : memref<!tpu.dma_semaphore, #tpu.memory_space<semaphore_mem>>) src(%dma_wait3A_33 : memref<2000xi32, #tpu.memory_space<hbm>>) dst(%arg10 : memref<2000xi32, #tpu.memory_space<vmem>>)
        tpu.yield
      }) : () -> ()
      "tpu.region"() ({
        %run_scoped3A = tpu.sem_alloc : memref<!tpu.dma_semaphore, #tpu.memory_space<semaphore_mem>>
        %dma_start3A = tpu.memref_slice %arg5[%add3A_13] : memref<320000xi32, #tpu.memory_space<hbm>> -> memref<2000xi32, #tpu.memory_space<hbm>>
        %dma_start3A_32 = tpu.memref_slice %arg5[%add3A_13] : memref<320000xi32, #tpu.memory_space<hbm>> -> memref<2000xi32, #tpu.memory_space<hbm>>
        tpu.enqueue_dma source(%dma_start3A_32 : memref<2000xi32, #tpu.memory_space<hbm>>) target(%arg11 : memref<2000xi32, #tpu.memory_space<vmem>>) target_semaphore(%run_scoped3A : memref<!tpu.dma_semaphore, #tpu.memory_space<semaphore_mem>>)
        %dma_wait3A = tpu.memref_slice %arg5[%add3A_13] : memref<320000xi32, #tpu.memory_space<hbm>> -> memref<2000xi32, #tpu.memory_space<hbm>>
        %dma_wait3A_33 = tpu.memref_slice %arg5[%add3A_13] : memref<320000xi32, #tpu.memory_space<hbm>> -> memref<2000xi32, #tpu.memory_space<hbm>>
        tpu.wait_dma2 semaphore(%run_scoped3A : memref<!tpu.dma_semaphore, #tpu.memory_space<semaphore_mem>>) src(%dma_wait3A_33 : memref<2000xi32, #tpu.memory_space<hbm>>) dst(%arg11 : memref<2000xi32, #tpu.memory_space<vmem>>)
        tpu.yield
      }) : () -> ()
      "tpu.region"() ({
        %run_scoped3A = tpu.sem_alloc : memref<!tpu.dma_semaphore, #tpu.memory_space<semaphore_mem>>
        %dma_start3A = tpu.memref_slice %arg6[%add3A_13] : memref<320000xf32, #tpu.memory_space<hbm>> -> memref<2000xf32, #tpu.memory_space<hbm>>
        %dma_start3A_32 = tpu.memref_slice %arg6[%add3A_13] : memref<320000xf32, #tpu.memory_space<hbm>> -> memref<2000xf32, #tpu.memory_space<hbm>>
        tpu.enqueue_dma source(%dma_start3A_32 : memref<2000xf32, #tpu.memory_space<hbm>>) target(%arg12 : memref<2000xf32, #tpu.memory_space<vmem>>) target_semaphore(%run_scoped3A : memref<!tpu.dma_semaphore, #tpu.memory_space<semaphore_mem>>)
        %dma_wait3A = tpu.memref_slice %arg6[%add3A_13] : memref<320000xf32, #tpu.memory_space<hbm>> -> memref<2000xf32, #tpu.memory_space<hbm>>
        %dma_wait3A_33 = tpu.memref_slice %arg6[%add3A_13] : memref<320000xf32, #tpu.memory_space<hbm>> -> memref<2000xf32, #tpu.memory_space<hbm>>
        tpu.wait_dma2 semaphore(%run_scoped3A : memref<!tpu.dma_semaphore, #tpu.memory_space<semaphore_mem>>) src(%dma_wait3A_33 : memref<2000xf32, #tpu.memory_space<hbm>>) dst(%arg12 : memref<2000xf32, #tpu.memory_space<vmem>>)
        tpu.yield
      }) : () -> ()
      %scan3A_14 = arith.constant 0 : i32
      %scan3A_15 = arith.constant 0 : i32
      %scan3A_16 = arith.constant 125 : i32
      %scan3A_17 = arith.addi %scan3A_15, %scan3A_16 : i32
      %scan3A_18 = arith.constant 1 : i32
      %scan3A_19 = scf.for %scan3A_32 = %scan3A_15 to %scan3A_17 step %scan3A_18 iter_args(%scan3A_33 = %scan3A_14) -> (i32)  : i32 {
        %mul3A_34 = arith.constant 16 : i32
        %mul3A_35 = arith.muli %scan3A_32, %mul3A_34 : i32
        %get3A = arith.index_cast %mul3A_35 : i32 to index
        %get3A_36 = tpu.vector_load %arg10[%get3A] {strides = array<i32>} : memref<2000xi32, #tpu.memory_space<vmem>>, vector<16xi32>,
        %mul3A_37 = arith.constant 16 : i32
        %mul3A_38 = arith.muli %scan3A_32, %mul3A_37 : i32
        %get3A_39 = arith.index_cast %mul3A_38 : i32 to index
        %get3A_40 = tpu.vector_load %arg11[%get3A_39] {strides = array<i32>} : memref<2000xi32, #tpu.memory_space<vmem>>, vector<16xi32>,
        %mul3A_41 = arith.constant 2 : i32
        %mul3A_42 = vector.broadcast %mul3A_41 : i32 to vector<16xi32>
        %mul3A_43 = arith.muli %get3A_36, %mul3A_42 : vector<16xi32>
        %gather3A = tpu.vector_load_idx %arg8[%mul3A_43] : memref<20000xf32, #tpu.memory_space<vmem>>[vector<16xi32>], vector<16xf32>,
        %mul3A_44 = arith.constant 2 : i32
        %mul3A_45 = vector.broadcast %mul3A_44 : i32 to vector<16xi32>
        %mul3A_46 = arith.muli %get3A_36, %mul3A_45 : vector<16xi32>
        %add3A_47 = arith.constant 1 : i32
        %add3A_48 = vector.broadcast %add3A_47 : i32 to vector<16xi32>
        %add3A_49 = arith.addi %mul3A_46, %add3A_48 : vector<16xi32>
        %gather3A_50 = tpu.vector_load_idx %arg8[%add3A_49] : memref<20000xf32, #tpu.memory_space<vmem>>[vector<16xi32>], vector<16xf32>,
        %mul3A_51 = arith.constant 2 : i32
        %mul3A_52 = vector.broadcast %mul3A_51 : i32 to vector<16xi32>
        %mul3A_53 = arith.muli %get3A_40, %mul3A_52 : vector<16xi32>
        %gather3A_54 = tpu.vector_load_idx %arg9[%mul3A_53] : memref<20000xf32, #tpu.memory_space<vmem>>[vector<16xi32>], vector<16xf32>,
        %mul3A_55 = arith.constant 2 : i32
        %mul3A_56 = vector.broadcast %mul3A_55 : i32 to vector<16xi32>
        %mul3A_57 = arith.muli %get3A_40, %mul3A_56 : vector<16xi32>
        %add3A_58 = arith.constant 1 : i32
        %add3A_59 = vector.broadcast %add3A_58 : i32 to vector<16xi32>
        %add3A_60 = arith.addi %mul3A_57, %add3A_59 : vector<16xi32>
        %gather3A_61 = tpu.vector_load_idx %arg9[%add3A_60] : memref<20000xf32, #tpu.memory_space<vmem>>[vector<16xi32>], vector<16xf32>,
        %mul3A_62 = arith.constant 16 : i32
        %mul3A_63 = arith.muli %scan3A_32, %mul3A_62 : i32
        %get3A_64 = arith.index_cast %mul3A_63 : i32 to index
        %get3A_65 = tpu.vector_load %arg12[%get3A_64] {strides = array<i32>} : memref<2000xf32, #tpu.memory_space<vmem>>, vector<16xf32>,
        %mul3A_66 = arith.constant 16 : i32
        %mul3A_67 = arith.muli %scan3A_32, %mul3A_66 : i32
        %add3A_68 = vector.broadcast %mul3A_67 : i32 to vector<16xi32>
        %add3A_69 = arith.addi %add3A_68, %iota3A : vector<16xi32>
        tpu.vector_store_idx %arg13[%add3A_69], %gather3A : memref<10000xf32, #tpu.memory_space<vmem>>[vector<16xi32>], vector<16xf32>,
        %add3A_70 = arith.constant 2000 : i32
        %add3A_71 = vector.broadcast %add3A_70 : i32 to vector<16xi32>
        %add3A_72 = arith.addi %add3A_71, %add3A_69 : vector<16xi32>
        tpu.vector_store_idx %arg13[%add3A_72], %gather3A_50 : memref<10000xf32, #tpu.memory_space<vmem>>[vector<16xi32>], vector<16xf32>,
        %add3A_73 = arith.constant 4000 : i32
        %add3A_74 = vector.broadcast %add3A_73 : i32 to vector<16xi32>
        %add3A_75 = arith.addi %add3A_74, %add3A_69 : vector<16xi32>
        tpu.vector_store_idx %arg13[%add3A_75], %gather3A_54 : memref<10000xf32, #tpu.memory_space<vmem>>[vector<16xi32>], vector<16xf32>,
        %add3A_76 = arith.constant 6000 : i32
        %add3A_77 = vector.broadcast %add3A_76 : i32 to vector<16xi32>
        %add3A_78 = arith.addi %add3A_77, %add3A_69 : vector<16xi32>
        tpu.vector_store_idx %arg13[%add3A_78], %gather3A_61 : memref<10000xf32, #tpu.memory_space<vmem>>[vector<16xi32>], vector<16xf32>,
        %add3A_79 = arith.constant 8000 : i32
        %add3A_80 = vector.broadcast %add3A_79 : i32 to vector<16xi32>
        %add3A_81 = arith.addi %add3A_80, %add3A_69 : vector<16xi32>
        tpu.vector_store_idx %arg13[%add3A_81], %get3A_65 : memref<10000xf32, #tpu.memory_space<vmem>>[vector<16xi32>], vector<16xf32>,
        %scan3A_82 = arith.constant 0 : i32
        scf.yield %scan3A_82 : i32
      }
      %scan3A_20 = arith.constant 125 : i32
      %add3A_21 = arith.constant 0 : i32
      %add3A_22 = arith.addi %add3A_21, %add3A_13 : i32
      "tpu.region"() ({
        %run_scoped3A = tpu.sem_alloc : memref<!tpu.dma_semaphore, #tpu.memory_space<semaphore_mem>>
        %dma_start3A = arith.constant 0 : i32
        %dma_start3A_32 = tpu.memref_slice %arg13[%dma_start3A] : memref<10000xf32, #tpu.memory_space<vmem>> -> memref<2000xf32, #tpu.memory_space<vmem>>
        %dma_start3A_33 = tpu.memref_slice %arg7[%add3A_22] : memref<1600000xf32, #tpu.memory_space<hbm>> -> memref<2000xf32, #tpu.memory_space<hbm>>
        %dma_start3A_34 = tpu.memref_slice %arg7[%add3A_22] : memref<1600000xf32, #tpu.memory_space<hbm>> -> memref<2000xf32, #tpu.memory_space<hbm>>
        %dma_start3A_35 = arith.constant 0 : i32
        %dma_start3A_36 = tpu.memref_slice %arg13[%dma_start3A_35] : memref<10000xf32, #tpu.memory_space<vmem>> -> memref<2000xf32, #tpu.memory_space<vmem>>
        tpu.enqueue_dma source(%dma_start3A_36 : memref<2000xf32, #tpu.memory_space<vmem>>) target(%dma_start3A_34 : memref<2000xf32, #tpu.memory_space<hbm>>) target_semaphore(%run_scoped3A : memref<!tpu.dma_semaphore, #tpu.memory_space<semaphore_mem>>)
        %dma_wait3A = arith.constant 0 : i32
        %dma_wait3A_37 = tpu.memref_slice %arg13[%dma_wait3A] : memref<10000xf32, #tpu.memory_space<vmem>> -> memref<2000xf32, #tpu.memory_space<vmem>>
        %dma_wait3A_38 = tpu.memref_slice %arg7[%add3A_22] : memref<1600000xf32, #tpu.memory_space<hbm>> -> memref<2000xf32, #tpu.memory_space<hbm>>
        %dma_wait3A_39 = tpu.memref_slice %arg7[%add3A_22] : memref<1600000xf32, #tpu.memory_space<hbm>> -> memref<2000xf32, #tpu.memory_space<hbm>>
        %dma_wait3A_40 = arith.constant 0 : i32
        %dma_wait3A_41 = tpu.memref_slice %arg13[%dma_wait3A_40] : memref<10000xf32, #tpu.memory_space<vmem>> -> memref<2000xf32, #tpu.memory_space<vmem>>
        tpu.wait_dma2 semaphore(%run_scoped3A : memref<!tpu.dma_semaphore, #tpu.memory_space<semaphore_mem>>) src(%dma_wait3A_41 : memref<2000xf32, #tpu.memory_space<vmem>>) dst(%dma_wait3A_39 : memref<2000xf32, #tpu.memory_space<hbm>>)
        tpu.yield
      }) : () -> ()
      %add3A_23 = arith.constant 320000 : i32
      %add3A_24 = arith.addi %add3A_23, %add3A_13 : i32
      "tpu.region"() ({
        %run_scoped3A = tpu.sem_alloc : memref<!tpu.dma_semaphore, #tpu.memory_space<semaphore_mem>>
        %dma_start3A = arith.constant 2000 : i32
        %dma_start3A_32 = tpu.memref_slice %arg13[%dma_start3A] : memref<10000xf32, #tpu.memory_space<vmem>> -> memref<2000xf32, #tpu.memory_space<vmem>>
        %dma_start3A_33 = tpu.memref_slice %arg7[%add3A_24] : memref<1600000xf32, #tpu.memory_space<hbm>> -> memref<2000xf32, #tpu.memory_space<hbm>>
        %dma_start3A_34 = tpu.memref_slice %arg7[%add3A_24] : memref<1600000xf32, #tpu.memory_space<hbm>> -> memref<2000xf32, #tpu.memory_space<hbm>>
        %dma_start3A_35 = arith.constant 2000 : i32
        %dma_start3A_36 = tpu.memref_slice %arg13[%dma_start3A_35] : memref<10000xf32, #tpu.memory_space<vmem>> -> memref<2000xf32, #tpu.memory_space<vmem>>
        tpu.enqueue_dma source(%dma_start3A_36 : memref<2000xf32, #tpu.memory_space<vmem>>) target(%dma_start3A_34 : memref<2000xf32, #tpu.memory_space<hbm>>) target_semaphore(%run_scoped3A : memref<!tpu.dma_semaphore, #tpu.memory_space<semaphore_mem>>)
        %dma_wait3A = arith.constant 2000 : i32
        %dma_wait3A_37 = tpu.memref_slice %arg13[%dma_wait3A] : memref<10000xf32, #tpu.memory_space<vmem>> -> memref<2000xf32, #tpu.memory_space<vmem>>
        %dma_wait3A_38 = tpu.memref_slice %arg7[%add3A_24] : memref<1600000xf32, #tpu.memory_space<hbm>> -> memref<2000xf32, #tpu.memory_space<hbm>>
        %dma_wait3A_39 = tpu.memref_slice %arg7[%add3A_24] : memref<1600000xf32, #tpu.memory_space<hbm>> -> memref<2000xf32, #tpu.memory_space<hbm>>
        %dma_wait3A_40 = arith.constant 2000 : i32
        %dma_wait3A_41 = tpu.memref_slice %arg13[%dma_wait3A_40] : memref<10000xf32, #tpu.memory_space<vmem>> -> memref<2000xf32, #tpu.memory_space<vmem>>
        tpu.wait_dma2 semaphore(%run_scoped3A : memref<!tpu.dma_semaphore, #tpu.memory_space<semaphore_mem>>) src(%dma_wait3A_41 : memref<2000xf32, #tpu.memory_space<vmem>>) dst(%dma_wait3A_39 : memref<2000xf32, #tpu.memory_space<hbm>>)
        tpu.yield
      }) : () -> ()
      %add3A_25 = arith.constant 640000 : i32
      %add3A_26 = arith.addi %add3A_25, %add3A_13 : i32
      "tpu.region"() ({
        %run_scoped3A = tpu.sem_alloc : memref<!tpu.dma_semaphore, #tpu.memory_space<semaphore_mem>>
        %dma_start3A = arith.constant 4000 : i32
        %dma_start3A_32 = tpu.memref_slice %arg13[%dma_start3A] : memref<10000xf32, #tpu.memory_space<vmem>> -> memref<2000xf32, #tpu.memory_space<vmem>>
        %dma_start3A_33 = tpu.memref_slice %arg7[%add3A_26] : memref<1600000xf32, #tpu.memory_space<hbm>> -> memref<2000xf32, #tpu.memory_space<hbm>>
        %dma_start3A_34 = tpu.memref_slice %arg7[%add3A_26] : memref<1600000xf32, #tpu.memory_space<hbm>> -> memref<2000xf32, #tpu.memory_space<hbm>>
        %dma_start3A_35 = arith.constant 4000 : i32
        %dma_start3A_36 = tpu.memref_slice %arg13[%dma_start3A_35] : memref<10000xf32, #tpu.memory_space<vmem>> -> memref<2000xf32, #tpu.memory_space<vmem>>
        tpu.enqueue_dma source(%dma_start3A_36 : memref<2000xf32, #tpu.memory_space<vmem>>) target(%dma_start3A_34 : memref<2000xf32, #tpu.memory_space<hbm>>) target_semaphore(%run_scoped3A : memref<!tpu.dma_semaphore, #tpu.memory_space<semaphore_mem>>)
        %dma_wait3A = arith.constant 4000 : i32
        %dma_wait3A_37 = tpu.memref_slice %arg13[%dma_wait3A] : memref<10000xf32, #tpu.memory_space<vmem>> -> memref<2000xf32, #tpu.memory_space<vmem>>
        %dma_wait3A_38 = tpu.memref_slice %arg7[%add3A_26] : memref<1600000xf32, #tpu.memory_space<hbm>> -> memref<2000xf32, #tpu.memory_space<hbm>>
        %dma_wait3A_39 = tpu.memref_slice %arg7[%add3A_26] : memref<1600000xf32, #tpu.memory_space<hbm>> -> memref<2000xf32, #tpu.memory_space<hbm>>
        %dma_wait3A_40 = arith.constant 4000 : i32
        %dma_wait3A_41 = tpu.memref_slice %arg13[%dma_wait3A_40] : memref<10000xf32, #tpu.memory_space<vmem>> -> memref<2000xf32, #tpu.memory_space<vmem>>
        tpu.wait_dma2 semaphore(%run_scoped3A : memref<!tpu.dma_semaphore, #tpu.memory_space<semaphore_mem>>) src(%dma_wait3A_41 : memref<2000xf32, #tpu.memory_space<vmem>>) dst(%dma_wait3A_39 : memref<2000xf32, #tpu.memory_space<hbm>>)
        tpu.yield
      }) : () -> ()
      %add3A_27 = arith.constant 960000 : i32
      %add3A_28 = arith.addi %add3A_27, %add3A_13 : i32
      "tpu.region"() ({
        %run_scoped3A = tpu.sem_alloc : memref<!tpu.dma_semaphore, #tpu.memory_space<semaphore_mem>>
        %dma_start3A = arith.constant 6000 : i32
        %dma_start3A_32 = tpu.memref_slice %arg13[%dma_start3A] : memref<10000xf32, #tpu.memory_space<vmem>> -> memref<2000xf32, #tpu.memory_space<vmem>>
        %dma_start3A_33 = tpu.memref_slice %arg7[%add3A_28] : memref<1600000xf32, #tpu.memory_space<hbm>> -> memref<2000xf32, #tpu.memory_space<hbm>>
        %dma_start3A_34 = tpu.memref_slice %arg7[%add3A_28] : memref<1600000xf32, #tpu.memory_space<hbm>> -> memref<2000xf32, #tpu.memory_space<hbm>>
        %dma_start3A_35 = arith.constant 6000 : i32
        %dma_start3A_36 = tpu.memref_slice %arg13[%dma_start3A_35] : memref<10000xf32, #tpu.memory_space<vmem>> -> memref<2000xf32, #tpu.memory_space<vmem>>
        tpu.enqueue_dma source(%dma_start3A_36 : memref<2000xf32, #tpu.memory_space<vmem>>) target(%dma_start3A_34 : memref<2000xf32, #tpu.memory_space<hbm>>) target_semaphore(%run_scoped3A : memref<!tpu.dma_semaphore, #tpu.memory_space<semaphore_mem>>)
        %dma_wait3A = arith.constant 6000 : i32
        %dma_wait3A_37 = tpu.memref_slice %arg13[%dma_wait3A] : memref<10000xf32, #tpu.memory_space<vmem>> -> memref<2000xf32, #tpu.memory_space<vmem>>
        %dma_wait3A_38 = tpu.memref_slice %arg7[%add3A_28] : memref<1600000xf32, #tpu.memory_space<hbm>> -> memref<2000xf32, #tpu.memory_space<hbm>>
        %dma_wait3A_39 = tpu.memref_slice %arg7[%add3A_28] : memref<1600000xf32, #tpu.memory_space<hbm>> -> memref<2000xf32, #tpu.memory_space<hbm>>
        %dma_wait3A_40 = arith.constant 6000 : i32
        %dma_wait3A_41 = tpu.memref_slice %arg13[%dma_wait3A_40] : memref<10000xf32, #tpu.memory_space<vmem>> -> memref<2000xf32, #tpu.memory_space<vmem>>
        tpu.wait_dma2 semaphore(%run_scoped3A : memref<!tpu.dma_semaphore, #tpu.memory_space<semaphore_mem>>) src(%dma_wait3A_41 : memref<2000xf32, #tpu.memory_space<vmem>>) dst(%dma_wait3A_39 : memref<2000xf32, #tpu.memory_space<hbm>>)
        tpu.yield
      }) : () -> ()
      %add3A_29 = arith.constant 1280000 : i32
      %add3A_30 = arith.addi %add3A_29, %add3A_13 : i32
      "tpu.region"() ({
        %run_scoped3A = tpu.sem_alloc : memref<!tpu.dma_semaphore, #tpu.memory_space<semaphore_mem>>
        %dma_start3A = arith.constant 8000 : i32
        %dma_start3A_32 = tpu.memref_slice %arg13[%dma_start3A] : memref<10000xf32, #tpu.memory_space<vmem>> -> memref<2000xf32, #tpu.memory_space<vmem>>
        %dma_start3A_33 = tpu.memref_slice %arg7[%add3A_30] : memref<1600000xf32, #tpu.memory_space<hbm>> -> memref<2000xf32, #tpu.memory_space<hbm>>
        %dma_start3A_34 = tpu.memref_slice %arg7[%add3A_30] : memref<1600000xf32, #tpu.memory_space<hbm>> -> memref<2000xf32, #tpu.memory_space<hbm>>
        %dma_start3A_35 = arith.constant 8000 : i32
        %dma_start3A_36 = tpu.memref_slice %arg13[%dma_start3A_35] : memref<10000xf32, #tpu.memory_space<vmem>> -> memref<2000xf32, #tpu.memory_space<vmem>>
        tpu.enqueue_dma source(%dma_start3A_36 : memref<2000xf32, #tpu.memory_space<vmem>>) target(%dma_start3A_34 : memref<2000xf32, #tpu.memory_space<hbm>>) target_semaphore(%run_scoped3A : memref<!tpu.dma_semaphore, #tpu.memory_space<semaphore_mem>>)
        %dma_wait3A = arith.constant 8000 : i32
        %dma_wait3A_37 = tpu.memref_slice %arg13[%dma_wait3A] : memref<10000xf32, #tpu.memory_space<vmem>> -> memref<2000xf32, #tpu.memory_space<vmem>>
        %dma_wait3A_38 = tpu.memref_slice %arg7[%add3A_30] : memref<1600000xf32, #tpu.memory_space<hbm>> -> memref<2000xf32, #tpu.memory_space<hbm>>
        %dma_wait3A_39 = tpu.memref_slice %arg7[%add3A_30] : memref<1600000xf32, #tpu.memory_space<hbm>> -> memref<2000xf32, #tpu.memory_space<hbm>>
        %dma_wait3A_40 = arith.constant 8000 : i32
        %dma_wait3A_41 = tpu.memref_slice %arg13[%dma_wait3A_40] : memref<10000xf32, #tpu.memory_space<vmem>> -> memref<2000xf32, #tpu.memory_space<vmem>>
        tpu.wait_dma2 semaphore(%run_scoped3A : memref<!tpu.dma_semaphore, #tpu.memory_space<semaphore_mem>>) src(%dma_wait3A_41 : memref<2000xf32, #tpu.memory_space<vmem>>) dst(%dma_wait3A_39 : memref<2000xf32, #tpu.memory_space<hbm>>)
        tpu.yield
      }) : () -> ()
      %scan3A_31 = arith.constant 0 : i32
      scf.yield %scan3A_31 : i32
    }
    %scan3A_8 = arith.constant 5 : i32
    return
  }
}

#map = affine_map<(d0, d1) -> (0)>
module attributes {stable_mosaic.version = 14 : i64} {
  func.func @_in5_body(%arg0: i32, %arg1: i32, %arg2: memref<20000xf32, #tpu.memory_space<hbm>>, %arg3: memref<20000xf32, #tpu.memory_space<hbm>>, %arg4: memref<320000xi32, #tpu.memory_space<hbm>>, %arg5: memref<320000xi32, #tpu.memory_space<hbm>>, %arg6: memref<320000xf32, #tpu.memory_space<hbm>>, %arg7: memref<1600000xf32, #tpu.memory_space<hbm>>, %arg8: memref<20000xf32, #tpu.memory_space<vmem>>, %arg9: memref<20000xf32, #tpu.memory_space<vmem>>, %arg10: memref<2000xi32, #tpu.memory_space<vmem>>, %arg11: memref<2000xi32, #tpu.memory_space<vmem>>, %arg12: memref<2000xf32, #tpu.memory_space<vmem>>, %arg13: memref<10000xf32, #tpu.memory_space<vmem>>) attributes {dimension_semantics = [#tpu.dimension_semantics<core_parallel>, #tpu.dimension_semantics<subcore_parallel>], iteration_bounds = array<i64: 2, 16>, scalar_prefetch = 0 : i64, scratch_operands = 6 : i64, tpu.core_type = #tpu.core_type<sc_vector_subcore>, window_params = [{transform_indices = #map}, {transform_indices = #map}, {transform_indices = #map}, {transform_indices = #map}, {transform_indices = #map}, {transform_indices = #map}]} {
    %mul3A = arith.constant 2 : i32
    %mul3A_0 = arith.muli %arg1, %mul3A : i32
    %add3A = arith.addi %mul3A_0, %arg0 : i32
    %mul3A_1 = arith.constant 10000 : i32
    %mul3A_2 = arith.muli %add3A, %mul3A_1 : i32
    "tpu.region"() ({
      %run_scoped3A = tpu.sem_alloc : memref<!tpu.dma_semaphore, #tpu.memory_space<semaphore_mem>>
      tpu.enqueue_dma source(%arg3 : memref<20000xf32, #tpu.memory_space<hbm>>) target(%arg9 : memref<20000xf32, #tpu.memory_space<vmem>>) target_semaphore(%run_scoped3A : memref<!tpu.dma_semaphore, #tpu.memory_space<semaphore_mem>>)
      tpu.wait_dma2 semaphore(%run_scoped3A : memref<!tpu.dma_semaphore, #tpu.memory_space<semaphore_mem>>) src(%arg3 : memref<20000xf32, #tpu.memory_space<hbm>>) dst(%arg9 : memref<20000xf32, #tpu.memory_space<vmem>>)
      tpu.yield
    }) : () -> ()
    %iota3A = tpu.iota {dimensions = array<i32: 0>} : vector<16xi32>
    %scan3A = arith.constant 0 : i32
    %scan3A_3 = arith.constant 0 : i32
    %scan3A_4 = arith.constant 5 : i32
    %scan3A_5 = arith.addi %scan3A_3, %scan3A_4 : i32
    %scan3A_6 = arith.constant 1 : i32
    %scan3A_7 = scf.for %scan3A_9 = %scan3A_3 to %scan3A_5 step %scan3A_6 iter_args(%scan3A_10 = %scan3A) -> (i32)  : i32 {
      %mul3A_11 = arith.constant 2000 : i32
      %mul3A_12 = arith.muli %scan3A_9, %mul3A_11 : i32
      %add3A_13 = arith.addi %mul3A_2, %mul3A_12 : i32
      "tpu.region"() ({
        %run_scoped3A = tpu.sem_alloc : memref<!tpu.dma_semaphore, #tpu.memory_space<semaphore_mem>>
        %dma_start3A = tpu.memref_slice %arg4[%add3A_13] : memref<320000xi32, #tpu.memory_space<hbm>> -> memref<2000xi32, #tpu.memory_space<hbm>>
        %dma_start3A_32 = tpu.memref_slice %arg4[%add3A_13] : memref<320000xi32, #tpu.memory_space<hbm>> -> memref<2000xi32, #tpu.memory_space<hbm>>
        tpu.enqueue_dma source(%dma_start3A_32 : memref<2000xi32, #tpu.memory_space<hbm>>) target(%arg10 : memref<2000xi32, #tpu.memory_space<vmem>>) target_semaphore(%run_scoped3A : memref<!tpu.dma_semaphore, #tpu.memory_space<semaphore_mem>>)
        %dma_wait3A = tpu.memref_slice %arg4[%add3A_13] : memref<320000xi32, #tpu.memory_space<hbm>> -> memref<2000xi32, #tpu.memory_space<hbm>>
        %dma_wait3A_33 = tpu.memref_slice %arg4[%add3A_13] : memref<320000xi32, #tpu.memory_space<hbm>> -> memref<2000xi32, #tpu.memory_space<hbm>>
        tpu.wait_dma2 semaphore(%run_scoped3A : memref<!tpu.dma_semaphore, #tpu.memory_space<semaphore_mem>>) src(%dma_wait3A_33 : memref<2000xi32, #tpu.memory_space<hbm>>) dst(%arg10 : memref<2000xi32, #tpu.memory_space<vmem>>)
        tpu.yield
      }) : () -> ()
      "tpu.region"() ({
        %run_scoped3A = tpu.sem_alloc : memref<!tpu.dma_semaphore, #tpu.memory_space<semaphore_mem>>
        %dma_start3A = tpu.memref_slice %arg5[%add3A_13] : memref<320000xi32, #tpu.memory_space<hbm>> -> memref<2000xi32, #tpu.memory_space<hbm>>
        %dma_start3A_32 = tpu.memref_slice %arg5[%add3A_13] : memref<320000xi32, #tpu.memory_space<hbm>> -> memref<2000xi32, #tpu.memory_space<hbm>>
        tpu.enqueue_dma source(%dma_start3A_32 : memref<2000xi32, #tpu.memory_space<hbm>>) target(%arg11 : memref<2000xi32, #tpu.memory_space<vmem>>) target_semaphore(%run_scoped3A : memref<!tpu.dma_semaphore, #tpu.memory_space<semaphore_mem>>)
        %dma_wait3A = tpu.memref_slice %arg5[%add3A_13] : memref<320000xi32, #tpu.memory_space<hbm>> -> memref<2000xi32, #tpu.memory_space<hbm>>
        %dma_wait3A_33 = tpu.memref_slice %arg5[%add3A_13] : memref<320000xi32, #tpu.memory_space<hbm>> -> memref<2000xi32, #tpu.memory_space<hbm>>
        tpu.wait_dma2 semaphore(%run_scoped3A : memref<!tpu.dma_semaphore, #tpu.memory_space<semaphore_mem>>) src(%dma_wait3A_33 : memref<2000xi32, #tpu.memory_space<hbm>>) dst(%arg11 : memref<2000xi32, #tpu.memory_space<vmem>>)
        tpu.yield
      }) : () -> ()
      "tpu.region"() ({
        %run_scoped3A = tpu.sem_alloc : memref<!tpu.dma_semaphore, #tpu.memory_space<semaphore_mem>>
        %dma_start3A = tpu.memref_slice %arg6[%add3A_13] : memref<320000xf32, #tpu.memory_space<hbm>> -> memref<2000xf32, #tpu.memory_space<hbm>>
        %dma_start3A_32 = tpu.memref_slice %arg6[%add3A_13] : memref<320000xf32, #tpu.memory_space<hbm>> -> memref<2000xf32, #tpu.memory_space<hbm>>
        tpu.enqueue_dma source(%dma_start3A_32 : memref<2000xf32, #tpu.memory_space<hbm>>) target(%arg12 : memref<2000xf32, #tpu.memory_space<vmem>>) target_semaphore(%run_scoped3A : memref<!tpu.dma_semaphore, #tpu.memory_space<semaphore_mem>>)
        %dma_wait3A = tpu.memref_slice %arg6[%add3A_13] : memref<320000xf32, #tpu.memory_space<hbm>> -> memref<2000xf32, #tpu.memory_space<hbm>>
        %dma_wait3A_33 = tpu.memref_slice %arg6[%add3A_13] : memref<320000xf32, #tpu.memory_space<hbm>> -> memref<2000xf32, #tpu.memory_space<hbm>>
        tpu.wait_dma2 semaphore(%run_scoped3A : memref<!tpu.dma_semaphore, #tpu.memory_space<semaphore_mem>>) src(%dma_wait3A_33 : memref<2000xf32, #tpu.memory_space<hbm>>) dst(%arg12 : memref<2000xf32, #tpu.memory_space<vmem>>)
        tpu.yield
      }) : () -> ()
      %scan3A_14 = arith.constant 0 : i32
      %scan3A_15 = arith.constant 0 : i32
      %scan3A_16 = arith.constant 125 : i32
      %scan3A_17 = arith.addi %scan3A_15, %scan3A_16 : i32
      %scan3A_18 = arith.constant 1 : i32
      %scan3A_19 = scf.for %scan3A_32 = %scan3A_15 to %scan3A_17 step %scan3A_18 iter_args(%scan3A_33 = %scan3A_14) -> (i32)  : i32 {
        %mul3A_34 = arith.constant 16 : i32
        %mul3A_35 = arith.muli %scan3A_32, %mul3A_34 : i32
        %get3A = arith.index_cast %mul3A_35 : i32 to index
        %get3A_36 = tpu.vector_load %arg10[%get3A] {strides = array<i32>} : memref<2000xi32, #tpu.memory_space<vmem>>, vector<16xi32>,
        %mul3A_37 = arith.constant 16 : i32
        %mul3A_38 = arith.muli %scan3A_32, %mul3A_37 : i32
        %get3A_39 = arith.index_cast %mul3A_38 : i32 to index
        %get3A_40 = tpu.vector_load %arg11[%get3A_39] {strides = array<i32>} : memref<2000xi32, #tpu.memory_space<vmem>>, vector<16xi32>,
        %mul3A_41 = arith.constant 2 : i32
        %mul3A_42 = vector.broadcast %mul3A_41 : i32 to vector<16xi32>
        %mul3A_43 = arith.muli %get3A_36, %mul3A_42 : vector<16xi32>
        %gather3A = tpu.vector_load_idx %arg9[%mul3A_43] : memref<20000xf32, #tpu.memory_space<vmem>>[vector<16xi32>], vector<16xf32>,
        %mul3A_44 = arith.constant 2 : i32
        %mul3A_45 = vector.broadcast %mul3A_44 : i32 to vector<16xi32>
        %mul3A_46 = arith.muli %get3A_36, %mul3A_45 : vector<16xi32>
        %add3A_47 = arith.constant 1 : i32
        %add3A_48 = vector.broadcast %add3A_47 : i32 to vector<16xi32>
        %add3A_49 = arith.addi %mul3A_46, %add3A_48 : vector<16xi32>
        %gather3A_50 = tpu.vector_load_idx %arg9[%add3A_49] : memref<20000xf32, #tpu.memory_space<vmem>>[vector<16xi32>], vector<16xf32>,
        %mul3A_51 = arith.constant 2 : i32
        %mul3A_52 = vector.broadcast %mul3A_51 : i32 to vector<16xi32>
        %mul3A_53 = arith.muli %get3A_40, %mul3A_52 : vector<16xi32>
        %gather3A_54 = tpu.vector_load_idx %arg9[%mul3A_53] : memref<20000xf32, #tpu.memory_space<vmem>>[vector<16xi32>], vector<16xf32>,
        %mul3A_55 = arith.constant 2 : i32
        %mul3A_56 = vector.broadcast %mul3A_55 : i32 to vector<16xi32>
        %mul3A_57 = arith.muli %get3A_40, %mul3A_56 : vector<16xi32>
        %add3A_58 = arith.constant 1 : i32
        %add3A_59 = vector.broadcast %add3A_58 : i32 to vector<16xi32>
        %add3A_60 = arith.addi %mul3A_57, %add3A_59 : vector<16xi32>
        %gather3A_61 = tpu.vector_load_idx %arg9[%add3A_60] : memref<20000xf32, #tpu.memory_space<vmem>>[vector<16xi32>], vector<16xf32>,
        %mul3A_62 = arith.constant 16 : i32
        %mul3A_63 = arith.muli %scan3A_32, %mul3A_62 : i32
        %get3A_64 = arith.index_cast %mul3A_63 : i32 to index
        %get3A_65 = tpu.vector_load %arg12[%get3A_64] {strides = array<i32>} : memref<2000xf32, #tpu.memory_space<vmem>>, vector<16xf32>,
        %mul3A_66 = arith.constant 16 : i32
        %mul3A_67 = arith.muli %scan3A_32, %mul3A_66 : i32
        %add3A_68 = vector.broadcast %mul3A_67 : i32 to vector<16xi32>
        %add3A_69 = arith.addi %add3A_68, %iota3A : vector<16xi32>
        tpu.vector_store_idx %arg13[%add3A_69], %gather3A : memref<10000xf32, #tpu.memory_space<vmem>>[vector<16xi32>], vector<16xf32>,
        %add3A_70 = arith.constant 2000 : i32
        %add3A_71 = vector.broadcast %add3A_70 : i32 to vector<16xi32>
        %add3A_72 = arith.addi %add3A_71, %add3A_69 : vector<16xi32>
        tpu.vector_store_idx %arg13[%add3A_72], %gather3A_50 : memref<10000xf32, #tpu.memory_space<vmem>>[vector<16xi32>], vector<16xf32>,
        %add3A_73 = arith.constant 4000 : i32
        %add3A_74 = vector.broadcast %add3A_73 : i32 to vector<16xi32>
        %add3A_75 = arith.addi %add3A_74, %add3A_69 : vector<16xi32>
        tpu.vector_store_idx %arg13[%add3A_75], %gather3A_54 : memref<10000xf32, #tpu.memory_space<vmem>>[vector<16xi32>], vector<16xf32>,
        %add3A_76 = arith.constant 6000 : i32
        %add3A_77 = vector.broadcast %add3A_76 : i32 to vector<16xi32>
        %add3A_78 = arith.addi %add3A_77, %add3A_69 : vector<16xi32>
        tpu.vector_store_idx %arg13[%add3A_78], %gather3A_61 : memref<10000xf32, #tpu.memory_space<vmem>>[vector<16xi32>], vector<16xf32>,
        %add3A_79 = arith.constant 8000 : i32
        %add3A_80 = vector.broadcast %add3A_79 : i32 to vector<16xi32>
        %add3A_81 = arith.addi %add3A_80, %add3A_69 : vector<16xi32>
        tpu.vector_store_idx %arg13[%add3A_81], %get3A_65 : memref<10000xf32, #tpu.memory_space<vmem>>[vector<16xi32>], vector<16xf32>,
        %scan3A_82 = arith.constant 0 : i32
        scf.yield %scan3A_82 : i32
      }
      %scan3A_20 = arith.constant 125 : i32
      %add3A_21 = arith.constant 0 : i32
      %add3A_22 = arith.addi %add3A_21, %add3A_13 : i32
      "tpu.region"() ({
        %run_scoped3A = tpu.sem_alloc : memref<!tpu.dma_semaphore, #tpu.memory_space<semaphore_mem>>
        %dma_start3A = arith.constant 0 : i32
        %dma_start3A_32 = tpu.memref_slice %arg13[%dma_start3A] : memref<10000xf32, #tpu.memory_space<vmem>> -> memref<2000xf32, #tpu.memory_space<vmem>>
        %dma_start3A_33 = tpu.memref_slice %arg7[%add3A_22] : memref<1600000xf32, #tpu.memory_space<hbm>> -> memref<2000xf32, #tpu.memory_space<hbm>>
        %dma_start3A_34 = tpu.memref_slice %arg7[%add3A_22] : memref<1600000xf32, #tpu.memory_space<hbm>> -> memref<2000xf32, #tpu.memory_space<hbm>>
        %dma_start3A_35 = arith.constant 0 : i32
        %dma_start3A_36 = tpu.memref_slice %arg13[%dma_start3A_35] : memref<10000xf32, #tpu.memory_space<vmem>> -> memref<2000xf32, #tpu.memory_space<vmem>>
        tpu.enqueue_dma source(%dma_start3A_36 : memref<2000xf32, #tpu.memory_space<vmem>>) target(%dma_start3A_34 : memref<2000xf32, #tpu.memory_space<hbm>>) target_semaphore(%run_scoped3A : memref<!tpu.dma_semaphore, #tpu.memory_space<semaphore_mem>>)
        %dma_wait3A = arith.constant 0 : i32
        %dma_wait3A_37 = tpu.memref_slice %arg13[%dma_wait3A] : memref<10000xf32, #tpu.memory_space<vmem>> -> memref<2000xf32, #tpu.memory_space<vmem>>
        %dma_wait3A_38 = tpu.memref_slice %arg7[%add3A_22] : memref<1600000xf32, #tpu.memory_space<hbm>> -> memref<2000xf32, #tpu.memory_space<hbm>>
        %dma_wait3A_39 = tpu.memref_slice %arg7[%add3A_22] : memref<1600000xf32, #tpu.memory_space<hbm>> -> memref<2000xf32, #tpu.memory_space<hbm>>
        %dma_wait3A_40 = arith.constant 0 : i32
        %dma_wait3A_41 = tpu.memref_slice %arg13[%dma_wait3A_40] : memref<10000xf32, #tpu.memory_space<vmem>> -> memref<2000xf32, #tpu.memory_space<vmem>>
        tpu.wait_dma2 semaphore(%run_scoped3A : memref<!tpu.dma_semaphore, #tpu.memory_space<semaphore_mem>>) src(%dma_wait3A_41 : memref<2000xf32, #tpu.memory_space<vmem>>) dst(%dma_wait3A_39 : memref<2000xf32, #tpu.memory_space<hbm>>)
        tpu.yield
      }) : () -> ()
      %add3A_23 = arith.constant 320000 : i32
      %add3A_24 = arith.addi %add3A_23, %add3A_13 : i32
      "tpu.region"() ({
        %run_scoped3A = tpu.sem_alloc : memref<!tpu.dma_semaphore, #tpu.memory_space<semaphore_mem>>
        %dma_start3A = arith.constant 2000 : i32
        %dma_start3A_32 = tpu.memref_slice %arg13[%dma_start3A] : memref<10000xf32, #tpu.memory_space<vmem>> -> memref<2000xf32, #tpu.memory_space<vmem>>
        %dma_start3A_33 = tpu.memref_slice %arg7[%add3A_24] : memref<1600000xf32, #tpu.memory_space<hbm>> -> memref<2000xf32, #tpu.memory_space<hbm>>
        %dma_start3A_34 = tpu.memref_slice %arg7[%add3A_24] : memref<1600000xf32, #tpu.memory_space<hbm>> -> memref<2000xf32, #tpu.memory_space<hbm>>
        %dma_start3A_35 = arith.constant 2000 : i32
        %dma_start3A_36 = tpu.memref_slice %arg13[%dma_start3A_35] : memref<10000xf32, #tpu.memory_space<vmem>> -> memref<2000xf32, #tpu.memory_space<vmem>>
        tpu.enqueue_dma source(%dma_start3A_36 : memref<2000xf32, #tpu.memory_space<vmem>>) target(%dma_start3A_34 : memref<2000xf32, #tpu.memory_space<hbm>>) target_semaphore(%run_scoped3A : memref<!tpu.dma_semaphore, #tpu.memory_space<semaphore_mem>>)
        %dma_wait3A = arith.constant 2000 : i32
        %dma_wait3A_37 = tpu.memref_slice %arg13[%dma_wait3A] : memref<10000xf32, #tpu.memory_space<vmem>> -> memref<2000xf32, #tpu.memory_space<vmem>>
        %dma_wait3A_38 = tpu.memref_slice %arg7[%add3A_24] : memref<1600000xf32, #tpu.memory_space<hbm>> -> memref<2000xf32, #tpu.memory_space<hbm>>
        %dma_wait3A_39 = tpu.memref_slice %arg7[%add3A_24] : memref<1600000xf32, #tpu.memory_space<hbm>> -> memref<2000xf32, #tpu.memory_space<hbm>>
        %dma_wait3A_40 = arith.constant 2000 : i32
        %dma_wait3A_41 = tpu.memref_slice %arg13[%dma_wait3A_40] : memref<10000xf32, #tpu.memory_space<vmem>> -> memref<2000xf32, #tpu.memory_space<vmem>>
        tpu.wait_dma2 semaphore(%run_scoped3A : memref<!tpu.dma_semaphore, #tpu.memory_space<semaphore_mem>>) src(%dma_wait3A_41 : memref<2000xf32, #tpu.memory_space<vmem>>) dst(%dma_wait3A_39 : memref<2000xf32, #tpu.memory_space<hbm>>)
        tpu.yield
      }) : () -> ()
      %add3A_25 = arith.constant 640000 : i32
      %add3A_26 = arith.addi %add3A_25, %add3A_13 : i32
      "tpu.region"() ({
        %run_scoped3A = tpu.sem_alloc : memref<!tpu.dma_semaphore, #tpu.memory_space<semaphore_mem>>
        %dma_start3A = arith.constant 4000 : i32
        %dma_start3A_32 = tpu.memref_slice %arg13[%dma_start3A] : memref<10000xf32, #tpu.memory_space<vmem>> -> memref<2000xf32, #tpu.memory_space<vmem>>
        %dma_start3A_33 = tpu.memref_slice %arg7[%add3A_26] : memref<1600000xf32, #tpu.memory_space<hbm>> -> memref<2000xf32, #tpu.memory_space<hbm>>
        %dma_start3A_34 = tpu.memref_slice %arg7[%add3A_26] : memref<1600000xf32, #tpu.memory_space<hbm>> -> memref<2000xf32, #tpu.memory_space<hbm>>
        %dma_start3A_35 = arith.constant 4000 : i32
        %dma_start3A_36 = tpu.memref_slice %arg13[%dma_start3A_35] : memref<10000xf32, #tpu.memory_space<vmem>> -> memref<2000xf32, #tpu.memory_space<vmem>>
        tpu.enqueue_dma source(%dma_start3A_36 : memref<2000xf32, #tpu.memory_space<vmem>>) target(%dma_start3A_34 : memref<2000xf32, #tpu.memory_space<hbm>>) target_semaphore(%run_scoped3A : memref<!tpu.dma_semaphore, #tpu.memory_space<semaphore_mem>>)
        %dma_wait3A = arith.constant 4000 : i32
        %dma_wait3A_37 = tpu.memref_slice %arg13[%dma_wait3A] : memref<10000xf32, #tpu.memory_space<vmem>> -> memref<2000xf32, #tpu.memory_space<vmem>>
        %dma_wait3A_38 = tpu.memref_slice %arg7[%add3A_26] : memref<1600000xf32, #tpu.memory_space<hbm>> -> memref<2000xf32, #tpu.memory_space<hbm>>
        %dma_wait3A_39 = tpu.memref_slice %arg7[%add3A_26] : memref<1600000xf32, #tpu.memory_space<hbm>> -> memref<2000xf32, #tpu.memory_space<hbm>>
        %dma_wait3A_40 = arith.constant 4000 : i32
        %dma_wait3A_41 = tpu.memref_slice %arg13[%dma_wait3A_40] : memref<10000xf32, #tpu.memory_space<vmem>> -> memref<2000xf32, #tpu.memory_space<vmem>>
        tpu.wait_dma2 semaphore(%run_scoped3A : memref<!tpu.dma_semaphore, #tpu.memory_space<semaphore_mem>>) src(%dma_wait3A_41 : memref<2000xf32, #tpu.memory_space<vmem>>) dst(%dma_wait3A_39 : memref<2000xf32, #tpu.memory_space<hbm>>)
        tpu.yield
      }) : () -> ()
      %add3A_27 = arith.constant 960000 : i32
      %add3A_28 = arith.addi %add3A_27, %add3A_13 : i32
      "tpu.region"() ({
        %run_scoped3A = tpu.sem_alloc : memref<!tpu.dma_semaphore, #tpu.memory_space<semaphore_mem>>
        %dma_start3A = arith.constant 6000 : i32
        %dma_start3A_32 = tpu.memref_slice %arg13[%dma_start3A] : memref<10000xf32, #tpu.memory_space<vmem>> -> memref<2000xf32, #tpu.memory_space<vmem>>
        %dma_start3A_33 = tpu.memref_slice %arg7[%add3A_28] : memref<1600000xf32, #tpu.memory_space<hbm>> -> memref<2000xf32, #tpu.memory_space<hbm>>
        %dma_start3A_34 = tpu.memref_slice %arg7[%add3A_28] : memref<1600000xf32, #tpu.memory_space<hbm>> -> memref<2000xf32, #tpu.memory_space<hbm>>
        %dma_start3A_35 = arith.constant 6000 : i32
        %dma_start3A_36 = tpu.memref_slice %arg13[%dma_start3A_35] : memref<10000xf32, #tpu.memory_space<vmem>> -> memref<2000xf32, #tpu.memory_space<vmem>>
        tpu.enqueue_dma source(%dma_start3A_36 : memref<2000xf32, #tpu.memory_space<vmem>>) target(%dma_start3A_34 : memref<2000xf32, #tpu.memory_space<hbm>>) target_semaphore(%run_scoped3A : memref<!tpu.dma_semaphore, #tpu.memory_space<semaphore_mem>>)
        %dma_wait3A = arith.constant 6000 : i32
        %dma_wait3A_37 = tpu.memref_slice %arg13[%dma_wait3A] : memref<10000xf32, #tpu.memory_space<vmem>> -> memref<2000xf32, #tpu.memory_space<vmem>>
        %dma_wait3A_38 = tpu.memref_slice %arg7[%add3A_28] : memref<1600000xf32, #tpu.memory_space<hbm>> -> memref<2000xf32, #tpu.memory_space<hbm>>
        %dma_wait3A_39 = tpu.memref_slice %arg7[%add3A_28] : memref<1600000xf32, #tpu.memory_space<hbm>> -> memref<2000xf32, #tpu.memory_space<hbm>>
        %dma_wait3A_40 = arith.constant 6000 : i32
        %dma_wait3A_41 = tpu.memref_slice %arg13[%dma_wait3A_40] : memref<10000xf32, #tpu.memory_space<vmem>> -> memref<2000xf32, #tpu.memory_space<vmem>>
        tpu.wait_dma2 semaphore(%run_scoped3A : memref<!tpu.dma_semaphore, #tpu.memory_space<semaphore_mem>>) src(%dma_wait3A_41 : memref<2000xf32, #tpu.memory_space<vmem>>) dst(%dma_wait3A_39 : memref<2000xf32, #tpu.memory_space<hbm>>)
        tpu.yield
      }) : () -> ()
      %add3A_29 = arith.constant 1280000 : i32
      %add3A_30 = arith.addi %add3A_29, %add3A_13 : i32
      "tpu.region"() ({
        %run_scoped3A = tpu.sem_alloc : memref<!tpu.dma_semaphore, #tpu.memory_space<semaphore_mem>>
        %dma_start3A = arith.constant 8000 : i32
        %dma_start3A_32 = tpu.memref_slice %arg13[%dma_start3A] : memref<10000xf32, #tpu.memory_space<vmem>> -> memref<2000xf32, #tpu.memory_space<vmem>>
        %dma_start3A_33 = tpu.memref_slice %arg7[%add3A_30] : memref<1600000xf32, #tpu.memory_space<hbm>> -> memref<2000xf32, #tpu.memory_space<hbm>>
        %dma_start3A_34 = tpu.memref_slice %arg7[%add3A_30] : memref<1600000xf32, #tpu.memory_space<hbm>> -> memref<2000xf32, #tpu.memory_space<hbm>>
        %dma_start3A_35 = arith.constant 8000 : i32
        %dma_start3A_36 = tpu.memref_slice %arg13[%dma_start3A_35] : memref<10000xf32, #tpu.memory_space<vmem>> -> memref<2000xf32, #tpu.memory_space<vmem>>
        tpu.enqueue_dma source(%dma_start3A_36 : memref<2000xf32, #tpu.memory_space<vmem>>) target(%dma_start3A_34 : memref<2000xf32, #tpu.memory_space<hbm>>) target_semaphore(%run_scoped3A : memref<!tpu.dma_semaphore, #tpu.memory_space<semaphore_mem>>)
        %dma_wait3A = arith.constant 8000 : i32
        %dma_wait3A_37 = tpu.memref_slice %arg13[%dma_wait3A] : memref<10000xf32, #tpu.memory_space<vmem>> -> memref<2000xf32, #tpu.memory_space<vmem>>
        %dma_wait3A_38 = tpu.memref_slice %arg7[%add3A_30] : memref<1600000xf32, #tpu.memory_space<hbm>> -> memref<2000xf32, #tpu.memory_space<hbm>>
        %dma_wait3A_39 = tpu.memref_slice %arg7[%add3A_30] : memref<1600000xf32, #tpu.memory_space<hbm>> -> memref<2000xf32, #tpu.memory_space<hbm>>
        %dma_wait3A_40 = arith.constant 8000 : i32
        %dma_wait3A_41 = tpu.memref_slice %arg13[%dma_wait3A_40] : memref<10000xf32, #tpu.memory_space<vmem>> -> memref<2000xf32, #tpu.memory_space<vmem>>
        tpu.wait_dma2 semaphore(%run_scoped3A : memref<!tpu.dma_semaphore, #tpu.memory_space<semaphore_mem>>) src(%dma_wait3A_41 : memref<2000xf32, #tpu.memory_space<vmem>>) dst(%dma_wait3A_39 : memref<2000xf32, #tpu.memory_space<hbm>>)
        tpu.yield
      }) : () -> ()
      %scan3A_31 = arith.constant 0 : i32
      scf.yield %scan3A_31 : i32
    }
    %scan3A_8 = arith.constant 5 : i32
    return
  }
}

#map = affine_map<(d0, d1) -> (0, 0)>
#map1 = affine_map<(d0, d1) -> (0)>
#map2 = affine_map<(d0, d1) -> (0, 0, 0)>
module attributes {stable_mosaic.version = 14 : i64} {
  func.func @_agg_body(%arg0: i32, %arg1: i32, %arg2: memref<320000x128xf32, #tpu.memory_space<hbm>>, %arg3: memref<320000xi32, #tpu.memory_space<hbm>>, %arg4: memref<320000xi32, #tpu.memory_space<hbm>>, %arg5: memref<10000x128xf32, #tpu.memory_space<hbm>>, %arg6: memref<320000x128xf32, #tpu.memory_space<hbm>>, %arg7: memref<320000xi32, #tpu.memory_space<hbm>>, %arg8: memref<320000xi32, #tpu.memory_space<hbm>>, %arg9: memref<10000x128xf32, #tpu.memory_space<hbm>>, %arg10: memref<640x128xf32, #tpu.memory_space<hbm>>, %arg11: memref<2x10240x128xf32, #tpu.memory_space<hbm>>, %arg12: memref<10240x128xf32, #tpu.memory_space<hbm>>, %arg13: memref<10240x128xf32, #tpu.memory_space<hbm>>, %arg14: memref<80xi32, #tpu.memory_space<vmem>>, %arg15: memref<80xi32, #tpu.memory_space<vmem>>, %arg16: memref<80xi32, #tpu.memory_space<vmem>>, %arg17: memref<80xi32, #tpu.memory_space<vmem>>, %arg18: memref<80xi32, #tpu.memory_space<vmem>>, %arg19: memref<80xi32, #tpu.memory_space<vmem>>, %arg20: memref<80x128xf32, #tpu.memory_space<vmem>>, %arg21: memref<80x128xf32, #tpu.memory_space<vmem>>, %arg22: memref<80x128xf32, #tpu.memory_space<vmem>>, %arg23: memref<80x128xf32, #tpu.memory_space<vmem>>, %arg24: memref<10240x128xf32, #tpu.memory_space<vmem_shared>>, %arg25: memref<!tpu.dma_semaphore, #tpu.memory_space<semaphore_mem>>, %arg26: memref<!tpu.dma_semaphore, #tpu.memory_space<semaphore_mem>>, %arg27: memref<!tpu.dma_semaphore, #tpu.memory_space<semaphore_mem>>, %arg28: memref<!tpu.dma_semaphore, #tpu.memory_space<semaphore_mem>>, %arg29: memref<!tpu.dma_semaphore, #tpu.memory_space<semaphore_mem>>, %arg30: memref<!tpu.dma_semaphore, #tpu.memory_space<semaphore_mem>>) attributes {dimension_semantics = [#tpu.dimension_semantics<core_parallel>, #tpu.dimension_semantics<subcore_parallel>], iteration_bounds = array<i64: 2, 16>, scalar_prefetch = 0 : i64, scratch_operands = 17 : i64, tpu.core_type = #tpu.core_type<sc_vector_subcore>, window_params = [{transform_indices = #map}, {transform_indices = #map1}, {transform_indices = #map1}, {transform_indices = #map}, {transform_indices = #map}, {transform_indices = #map1}, {transform_indices = #map1}, {transform_indices = #map}, {transform_indices = #map}, {transform_indices = #map2}, {transform_indices = #map}, {transform_indices = #map}]} {
    %mul3A = arith.constant 640 : i32
    %mul3A_0 = arith.muli %arg1, %mul3A : i32
    "tpu.region"() ({
      %run_scoped3A = tpu.sem_alloc : memref<!tpu.dma_semaphore, #tpu.memory_space<semaphore_mem>>
      %dma_start3A = arith.constant 0 : i32
      %dma_start3A_37 = tpu.memref_slice %arg24[%mul3A_0, %dma_start3A] : memref<10240x128xf32, #tpu.memory_space<vmem_shared>> -> memref<640x128xf32, #tpu.memory_space<vmem_shared>>
      tpu.enqueue_dma source(%arg10 : memref<640x128xf32, #tpu.memory_space<hbm>>) target(%dma_start3A_37 : memref<640x128xf32, #tpu.memory_space<vmem_shared>>) target_semaphore(%run_scoped3A : memref<!tpu.dma_semaphore, #tpu.memory_space<semaphore_mem>>)
      %dma_wait3A = arith.constant 0 : i32
      %dma_wait3A_38 = tpu.memref_slice %arg24[%mul3A_0, %dma_wait3A] : memref<10240x128xf32, #tpu.memory_space<vmem_shared>> -> memref<640x128xf32, #tpu.memory_space<vmem_shared>>
      tpu.wait_dma2 semaphore(%run_scoped3A : memref<!tpu.dma_semaphore, #tpu.memory_space<semaphore_mem>>) src(%arg10 : memref<640x128xf32, #tpu.memory_space<hbm>>) dst(%dma_wait3A_38 : memref<640x128xf32, #tpu.memory_space<vmem_shared>>)
      tpu.yield
    }) : () -> ()
    %barrier3A = arith.constant 0 : index
    tpu.barrier barrier_id(%barrier3A)
    %eq3A = arith.constant 0 : i32
    %eq3A_1 = arith.cmpi eq, %arg0, %eq3A : i32
    %convert_element_type3A = arith.extui %eq3A_1 : i1 to i32
    %cond3A = arith.constant 0 : i32
    %cond3A_2 = arith.cmpi ne, %convert_element_type3A, %cond3A : i32
    scf.if %cond3A_2 {
      %mul3A_37 = arith.constant 4080 : i32
      %mul3A_38 = arith.muli %arg1, %mul3A_37 : i32
      %add3A = arith.constant 0 : i32
      %add3A_39 = arith.addi %mul3A_38, %add3A : i32
      "tpu.region"() ({
        %run_scoped3A = tpu.sem_alloc : memref<!tpu.dma_semaphore, #tpu.memory_space<semaphore_mem>>
        %dma_start3A_69 = tpu.memref_slice %arg3[%add3A_39] : memref<320000xi32, #tpu.memory_space<hbm>> -> memref<80xi32, #tpu.memory_space<hbm>>
        %dma_start3A_70 = tpu.memref_slice %arg3[%add3A_39] : memref<320000xi32, #tpu.memory_space<hbm>> -> memref<80xi32, #tpu.memory_space<hbm>>
        tpu.enqueue_dma source(%dma_start3A_70 : memref<80xi32, #tpu.memory_space<hbm>>) target(%arg14 : memref<80xi32, #tpu.memory_space<vmem>>) target_semaphore(%run_scoped3A : memref<!tpu.dma_semaphore, #tpu.memory_space<semaphore_mem>>)
        %dma_wait3A_71 = tpu.memref_slice %arg3[%add3A_39] : memref<320000xi32, #tpu.memory_space<hbm>> -> memref<80xi32, #tpu.memory_space<hbm>>
        %dma_wait3A_72 = tpu.memref_slice %arg3[%add3A_39] : memref<320000xi32, #tpu.memory_space<hbm>> -> memref<80xi32, #tpu.memory_space<hbm>>
        tpu.wait_dma2 semaphore(%run_scoped3A : memref<!tpu.dma_semaphore, #tpu.memory_space<semaphore_mem>>) src(%dma_wait3A_72 : memref<80xi32, #tpu.memory_space<hbm>>) dst(%arg14 : memref<80xi32, #tpu.memory_space<vmem>>)
        tpu.yield
      }) : () -> ()
      %add3A_40 = arith.constant 0 : i32
      %add3A_41 = arith.addi %mul3A_38, %add3A_40 : i32
      "tpu.region"() ({
        %run_scoped3A = tpu.sem_alloc : memref<!tpu.dma_semaphore, #tpu.memory_space<semaphore_mem>>
        %dma_start3A_69 = tpu.memref_slice %arg4[%add3A_41] : memref<320000xi32, #tpu.memory_space<hbm>> -> memref<80xi32, #tpu.memory_space<hbm>>
        %dma_start3A_70 = tpu.memref_slice %arg4[%add3A_41] : memref<320000xi32, #tpu.memory_space<hbm>> -> memref<80xi32, #tpu.memory_space<hbm>>
        tpu.enqueue_dma source(%dma_start3A_70 : memref<80xi32, #tpu.memory_space<hbm>>) target(%arg16 : memref<80xi32, #tpu.memory_space<vmem>>) target_semaphore(%run_scoped3A : memref<!tpu.dma_semaphore, #tpu.memory_space<semaphore_mem>>)
        %dma_wait3A_71 = tpu.memref_slice %arg4[%add3A_41] : memref<320000xi32, #tpu.memory_space<hbm>> -> memref<80xi32, #tpu.memory_space<hbm>>
        %dma_wait3A_72 = tpu.memref_slice %arg4[%add3A_41] : memref<320000xi32, #tpu.memory_space<hbm>> -> memref<80xi32, #tpu.memory_space<hbm>>
        tpu.wait_dma2 semaphore(%run_scoped3A : memref<!tpu.dma_semaphore, #tpu.memory_space<semaphore_mem>>) src(%dma_wait3A_72 : memref<80xi32, #tpu.memory_space<hbm>>) dst(%arg16 : memref<80xi32, #tpu.memory_space<vmem>>)
        tpu.yield
      }) : () -> ()
      %dma_start3A = arith.constant 0 : i32
      %dma_start3A_42 = arith.constant 0 : i32
      %dma_start3A_43 = tpu.memref_slice %arg5[%dma_start3A, %dma_start3A_42] : memref<10000x128xf32, #tpu.memory_space<hbm>> -> memref<10000x128xf32, #tpu.memory_space<hbm>>
      tpu.enqueue_indirect_dma source(%dma_start3A_43 : memref<10000x128xf32, #tpu.memory_space<hbm>>) target(%arg20 : memref<80x128xf32, #tpu.memory_space<vmem>>) offsets(%arg14 : memref<80xi32, #tpu.memory_space<vmem>>) semaphore(%arg27 : memref<!tpu.dma_semaphore, #tpu.memory_space<semaphore_mem>>)
      %add3A_44 = arith.constant 0 : i32
      %add3A_45 = arith.addi %mul3A_38, %add3A_44 : i32
      %dma_start3A_46 = arith.constant 0 : i32
      %dma_start3A_47 = tpu.memref_slice %arg2[%add3A_45, %dma_start3A_46] : memref<320000x128xf32, #tpu.memory_space<hbm>> -> memref<80x128xf32, #tpu.memory_space<hbm>>
      %dma_start3A_48 = arith.constant 0 : i32
      %dma_start3A_49 = tpu.memref_slice %arg2[%add3A_45, %dma_start3A_48] : memref<320000x128xf32, #tpu.memory_space<hbm>> -> memref<80x128xf32, #tpu.memory_space<hbm>>
      tpu.enqueue_dma source(%dma_start3A_49 : memref<80x128xf32, #tpu.memory_space<hbm>>) target(%arg22 : memref<80x128xf32, #tpu.memory_space<vmem>>) target_semaphore(%arg27 : memref<!tpu.dma_semaphore, #tpu.memory_space<semaphore_mem>>)
      %add3A_50 = arith.constant 80 : i32
      %add3A_51 = arith.addi %mul3A_38, %add3A_50 : i32
      %dma_start3A_52 = tpu.memref_slice %arg3[%add3A_51] : memref<320000xi32, #tpu.memory_space<hbm>> -> memref<80xi32, #tpu.memory_space<hbm>>
      %dma_start3A_53 = tpu.memref_slice %arg3[%add3A_51] : memref<320000xi32, #tpu.memory_space<hbm>> -> memref<80xi32, #tpu.memory_space<hbm>>
      tpu.enqueue_dma source(%dma_start3A_53 : memref<80xi32, #tpu.memory_space<hbm>>) target(%arg15 : memref<80xi32, #tpu.memory_space<vmem>>) target_semaphore(%arg26 : memref<!tpu.dma_semaphore, #tpu.memory_space<semaphore_mem>>)
      %add3A_54 = arith.constant 80 : i32
      %add3A_55 = arith.addi %mul3A_38, %add3A_54 : i32
      %dma_start3A_56 = tpu.memref_slice %arg4[%add3A_55] : memref<320000xi32, #tpu.memory_space<hbm>> -> memref<80xi32, #tpu.memory_space<hbm>>
      %dma_start3A_57 = tpu.memref_slice %arg4[%add3A_55] : memref<320000xi32, #tpu.memory_space<hbm>> -> memref<80xi32, #tpu.memory_space<hbm>>
      tpu.enqueue_dma source(%dma_start3A_57 : memref<80xi32, #tpu.memory_space<hbm>>) target(%arg17 : memref<80xi32, #tpu.memory_space<vmem>>) target_semaphore(%arg26 : memref<!tpu.dma_semaphore, #tpu.memory_space<semaphore_mem>>)
      %scan3A = arith.constant 0 : i32
      %scan3A_58 = arith.constant 0 : i32
      %scan3A_59 = arith.constant 26 : i32
      %scan3A_60 = arith.addi %scan3A_58, %scan3A_59 : i32
      %scan3A_61 = arith.constant 1 : i32
      %scan3A_62 = scf.for %scan3A_69 = %scan3A_58 to %scan3A_60 step %scan3A_61 iter_args(%scan3A_70 = %scan3A) -> (i32)  : i32 {
        %mul3A_71 = arith.constant 2 : i32
        %mul3A_72 = arith.muli %mul3A_71, %scan3A_69 : i32
        %mul3A_73 = arith.constant 80 : i32
        %mul3A_74 = arith.muli %mul3A_72, %mul3A_73 : i32
        %add3A_75 = arith.addi %mul3A_38, %mul3A_74 : i32
        %dma_wait3A_76 = arith.constant 0 : i32
        %dma_wait3A_77 = arith.constant 0 : i32
        %dma_wait3A_78 = tpu.memref_slice %arg5[%dma_wait3A_76, %dma_wait3A_77] : memref<10000x128xf32, #tpu.memory_space<hbm>> -> memref<10000x128xf32, #tpu.memory_space<hbm>>
        tpu.wait_indirect_dma semaphore(%arg27 : memref<!tpu.dma_semaphore, #tpu.memory_space<semaphore_mem>>) src(%dma_wait3A_78 : memref<10000x128xf32, #tpu.memory_space<hbm>>) dst(%arg20 : memref<80x128xf32, #tpu.memory_space<vmem>>)
        %dma_wait3A_79 = arith.constant 0 : i32
        %dma_wait3A_80 = tpu.memref_slice %arg2[%add3A_75, %dma_wait3A_79] : memref<320000x128xf32, #tpu.memory_space<hbm>> -> memref<80x128xf32, #tpu.memory_space<hbm>>
        %dma_wait3A_81 = arith.constant 0 : i32
        %dma_wait3A_82 = tpu.memref_slice %arg2[%add3A_75, %dma_wait3A_81] : memref<320000x128xf32, #tpu.memory_space<hbm>> -> memref<80x128xf32, #tpu.memory_space<hbm>>
        tpu.wait_dma2 semaphore(%arg27 : memref<!tpu.dma_semaphore, #tpu.memory_space<semaphore_mem>>) src(%dma_wait3A_82 : memref<80x128xf32, #tpu.memory_space<hbm>>) dst(%arg22 : memref<80x128xf32, #tpu.memory_space<vmem>>)
        %add3A_83 = arith.constant 1 : i32
        %add3A_84 = arith.addi %mul3A_72, %add3A_83 : i32
        %lt3A = arith.constant 51 : i32
        %lt3A_85 = arith.cmpi slt, %add3A_84, %lt3A : i32
        %convert_element_type3A_86 = arith.extui %lt3A_85 : i1 to i32
        %cond3A_87 = arith.constant 0 : i32
        %cond3A_88 = arith.cmpi ne, %convert_element_type3A_86, %cond3A_87 : i32
        scf.if %cond3A_88 {
          %ge3A = arith.constant 1 : i32
          %ge3A_127 = arith.cmpi sge, %mul3A_72, %ge3A : i32
          %convert_element_type3A_128 = arith.extui %ge3A_127 : i1 to i32
          %cond3A_129 = arith.constant 0 : i32
          %cond3A_130 = arith.cmpi ne, %convert_element_type3A_128, %cond3A_129 : i32
          scf.if %cond3A_130 {
            %dma_wait3A_157 = arith.constant 0 : i32
            %dma_wait3A_158 = arith.constant 0 : i32
            %dma_wait3A_159 = tpu.memref_slice %arg24[%dma_wait3A_157, %dma_wait3A_158] : memref<10240x128xf32, #tpu.memory_space<vmem_shared>> -> memref<10240x128xf32, #tpu.memory_space<vmem_shared>>
            tpu.wait_indirect_dma semaphore(%arg30 : memref<!tpu.dma_semaphore, #tpu.memory_space<semaphore_mem>>) src(%arg21 : memref<80x128xf32, #tpu.memory_space<vmem>>) dst(%dma_wait3A_159 : memref<10240x128xf32, #tpu.memory_space<vmem_shared>>)
          } else {
          }
          %add3A_131 = arith.constant 1 : i32
          %add3A_132 = arith.addi %mul3A_72, %add3A_131 : i32
          %mul3A_133 = arith.constant 80 : i32
          %mul3A_134 = arith.muli %add3A_132, %mul3A_133 : i32
          %add3A_135 = arith.addi %mul3A_38, %mul3A_134 : i32
          %dma_wait3A_136 = tpu.memref_slice %arg3[%add3A_135] : memref<320000xi32, #tpu.memory_space<hbm>> -> memref<80xi32, #tpu.memory_space<hbm>>
          %dma_wait3A_137 = tpu.memref_slice %arg3[%add3A_135] : memref<320000xi32, #tpu.memory_space<hbm>> -> memref<80xi32, #tpu.memory_space<hbm>>
          tpu.wait_dma2 semaphore(%arg26 : memref<!tpu.dma_semaphore, #tpu.memory_space<semaphore_mem>>) src(%dma_wait3A_137 : memref<80xi32, #tpu.memory_space<hbm>>) dst(%arg15 : memref<80xi32, #tpu.memory_space<vmem>>)
          %add3A_138 = arith.constant 1 : i32
          %add3A_139 = arith.addi %mul3A_72, %add3A_138 : i32
          %mul3A_140 = arith.constant 80 : i32
          %mul3A_141 = arith.muli %add3A_139, %mul3A_140 : i32
          %add3A_142 = arith.addi %mul3A_38, %mul3A_141 : i32
          %dma_wait3A_143 = tpu.memref_slice %arg4[%add3A_142] : memref<320000xi32, #tpu.memory_space<hbm>> -> memref<80xi32, #tpu.memory_space<hbm>>
          %dma_wait3A_144 = tpu.memref_slice %arg4[%add3A_142] : memref<320000xi32, #tpu.memory_space<hbm>> -> memref<80xi32, #tpu.memory_space<hbm>>
          tpu.wait_dma2 semaphore(%arg26 : memref<!tpu.dma_semaphore, #tpu.memory_space<semaphore_mem>>) src(%dma_wait3A_144 : memref<80xi32, #tpu.memory_space<hbm>>) dst(%arg17 : memref<80xi32, #tpu.memory_space<vmem>>)
          %dma_start3A_145 = arith.constant 0 : i32
          %dma_start3A_146 = arith.constant 0 : i32
          %dma_start3A_147 = tpu.memref_slice %arg5[%dma_start3A_145, %dma_start3A_146] : memref<10000x128xf32, #tpu.memory_space<hbm>> -> memref<10000x128xf32, #tpu.memory_space<hbm>>
          tpu.enqueue_indirect_dma source(%dma_start3A_147 : memref<10000x128xf32, #tpu.memory_space<hbm>>) target(%arg21 : memref<80x128xf32, #tpu.memory_space<vmem>>) offsets(%arg15 : memref<80xi32, #tpu.memory_space<vmem>>) semaphore(%arg28 : memref<!tpu.dma_semaphore, #tpu.memory_space<semaphore_mem>>)
          %add3A_148 = arith.constant 1 : i32
          %add3A_149 = arith.addi %mul3A_72, %add3A_148 : i32
          %mul3A_150 = arith.constant 80 : i32
          %mul3A_151 = arith.muli %add3A_149, %mul3A_150 : i32
          %add3A_152 = arith.addi %mul3A_38, %mul3A_151 : i32
          %dma_start3A_153 = arith.constant 0 : i32
          %dma_start3A_154 = tpu.memref_slice %arg2[%add3A_152, %dma_start3A_153] : memref<320000x128xf32, #tpu.memory_space<hbm>> -> memref<80x128xf32, #tpu.memory_space<hbm>>
          %dma_start3A_155 = arith.constant 0 : i32
          %dma_start3A_156 = tpu.memref_slice %arg2[%add3A_152, %dma_start3A_155] : memref<320000x128xf32, #tpu.memory_space<hbm>> -> memref<80x128xf32, #tpu.memory_space<hbm>>
          tpu.enqueue_dma source(%dma_start3A_156 : memref<80x128xf32, #tpu.memory_space<hbm>>) target(%arg23 : memref<80x128xf32, #tpu.memory_space<vmem>>) target_semaphore(%arg28 : memref<!tpu.dma_semaphore, #tpu.memory_space<semaphore_mem>>)
        } else {
        }
        %parallel_loop3A = arith.constant 0 : i32
        %parallel_loop3A_89 = arith.constant 80 : i32
        %parallel_loop3A_90 = arith.constant 1 : i32
        scf.for %parallel_loop3A_127 = %parallel_loop3A to %parallel_loop3A_89 step %parallel_loop3A_90  : i32 {
          %parallel_loop3A_128 = arith.index_cast %parallel_loop3A_127 : i32 to index
          %parallel_loop3A_129 = arith.constant 0 : index
          %parallel_loop3A_130 = tpu.vector_load %arg20[%parallel_loop3A_128, %parallel_loop3A_129] {strides = array<i32>} : memref<80x128xf32, #tpu.memory_space<vmem>>, vector<16xf32>,
          %parallel_loop3A_131 = arith.index_cast %parallel_loop3A_127 : i32 to index
          %parallel_loop3A_132 = arith.constant 0 : index
          %parallel_loop3A_133 = tpu.vector_load %arg22[%parallel_loop3A_131, %parallel_loop3A_132] {strides = array<i32>} : memref<80x128xf32, #tpu.memory_space<vmem>>, vector<16xf32>,
          %parallel_loop3A_134 = arith.mulf %parallel_loop3A_130, %parallel_loop3A_133 : vector<16xf32>
          %parallel_loop3A_135 = arith.index_cast %parallel_loop3A_127 : i32 to index
          %parallel_loop3A_136 = arith.constant 0 : index
          %parallel_loop3A_137 = tpu.vector_load %arg20[%parallel_loop3A_135, %parallel_loop3A_136] {strides = array<i32>} : memref<80x128xf32, #tpu.memory_space<vmem>>, vector<16xf32>,
          tpu.vector_store %arg20[%parallel_loop3A_135, %parallel_loop3A_136], %parallel_loop3A_134 {strides = array<i32>} : memref<80x128xf32, #tpu.memory_space<vmem>>, vector<16xf32>,
          %parallel_loop3A_138 = arith.index_cast %parallel_loop3A_127 : i32 to index
          %parallel_loop3A_139 = arith.constant 16 : index
          %parallel_loop3A_140 = tpu.vector_load %arg20[%parallel_loop3A_138, %parallel_loop3A_139] {strides = array<i32>} : memref<80x128xf32, #tpu.memory_space<vmem>>, vector<16xf32>,
          %parallel_loop3A_141 = arith.index_cast %parallel_loop3A_127 : i32 to index
          %parallel_loop3A_142 = arith.constant 16 : index
          %parallel_loop3A_143 = tpu.vector_load %arg22[%parallel_loop3A_141, %parallel_loop3A_142] {strides = array<i32>} : memref<80x128xf32, #tpu.memory_space<vmem>>, vector<16xf32>,
          %parallel_loop3A_144 = arith.mulf %parallel_loop3A_140, %parallel_loop3A_143 : vector<16xf32>
          %parallel_loop3A_145 = arith.index_cast %parallel_loop3A_127 : i32 to index
          %parallel_loop3A_146 = arith.constant 16 : index
          %parallel_loop3A_147 = tpu.vector_load %arg20[%parallel_loop3A_145, %parallel_loop3A_146] {strides = array<i32>} : memref<80x128xf32, #tpu.memory_space<vmem>>, vector<16xf32>,
          tpu.vector_store %arg20[%parallel_loop3A_145, %parallel_loop3A_146], %parallel_loop3A_144 {strides = array<i32>} : memref<80x128xf32, #tpu.memory_space<vmem>>, vector<16xf32>,
          %parallel_loop3A_148 = arith.index_cast %parallel_loop3A_127 : i32 to index
          %parallel_loop3A_149 = arith.constant 32 : index
          %parallel_loop3A_150 = tpu.vector_load %arg20[%parallel_loop3A_148, %parallel_loop3A_149] {strides = array<i32>} : memref<80x128xf32, #tpu.memory_space<vmem>>, vector<16xf32>,
          %parallel_loop3A_151 = arith.index_cast %parallel_loop3A_127 : i32 to index
          %parallel_loop3A_152 = arith.constant 32 : index
          %parallel_loop3A_153 = tpu.vector_load %arg22[%parallel_loop3A_151, %parallel_loop3A_152] {strides = array<i32>} : memref<80x128xf32, #tpu.memory_space<vmem>>, vector<16xf32>,
          %parallel_loop3A_154 = arith.mulf %parallel_loop3A_150, %parallel_loop3A_153 : vector<16xf32>
          %parallel_loop3A_155 = arith.index_cast %parallel_loop3A_127 : i32 to index
          %parallel_loop3A_156 = arith.constant 32 : index
          %parallel_loop3A_157 = tpu.vector_load %arg20[%parallel_loop3A_155, %parallel_loop3A_156] {strides = array<i32>} : memref<80x128xf32, #tpu.memory_space<vmem>>, vector<16xf32>,
          tpu.vector_store %arg20[%parallel_loop3A_155, %parallel_loop3A_156], %parallel_loop3A_154 {strides = array<i32>} : memref<80x128xf32, #tpu.memory_space<vmem>>, vector<16xf32>,
          %parallel_loop3A_158 = arith.index_cast %parallel_loop3A_127 : i32 to index
          %parallel_loop3A_159 = arith.constant 48 : index
          %parallel_loop3A_160 = tpu.vector_load %arg20[%parallel_loop3A_158, %parallel_loop3A_159] {strides = array<i32>} : memref<80x128xf32, #tpu.memory_space<vmem>>, vector<16xf32>,
          %parallel_loop3A_161 = arith.index_cast %parallel_loop3A_127 : i32 to index
          %parallel_loop3A_162 = arith.constant 48 : index
          %parallel_loop3A_163 = tpu.vector_load %arg22[%parallel_loop3A_161, %parallel_loop3A_162] {strides = array<i32>} : memref<80x128xf32, #tpu.memory_space<vmem>>, vector<16xf32>,
          %parallel_loop3A_164 = arith.mulf %parallel_loop3A_160, %parallel_loop3A_163 : vector<16xf32>
          %parallel_loop3A_165 = arith.index_cast %parallel_loop3A_127 : i32 to index
          %parallel_loop3A_166 = arith.constant 48 : index
          %parallel_loop3A_167 = tpu.vector_load %arg20[%parallel_loop3A_165, %parallel_loop3A_166] {strides = array<i32>} : memref<80x128xf32, #tpu.memory_space<vmem>>, vector<16xf32>,
          tpu.vector_store %arg20[%parallel_loop3A_165, %parallel_loop3A_166], %parallel_loop3A_164 {strides = array<i32>} : memref<80x128xf32, #tpu.memory_space<vmem>>, vector<16xf32>,
          %parallel_loop3A_168 = arith.index_cast %parallel_loop3A_127 : i32 to index
          %parallel_loop3A_169 = arith.constant 64 : index
          %parallel_loop3A_170 = tpu.vector_load %arg20[%parallel_loop3A_168, %parallel_loop3A_169] {strides = array<i32>} : memref<80x128xf32, #tpu.memory_space<vmem>>, vector<16xf32>,
          %parallel_loop3A_171 = arith.index_cast %parallel_loop3A_127 : i32 to index
          %parallel_loop3A_172 = arith.constant 64 : index
          %parallel_loop3A_173 = tpu.vector_load %arg22[%parallel_loop3A_171, %parallel_loop3A_172] {strides = array<i32>} : memref<80x128xf32, #tpu.memory_space<vmem>>, vector<16xf32>,
          %parallel_loop3A_174 = arith.mulf %parallel_loop3A_170, %parallel_loop3A_173 : vector<16xf32>
          %parallel_loop3A_175 = arith.index_cast %parallel_loop3A_127 : i32 to index
          %parallel_loop3A_176 = arith.constant 64 : index
          %parallel_loop3A_177 = tpu.vector_load %arg20[%parallel_loop3A_175, %parallel_loop3A_176] {strides = array<i32>} : memref<80x128xf32, #tpu.memory_space<vmem>>, vector<16xf32>,
          tpu.vector_store %arg20[%parallel_loop3A_175, %parallel_loop3A_176], %parallel_loop3A_174 {strides = array<i32>} : memref<80x128xf32, #tpu.memory_space<vmem>>, vector<16xf32>,
          %parallel_loop3A_178 = arith.index_cast %parallel_loop3A_127 : i32 to index
          %parallel_loop3A_179 = arith.constant 80 : index
          %parallel_loop3A_180 = tpu.vector_load %arg20[%parallel_loop3A_178, %parallel_loop3A_179] {strides = array<i32>} : memref<80x128xf32, #tpu.memory_space<vmem>>, vector<16xf32>,
          %parallel_loop3A_181 = arith.index_cast %parallel_loop3A_127 : i32 to index
          %parallel_loop3A_182 = arith.constant 80 : index
          %parallel_loop3A_183 = tpu.vector_load %arg22[%parallel_loop3A_181, %parallel_loop3A_182] {strides = array<i32>} : memref<80x128xf32, #tpu.memory_space<vmem>>, vector<16xf32>,
          %parallel_loop3A_184 = arith.mulf %parallel_loop3A_180, %parallel_loop3A_183 : vector<16xf32>
          %parallel_loop3A_185 = arith.index_cast %parallel_loop3A_127 : i32 to index
          %parallel_loop3A_186 = arith.constant 80 : index
          %parallel_loop3A_187 = tpu.vector_load %arg20[%parallel_loop3A_185, %parallel_loop3A_186] {strides = array<i32>} : memref<80x128xf32, #tpu.memory_space<vmem>>, vector<16xf32>,
          tpu.vector_store %arg20[%parallel_loop3A_185, %parallel_loop3A_186], %parallel_loop3A_184 {strides = array<i32>} : memref<80x128xf32, #tpu.memory_space<vmem>>, vector<16xf32>,
          %parallel_loop3A_188 = arith.index_cast %parallel_loop3A_127 : i32 to index
          %parallel_loop3A_189 = arith.constant 96 : index
          %parallel_loop3A_190 = tpu.vector_load %arg20[%parallel_loop3A_188, %parallel_loop3A_189] {strides = array<i32>} : memref<80x128xf32, #tpu.memory_space<vmem>>, vector<16xf32>,
          %parallel_loop3A_191 = arith.index_cast %parallel_loop3A_127 : i32 to index
          %parallel_loop3A_192 = arith.constant 96 : index
          %parallel_loop3A_193 = tpu.vector_load %arg22[%parallel_loop3A_191, %parallel_loop3A_192] {strides = array<i32>} : memref<80x128xf32, #tpu.memory_space<vmem>>, vector<16xf32>,
          %parallel_loop3A_194 = arith.mulf %parallel_loop3A_190, %parallel_loop3A_193 : vector<16xf32>
          %parallel_loop3A_195 = arith.index_cast %parallel_loop3A_127 : i32 to index
          %parallel_loop3A_196 = arith.constant 96 : index
          %parallel_loop3A_197 = tpu.vector_load %arg20[%parallel_loop3A_195, %parallel_loop3A_196] {strides = array<i32>} : memref<80x128xf32, #tpu.memory_space<vmem>>, vector<16xf32>,
          tpu.vector_store %arg20[%parallel_loop3A_195, %parallel_loop3A_196], %parallel_loop3A_194 {strides = array<i32>} : memref<80x128xf32, #tpu.memory_space<vmem>>, vector<16xf32>,
          %parallel_loop3A_198 = arith.index_cast %parallel_loop3A_127 : i32 to index
          %parallel_loop3A_199 = arith.constant 112 : index
          %parallel_loop3A_200 = tpu.vector_load %arg20[%parallel_loop3A_198, %parallel_loop3A_199] {strides = array<i32>} : memref<80x128xf32, #tpu.memory_space<vmem>>, vector<16xf32>,
          %parallel_loop3A_201 = arith.index_cast %parallel_loop3A_127 : i32 to index
          %parallel_loop3A_202 = arith.constant 112 : index
          %parallel_loop3A_203 = tpu.vector_load %arg22[%parallel_loop3A_201, %parallel_loop3A_202] {strides = array<i32>} : memref<80x128xf32, #tpu.memory_space<vmem>>, vector<16xf32>,
          %parallel_loop3A_204 = arith.mulf %parallel_loop3A_200, %parallel_loop3A_203 : vector<16xf32>
          %parallel_loop3A_205 = arith.index_cast %parallel_loop3A_127 : i32 to index
          %parallel_loop3A_206 = arith.constant 112 : index
          %parallel_loop3A_207 = tpu.vector_load %arg20[%parallel_loop3A_205, %parallel_loop3A_206] {strides = array<i32>} : memref<80x128xf32, #tpu.memory_space<vmem>>, vector<16xf32>,
          tpu.vector_store %arg20[%parallel_loop3A_205, %parallel_loop3A_206], %parallel_loop3A_204 {strides = array<i32>} : memref<80x128xf32, #tpu.memory_space<vmem>>, vector<16xf32>,
        } {sc.loop_unroll_factor = 4 : i64, sc.parallel_access}
        %get3A = arith.constant 0 : index
        %get3A_91 = tpu.vector_load %arg16[%get3A] {strides = array<i32>} : memref<80xi32, #tpu.memory_space<vmem>>, vector<16xi32>,
        %swap3A = arith.constant 0 : index
        %swap3A_92 = tpu.vector_load %arg18[%swap3A] {strides = array<i32>} : memref<80xi32, #tpu.memory_space<vmem>>, vector<16xi32>,
        tpu.vector_store %arg18[%swap3A], %get3A_91 {strides = array<i32>} : memref<80xi32, #tpu.memory_space<vmem>>, vector<16xi32>,
        %get3A_93 = arith.constant 16 : index
        %get3A_94 = tpu.vector_load %arg16[%get3A_93] {strides = array<i32>} : memref<80xi32, #tpu.memory_space<vmem>>, vector<16xi32>,
        %swap3A_95 = arith.constant 16 : index
        %swap3A_96 = tpu.vector_load %arg18[%swap3A_95] {strides = array<i32>} : memref<80xi32, #tpu.memory_space<vmem>>, vector<16xi32>,
        tpu.vector_store %arg18[%swap3A_95], %get3A_94 {strides = array<i32>} : memref<80xi32, #tpu.memory_space<vmem>>, vector<16xi32>,
        %get3A_97 = arith.constant 32 : index
        %get3A_98 = tpu.vector_load %arg16[%get3A_97] {strides = array<i32>} : memref<80xi32, #tpu.memory_space<vmem>>, vector<16xi32>,
        %swap3A_99 = arith.constant 32 : index
        %swap3A_100 = tpu.vector_load %arg18[%swap3A_99] {strides = array<i32>} : memref<80xi32, #tpu.memory_space<vmem>>, vector<16xi32>,
        tpu.vector_store %arg18[%swap3A_99], %get3A_98 {strides = array<i32>} : memref<80xi32, #tpu.memory_space<vmem>>, vector<16xi32>,
        %get3A_101 = arith.constant 48 : index
        %get3A_102 = tpu.vector_load %arg16[%get3A_101] {strides = array<i32>} : memref<80xi32, #tpu.memory_space<vmem>>, vector<16xi32>,
        %swap3A_103 = arith.constant 48 : index
        %swap3A_104 = tpu.vector_load %arg18[%swap3A_103] {strides = array<i32>} : memref<80xi32, #tpu.memory_space<vmem>>, vector<16xi32>,
        tpu.vector_store %arg18[%swap3A_103], %get3A_102 {strides = array<i32>} : memref<80xi32, #tpu.memory_space<vmem>>, vector<16xi32>,
        %get3A_105 = arith.constant 64 : index
        %get3A_106 = tpu.vector_load %arg16[%get3A_105] {strides = array<i32>} : memref<80xi32, #tpu.memory_space<vmem>>, vector<16xi32>,
        %swap3A_107 = arith.constant 64 : index
        %swap3A_108 = tpu.vector_load %arg18[%swap3A_107] {strides = array<i32>} : memref<80xi32, #tpu.memory_space<vmem>>, vector<16xi32>,
        tpu.vector_store %arg18[%swap3A_107], %get3A_106 {strides = array<i32>} : memref<80xi32, #tpu.memory_space<vmem>>, vector<16xi32>,
        %dma_start3A_109 = arith.constant 0 : i32
        %dma_start3A_110 = arith.constant 0 : i32
        %dma_start3A_111 = tpu.memref_slice %arg24[%dma_start3A_109, %dma_start3A_110] : memref<10240x128xf32, #tpu.memory_space<vmem_shared>> -> memref<10240x128xf32, #tpu.memory_space<vmem_shared>>
        tpu.enqueue_indirect_dma source(%arg20 : memref<80x128xf32, #tpu.memory_space<vmem>>) target(%dma_start3A_111 : memref<10240x128xf32, #tpu.memory_space<vmem_shared>>) offsets(%arg18 : memref<80xi32, #tpu.memory_space<vmem>>) semaphore(%arg29 : memref<!tpu.dma_semaphore, #tpu.memory_space<semaphore_mem>>) {add = true}
        %add3A_112 = arith.constant 2 : i32
        %add3A_113 = arith.addi %mul3A_72, %add3A_112 : i32
        %lt3A_114 = arith.constant 51 : i32
        %lt3A_115 = arith.cmpi slt, %add3A_113, %lt3A_114 : i32
        %convert_element_type3A_116 = arith.extui %lt3A_115 : i1 to i32
        %cond3A_117 = arith.constant 0 : i32
        %cond3A_118 = arith.cmpi ne, %convert_element_type3A_116, %cond3A_117 : i32
        scf.if %cond3A_118 {
          %add3A_127 = arith.constant 2 : i32
          %add3A_128 = arith.addi %mul3A_72, %add3A_127 : i32
          %mul3A_129 = arith.constant 80 : i32
          %mul3A_130 = arith.muli %add3A_128, %mul3A_129 : i32
          %add3A_131 = arith.addi %mul3A_38, %mul3A_130 : i32
          %dma_start3A_132 = tpu.memref_slice %arg3[%add3A_131] : memref<320000xi32, #tpu.memory_space<hbm>> -> memref<80xi32, #tpu.memory_space<hbm>>
          %dma_start3A_133 = tpu.memref_slice %arg3[%add3A_131] : memref<320000xi32, #tpu.memory_space<hbm>> -> memref<80xi32, #tpu.memory_space<hbm>>
          tpu.enqueue_dma source(%dma_start3A_133 : memref<80xi32, #tpu.memory_space<hbm>>) target(%arg14 : memref<80xi32, #tpu.memory_space<vmem>>) target_semaphore(%arg25 : memref<!tpu.dma_semaphore, #tpu.memory_space<semaphore_mem>>)
          %add3A_134 = arith.constant 2 : i32
          %add3A_135 = arith.addi %mul3A_72, %add3A_134 : i32
          %mul3A_136 = arith.constant 80 : i32
          %mul3A_137 = arith.muli %add3A_135, %mul3A_136 : i32
          %add3A_138 = arith.addi %mul3A_38, %mul3A_137 : i32
          %dma_start3A_139 = tpu.memref_slice %arg4[%add3A_138] : memref<320000xi32, #tpu.memory_space<hbm>> -> memref<80xi32, #tpu.memory_space<hbm>>
          %dma_start3A_140 = tpu.memref_slice %arg4[%add3A_138] : memref<320000xi32, #tpu.memory_space<hbm>> -> memref<80xi32, #tpu.memory_space<hbm>>
          tpu.enqueue_dma source(%dma_start3A_140 : memref<80xi32, #tpu.memory_space<hbm>>) target(%arg16 : memref<80xi32, #tpu.memory_space<vmem>>) target_semaphore(%arg25 : memref<!tpu.dma_semaphore, #tpu.memory_space<semaphore_mem>>)
        } else {
        }
        %add3A_119 = arith.constant 1 : i32
        %add3A_120 = arith.addi %mul3A_72, %add3A_119 : i32
        %lt3A_121 = arith.constant 51 : i32
        %lt3A_122 = arith.cmpi slt, %add3A_120, %lt3A_121 : i32
        %convert_element_type3A_123 = arith.extui %lt3A_122 : i1 to i32
        %cond3A_124 = arith.constant 0 : i32
        %cond3A_125 = arith.cmpi ne, %convert_element_type3A_123, %cond3A_124 : i32
        scf.if %cond3A_125 {
          %add3A_127 = arith.constant 1 : i32
          %add3A_128 = arith.addi %mul3A_72, %add3A_127 : i32
          %mul3A_129 = arith.constant 80 : i32
          %mul3A_130 = arith.muli %add3A_128, %mul3A_129 : i32
          %add3A_131 = arith.addi %mul3A_38, %mul3A_130 : i32
          %dma_wait3A_132 = arith.constant 0 : i32
          %dma_wait3A_133 = arith.constant 0 : i32
          %dma_wait3A_134 = tpu.memref_slice %arg5[%dma_wait3A_132, %dma_wait3A_133] : memref<10000x128xf32, #tpu.memory_space<hbm>> -> memref<10000x128xf32, #tpu.memory_space<hbm>>
          tpu.wait_indirect_dma semaphore(%arg28 : memref<!tpu.dma_semaphore, #tpu.memory_space<semaphore_mem>>) src(%dma_wait3A_134 : memref<10000x128xf32, #tpu.memory_space<hbm>>) dst(%arg21 : memref<80x128xf32, #tpu.memory_space<vmem>>)
          %dma_wait3A_135 = arith.constant 0 : i32
          %dma_wait3A_136 = tpu.memref_slice %arg2[%add3A_131, %dma_wait3A_135] : memref<320000x128xf32, #tpu.memory_space<hbm>> -> memref<80x128xf32, #tpu.memory_space<hbm>>
          %dma_wait3A_137 = arith.constant 0 : i32
          %dma_wait3A_138 = tpu.memref_slice %arg2[%add3A_131, %dma_wait3A_137] : memref<320000x128xf32, #tpu.memory_space<hbm>> -> memref<80x128xf32, #tpu.memory_space<hbm>>
          tpu.wait_dma2 semaphore(%arg28 : memref<!tpu.dma_semaphore, #tpu.memory_space<semaphore_mem>>) src(%dma_wait3A_138 : memref<80x128xf32, #tpu.memory_space<hbm>>) dst(%arg23 : memref<80x128xf32, #tpu.memory_space<vmem>>)
          %add3A_139 = arith.constant 1 : i32
          %add3A_140 = arith.addi %add3A_128, %add3A_139 : i32
          %lt3A_141 = arith.constant 51 : i32
          %lt3A_142 = arith.cmpi slt, %add3A_140, %lt3A_141 : i32
          %convert_element_type3A_143 = arith.extui %lt3A_142 : i1 to i32
          %cond3A_144 = arith.constant 0 : i32
          %cond3A_145 = arith.cmpi ne, %convert_element_type3A_143, %cond3A_144 : i32
          scf.if %cond3A_145 {
            %ge3A = arith.constant 1 : i32
            %ge3A_179 = arith.cmpi sge, %add3A_128, %ge3A : i32
            %convert_element_type3A_180 = arith.extui %ge3A_179 : i1 to i32
            %cond3A_181 = arith.constant 0 : i32
            %cond3A_182 = arith.cmpi ne, %convert_element_type3A_180, %cond3A_181 : i32
            scf.if %cond3A_182 {
              %dma_wait3A_209 = arith.constant 0 : i32
              %dma_wait3A_210 = arith.constant 0 : i32
              %dma_wait3A_211 = tpu.memref_slice %arg24[%dma_wait3A_209, %dma_wait3A_210] : memref<10240x128xf32, #tpu.memory_space<vmem_shared>> -> memref<10240x128xf32, #tpu.memory_space<vmem_shared>>
              tpu.wait_indirect_dma semaphore(%arg29 : memref<!tpu.dma_semaphore, #tpu.memory_space<semaphore_mem>>) src(%arg20 : memref<80x128xf32, #tpu.memory_space<vmem>>) dst(%dma_wait3A_211 : memref<10240x128xf32, #tpu.memory_space<vmem_shared>>)
            } else {
            }
            %add3A_183 = arith.constant 1 : i32
            %add3A_184 = arith.addi %add3A_128, %add3A_183 : i32
            %mul3A_185 = arith.constant 80 : i32
            %mul3A_186 = arith.muli %add3A_184, %mul3A_185 : i32
            %add3A_187 = arith.addi %mul3A_38, %mul3A_186 : i32
            %dma_wait3A_188 = tpu.memref_slice %arg3[%add3A_187] : memref<320000xi32, #tpu.memory_space<hbm>> -> memref<80xi32, #tpu.memory_space<hbm>>
            %dma_wait3A_189 = tpu.memref_slice %arg3[%add3A_187] : memref<320000xi32, #tpu.memory_space<hbm>> -> memref<80xi32, #tpu.memory_space<hbm>>
            tpu.wait_dma2 semaphore(%arg25 : memref<!tpu.dma_semaphore, #tpu.memory_space<semaphore_mem>>) src(%dma_wait3A_189 : memref<80xi32, #tpu.memory_space<hbm>>) dst(%arg14 : memref<80xi32, #tpu.memory_space<vmem>>)
            %add3A_190 = arith.constant 1 : i32
            %add3A_191 = arith.addi %add3A_128, %add3A_190 : i32
            %mul3A_192 = arith.constant 80 : i32
            %mul3A_193 = arith.muli %add3A_191, %mul3A_192 : i32
            %add3A_194 = arith.addi %mul3A_38, %mul3A_193 : i32
            %dma_wait3A_195 = tpu.memref_slice %arg4[%add3A_194] : memref<320000xi32, #tpu.memory_space<hbm>> -> memref<80xi32, #tpu.memory_space<hbm>>
            %dma_wait3A_196 = tpu.memref_slice %arg4[%add3A_194] : memref<320000xi32, #tpu.memory_space<hbm>> -> memref<80xi32, #tpu.memory_space<hbm>>
            tpu.wait_dma2 semaphore(%arg25 : memref<!tpu.dma_semaphore, #tpu.memory_space<semaphore_mem>>) src(%dma_wait3A_196 : memref<80xi32, #tpu.memory_space<hbm>>) dst(%arg16 : memref<80xi32, #tpu.memory_space<vmem>>)
            %dma_start3A_197 = arith.constant 0 : i32
            %dma_start3A_198 = arith.constant 0 : i32
            %dma_start3A_199 = tpu.memref_slice %arg5[%dma_start3A_197, %dma_start3A_198] : memref<10000x128xf32, #tpu.memory_space<hbm>> -> memref<10000x128xf32, #tpu.memory_space<hbm>>
            tpu.enqueue_indirect_dma source(%dma_start3A_199 : memref<10000x128xf32, #tpu.memory_space<hbm>>) target(%arg20 : memref<80x128xf32, #tpu.memory_space<vmem>>) offsets(%arg14 : memref<80xi32, #tpu.memory_space<vmem>>) semaphore(%arg27 : memref<!tpu.dma_semaphore, #tpu.memory_space<semaphore_mem>>)
            %add3A_200 = arith.constant 1 : i32
            %add3A_201 = arith.addi %add3A_128, %add3A_200 : i32
            %mul3A_202 = arith.constant 80 : i32
            %mul3A_203 = arith.muli %add3A_201, %mul3A_202 : i32
            %add3A_204 = arith.addi %mul3A_38, %mul3A_203 : i32
            %dma_start3A_205 = arith.constant 0 : i32
            %dma_start3A_206 = tpu.memref_slice %arg2[%add3A_204, %dma_start3A_205] : memref<320000x128xf32, #tpu.memory_space<hbm>> -> memref<80x128xf32, #tpu.memory_space<hbm>>
            %dma_start3A_207 = arith.constant 0 : i32
            %dma_start3A_208 = tpu.memref_slice %arg2[%add3A_204, %dma_start3A_207] : memref<320000x128xf32, #tpu.memory_space<hbm>> -> memref<80x128xf32, #tpu.memory_space<hbm>>
            tpu.enqueue_dma source(%dma_start3A_208 : memref<80x128xf32, #tpu.memory_space<hbm>>) target(%arg22 : memref<80x128xf32, #tpu.memory_space<vmem>>) target_semaphore(%arg27 : memref<!tpu.dma_semaphore, #tpu.memory_space<semaphore_mem>>)
          } else {
          }
          %parallel_loop3A_146 = arith.constant 0 : i32
          %parallel_loop3A_147 = arith.constant 80 : i32
          %parallel_loop3A_148 = arith.constant 1 : i32
          scf.for %parallel_loop3A_179 = %parallel_loop3A_146 to %parallel_loop3A_147 step %parallel_loop3A_148  : i32 {
            %parallel_loop3A_180 = arith.index_cast %parallel_loop3A_179 : i32 to index
            %parallel_loop3A_181 = arith.constant 0 : index
            %parallel_loop3A_182 = tpu.vector_load %arg21[%parallel_loop3A_180, %parallel_loop3A_181] {strides = array<i32>} : memref<80x128xf32, #tpu.memory_space<vmem>>, vector<16xf32>,
            %parallel_loop3A_183 = arith.index_cast %parallel_loop3A_179 : i32 to index
            %parallel_loop3A_184 = arith.constant 0 : index
            %parallel_loop3A_185 = tpu.vector_load %arg23[%parallel_loop3A_183, %parallel_loop3A_184] {strides = array<i32>} : memref<80x128xf32, #tpu.memory_space<vmem>>, vector<16xf32>,
            %parallel_loop3A_186 = arith.mulf %parallel_loop3A_182, %parallel_loop3A_185 : vector<16xf32>
            %parallel_loop3A_187 = arith.index_cast %parallel_loop3A_179 : i32 to index
            %parallel_loop3A_188 = arith.constant 0 : index
            %parallel_loop3A_189 = tpu.vector_load %arg21[%parallel_loop3A_187, %parallel_loop3A_188] {strides = array<i32>} : memref<80x128xf32, #tpu.memory_space<vmem>>, vector<16xf32>,
            tpu.vector_store %arg21[%parallel_loop3A_187, %parallel_loop3A_188], %parallel_loop3A_186 {strides = array<i32>} : memref<80x128xf32, #tpu.memory_space<vmem>>, vector<16xf32>,
            %parallel_loop3A_190 = arith.index_cast %parallel_loop3A_179 : i32 to index
            %parallel_loop3A_191 = arith.constant 16 : index
            %parallel_loop3A_192 = tpu.vector_load %arg21[%parallel_loop3A_190, %parallel_loop3A_191] {strides = array<i32>} : memref<80x128xf32, #tpu.memory_space<vmem>>, vector<16xf32>,
            %parallel_loop3A_193 = arith.index_cast %parallel_loop3A_179 : i32 to index
            %parallel_loop3A_194 = arith.constant 16 : index
            %parallel_loop3A_195 = tpu.vector_load %arg23[%parallel_loop3A_193, %parallel_loop3A_194] {strides = array<i32>} : memref<80x128xf32, #tpu.memory_space<vmem>>, vector<16xf32>,
            %parallel_loop3A_196 = arith.mulf %parallel_loop3A_192, %parallel_loop3A_195 : vector<16xf32>
            %parallel_loop3A_197 = arith.index_cast %parallel_loop3A_179 : i32 to index
            %parallel_loop3A_198 = arith.constant 16 : index
            %parallel_loop3A_199 = tpu.vector_load %arg21[%parallel_loop3A_197, %parallel_loop3A_198] {strides = array<i32>} : memref<80x128xf32, #tpu.memory_space<vmem>>, vector<16xf32>,
            tpu.vector_store %arg21[%parallel_loop3A_197, %parallel_loop3A_198], %parallel_loop3A_196 {strides = array<i32>} : memref<80x128xf32, #tpu.memory_space<vmem>>, vector<16xf32>,
            %parallel_loop3A_200 = arith.index_cast %parallel_loop3A_179 : i32 to index
            %parallel_loop3A_201 = arith.constant 32 : index
            %parallel_loop3A_202 = tpu.vector_load %arg21[%parallel_loop3A_200, %parallel_loop3A_201] {strides = array<i32>} : memref<80x128xf32, #tpu.memory_space<vmem>>, vector<16xf32>,
            %parallel_loop3A_203 = arith.index_cast %parallel_loop3A_179 : i32 to index
            %parallel_loop3A_204 = arith.constant 32 : index
            %parallel_loop3A_205 = tpu.vector_load %arg23[%parallel_loop3A_203, %parallel_loop3A_204] {strides = array<i32>} : memref<80x128xf32, #tpu.memory_space<vmem>>, vector<16xf32>,
            %parallel_loop3A_206 = arith.mulf %parallel_loop3A_202, %parallel_loop3A_205 : vector<16xf32>
            %parallel_loop3A_207 = arith.index_cast %parallel_loop3A_179 : i32 to index
            %parallel_loop3A_208 = arith.constant 32 : index
            %parallel_loop3A_209 = tpu.vector_load %arg21[%parallel_loop3A_207, %parallel_loop3A_208] {strides = array<i32>} : memref<80x128xf32, #tpu.memory_space<vmem>>, vector<16xf32>,
            tpu.vector_store %arg21[%parallel_loop3A_207, %parallel_loop3A_208], %parallel_loop3A_206 {strides = array<i32>} : memref<80x128xf32, #tpu.memory_space<vmem>>, vector<16xf32>,
            %parallel_loop3A_210 = arith.index_cast %parallel_loop3A_179 : i32 to index
            %parallel_loop3A_211 = arith.constant 48 : index
            %parallel_loop3A_212 = tpu.vector_load %arg21[%parallel_loop3A_210, %parallel_loop3A_211] {strides = array<i32>} : memref<80x128xf32, #tpu.memory_space<vmem>>, vector<16xf32>,
            %parallel_loop3A_213 = arith.index_cast %parallel_loop3A_179 : i32 to index
            %parallel_loop3A_214 = arith.constant 48 : index
            %parallel_loop3A_215 = tpu.vector_load %arg23[%parallel_loop3A_213, %parallel_loop3A_214] {strides = array<i32>} : memref<80x128xf32, #tpu.memory_space<vmem>>, vector<16xf32>,
            %parallel_loop3A_216 = arith.mulf %parallel_loop3A_212, %parallel_loop3A_215 : vector<16xf32>
            %parallel_loop3A_217 = arith.index_cast %parallel_loop3A_179 : i32 to index
            %parallel_loop3A_218 = arith.constant 48 : index
            %parallel_loop3A_219 = tpu.vector_load %arg21[%parallel_loop3A_217, %parallel_loop3A_218] {strides = array<i32>} : memref<80x128xf32, #tpu.memory_space<vmem>>, vector<16xf32>,
            tpu.vector_store %arg21[%parallel_loop3A_217, %parallel_loop3A_218], %parallel_loop3A_216 {strides = array<i32>} : memref<80x128xf32, #tpu.memory_space<vmem>>, vector<16xf32>,
            %parallel_loop3A_220 = arith.index_cast %parallel_loop3A_179 : i32 to index
            %parallel_loop3A_221 = arith.constant 64 : index
            %parallel_loop3A_222 = tpu.vector_load %arg21[%parallel_loop3A_220, %parallel_loop3A_221] {strides = array<i32>} : memref<80x128xf32, #tpu.memory_space<vmem>>, vector<16xf32>,
            %parallel_loop3A_223 = arith.index_cast %parallel_loop3A_179 : i32 to index
            %parallel_loop3A_224 = arith.constant 64 : index
            %parallel_loop3A_225 = tpu.vector_load %arg23[%parallel_loop3A_223, %parallel_loop3A_224] {strides = array<i32>} : memref<80x128xf32, #tpu.memory_space<vmem>>, vector<16xf32>,
            %parallel_loop3A_226 = arith.mulf %parallel_loop3A_222, %parallel_loop3A_225 : vector<16xf32>
            %parallel_loop3A_227 = arith.index_cast %parallel_loop3A_179 : i32 to index
            %parallel_loop3A_228 = arith.constant 64 : index
            %parallel_loop3A_229 = tpu.vector_load %arg21[%parallel_loop3A_227, %parallel_loop3A_228] {strides = array<i32>} : memref<80x128xf32, #tpu.memory_space<vmem>>, vector<16xf32>,
            tpu.vector_store %arg21[%parallel_loop3A_227, %parallel_loop3A_228], %parallel_loop3A_226 {strides = array<i32>} : memref<80x128xf32, #tpu.memory_space<vmem>>, vector<16xf32>,
            %parallel_loop3A_230 = arith.index_cast %parallel_loop3A_179 : i32 to index
            %parallel_loop3A_231 = arith.constant 80 : index
            %parallel_loop3A_232 = tpu.vector_load %arg21[%parallel_loop3A_230, %parallel_loop3A_231] {strides = array<i32>} : memref<80x128xf32, #tpu.memory_space<vmem>>, vector<16xf32>,
            %parallel_loop3A_233 = arith.index_cast %parallel_loop3A_179 : i32 to index
            %parallel_loop3A_234 = arith.constant 80 : index
            %parallel_loop3A_235 = tpu.vector_load %arg23[%parallel_loop3A_233, %parallel_loop3A_234] {strides = array<i32>} : memref<80x128xf32, #tpu.memory_space<vmem>>, vector<16xf32>,
            %parallel_loop3A_236 = arith.mulf %parallel_loop3A_232, %parallel_loop3A_235 : vector<16xf32>
            %parallel_loop3A_237 = arith.index_cast %parallel_loop3A_179 : i32 to index
            %parallel_loop3A_238 = arith.constant 80 : index
            %parallel_loop3A_239 = tpu.vector_load %arg21[%parallel_loop3A_237, %parallel_loop3A_238] {strides = array<i32>} : memref<80x128xf32, #tpu.memory_space<vmem>>, vector<16xf32>,
            tpu.vector_store %arg21[%parallel_loop3A_237, %parallel_loop3A_238], %parallel_loop3A_236 {strides = array<i32>} : memref<80x128xf32, #tpu.memory_space<vmem>>, vector<16xf32>,
            %parallel_loop3A_240 = arith.index_cast %parallel_loop3A_179 : i32 to index
            %parallel_loop3A_241 = arith.constant 96 : index
            %parallel_loop3A_242 = tpu.vector_load %arg21[%parallel_loop3A_240, %parallel_loop3A_241] {strides = array<i32>} : memref<80x128xf32, #tpu.memory_space<vmem>>, vector<16xf32>,
            %parallel_loop3A_243 = arith.index_cast %parallel_loop3A_179 : i32 to index
            %parallel_loop3A_244 = arith.constant 96 : index
            %parallel_loop3A_245 = tpu.vector_load %arg23[%parallel_loop3A_243, %parallel_loop3A_244] {strides = array<i32>} : memref<80x128xf32, #tpu.memory_space<vmem>>, vector<16xf32>,
            %parallel_loop3A_246 = arith.mulf %parallel_loop3A_242, %parallel_loop3A_245 : vector<16xf32>
            %parallel_loop3A_247 = arith.index_cast %parallel_loop3A_179 : i32 to index
            %parallel_loop3A_248 = arith.constant 96 : index
            %parallel_loop3A_249 = tpu.vector_load %arg21[%parallel_loop3A_247, %parallel_loop3A_248] {strides = array<i32>} : memref<80x128xf32, #tpu.memory_space<vmem>>, vector<16xf32>,
            tpu.vector_store %arg21[%parallel_loop3A_247, %parallel_loop3A_248], %parallel_loop3A_246 {strides = array<i32>} : memref<80x128xf32, #tpu.memory_space<vmem>>, vector<16xf32>,
            %parallel_loop3A_250 = arith.index_cast %parallel_loop3A_179 : i32 to index
            %parallel_loop3A_251 = arith.constant 112 : index
            %parallel_loop3A_252 = tpu.vector_load %arg21[%parallel_loop3A_250, %parallel_loop3A_251] {strides = array<i32>} : memref<80x128xf32, #tpu.memory_space<vmem>>, vector<16xf32>,
            %parallel_loop3A_253 = arith.index_cast %parallel_loop3A_179 : i32 to index
            %parallel_loop3A_254 = arith.constant 112 : index
            %parallel_loop3A_255 = tpu.vector_load %arg23[%parallel_loop3A_253, %parallel_loop3A_254] {strides = array<i32>} : memref<80x128xf32, #tpu.memory_space<vmem>>, vector<16xf32>,
            %parallel_loop3A_256 = arith.mulf %parallel_loop3A_252, %parallel_loop3A_255 : vector<16xf32>
            %parallel_loop3A_257 = arith.index_cast %parallel_loop3A_179 : i32 to index
            %parallel_loop3A_258 = arith.constant 112 : index
            %parallel_loop3A_259 = tpu.vector_load %arg21[%parallel_loop3A_257, %parallel_loop3A_258] {strides = array<i32>} : memref<80x128xf32, #tpu.memory_space<vmem>>, vector<16xf32>,
            tpu.vector_store %arg21[%parallel_loop3A_257, %parallel_loop3A_258], %parallel_loop3A_256 {strides = array<i32>} : memref<80x128xf32, #tpu.memory_space<vmem>>, vector<16xf32>,
          } {sc.loop_unroll_factor = 4 : i64, sc.parallel_access}
          %get3A_149 = arith.constant 0 : index
          %get3A_150 = tpu.vector_load %arg17[%get3A_149] {strides = array<i32>} : memref<80xi32, #tpu.memory_space<vmem>>, vector<16xi32>,
          %swap3A_151 = arith.constant 0 : index
          %swap3A_152 = tpu.vector_load %arg19[%swap3A_151] {strides = array<i32>} : memref<80xi32, #tpu.memory_space<vmem>>, vector<16xi32>,
          tpu.vector_store %arg19[%swap3A_151], %get3A_150 {strides = array<i32>} : memref<80xi32, #tpu.memory_space<vmem>>, vector<16xi32>,
          %get3A_153 = arith.constant 16 : index
          %get3A_154 = tpu.vector_load %arg17[%get3A_153] {strides = array<i32>} : memref<80xi32, #tpu.memory_space<vmem>>, vector<16xi32>,
          %swap3A_155 = arith.constant 16 : index
          %swap3A_156 = tpu.vector_load %arg19[%swap3A_155] {strides = array<i32>} : memref<80xi32, #tpu.memory_space<vmem>>, vector<16xi32>,
          tpu.vector_store %arg19[%swap3A_155], %get3A_154 {strides = array<i32>} : memref<80xi32, #tpu.memory_space<vmem>>, vector<16xi32>,
          %get3A_157 = arith.constant 32 : index
          %get3A_158 = tpu.vector_load %arg17[%get3A_157] {strides = array<i32>} : memref<80xi32, #tpu.memory_space<vmem>>, vector<16xi32>,
          %swap3A_159 = arith.constant 32 : index
          %swap3A_160 = tpu.vector_load %arg19[%swap3A_159] {strides = array<i32>} : memref<80xi32, #tpu.memory_space<vmem>>, vector<16xi32>,
          tpu.vector_store %arg19[%swap3A_159], %get3A_158 {strides = array<i32>} : memref<80xi32, #tpu.memory_space<vmem>>, vector<16xi32>,
          %get3A_161 = arith.constant 48 : index
          %get3A_162 = tpu.vector_load %arg17[%get3A_161] {strides = array<i32>} : memref<80xi32, #tpu.memory_space<vmem>>, vector<16xi32>,
          %swap3A_163 = arith.constant 48 : index
          %swap3A_164 = tpu.vector_load %arg19[%swap3A_163] {strides = array<i32>} : memref<80xi32, #tpu.memory_space<vmem>>, vector<16xi32>,
          tpu.vector_store %arg19[%swap3A_163], %get3A_162 {strides = array<i32>} : memref<80xi32, #tpu.memory_space<vmem>>, vector<16xi32>,
          %get3A_165 = arith.constant 64 : index
          %get3A_166 = tpu.vector_load %arg17[%get3A_165] {strides = array<i32>} : memref<80xi32, #tpu.memory_space<vmem>>, vector<16xi32>,
          %swap3A_167 = arith.constant 64 : index
          %swap3A_168 = tpu.vector_load %arg19[%swap3A_167] {strides = array<i32>} : memref<80xi32, #tpu.memory_space<vmem>>, vector<16xi32>,
          tpu.vector_store %arg19[%swap3A_167], %get3A_166 {strides = array<i32>} : memref<80xi32, #tpu.memory_space<vmem>>, vector<16xi32>,
          %dma_start3A_169 = arith.constant 0 : i32
          %dma_start3A_170 = arith.constant 0 : i32
          %dma_start3A_171 = tpu.memref_slice %arg24[%dma_start3A_169, %dma_start3A_170] : memref<10240x128xf32, #tpu.memory_space<vmem_shared>> -> memref<10240x128xf32, #tpu.memory_space<vmem_shared>>
          tpu.enqueue_indirect_dma source(%arg21 : memref<80x128xf32, #tpu.memory_space<vmem>>) target(%dma_start3A_171 : memref<10240x128xf32, #tpu.memory_space<vmem_shared>>) offsets(%arg19 : memref<80xi32, #tpu.memory_space<vmem>>) semaphore(%arg30 : memref<!tpu.dma_semaphore, #tpu.memory_space<semaphore_mem>>) {add = true}
          %add3A_172 = arith.constant 2 : i32
          %add3A_173 = arith.addi %add3A_128, %add3A_172 : i32
          %lt3A_174 = arith.constant 51 : i32
          %lt3A_175 = arith.cmpi slt, %add3A_173, %lt3A_174 : i32
          %convert_element_type3A_176 = arith.extui %lt3A_175 : i1 to i32
          %cond3A_177 = arith.constant 0 : i32
          %cond3A_178 = arith.cmpi ne, %convert_element_type3A_176, %cond3A_177 : i32
          scf.if %cond3A_178 {
            %add3A_179 = arith.constant 2 : i32
            %add3A_180 = arith.addi %add3A_128, %add3A_179 : i32
            %mul3A_181 = arith.constant 80 : i32
            %mul3A_182 = arith.muli %add3A_180, %mul3A_181 : i32
            %add3A_183 = arith.addi %mul3A_38, %mul3A_182 : i32
            %dma_start3A_184 = tpu.memref_slice %arg3[%add3A_183] : memref<320000xi32, #tpu.memory_space<hbm>> -> memref<80xi32, #tpu.memory_space<hbm>>
            %dma_start3A_185 = tpu.memref_slice %arg3[%add3A_183] : memref<320000xi32, #tpu.memory_space<hbm>> -> memref<80xi32, #tpu.memory_space<hbm>>
            tpu.enqueue_dma source(%dma_start3A_185 : memref<80xi32, #tpu.memory_space<hbm>>) target(%arg15 : memref<80xi32, #tpu.memory_space<vmem>>) target_semaphore(%arg26 : memref<!tpu.dma_semaphore, #tpu.memory_space<semaphore_mem>>)
            %add3A_186 = arith.constant 2 : i32
            %add3A_187 = arith.addi %add3A_128, %add3A_186 : i32
            %mul3A_188 = arith.constant 80 : i32
            %mul3A_189 = arith.muli %add3A_187, %mul3A_188 : i32
            %add3A_190 = arith.addi %mul3A_38, %mul3A_189 : i32
            %dma_start3A_191 = tpu.memref_slice %arg4[%add3A_190] : memref<320000xi32, #tpu.memory_space<hbm>> -> memref<80xi32, #tpu.memory_space<hbm>>
            %dma_start3A_192 = tpu.memref_slice %arg4[%add3A_190] : memref<320000xi32, #tpu.memory_space<hbm>> -> memref<80xi32, #tpu.memory_space<hbm>>
            tpu.enqueue_dma source(%dma_start3A_192 : memref<80xi32, #tpu.memory_space<hbm>>) target(%arg17 : memref<80xi32, #tpu.memory_space<vmem>>) target_semaphore(%arg26 : memref<!tpu.dma_semaphore, #tpu.memory_space<semaphore_mem>>)
          } else {
          }
        } else {
        }
        %scan3A_126 = arith.constant 0 : i32
        scf.yield %scan3A_126 : i32
      }
      %scan3A_63 = arith.constant 26 : i32
      %dma_wait3A = arith.constant 0 : i32
      %dma_wait3A_64 = arith.constant 0 : i32
      %dma_wait3A_65 = tpu.memref_slice %arg24[%dma_wait3A, %dma_wait3A_64] : memref<10240x128xf32, #tpu.memory_space<vmem_shared>> -> memref<10240x128xf32, #tpu.memory_space<vmem_shared>>
      tpu.wait_indirect_dma semaphore(%arg29 : memref<!tpu.dma_semaphore, #tpu.memory_space<semaphore_mem>>) src(%arg20 : memref<80x128xf32, #tpu.memory_space<vmem>>) dst(%dma_wait3A_65 : memref<10240x128xf32, #tpu.memory_space<vmem_shared>>)
      %dma_wait3A_66 = arith.constant 0 : i32
      %dma_wait3A_67 = arith.constant 0 : i32
      %dma_wait3A_68 = tpu.memref_slice %arg24[%dma_wait3A_66, %dma_wait3A_67] : memref<10240x128xf32, #tpu.memory_space<vmem_shared>> -> memref<10240x128xf32, #tpu.memory_space<vmem_shared>>
      tpu.wait_indirect_dma semaphore(%arg30 : memref<!tpu.dma_semaphore, #tpu.memory_space<semaphore_mem>>) src(%arg21 : memref<80x128xf32, #tpu.memory_space<vmem>>) dst(%dma_wait3A_68 : memref<10240x128xf32, #tpu.memory_space<vmem_shared>>)
    } else {
    }
    %eq3A_3 = arith.constant 1 : i32
    %eq3A_4 = arith.cmpi eq, %arg0, %eq3A_3 : i32
    %convert_element_type3A_5 = arith.extui %eq3A_4 : i1 to i32
    %cond3A_6 = arith.constant 0 : i32
    %cond3A_7 = arith.cmpi ne, %convert_element_type3A_5, %cond3A_6 : i32
    scf.if %cond3A_7 {
      %mul3A_37 = arith.constant 15920 : i32
      %mul3A_38 = arith.muli %arg1, %mul3A_37 : i32
      %add3A = arith.constant 65280 : i32
      %add3A_39 = arith.addi %add3A, %mul3A_38 : i32
      %add3A_40 = arith.constant 0 : i32
      %add3A_41 = arith.addi %add3A_39, %add3A_40 : i32
      "tpu.region"() ({
        %run_scoped3A = tpu.sem_alloc : memref<!tpu.dma_semaphore, #tpu.memory_space<semaphore_mem>>
        %dma_start3A_71 = tpu.memref_slice %arg3[%add3A_41] : memref<320000xi32, #tpu.memory_space<hbm>> -> memref<80xi32, #tpu.memory_space<hbm>>
        %dma_start3A_72 = tpu.memref_slice %arg3[%add3A_41] : memref<320000xi32, #tpu.memory_space<hbm>> -> memref<80xi32, #tpu.memory_space<hbm>>
        tpu.enqueue_dma source(%dma_start3A_72 : memref<80xi32, #tpu.memory_space<hbm>>) target(%arg14 : memref<80xi32, #tpu.memory_space<vmem>>) target_semaphore(%run_scoped3A : memref<!tpu.dma_semaphore, #tpu.memory_space<semaphore_mem>>)
        %dma_wait3A_73 = tpu.memref_slice %arg3[%add3A_41] : memref<320000xi32, #tpu.memory_space<hbm>> -> memref<80xi32, #tpu.memory_space<hbm>>
        %dma_wait3A_74 = tpu.memref_slice %arg3[%add3A_41] : memref<320000xi32, #tpu.memory_space<hbm>> -> memref<80xi32, #tpu.memory_space<hbm>>
        tpu.wait_dma2 semaphore(%run_scoped3A : memref<!tpu.dma_semaphore, #tpu.memory_space<semaphore_mem>>) src(%dma_wait3A_74 : memref<80xi32, #tpu.memory_space<hbm>>) dst(%arg14 : memref<80xi32, #tpu.memory_space<vmem>>)
        tpu.yield
      }) : () -> ()
      %add3A_42 = arith.constant 0 : i32
      %add3A_43 = arith.addi %add3A_39, %add3A_42 : i32
      "tpu.region"() ({
        %run_scoped3A = tpu.sem_alloc : memref<!tpu.dma_semaphore, #tpu.memory_space<semaphore_mem>>
        %dma_start3A_71 = tpu.memref_slice %arg4[%add3A_43] : memref<320000xi32, #tpu.memory_space<hbm>> -> memref<80xi32, #tpu.memory_space<hbm>>
        %dma_start3A_72 = tpu.memref_slice %arg4[%add3A_43] : memref<320000xi32, #tpu.memory_space<hbm>> -> memref<80xi32, #tpu.memory_space<hbm>>
        tpu.enqueue_dma source(%dma_start3A_72 : memref<80xi32, #tpu.memory_space<hbm>>) target(%arg16 : memref<80xi32, #tpu.memory_space<vmem>>) target_semaphore(%run_scoped3A : memref<!tpu.dma_semaphore, #tpu.memory_space<semaphore_mem>>)
        %dma_wait3A_73 = tpu.memref_slice %arg4[%add3A_43] : memref<320000xi32, #tpu.memory_space<hbm>> -> memref<80xi32, #tpu.memory_space<hbm>>
        %dma_wait3A_74 = tpu.memref_slice %arg4[%add3A_43] : memref<320000xi32, #tpu.memory_space<hbm>> -> memref<80xi32, #tpu.memory_space<hbm>>
        tpu.wait_dma2 semaphore(%run_scoped3A : memref<!tpu.dma_semaphore, #tpu.memory_space<semaphore_mem>>) src(%dma_wait3A_74 : memref<80xi32, #tpu.memory_space<hbm>>) dst(%arg16 : memref<80xi32, #tpu.memory_space<vmem>>)
        tpu.yield
      }) : () -> ()
      %dma_start3A = arith.constant 0 : i32
      %dma_start3A_44 = arith.constant 0 : i32
      %dma_start3A_45 = tpu.memref_slice %arg5[%dma_start3A, %dma_start3A_44] : memref<10000x128xf32, #tpu.memory_space<hbm>> -> memref<10000x128xf32, #tpu.memory_space<hbm>>
      tpu.enqueue_indirect_dma source(%dma_start3A_45 : memref<10000x128xf32, #tpu.memory_space<hbm>>) target(%arg20 : memref<80x128xf32, #tpu.memory_space<vmem>>) offsets(%arg14 : memref<80xi32, #tpu.memory_space<vmem>>) semaphore(%arg27 : memref<!tpu.dma_semaphore, #tpu.memory_space<semaphore_mem>>)
      %add3A_46 = arith.constant 0 : i32
      %add3A_47 = arith.addi %add3A_39, %add3A_46 : i32
      %dma_start3A_48 = arith.constant 0 : i32
      %dma_start3A_49 = tpu.memref_slice %arg2[%add3A_47, %dma_start3A_48] : memref<320000x128xf32, #tpu.memory_space<hbm>> -> memref<80x128xf32, #tpu.memory_space<hbm>>
      %dma_start3A_50 = arith.constant 0 : i32
      %dma_start3A_51 = tpu.memref_slice %arg2[%add3A_47, %dma_start3A_50] : memref<320000x128xf32, #tpu.memory_space<hbm>> -> memref<80x128xf32, #tpu.memory_space<hbm>>
      tpu.enqueue_dma source(%dma_start3A_51 : memref<80x128xf32, #tpu.memory_space<hbm>>) target(%arg22 : memref<80x128xf32, #tpu.memory_space<vmem>>) target_semaphore(%arg27 : memref<!tpu.dma_semaphore, #tpu.memory_space<semaphore_mem>>)
      %add3A_52 = arith.constant 80 : i32
      %add3A_53 = arith.addi %add3A_39, %add3A_52 : i32
      %dma_start3A_54 = tpu.memref_slice %arg3[%add3A_53] : memref<320000xi32, #tpu.memory_space<hbm>> -> memref<80xi32, #tpu.memory_space<hbm>>
      %dma_start3A_55 = tpu.memref_slice %arg3[%add3A_53] : memref<320000xi32, #tpu.memory_space<hbm>> -> memref<80xi32, #tpu.memory_space<hbm>>
      tpu.enqueue_dma source(%dma_start3A_55 : memref<80xi32, #tpu.memory_space<hbm>>) target(%arg15 : memref<80xi32, #tpu.memory_space<vmem>>) target_semaphore(%arg26 : memref<!tpu.dma_semaphore, #tpu.memory_space<semaphore_mem>>)
      %add3A_56 = arith.constant 80 : i32
      %add3A_57 = arith.addi %add3A_39, %add3A_56 : i32
      %dma_start3A_58 = tpu.memref_slice %arg4[%add3A_57] : memref<320000xi32, #tpu.memory_space<hbm>> -> memref<80xi32, #tpu.memory_space<hbm>>
      %dma_start3A_59 = tpu.memref_slice %arg4[%add3A_57] : memref<320000xi32, #tpu.memory_space<hbm>> -> memref<80xi32, #tpu.memory_space<hbm>>
      tpu.enqueue_dma source(%dma_start3A_59 : memref<80xi32, #tpu.memory_space<hbm>>) target(%arg17 : memref<80xi32, #tpu.memory_space<vmem>>) target_semaphore(%arg26 : memref<!tpu.dma_semaphore, #tpu.memory_space<semaphore_mem>>)
      %scan3A = arith.constant 0 : i32
      %scan3A_60 = arith.constant 0 : i32
      %scan3A_61 = arith.constant 100 : i32
      %scan3A_62 = arith.addi %scan3A_60, %scan3A_61 : i32
      %scan3A_63 = arith.constant 1 : i32
      %scan3A_64 = scf.for %scan3A_71 = %scan3A_60 to %scan3A_62 step %scan3A_63 iter_args(%scan3A_72 = %scan3A) -> (i32)  : i32 {
        %mul3A_73 = arith.constant 2 : i32
        %mul3A_74 = arith.muli %mul3A_73, %scan3A_71 : i32
        %mul3A_75 = arith.constant 80 : i32
        %mul3A_76 = arith.muli %mul3A_74, %mul3A_75 : i32
        %add3A_77 = arith.addi %add3A_39, %mul3A_76 : i32
        %dma_wait3A_78 = arith.constant 0 : i32
        %dma_wait3A_79 = arith.constant 0 : i32
        %dma_wait3A_80 = tpu.memref_slice %arg5[%dma_wait3A_78, %dma_wait3A_79] : memref<10000x128xf32, #tpu.memory_space<hbm>> -> memref<10000x128xf32, #tpu.memory_space<hbm>>
        tpu.wait_indirect_dma semaphore(%arg27 : memref<!tpu.dma_semaphore, #tpu.memory_space<semaphore_mem>>) src(%dma_wait3A_80 : memref<10000x128xf32, #tpu.memory_space<hbm>>) dst(%arg20 : memref<80x128xf32, #tpu.memory_space<vmem>>)
        %dma_wait3A_81 = arith.constant 0 : i32
        %dma_wait3A_82 = tpu.memref_slice %arg2[%add3A_77, %dma_wait3A_81] : memref<320000x128xf32, #tpu.memory_space<hbm>> -> memref<80x128xf32, #tpu.memory_space<hbm>>
        %dma_wait3A_83 = arith.constant 0 : i32
        %dma_wait3A_84 = tpu.memref_slice %arg2[%add3A_77, %dma_wait3A_83] : memref<320000x128xf32, #tpu.memory_space<hbm>> -> memref<80x128xf32, #tpu.memory_space<hbm>>
        tpu.wait_dma2 semaphore(%arg27 : memref<!tpu.dma_semaphore, #tpu.memory_space<semaphore_mem>>) src(%dma_wait3A_84 : memref<80x128xf32, #tpu.memory_space<hbm>>) dst(%arg22 : memref<80x128xf32, #tpu.memory_space<vmem>>)
        %add3A_85 = arith.constant 1 : i32
        %add3A_86 = arith.addi %mul3A_74, %add3A_85 : i32
        %lt3A = arith.constant 199 : i32
        %lt3A_87 = arith.cmpi slt, %add3A_86, %lt3A : i32
        %convert_element_type3A_88 = arith.extui %lt3A_87 : i1 to i32
        %cond3A_89 = arith.constant 0 : i32
        %cond3A_90 = arith.cmpi ne, %convert_element_type3A_88, %cond3A_89 : i32
        scf.if %cond3A_90 {
          %ge3A = arith.constant 1 : i32
          %ge3A_129 = arith.cmpi sge, %mul3A_74, %ge3A : i32
          %convert_element_type3A_130 = arith.extui %ge3A_129 : i1 to i32
          %cond3A_131 = arith.constant 0 : i32
          %cond3A_132 = arith.cmpi ne, %convert_element_type3A_130, %cond3A_131 : i32
          scf.if %cond3A_132 {
            %dma_wait3A_159 = arith.constant 0 : i32
            %dma_wait3A_160 = arith.constant 0 : i32
            %dma_wait3A_161 = tpu.memref_slice %arg24[%dma_wait3A_159, %dma_wait3A_160] : memref<10240x128xf32, #tpu.memory_space<vmem_shared>> -> memref<10240x128xf32, #tpu.memory_space<vmem_shared>>
            tpu.wait_indirect_dma semaphore(%arg30 : memref<!tpu.dma_semaphore, #tpu.memory_space<semaphore_mem>>) src(%arg21 : memref<80x128xf32, #tpu.memory_space<vmem>>) dst(%dma_wait3A_161 : memref<10240x128xf32, #tpu.memory_space<vmem_shared>>)
          } else {
          }
          %add3A_133 = arith.constant 1 : i32
          %add3A_134 = arith.addi %mul3A_74, %add3A_133 : i32
          %mul3A_135 = arith.constant 80 : i32
          %mul3A_136 = arith.muli %add3A_134, %mul3A_135 : i32
          %add3A_137 = arith.addi %add3A_39, %mul3A_136 : i32
          %dma_wait3A_138 = tpu.memref_slice %arg3[%add3A_137] : memref<320000xi32, #tpu.memory_space<hbm>> -> memref<80xi32, #tpu.memory_space<hbm>>
          %dma_wait3A_139 = tpu.memref_slice %arg3[%add3A_137] : memref<320000xi32, #tpu.memory_space<hbm>> -> memref<80xi32, #tpu.memory_space<hbm>>
          tpu.wait_dma2 semaphore(%arg26 : memref<!tpu.dma_semaphore, #tpu.memory_space<semaphore_mem>>) src(%dma_wait3A_139 : memref<80xi32, #tpu.memory_space<hbm>>) dst(%arg15 : memref<80xi32, #tpu.memory_space<vmem>>)
          %add3A_140 = arith.constant 1 : i32
          %add3A_141 = arith.addi %mul3A_74, %add3A_140 : i32
          %mul3A_142 = arith.constant 80 : i32
          %mul3A_143 = arith.muli %add3A_141, %mul3A_142 : i32
          %add3A_144 = arith.addi %add3A_39, %mul3A_143 : i32
          %dma_wait3A_145 = tpu.memref_slice %arg4[%add3A_144] : memref<320000xi32, #tpu.memory_space<hbm>> -> memref<80xi32, #tpu.memory_space<hbm>>
          %dma_wait3A_146 = tpu.memref_slice %arg4[%add3A_144] : memref<320000xi32, #tpu.memory_space<hbm>> -> memref<80xi32, #tpu.memory_space<hbm>>
          tpu.wait_dma2 semaphore(%arg26 : memref<!tpu.dma_semaphore, #tpu.memory_space<semaphore_mem>>) src(%dma_wait3A_146 : memref<80xi32, #tpu.memory_space<hbm>>) dst(%arg17 : memref<80xi32, #tpu.memory_space<vmem>>)
          %dma_start3A_147 = arith.constant 0 : i32
          %dma_start3A_148 = arith.constant 0 : i32
          %dma_start3A_149 = tpu.memref_slice %arg5[%dma_start3A_147, %dma_start3A_148] : memref<10000x128xf32, #tpu.memory_space<hbm>> -> memref<10000x128xf32, #tpu.memory_space<hbm>>
          tpu.enqueue_indirect_dma source(%dma_start3A_149 : memref<10000x128xf32, #tpu.memory_space<hbm>>) target(%arg21 : memref<80x128xf32, #tpu.memory_space<vmem>>) offsets(%arg15 : memref<80xi32, #tpu.memory_space<vmem>>) semaphore(%arg28 : memref<!tpu.dma_semaphore, #tpu.memory_space<semaphore_mem>>)
          %add3A_150 = arith.constant 1 : i32
          %add3A_151 = arith.addi %mul3A_74, %add3A_150 : i32
          %mul3A_152 = arith.constant 80 : i32
          %mul3A_153 = arith.muli %add3A_151, %mul3A_152 : i32
          %add3A_154 = arith.addi %add3A_39, %mul3A_153 : i32
          %dma_start3A_155 = arith.constant 0 : i32
          %dma_start3A_156 = tpu.memref_slice %arg2[%add3A_154, %dma_start3A_155] : memref<320000x128xf32, #tpu.memory_space<hbm>> -> memref<80x128xf32, #tpu.memory_space<hbm>>
          %dma_start3A_157 = arith.constant 0 : i32
          %dma_start3A_158 = tpu.memref_slice %arg2[%add3A_154, %dma_start3A_157] : memref<320000x128xf32, #tpu.memory_space<hbm>> -> memref<80x128xf32, #tpu.memory_space<hbm>>
          tpu.enqueue_dma source(%dma_start3A_158 : memref<80x128xf32, #tpu.memory_space<hbm>>) target(%arg23 : memref<80x128xf32, #tpu.memory_space<vmem>>) target_semaphore(%arg28 : memref<!tpu.dma_semaphore, #tpu.memory_space<semaphore_mem>>)
        } else {
        }
        %parallel_loop3A = arith.constant 0 : i32
        %parallel_loop3A_91 = arith.constant 80 : i32
        %parallel_loop3A_92 = arith.constant 1 : i32
        scf.for %parallel_loop3A_129 = %parallel_loop3A to %parallel_loop3A_91 step %parallel_loop3A_92  : i32 {
          %parallel_loop3A_130 = arith.index_cast %parallel_loop3A_129 : i32 to index
          %parallel_loop3A_131 = arith.constant 0 : index
          %parallel_loop3A_132 = tpu.vector_load %arg20[%parallel_loop3A_130, %parallel_loop3A_131] {strides = array<i32>} : memref<80x128xf32, #tpu.memory_space<vmem>>, vector<16xf32>,
          %parallel_loop3A_133 = arith.index_cast %parallel_loop3A_129 : i32 to index
          %parallel_loop3A_134 = arith.constant 0 : index
          %parallel_loop3A_135 = tpu.vector_load %arg22[%parallel_loop3A_133, %parallel_loop3A_134] {strides = array<i32>} : memref<80x128xf32, #tpu.memory_space<vmem>>, vector<16xf32>,
          %parallel_loop3A_136 = arith.mulf %parallel_loop3A_132, %parallel_loop3A_135 : vector<16xf32>
          %parallel_loop3A_137 = arith.index_cast %parallel_loop3A_129 : i32 to index
          %parallel_loop3A_138 = arith.constant 0 : index
          %parallel_loop3A_139 = tpu.vector_load %arg20[%parallel_loop3A_137, %parallel_loop3A_138] {strides = array<i32>} : memref<80x128xf32, #tpu.memory_space<vmem>>, vector<16xf32>,
          tpu.vector_store %arg20[%parallel_loop3A_137, %parallel_loop3A_138], %parallel_loop3A_136 {strides = array<i32>} : memref<80x128xf32, #tpu.memory_space<vmem>>, vector<16xf32>,
          %parallel_loop3A_140 = arith.index_cast %parallel_loop3A_129 : i32 to index
          %parallel_loop3A_141 = arith.constant 16 : index
          %parallel_loop3A_142 = tpu.vector_load %arg20[%parallel_loop3A_140, %parallel_loop3A_141] {strides = array<i32>} : memref<80x128xf32, #tpu.memory_space<vmem>>, vector<16xf32>,
          %parallel_loop3A_143 = arith.index_cast %parallel_loop3A_129 : i32 to index
          %parallel_loop3A_144 = arith.constant 16 : index
          %parallel_loop3A_145 = tpu.vector_load %arg22[%parallel_loop3A_143, %parallel_loop3A_144] {strides = array<i32>} : memref<80x128xf32, #tpu.memory_space<vmem>>, vector<16xf32>,
          %parallel_loop3A_146 = arith.mulf %parallel_loop3A_142, %parallel_loop3A_145 : vector<16xf32>
          %parallel_loop3A_147 = arith.index_cast %parallel_loop3A_129 : i32 to index
          %parallel_loop3A_148 = arith.constant 16 : index
          %parallel_loop3A_149 = tpu.vector_load %arg20[%parallel_loop3A_147, %parallel_loop3A_148] {strides = array<i32>} : memref<80x128xf32, #tpu.memory_space<vmem>>, vector<16xf32>,
          tpu.vector_store %arg20[%parallel_loop3A_147, %parallel_loop3A_148], %parallel_loop3A_146 {strides = array<i32>} : memref<80x128xf32, #tpu.memory_space<vmem>>, vector<16xf32>,
          %parallel_loop3A_150 = arith.index_cast %parallel_loop3A_129 : i32 to index
          %parallel_loop3A_151 = arith.constant 32 : index
          %parallel_loop3A_152 = tpu.vector_load %arg20[%parallel_loop3A_150, %parallel_loop3A_151] {strides = array<i32>} : memref<80x128xf32, #tpu.memory_space<vmem>>, vector<16xf32>,
          %parallel_loop3A_153 = arith.index_cast %parallel_loop3A_129 : i32 to index
          %parallel_loop3A_154 = arith.constant 32 : index
          %parallel_loop3A_155 = tpu.vector_load %arg22[%parallel_loop3A_153, %parallel_loop3A_154] {strides = array<i32>} : memref<80x128xf32, #tpu.memory_space<vmem>>, vector<16xf32>,
          %parallel_loop3A_156 = arith.mulf %parallel_loop3A_152, %parallel_loop3A_155 : vector<16xf32>
          %parallel_loop3A_157 = arith.index_cast %parallel_loop3A_129 : i32 to index
          %parallel_loop3A_158 = arith.constant 32 : index
          %parallel_loop3A_159 = tpu.vector_load %arg20[%parallel_loop3A_157, %parallel_loop3A_158] {strides = array<i32>} : memref<80x128xf32, #tpu.memory_space<vmem>>, vector<16xf32>,
          tpu.vector_store %arg20[%parallel_loop3A_157, %parallel_loop3A_158], %parallel_loop3A_156 {strides = array<i32>} : memref<80x128xf32, #tpu.memory_space<vmem>>, vector<16xf32>,
          %parallel_loop3A_160 = arith.index_cast %parallel_loop3A_129 : i32 to index
          %parallel_loop3A_161 = arith.constant 48 : index
          %parallel_loop3A_162 = tpu.vector_load %arg20[%parallel_loop3A_160, %parallel_loop3A_161] {strides = array<i32>} : memref<80x128xf32, #tpu.memory_space<vmem>>, vector<16xf32>,
          %parallel_loop3A_163 = arith.index_cast %parallel_loop3A_129 : i32 to index
          %parallel_loop3A_164 = arith.constant 48 : index
          %parallel_loop3A_165 = tpu.vector_load %arg22[%parallel_loop3A_163, %parallel_loop3A_164] {strides = array<i32>} : memref<80x128xf32, #tpu.memory_space<vmem>>, vector<16xf32>,
          %parallel_loop3A_166 = arith.mulf %parallel_loop3A_162, %parallel_loop3A_165 : vector<16xf32>
          %parallel_loop3A_167 = arith.index_cast %parallel_loop3A_129 : i32 to index
          %parallel_loop3A_168 = arith.constant 48 : index
          %parallel_loop3A_169 = tpu.vector_load %arg20[%parallel_loop3A_167, %parallel_loop3A_168] {strides = array<i32>} : memref<80x128xf32, #tpu.memory_space<vmem>>, vector<16xf32>,
          tpu.vector_store %arg20[%parallel_loop3A_167, %parallel_loop3A_168], %parallel_loop3A_166 {strides = array<i32>} : memref<80x128xf32, #tpu.memory_space<vmem>>, vector<16xf32>,
          %parallel_loop3A_170 = arith.index_cast %parallel_loop3A_129 : i32 to index
          %parallel_loop3A_171 = arith.constant 64 : index
          %parallel_loop3A_172 = tpu.vector_load %arg20[%parallel_loop3A_170, %parallel_loop3A_171] {strides = array<i32>} : memref<80x128xf32, #tpu.memory_space<vmem>>, vector<16xf32>,
          %parallel_loop3A_173 = arith.index_cast %parallel_loop3A_129 : i32 to index
          %parallel_loop3A_174 = arith.constant 64 : index
          %parallel_loop3A_175 = tpu.vector_load %arg22[%parallel_loop3A_173, %parallel_loop3A_174] {strides = array<i32>} : memref<80x128xf32, #tpu.memory_space<vmem>>, vector<16xf32>,
          %parallel_loop3A_176 = arith.mulf %parallel_loop3A_172, %parallel_loop3A_175 : vector<16xf32>
          %parallel_loop3A_177 = arith.index_cast %parallel_loop3A_129 : i32 to index
          %parallel_loop3A_178 = arith.constant 64 : index
          %parallel_loop3A_179 = tpu.vector_load %arg20[%parallel_loop3A_177, %parallel_loop3A_178] {strides = array<i32>} : memref<80x128xf32, #tpu.memory_space<vmem>>, vector<16xf32>,
          tpu.vector_store %arg20[%parallel_loop3A_177, %parallel_loop3A_178], %parallel_loop3A_176 {strides = array<i32>} : memref<80x128xf32, #tpu.memory_space<vmem>>, vector<16xf32>,
          %parallel_loop3A_180 = arith.index_cast %parallel_loop3A_129 : i32 to index
          %parallel_loop3A_181 = arith.constant 80 : index
          %parallel_loop3A_182 = tpu.vector_load %arg20[%parallel_loop3A_180, %parallel_loop3A_181] {strides = array<i32>} : memref<80x128xf32, #tpu.memory_space<vmem>>, vector<16xf32>,
          %parallel_loop3A_183 = arith.index_cast %parallel_loop3A_129 : i32 to index
          %parallel_loop3A_184 = arith.constant 80 : index
          %parallel_loop3A_185 = tpu.vector_load %arg22[%parallel_loop3A_183, %parallel_loop3A_184] {strides = array<i32>} : memref<80x128xf32, #tpu.memory_space<vmem>>, vector<16xf32>,
          %parallel_loop3A_186 = arith.mulf %parallel_loop3A_182, %parallel_loop3A_185 : vector<16xf32>
          %parallel_loop3A_187 = arith.index_cast %parallel_loop3A_129 : i32 to index
          %parallel_loop3A_188 = arith.constant 80 : index
          %parallel_loop3A_189 = tpu.vector_load %arg20[%parallel_loop3A_187, %parallel_loop3A_188] {strides = array<i32>} : memref<80x128xf32, #tpu.memory_space<vmem>>, vector<16xf32>,
          tpu.vector_store %arg20[%parallel_loop3A_187, %parallel_loop3A_188], %parallel_loop3A_186 {strides = array<i32>} : memref<80x128xf32, #tpu.memory_space<vmem>>, vector<16xf32>,
          %parallel_loop3A_190 = arith.index_cast %parallel_loop3A_129 : i32 to index
          %parallel_loop3A_191 = arith.constant 96 : index
          %parallel_loop3A_192 = tpu.vector_load %arg20[%parallel_loop3A_190, %parallel_loop3A_191] {strides = array<i32>} : memref<80x128xf32, #tpu.memory_space<vmem>>, vector<16xf32>,
          %parallel_loop3A_193 = arith.index_cast %parallel_loop3A_129 : i32 to index
          %parallel_loop3A_194 = arith.constant 96 : index
          %parallel_loop3A_195 = tpu.vector_load %arg22[%parallel_loop3A_193, %parallel_loop3A_194] {strides = array<i32>} : memref<80x128xf32, #tpu.memory_space<vmem>>, vector<16xf32>,
          %parallel_loop3A_196 = arith.mulf %parallel_loop3A_192, %parallel_loop3A_195 : vector<16xf32>
          %parallel_loop3A_197 = arith.index_cast %parallel_loop3A_129 : i32 to index
          %parallel_loop3A_198 = arith.constant 96 : index
          %parallel_loop3A_199 = tpu.vector_load %arg20[%parallel_loop3A_197, %parallel_loop3A_198] {strides = array<i32>} : memref<80x128xf32, #tpu.memory_space<vmem>>, vector<16xf32>,
          tpu.vector_store %arg20[%parallel_loop3A_197, %parallel_loop3A_198], %parallel_loop3A_196 {strides = array<i32>} : memref<80x128xf32, #tpu.memory_space<vmem>>, vector<16xf32>,
          %parallel_loop3A_200 = arith.index_cast %parallel_loop3A_129 : i32 to index
          %parallel_loop3A_201 = arith.constant 112 : index
          %parallel_loop3A_202 = tpu.vector_load %arg20[%parallel_loop3A_200, %parallel_loop3A_201] {strides = array<i32>} : memref<80x128xf32, #tpu.memory_space<vmem>>, vector<16xf32>,
          %parallel_loop3A_203 = arith.index_cast %parallel_loop3A_129 : i32 to index
          %parallel_loop3A_204 = arith.constant 112 : index
          %parallel_loop3A_205 = tpu.vector_load %arg22[%parallel_loop3A_203, %parallel_loop3A_204] {strides = array<i32>} : memref<80x128xf32, #tpu.memory_space<vmem>>, vector<16xf32>,
          %parallel_loop3A_206 = arith.mulf %parallel_loop3A_202, %parallel_loop3A_205 : vector<16xf32>
          %parallel_loop3A_207 = arith.index_cast %parallel_loop3A_129 : i32 to index
          %parallel_loop3A_208 = arith.constant 112 : index
          %parallel_loop3A_209 = tpu.vector_load %arg20[%parallel_loop3A_207, %parallel_loop3A_208] {strides = array<i32>} : memref<80x128xf32, #tpu.memory_space<vmem>>, vector<16xf32>,
          tpu.vector_store %arg20[%parallel_loop3A_207, %parallel_loop3A_208], %parallel_loop3A_206 {strides = array<i32>} : memref<80x128xf32, #tpu.memory_space<vmem>>, vector<16xf32>,
        } {sc.loop_unroll_factor = 4 : i64, sc.parallel_access}
        %get3A = arith.constant 0 : index
        %get3A_93 = tpu.vector_load %arg16[%get3A] {strides = array<i32>} : memref<80xi32, #tpu.memory_space<vmem>>, vector<16xi32>,
        %swap3A = arith.constant 0 : index
        %swap3A_94 = tpu.vector_load %arg18[%swap3A] {strides = array<i32>} : memref<80xi32, #tpu.memory_space<vmem>>, vector<16xi32>,
        tpu.vector_store %arg18[%swap3A], %get3A_93 {strides = array<i32>} : memref<80xi32, #tpu.memory_space<vmem>>, vector<16xi32>,
        %get3A_95 = arith.constant 16 : index
        %get3A_96 = tpu.vector_load %arg16[%get3A_95] {strides = array<i32>} : memref<80xi32, #tpu.memory_space<vmem>>, vector<16xi32>,
        %swap3A_97 = arith.constant 16 : index
        %swap3A_98 = tpu.vector_load %arg18[%swap3A_97] {strides = array<i32>} : memref<80xi32, #tpu.memory_space<vmem>>, vector<16xi32>,
        tpu.vector_store %arg18[%swap3A_97], %get3A_96 {strides = array<i32>} : memref<80xi32, #tpu.memory_space<vmem>>, vector<16xi32>,
        %get3A_99 = arith.constant 32 : index
        %get3A_100 = tpu.vector_load %arg16[%get3A_99] {strides = array<i32>} : memref<80xi32, #tpu.memory_space<vmem>>, vector<16xi32>,
        %swap3A_101 = arith.constant 32 : index
        %swap3A_102 = tpu.vector_load %arg18[%swap3A_101] {strides = array<i32>} : memref<80xi32, #tpu.memory_space<vmem>>, vector<16xi32>,
        tpu.vector_store %arg18[%swap3A_101], %get3A_100 {strides = array<i32>} : memref<80xi32, #tpu.memory_space<vmem>>, vector<16xi32>,
        %get3A_103 = arith.constant 48 : index
        %get3A_104 = tpu.vector_load %arg16[%get3A_103] {strides = array<i32>} : memref<80xi32, #tpu.memory_space<vmem>>, vector<16xi32>,
        %swap3A_105 = arith.constant 48 : index
        %swap3A_106 = tpu.vector_load %arg18[%swap3A_105] {strides = array<i32>} : memref<80xi32, #tpu.memory_space<vmem>>, vector<16xi32>,
        tpu.vector_store %arg18[%swap3A_105], %get3A_104 {strides = array<i32>} : memref<80xi32, #tpu.memory_space<vmem>>, vector<16xi32>,
        %get3A_107 = arith.constant 64 : index
        %get3A_108 = tpu.vector_load %arg16[%get3A_107] {strides = array<i32>} : memref<80xi32, #tpu.memory_space<vmem>>, vector<16xi32>,
        %swap3A_109 = arith.constant 64 : index
        %swap3A_110 = tpu.vector_load %arg18[%swap3A_109] {strides = array<i32>} : memref<80xi32, #tpu.memory_space<vmem>>, vector<16xi32>,
        tpu.vector_store %arg18[%swap3A_109], %get3A_108 {strides = array<i32>} : memref<80xi32, #tpu.memory_space<vmem>>, vector<16xi32>,
        %dma_start3A_111 = arith.constant 0 : i32
        %dma_start3A_112 = arith.constant 0 : i32
        %dma_start3A_113 = tpu.memref_slice %arg24[%dma_start3A_111, %dma_start3A_112] : memref<10240x128xf32, #tpu.memory_space<vmem_shared>> -> memref<10240x128xf32, #tpu.memory_space<vmem_shared>>
        tpu.enqueue_indirect_dma source(%arg20 : memref<80x128xf32, #tpu.memory_space<vmem>>) target(%dma_start3A_113 : memref<10240x128xf32, #tpu.memory_space<vmem_shared>>) offsets(%arg18 : memref<80xi32, #tpu.memory_space<vmem>>) semaphore(%arg29 : memref<!tpu.dma_semaphore, #tpu.memory_space<semaphore_mem>>) {add = true}
        %add3A_114 = arith.constant 2 : i32
        %add3A_115 = arith.addi %mul3A_74, %add3A_114 : i32
        %lt3A_116 = arith.constant 199 : i32
        %lt3A_117 = arith.cmpi slt, %add3A_115, %lt3A_116 : i32
        %convert_element_type3A_118 = arith.extui %lt3A_117 : i1 to i32
        %cond3A_119 = arith.constant 0 : i32
        %cond3A_120 = arith.cmpi ne, %convert_element_type3A_118, %cond3A_119 : i32
        scf.if %cond3A_120 {
          %add3A_129 = arith.constant 2 : i32
          %add3A_130 = arith.addi %mul3A_74, %add3A_129 : i32
          %mul3A_131 = arith.constant 80 : i32
          %mul3A_132 = arith.muli %add3A_130, %mul3A_131 : i32
          %add3A_133 = arith.addi %add3A_39, %mul3A_132 : i32
          %dma_start3A_134 = tpu.memref_slice %arg3[%add3A_133] : memref<320000xi32, #tpu.memory_space<hbm>> -> memref<80xi32, #tpu.memory_space<hbm>>
          %dma_start3A_135 = tpu.memref_slice %arg3[%add3A_133] : memref<320000xi32, #tpu.memory_space<hbm>> -> memref<80xi32, #tpu.memory_space<hbm>>
          tpu.enqueue_dma source(%dma_start3A_135 : memref<80xi32, #tpu.memory_space<hbm>>) target(%arg14 : memref<80xi32, #tpu.memory_space<vmem>>) target_semaphore(%arg25 : memref<!tpu.dma_semaphore, #tpu.memory_space<semaphore_mem>>)
          %add3A_136 = arith.constant 2 : i32
          %add3A_137 = arith.addi %mul3A_74, %add3A_136 : i32
          %mul3A_138 = arith.constant 80 : i32
          %mul3A_139 = arith.muli %add3A_137, %mul3A_138 : i32
          %add3A_140 = arith.addi %add3A_39, %mul3A_139 : i32
          %dma_start3A_141 = tpu.memref_slice %arg4[%add3A_140] : memref<320000xi32, #tpu.memory_space<hbm>> -> memref<80xi32, #tpu.memory_space<hbm>>
          %dma_start3A_142 = tpu.memref_slice %arg4[%add3A_140] : memref<320000xi32, #tpu.memory_space<hbm>> -> memref<80xi32, #tpu.memory_space<hbm>>
          tpu.enqueue_dma source(%dma_start3A_142 : memref<80xi32, #tpu.memory_space<hbm>>) target(%arg16 : memref<80xi32, #tpu.memory_space<vmem>>) target_semaphore(%arg25 : memref<!tpu.dma_semaphore, #tpu.memory_space<semaphore_mem>>)
        } else {
        }
        %add3A_121 = arith.constant 1 : i32
        %add3A_122 = arith.addi %mul3A_74, %add3A_121 : i32
        %lt3A_123 = arith.constant 199 : i32
        %lt3A_124 = arith.cmpi slt, %add3A_122, %lt3A_123 : i32
        %convert_element_type3A_125 = arith.extui %lt3A_124 : i1 to i32
        %cond3A_126 = arith.constant 0 : i32
        %cond3A_127 = arith.cmpi ne, %convert_element_type3A_125, %cond3A_126 : i32
        scf.if %cond3A_127 {
          %add3A_129 = arith.constant 1 : i32
          %add3A_130 = arith.addi %mul3A_74, %add3A_129 : i32
          %mul3A_131 = arith.constant 80 : i32
          %mul3A_132 = arith.muli %add3A_130, %mul3A_131 : i32
          %add3A_133 = arith.addi %add3A_39, %mul3A_132 : i32
          %dma_wait3A_134 = arith.constant 0 : i32
          %dma_wait3A_135 = arith.constant 0 : i32
          %dma_wait3A_136 = tpu.memref_slice %arg5[%dma_wait3A_134, %dma_wait3A_135] : memref<10000x128xf32, #tpu.memory_space<hbm>> -> memref<10000x128xf32, #tpu.memory_space<hbm>>
          tpu.wait_indirect_dma semaphore(%arg28 : memref<!tpu.dma_semaphore, #tpu.memory_space<semaphore_mem>>) src(%dma_wait3A_136 : memref<10000x128xf32, #tpu.memory_space<hbm>>) dst(%arg21 : memref<80x128xf32, #tpu.memory_space<vmem>>)
          %dma_wait3A_137 = arith.constant 0 : i32
          %dma_wait3A_138 = tpu.memref_slice %arg2[%add3A_133, %dma_wait3A_137] : memref<320000x128xf32, #tpu.memory_space<hbm>> -> memref<80x128xf32, #tpu.memory_space<hbm>>
          %dma_wait3A_139 = arith.constant 0 : i32
          %dma_wait3A_140 = tpu.memref_slice %arg2[%add3A_133, %dma_wait3A_139] : memref<320000x128xf32, #tpu.memory_space<hbm>> -> memref<80x128xf32, #tpu.memory_space<hbm>>
          tpu.wait_dma2 semaphore(%arg28 : memref<!tpu.dma_semaphore, #tpu.memory_space<semaphore_mem>>) src(%dma_wait3A_140 : memref<80x128xf32, #tpu.memory_space<hbm>>) dst(%arg23 : memref<80x128xf32, #tpu.memory_space<vmem>>)
          %add3A_141 = arith.constant 1 : i32
          %add3A_142 = arith.addi %add3A_130, %add3A_141 : i32
          %lt3A_143 = arith.constant 199 : i32
          %lt3A_144 = arith.cmpi slt, %add3A_142, %lt3A_143 : i32
          %convert_element_type3A_145 = arith.extui %lt3A_144 : i1 to i32
          %cond3A_146 = arith.constant 0 : i32
          %cond3A_147 = arith.cmpi ne, %convert_element_type3A_145, %cond3A_146 : i32
          scf.if %cond3A_147 {
            %ge3A = arith.constant 1 : i32
            %ge3A_181 = arith.cmpi sge, %add3A_130, %ge3A : i32
            %convert_element_type3A_182 = arith.extui %ge3A_181 : i1 to i32
            %cond3A_183 = arith.constant 0 : i32
            %cond3A_184 = arith.cmpi ne, %convert_element_type3A_182, %cond3A_183 : i32
            scf.if %cond3A_184 {
              %dma_wait3A_211 = arith.constant 0 : i32
              %dma_wait3A_212 = arith.constant 0 : i32
              %dma_wait3A_213 = tpu.memref_slice %arg24[%dma_wait3A_211, %dma_wait3A_212] : memref<10240x128xf32, #tpu.memory_space<vmem_shared>> -> memref<10240x128xf32, #tpu.memory_space<vmem_shared>>
              tpu.wait_indirect_dma semaphore(%arg29 : memref<!tpu.dma_semaphore, #tpu.memory_space<semaphore_mem>>) src(%arg20 : memref<80x128xf32, #tpu.memory_space<vmem>>) dst(%dma_wait3A_213 : memref<10240x128xf32, #tpu.memory_space<vmem_shared>>)
            } else {
            }
            %add3A_185 = arith.constant 1 : i32
            %add3A_186 = arith.addi %add3A_130, %add3A_185 : i32
            %mul3A_187 = arith.constant 80 : i32
            %mul3A_188 = arith.muli %add3A_186, %mul3A_187 : i32
            %add3A_189 = arith.addi %add3A_39, %mul3A_188 : i32
            %dma_wait3A_190 = tpu.memref_slice %arg3[%add3A_189] : memref<320000xi32, #tpu.memory_space<hbm>> -> memref<80xi32, #tpu.memory_space<hbm>>
            %dma_wait3A_191 = tpu.memref_slice %arg3[%add3A_189] : memref<320000xi32, #tpu.memory_space<hbm>> -> memref<80xi32, #tpu.memory_space<hbm>>
            tpu.wait_dma2 semaphore(%arg25 : memref<!tpu.dma_semaphore, #tpu.memory_space<semaphore_mem>>) src(%dma_wait3A_191 : memref<80xi32, #tpu.memory_space<hbm>>) dst(%arg14 : memref<80xi32, #tpu.memory_space<vmem>>)
            %add3A_192 = arith.constant 1 : i32
            %add3A_193 = arith.addi %add3A_130, %add3A_192 : i32
            %mul3A_194 = arith.constant 80 : i32
            %mul3A_195 = arith.muli %add3A_193, %mul3A_194 : i32
            %add3A_196 = arith.addi %add3A_39, %mul3A_195 : i32
            %dma_wait3A_197 = tpu.memref_slice %arg4[%add3A_196] : memref<320000xi32, #tpu.memory_space<hbm>> -> memref<80xi32, #tpu.memory_space<hbm>>
            %dma_wait3A_198 = tpu.memref_slice %arg4[%add3A_196] : memref<320000xi32, #tpu.memory_space<hbm>> -> memref<80xi32, #tpu.memory_space<hbm>>
            tpu.wait_dma2 semaphore(%arg25 : memref<!tpu.dma_semaphore, #tpu.memory_space<semaphore_mem>>) src(%dma_wait3A_198 : memref<80xi32, #tpu.memory_space<hbm>>) dst(%arg16 : memref<80xi32, #tpu.memory_space<vmem>>)
            %dma_start3A_199 = arith.constant 0 : i32
            %dma_start3A_200 = arith.constant 0 : i32
            %dma_start3A_201 = tpu.memref_slice %arg5[%dma_start3A_199, %dma_start3A_200] : memref<10000x128xf32, #tpu.memory_space<hbm>> -> memref<10000x128xf32, #tpu.memory_space<hbm>>
            tpu.enqueue_indirect_dma source(%dma_start3A_201 : memref<10000x128xf32, #tpu.memory_space<hbm>>) target(%arg20 : memref<80x128xf32, #tpu.memory_space<vmem>>) offsets(%arg14 : memref<80xi32, #tpu.memory_space<vmem>>) semaphore(%arg27 : memref<!tpu.dma_semaphore, #tpu.memory_space<semaphore_mem>>)
            %add3A_202 = arith.constant 1 : i32
            %add3A_203 = arith.addi %add3A_130, %add3A_202 : i32
            %mul3A_204 = arith.constant 80 : i32
            %mul3A_205 = arith.muli %add3A_203, %mul3A_204 : i32
            %add3A_206 = arith.addi %add3A_39, %mul3A_205 : i32
            %dma_start3A_207 = arith.constant 0 : i32
            %dma_start3A_208 = tpu.memref_slice %arg2[%add3A_206, %dma_start3A_207] : memref<320000x128xf32, #tpu.memory_space<hbm>> -> memref<80x128xf32, #tpu.memory_space<hbm>>
            %dma_start3A_209 = arith.constant 0 : i32
            %dma_start3A_210 = tpu.memref_slice %arg2[%add3A_206, %dma_start3A_209] : memref<320000x128xf32, #tpu.memory_space<hbm>> -> memref<80x128xf32, #tpu.memory_space<hbm>>
            tpu.enqueue_dma source(%dma_start3A_210 : memref<80x128xf32, #tpu.memory_space<hbm>>) target(%arg22 : memref<80x128xf32, #tpu.memory_space<vmem>>) target_semaphore(%arg27 : memref<!tpu.dma_semaphore, #tpu.memory_space<semaphore_mem>>)
          } else {
          }
          %parallel_loop3A_148 = arith.constant 0 : i32
          %parallel_loop3A_149 = arith.constant 80 : i32
          %parallel_loop3A_150 = arith.constant 1 : i32
          scf.for %parallel_loop3A_181 = %parallel_loop3A_148 to %parallel_loop3A_149 step %parallel_loop3A_150  : i32 {
            %parallel_loop3A_182 = arith.index_cast %parallel_loop3A_181 : i32 to index
            %parallel_loop3A_183 = arith.constant 0 : index
            %parallel_loop3A_184 = tpu.vector_load %arg21[%parallel_loop3A_182, %parallel_loop3A_183] {strides = array<i32>} : memref<80x128xf32, #tpu.memory_space<vmem>>, vector<16xf32>,
            %parallel_loop3A_185 = arith.index_cast %parallel_loop3A_181 : i32 to index
            %parallel_loop3A_186 = arith.constant 0 : index
            %parallel_loop3A_187 = tpu.vector_load %arg23[%parallel_loop3A_185, %parallel_loop3A_186] {strides = array<i32>} : memref<80x128xf32, #tpu.memory_space<vmem>>, vector<16xf32>,
            %parallel_loop3A_188 = arith.mulf %parallel_loop3A_184, %parallel_loop3A_187 : vector<16xf32>
            %parallel_loop3A_189 = arith.index_cast %parallel_loop3A_181 : i32 to index
            %parallel_loop3A_190 = arith.constant 0 : index
            %parallel_loop3A_191 = tpu.vector_load %arg21[%parallel_loop3A_189, %parallel_loop3A_190] {strides = array<i32>} : memref<80x128xf32, #tpu.memory_space<vmem>>, vector<16xf32>,
            tpu.vector_store %arg21[%parallel_loop3A_189, %parallel_loop3A_190], %parallel_loop3A_188 {strides = array<i32>} : memref<80x128xf32, #tpu.memory_space<vmem>>, vector<16xf32>,
            %parallel_loop3A_192 = arith.index_cast %parallel_loop3A_181 : i32 to index
            %parallel_loop3A_193 = arith.constant 16 : index
            %parallel_loop3A_194 = tpu.vector_load %arg21[%parallel_loop3A_192, %parallel_loop3A_193] {strides = array<i32>} : memref<80x128xf32, #tpu.memory_space<vmem>>, vector<16xf32>,
            %parallel_loop3A_195 = arith.index_cast %parallel_loop3A_181 : i32 to index
            %parallel_loop3A_196 = arith.constant 16 : index
            %parallel_loop3A_197 = tpu.vector_load %arg23[%parallel_loop3A_195, %parallel_loop3A_196] {strides = array<i32>} : memref<80x128xf32, #tpu.memory_space<vmem>>, vector<16xf32>,
            %parallel_loop3A_198 = arith.mulf %parallel_loop3A_194, %parallel_loop3A_197 : vector<16xf32>
            %parallel_loop3A_199 = arith.index_cast %parallel_loop3A_181 : i32 to index
            %parallel_loop3A_200 = arith.constant 16 : index
            %parallel_loop3A_201 = tpu.vector_load %arg21[%parallel_loop3A_199, %parallel_loop3A_200] {strides = array<i32>} : memref<80x128xf32, #tpu.memory_space<vmem>>, vector<16xf32>,
            tpu.vector_store %arg21[%parallel_loop3A_199, %parallel_loop3A_200], %parallel_loop3A_198 {strides = array<i32>} : memref<80x128xf32, #tpu.memory_space<vmem>>, vector<16xf32>,
            %parallel_loop3A_202 = arith.index_cast %parallel_loop3A_181 : i32 to index
            %parallel_loop3A_203 = arith.constant 32 : index
            %parallel_loop3A_204 = tpu.vector_load %arg21[%parallel_loop3A_202, %parallel_loop3A_203] {strides = array<i32>} : memref<80x128xf32, #tpu.memory_space<vmem>>, vector<16xf32>,
            %parallel_loop3A_205 = arith.index_cast %parallel_loop3A_181 : i32 to index
            %parallel_loop3A_206 = arith.constant 32 : index
            %parallel_loop3A_207 = tpu.vector_load %arg23[%parallel_loop3A_205, %parallel_loop3A_206] {strides = array<i32>} : memref<80x128xf32, #tpu.memory_space<vmem>>, vector<16xf32>,
            %parallel_loop3A_208 = arith.mulf %parallel_loop3A_204, %parallel_loop3A_207 : vector<16xf32>
            %parallel_loop3A_209 = arith.index_cast %parallel_loop3A_181 : i32 to index
            %parallel_loop3A_210 = arith.constant 32 : index
            %parallel_loop3A_211 = tpu.vector_load %arg21[%parallel_loop3A_209, %parallel_loop3A_210] {strides = array<i32>} : memref<80x128xf32, #tpu.memory_space<vmem>>, vector<16xf32>,
            tpu.vector_store %arg21[%parallel_loop3A_209, %parallel_loop3A_210], %parallel_loop3A_208 {strides = array<i32>} : memref<80x128xf32, #tpu.memory_space<vmem>>, vector<16xf32>,
            %parallel_loop3A_212 = arith.index_cast %parallel_loop3A_181 : i32 to index
            %parallel_loop3A_213 = arith.constant 48 : index
            %parallel_loop3A_214 = tpu.vector_load %arg21[%parallel_loop3A_212, %parallel_loop3A_213] {strides = array<i32>} : memref<80x128xf32, #tpu.memory_space<vmem>>, vector<16xf32>,
            %parallel_loop3A_215 = arith.index_cast %parallel_loop3A_181 : i32 to index
            %parallel_loop3A_216 = arith.constant 48 : index
            %parallel_loop3A_217 = tpu.vector_load %arg23[%parallel_loop3A_215, %parallel_loop3A_216] {strides = array<i32>} : memref<80x128xf32, #tpu.memory_space<vmem>>, vector<16xf32>,
            %parallel_loop3A_218 = arith.mulf %parallel_loop3A_214, %parallel_loop3A_217 : vector<16xf32>
            %parallel_loop3A_219 = arith.index_cast %parallel_loop3A_181 : i32 to index
            %parallel_loop3A_220 = arith.constant 48 : index
            %parallel_loop3A_221 = tpu.vector_load %arg21[%parallel_loop3A_219, %parallel_loop3A_220] {strides = array<i32>} : memref<80x128xf32, #tpu.memory_space<vmem>>, vector<16xf32>,
            tpu.vector_store %arg21[%parallel_loop3A_219, %parallel_loop3A_220], %parallel_loop3A_218 {strides = array<i32>} : memref<80x128xf32, #tpu.memory_space<vmem>>, vector<16xf32>,
            %parallel_loop3A_222 = arith.index_cast %parallel_loop3A_181 : i32 to index
            %parallel_loop3A_223 = arith.constant 64 : index
            %parallel_loop3A_224 = tpu.vector_load %arg21[%parallel_loop3A_222, %parallel_loop3A_223] {strides = array<i32>} : memref<80x128xf32, #tpu.memory_space<vmem>>, vector<16xf32>,
            %parallel_loop3A_225 = arith.index_cast %parallel_loop3A_181 : i32 to index
            %parallel_loop3A_226 = arith.constant 64 : index
            %parallel_loop3A_227 = tpu.vector_load %arg23[%parallel_loop3A_225, %parallel_loop3A_226] {strides = array<i32>} : memref<80x128xf32, #tpu.memory_space<vmem>>, vector<16xf32>,
            %parallel_loop3A_228 = arith.mulf %parallel_loop3A_224, %parallel_loop3A_227 : vector<16xf32>
            %parallel_loop3A_229 = arith.index_cast %parallel_loop3A_181 : i32 to index
            %parallel_loop3A_230 = arith.constant 64 : index
            %parallel_loop3A_231 = tpu.vector_load %arg21[%parallel_loop3A_229, %parallel_loop3A_230] {strides = array<i32>} : memref<80x128xf32, #tpu.memory_space<vmem>>, vector<16xf32>,
            tpu.vector_store %arg21[%parallel_loop3A_229, %parallel_loop3A_230], %parallel_loop3A_228 {strides = array<i32>} : memref<80x128xf32, #tpu.memory_space<vmem>>, vector<16xf32>,
            %parallel_loop3A_232 = arith.index_cast %parallel_loop3A_181 : i32 to index
            %parallel_loop3A_233 = arith.constant 80 : index
            %parallel_loop3A_234 = tpu.vector_load %arg21[%parallel_loop3A_232, %parallel_loop3A_233] {strides = array<i32>} : memref<80x128xf32, #tpu.memory_space<vmem>>, vector<16xf32>,
            %parallel_loop3A_235 = arith.index_cast %parallel_loop3A_181 : i32 to index
            %parallel_loop3A_236 = arith.constant 80 : index
            %parallel_loop3A_237 = tpu.vector_load %arg23[%parallel_loop3A_235, %parallel_loop3A_236] {strides = array<i32>} : memref<80x128xf32, #tpu.memory_space<vmem>>, vector<16xf32>,
            %parallel_loop3A_238 = arith.mulf %parallel_loop3A_234, %parallel_loop3A_237 : vector<16xf32>
            %parallel_loop3A_239 = arith.index_cast %parallel_loop3A_181 : i32 to index
            %parallel_loop3A_240 = arith.constant 80 : index
            %parallel_loop3A_241 = tpu.vector_load %arg21[%parallel_loop3A_239, %parallel_loop3A_240] {strides = array<i32>} : memref<80x128xf32, #tpu.memory_space<vmem>>, vector<16xf32>,
            tpu.vector_store %arg21[%parallel_loop3A_239, %parallel_loop3A_240], %parallel_loop3A_238 {strides = array<i32>} : memref<80x128xf32, #tpu.memory_space<vmem>>, vector<16xf32>,
            %parallel_loop3A_242 = arith.index_cast %parallel_loop3A_181 : i32 to index
            %parallel_loop3A_243 = arith.constant 96 : index
            %parallel_loop3A_244 = tpu.vector_load %arg21[%parallel_loop3A_242, %parallel_loop3A_243] {strides = array<i32>} : memref<80x128xf32, #tpu.memory_space<vmem>>, vector<16xf32>,
            %parallel_loop3A_245 = arith.index_cast %parallel_loop3A_181 : i32 to index
            %parallel_loop3A_246 = arith.constant 96 : index
            %parallel_loop3A_247 = tpu.vector_load %arg23[%parallel_loop3A_245, %parallel_loop3A_246] {strides = array<i32>} : memref<80x128xf32, #tpu.memory_space<vmem>>, vector<16xf32>,
            %parallel_loop3A_248 = arith.mulf %parallel_loop3A_244, %parallel_loop3A_247 : vector<16xf32>
            %parallel_loop3A_249 = arith.index_cast %parallel_loop3A_181 : i32 to index
            %parallel_loop3A_250 = arith.constant 96 : index
            %parallel_loop3A_251 = tpu.vector_load %arg21[%parallel_loop3A_249, %parallel_loop3A_250] {strides = array<i32>} : memref<80x128xf32, #tpu.memory_space<vmem>>, vector<16xf32>,
            tpu.vector_store %arg21[%parallel_loop3A_249, %parallel_loop3A_250], %parallel_loop3A_248 {strides = array<i32>} : memref<80x128xf32, #tpu.memory_space<vmem>>, vector<16xf32>,
            %parallel_loop3A_252 = arith.index_cast %parallel_loop3A_181 : i32 to index
            %parallel_loop3A_253 = arith.constant 112 : index
            %parallel_loop3A_254 = tpu.vector_load %arg21[%parallel_loop3A_252, %parallel_loop3A_253] {strides = array<i32>} : memref<80x128xf32, #tpu.memory_space<vmem>>, vector<16xf32>,
            %parallel_loop3A_255 = arith.index_cast %parallel_loop3A_181 : i32 to index
            %parallel_loop3A_256 = arith.constant 112 : index
            %parallel_loop3A_257 = tpu.vector_load %arg23[%parallel_loop3A_255, %parallel_loop3A_256] {strides = array<i32>} : memref<80x128xf32, #tpu.memory_space<vmem>>, vector<16xf32>,
            %parallel_loop3A_258 = arith.mulf %parallel_loop3A_254, %parallel_loop3A_257 : vector<16xf32>
            %parallel_loop3A_259 = arith.index_cast %parallel_loop3A_181 : i32 to index
            %parallel_loop3A_260 = arith.constant 112 : index
            %parallel_loop3A_261 = tpu.vector_load %arg21[%parallel_loop3A_259, %parallel_loop3A_260] {strides = array<i32>} : memref<80x128xf32, #tpu.memory_space<vmem>>, vector<16xf32>,
            tpu.vector_store %arg21[%parallel_loop3A_259, %parallel_loop3A_260], %parallel_loop3A_258 {strides = array<i32>} : memref<80x128xf32, #tpu.memory_space<vmem>>, vector<16xf32>,
          } {sc.loop_unroll_factor = 4 : i64, sc.parallel_access}
          %get3A_151 = arith.constant 0 : index
          %get3A_152 = tpu.vector_load %arg17[%get3A_151] {strides = array<i32>} : memref<80xi32, #tpu.memory_space<vmem>>, vector<16xi32>,
          %swap3A_153 = arith.constant 0 : index
          %swap3A_154 = tpu.vector_load %arg19[%swap3A_153] {strides = array<i32>} : memref<80xi32, #tpu.memory_space<vmem>>, vector<16xi32>,
          tpu.vector_store %arg19[%swap3A_153], %get3A_152 {strides = array<i32>} : memref<80xi32, #tpu.memory_space<vmem>>, vector<16xi32>,
          %get3A_155 = arith.constant 16 : index
          %get3A_156 = tpu.vector_load %arg17[%get3A_155] {strides = array<i32>} : memref<80xi32, #tpu.memory_space<vmem>>, vector<16xi32>,
          %swap3A_157 = arith.constant 16 : index
          %swap3A_158 = tpu.vector_load %arg19[%swap3A_157] {strides = array<i32>} : memref<80xi32, #tpu.memory_space<vmem>>, vector<16xi32>,
          tpu.vector_store %arg19[%swap3A_157], %get3A_156 {strides = array<i32>} : memref<80xi32, #tpu.memory_space<vmem>>, vector<16xi32>,
          %get3A_159 = arith.constant 32 : index
          %get3A_160 = tpu.vector_load %arg17[%get3A_159] {strides = array<i32>} : memref<80xi32, #tpu.memory_space<vmem>>, vector<16xi32>,
          %swap3A_161 = arith.constant 32 : index
          %swap3A_162 = tpu.vector_load %arg19[%swap3A_161] {strides = array<i32>} : memref<80xi32, #tpu.memory_space<vmem>>, vector<16xi32>,
          tpu.vector_store %arg19[%swap3A_161], %get3A_160 {strides = array<i32>} : memref<80xi32, #tpu.memory_space<vmem>>, vector<16xi32>,
          %get3A_163 = arith.constant 48 : index
          %get3A_164 = tpu.vector_load %arg17[%get3A_163] {strides = array<i32>} : memref<80xi32, #tpu.memory_space<vmem>>, vector<16xi32>,
          %swap3A_165 = arith.constant 48 : index
          %swap3A_166 = tpu.vector_load %arg19[%swap3A_165] {strides = array<i32>} : memref<80xi32, #tpu.memory_space<vmem>>, vector<16xi32>,
          tpu.vector_store %arg19[%swap3A_165], %get3A_164 {strides = array<i32>} : memref<80xi32, #tpu.memory_space<vmem>>, vector<16xi32>,
          %get3A_167 = arith.constant 64 : index
          %get3A_168 = tpu.vector_load %arg17[%get3A_167] {strides = array<i32>} : memref<80xi32, #tpu.memory_space<vmem>>, vector<16xi32>,
          %swap3A_169 = arith.constant 64 : index
          %swap3A_170 = tpu.vector_load %arg19[%swap3A_169] {strides = array<i32>} : memref<80xi32, #tpu.memory_space<vmem>>, vector<16xi32>,
          tpu.vector_store %arg19[%swap3A_169], %get3A_168 {strides = array<i32>} : memref<80xi32, #tpu.memory_space<vmem>>, vector<16xi32>,
          %dma_start3A_171 = arith.constant 0 : i32
          %dma_start3A_172 = arith.constant 0 : i32
          %dma_start3A_173 = tpu.memref_slice %arg24[%dma_start3A_171, %dma_start3A_172] : memref<10240x128xf32, #tpu.memory_space<vmem_shared>> -> memref<10240x128xf32, #tpu.memory_space<vmem_shared>>
          tpu.enqueue_indirect_dma source(%arg21 : memref<80x128xf32, #tpu.memory_space<vmem>>) target(%dma_start3A_173 : memref<10240x128xf32, #tpu.memory_space<vmem_shared>>) offsets(%arg19 : memref<80xi32, #tpu.memory_space<vmem>>) semaphore(%arg30 : memref<!tpu.dma_semaphore, #tpu.memory_space<semaphore_mem>>) {add = true}
          %add3A_174 = arith.constant 2 : i32
          %add3A_175 = arith.addi %add3A_130, %add3A_174 : i32
          %lt3A_176 = arith.constant 199 : i32
          %lt3A_177 = arith.cmpi slt, %add3A_175, %lt3A_176 : i32
          %convert_element_type3A_178 = arith.extui %lt3A_177 : i1 to i32
          %cond3A_179 = arith.constant 0 : i32
          %cond3A_180 = arith.cmpi ne, %convert_element_type3A_178, %cond3A_179 : i32
          scf.if %cond3A_180 {
            %add3A_181 = arith.constant 2 : i32
            %add3A_182 = arith.addi %add3A_130, %add3A_181 : i32
            %mul3A_183 = arith.constant 80 : i32
            %mul3A_184 = arith.muli %add3A_182, %mul3A_183 : i32
            %add3A_185 = arith.addi %add3A_39, %mul3A_184 : i32
            %dma_start3A_186 = tpu.memref_slice %arg3[%add3A_185] : memref<320000xi32, #tpu.memory_space<hbm>> -> memref<80xi32, #tpu.memory_space<hbm>>
            %dma_start3A_187 = tpu.memref_slice %arg3[%add3A_185] : memref<320000xi32, #tpu.memory_space<hbm>> -> memref<80xi32, #tpu.memory_space<hbm>>
            tpu.enqueue_dma source(%dma_start3A_187 : memref<80xi32, #tpu.memory_space<hbm>>) target(%arg15 : memref<80xi32, #tpu.memory_space<vmem>>) target_semaphore(%arg26 : memref<!tpu.dma_semaphore, #tpu.memory_space<semaphore_mem>>)
            %add3A_188 = arith.constant 2 : i32
            %add3A_189 = arith.addi %add3A_130, %add3A_188 : i32
            %mul3A_190 = arith.constant 80 : i32
            %mul3A_191 = arith.muli %add3A_189, %mul3A_190 : i32
            %add3A_192 = arith.addi %add3A_39, %mul3A_191 : i32
            %dma_start3A_193 = tpu.memref_slice %arg4[%add3A_192] : memref<320000xi32, #tpu.memory_space<hbm>> -> memref<80xi32, #tpu.memory_space<hbm>>
            %dma_start3A_194 = tpu.memref_slice %arg4[%add3A_192] : memref<320000xi32, #tpu.memory_space<hbm>> -> memref<80xi32, #tpu.memory_space<hbm>>
            tpu.enqueue_dma source(%dma_start3A_194 : memref<80xi32, #tpu.memory_space<hbm>>) target(%arg17 : memref<80xi32, #tpu.memory_space<vmem>>) target_semaphore(%arg26 : memref<!tpu.dma_semaphore, #tpu.memory_space<semaphore_mem>>)
          } else {
          }
        } else {
        }
        %scan3A_128 = arith.constant 0 : i32
        scf.yield %scan3A_128 : i32
      }
      %scan3A_65 = arith.constant 100 : i32
      %dma_wait3A = arith.constant 0 : i32
      %dma_wait3A_66 = arith.constant 0 : i32
      %dma_wait3A_67 = tpu.memref_slice %arg24[%dma_wait3A, %dma_wait3A_66] : memref<10240x128xf32, #tpu.memory_space<vmem_shared>> -> memref<10240x128xf32, #tpu.memory_space<vmem_shared>>
      tpu.wait_indirect_dma semaphore(%arg29 : memref<!tpu.dma_semaphore, #tpu.memory_space<semaphore_mem>>) src(%arg20 : memref<80x128xf32, #tpu.memory_space<vmem>>) dst(%dma_wait3A_67 : memref<10240x128xf32, #tpu.memory_space<vmem_shared>>)
      %dma_wait3A_68 = arith.constant 0 : i32
      %dma_wait3A_69 = arith.constant 0 : i32
      %dma_wait3A_70 = tpu.memref_slice %arg24[%dma_wait3A_68, %dma_wait3A_69] : memref<10240x128xf32, #tpu.memory_space<vmem_shared>> -> memref<10240x128xf32, #tpu.memory_space<vmem_shared>>
      tpu.wait_indirect_dma semaphore(%arg30 : memref<!tpu.dma_semaphore, #tpu.memory_space<semaphore_mem>>) src(%arg21 : memref<80x128xf32, #tpu.memory_space<vmem>>) dst(%dma_wait3A_70 : memref<10240x128xf32, #tpu.memory_space<vmem_shared>>)
    } else {
    }
    %barrier3A_8 = arith.constant 0 : index
    tpu.barrier barrier_id(%barrier3A_8)
    %mul3A_9 = arith.constant 640 : i32
    %mul3A_10 = arith.muli %arg1, %mul3A_9 : i32
    "tpu.region"() ({
      %run_scoped3A = tpu.sem_alloc : memref<!tpu.dma_semaphore, #tpu.memory_space<semaphore_mem>>
      %dma_start3A = arith.constant 0 : i32
      %dma_start3A_37 = tpu.memref_slice %arg11[%arg0, %mul3A_10, %dma_start3A] : memref<2x10240x128xf32, #tpu.memory_space<hbm>> -> memref<1x640x128xf32, #tpu.memory_space<hbm>>
      %dma_start3A_38 = tpu.memref_squeeze %dma_start3A_37 : memref<1x640x128xf32, #tpu.memory_space<hbm>> -> memref<640x128xf32, #tpu.memory_space<hbm>>
      %dma_start3A_39 = arith.constant 0 : i32
      %dma_start3A_40 = tpu.memref_slice %arg24[%mul3A_10, %dma_start3A_39] : memref<10240x128xf32, #tpu.memory_space<vmem_shared>> -> memref<640x128xf32, #tpu.memory_space<vmem_shared>>
      tpu.enqueue_dma source(%dma_start3A_40 : memref<640x128xf32, #tpu.memory_space<vmem_shared>>) target(%dma_start3A_38 : memref<640x128xf32, #tpu.memory_space<hbm>>) target_semaphore(%run_scoped3A : memref<!tpu.dma_semaphore, #tpu.memory_space<semaphore_mem>>)
      %dma_wait3A = arith.constant 0 : i32
      %dma_wait3A_41 = tpu.memref_slice %arg11[%arg0, %mul3A_10, %dma_wait3A] : memref<2x10240x128xf32, #tpu.memory_space<hbm>> -> memref<1x640x128xf32, #tpu.memory_space<hbm>>
      %dma_wait3A_42 = tpu.memref_squeeze %dma_wait3A_41 : memref<1x640x128xf32, #tpu.memory_space<hbm>> -> memref<640x128xf32, #tpu.memory_space<hbm>>
      %dma_wait3A_43 = arith.constant 0 : i32
      %dma_wait3A_44 = tpu.memref_slice %arg24[%mul3A_10, %dma_wait3A_43] : memref<10240x128xf32, #tpu.memory_space<vmem_shared>> -> memref<640x128xf32, #tpu.memory_space<vmem_shared>>
      tpu.wait_dma2 semaphore(%run_scoped3A : memref<!tpu.dma_semaphore, #tpu.memory_space<semaphore_mem>>) src(%dma_wait3A_44 : memref<640x128xf32, #tpu.memory_space<vmem_shared>>) dst(%dma_wait3A_42 : memref<640x128xf32, #tpu.memory_space<hbm>>)
      tpu.yield
    }) : () -> ()
    %mul3A_11 = arith.constant 640 : i32
    %mul3A_12 = arith.muli %arg1, %mul3A_11 : i32
    "tpu.region"() ({
      %run_scoped3A = tpu.sem_alloc : memref<!tpu.dma_semaphore, #tpu.memory_space<semaphore_mem>>
      %dma_start3A = arith.constant 0 : i32
      %dma_start3A_37 = tpu.memref_slice %arg24[%mul3A_12, %dma_start3A] : memref<10240x128xf32, #tpu.memory_space<vmem_shared>> -> memref<640x128xf32, #tpu.memory_space<vmem_shared>>
      tpu.enqueue_dma source(%arg10 : memref<640x128xf32, #tpu.memory_space<hbm>>) target(%dma_start3A_37 : memref<640x128xf32, #tpu.memory_space<vmem_shared>>) target_semaphore(%run_scoped3A : memref<!tpu.dma_semaphore, #tpu.memory_space<semaphore_mem>>)
      %dma_wait3A = arith.constant 0 : i32
      %dma_wait3A_38 = tpu.memref_slice %arg24[%mul3A_12, %dma_wait3A] : memref<10240x128xf32, #tpu.memory_space<vmem_shared>> -> memref<640x128xf32, #tpu.memory_space<vmem_shared>>
      tpu.wait_dma2 semaphore(%run_scoped3A : memref<!tpu.dma_semaphore, #tpu.memory_space<semaphore_mem>>) src(%arg10 : memref<640x128xf32, #tpu.memory_space<hbm>>) dst(%dma_wait3A_38 : memref<640x128xf32, #tpu.memory_space<vmem_shared>>)
      tpu.yield
    }) : () -> ()
    %barrier3A_13 = arith.constant 0 : index
    tpu.barrier barrier_id(%barrier3A_13)
    %mul3A_14 = arith.constant 20000 : i32
    %mul3A_15 = arith.muli %arg1, %mul3A_14 : i32
    %eq3A_16 = arith.constant 0 : i32
    %eq3A_17 = arith.cmpi eq, %arg0, %eq3A_16 : i32
    %convert_element_type3A_18 = arith.extui %eq3A_17 : i1 to i32
    %cond3A_19 = arith.constant 0 : i32
    %cond3A_20 = arith.cmpi ne, %convert_element_type3A_18, %cond3A_19 : i32
    scf.if %cond3A_20 {
      %add3A = arith.constant 0 : i32
      %add3A_37 = arith.addi %mul3A_15, %add3A : i32
      "tpu.region"() ({
        %run_scoped3A = tpu.sem_alloc : memref<!tpu.dma_semaphore, #tpu.memory_space<semaphore_mem>>
        %dma_start3A_67 = tpu.memref_slice %arg7[%add3A_37] : memref<320000xi32, #tpu.memory_space<hbm>> -> memref<80xi32, #tpu.memory_space<hbm>>
        %dma_start3A_68 = tpu.memref_slice %arg7[%add3A_37] : memref<320000xi32, #tpu.memory_space<hbm>> -> memref<80xi32, #tpu.memory_space<hbm>>
        tpu.enqueue_dma source(%dma_start3A_68 : memref<80xi32, #tpu.memory_space<hbm>>) target(%arg14 : memref<80xi32, #tpu.memory_space<vmem>>) target_semaphore(%run_scoped3A : memref<!tpu.dma_semaphore, #tpu.memory_space<semaphore_mem>>)
        %dma_wait3A_69 = tpu.memref_slice %arg7[%add3A_37] : memref<320000xi32, #tpu.memory_space<hbm>> -> memref<80xi32, #tpu.memory_space<hbm>>
        %dma_wait3A_70 = tpu.memref_slice %arg7[%add3A_37] : memref<320000xi32, #tpu.memory_space<hbm>> -> memref<80xi32, #tpu.memory_space<hbm>>
        tpu.wait_dma2 semaphore(%run_scoped3A : memref<!tpu.dma_semaphore, #tpu.memory_space<semaphore_mem>>) src(%dma_wait3A_70 : memref<80xi32, #tpu.memory_space<hbm>>) dst(%arg14 : memref<80xi32, #tpu.memory_space<vmem>>)
        tpu.yield
      }) : () -> ()
      %add3A_38 = arith.constant 0 : i32
      %add3A_39 = arith.addi %mul3A_15, %add3A_38 : i32
      "tpu.region"() ({
        %run_scoped3A = tpu.sem_alloc : memref<!tpu.dma_semaphore, #tpu.memory_space<semaphore_mem>>
        %dma_start3A_67 = tpu.memref_slice %arg8[%add3A_39] : memref<320000xi32, #tpu.memory_space<hbm>> -> memref<80xi32, #tpu.memory_space<hbm>>
        %dma_start3A_68 = tpu.memref_slice %arg8[%add3A_39] : memref<320000xi32, #tpu.memory_space<hbm>> -> memref<80xi32, #tpu.memory_space<hbm>>
        tpu.enqueue_dma source(%dma_start3A_68 : memref<80xi32, #tpu.memory_space<hbm>>) target(%arg16 : memref<80xi32, #tpu.memory_space<vmem>>) target_semaphore(%run_scoped3A : memref<!tpu.dma_semaphore, #tpu.memory_space<semaphore_mem>>)
        %dma_wait3A_69 = tpu.memref_slice %arg8[%add3A_39] : memref<320000xi32, #tpu.memory_space<hbm>> -> memref<80xi32, #tpu.memory_space<hbm>>
        %dma_wait3A_70 = tpu.memref_slice %arg8[%add3A_39] : memref<320000xi32, #tpu.memory_space<hbm>> -> memref<80xi32, #tpu.memory_space<hbm>>
        tpu.wait_dma2 semaphore(%run_scoped3A : memref<!tpu.dma_semaphore, #tpu.memory_space<semaphore_mem>>) src(%dma_wait3A_70 : memref<80xi32, #tpu.memory_space<hbm>>) dst(%arg16 : memref<80xi32, #tpu.memory_space<vmem>>)
        tpu.yield
      }) : () -> ()
      %dma_start3A = arith.constant 0 : i32
      %dma_start3A_40 = arith.constant 0 : i32
      %dma_start3A_41 = tpu.memref_slice %arg9[%dma_start3A, %dma_start3A_40] : memref<10000x128xf32, #tpu.memory_space<hbm>> -> memref<10000x128xf32, #tpu.memory_space<hbm>>
      tpu.enqueue_indirect_dma source(%dma_start3A_41 : memref<10000x128xf32, #tpu.memory_space<hbm>>) target(%arg20 : memref<80x128xf32, #tpu.memory_space<vmem>>) offsets(%arg14 : memref<80xi32, #tpu.memory_space<vmem>>) semaphore(%arg27 : memref<!tpu.dma_semaphore, #tpu.memory_space<semaphore_mem>>)
      %add3A_42 = arith.constant 0 : i32
      %add3A_43 = arith.addi %mul3A_15, %add3A_42 : i32
      %dma_start3A_44 = arith.constant 0 : i32
      %dma_start3A_45 = tpu.memref_slice %arg6[%add3A_43, %dma_start3A_44] : memref<320000x128xf32, #tpu.memory_space<hbm>> -> memref<80x128xf32, #tpu.memory_space<hbm>>
      %dma_start3A_46 = arith.constant 0 : i32
      %dma_start3A_47 = tpu.memref_slice %arg6[%add3A_43, %dma_start3A_46] : memref<320000x128xf32, #tpu.memory_space<hbm>> -> memref<80x128xf32, #tpu.memory_space<hbm>>
      tpu.enqueue_dma source(%dma_start3A_47 : memref<80x128xf32, #tpu.memory_space<hbm>>) target(%arg22 : memref<80x128xf32, #tpu.memory_space<vmem>>) target_semaphore(%arg27 : memref<!tpu.dma_semaphore, #tpu.memory_space<semaphore_mem>>)
      %add3A_48 = arith.constant 80 : i32
      %add3A_49 = arith.addi %mul3A_15, %add3A_48 : i32
      %dma_start3A_50 = tpu.memref_slice %arg7[%add3A_49] : memref<320000xi32, #tpu.memory_space<hbm>> -> memref<80xi32, #tpu.memory_space<hbm>>
      %dma_start3A_51 = tpu.memref_slice %arg7[%add3A_49] : memref<320000xi32, #tpu.memory_space<hbm>> -> memref<80xi32, #tpu.memory_space<hbm>>
      tpu.enqueue_dma source(%dma_start3A_51 : memref<80xi32, #tpu.memory_space<hbm>>) target(%arg15 : memref<80xi32, #tpu.memory_space<vmem>>) target_semaphore(%arg26 : memref<!tpu.dma_semaphore, #tpu.memory_space<semaphore_mem>>)
      %add3A_52 = arith.constant 80 : i32
      %add3A_53 = arith.addi %mul3A_15, %add3A_52 : i32
      %dma_start3A_54 = tpu.memref_slice %arg8[%add3A_53] : memref<320000xi32, #tpu.memory_space<hbm>> -> memref<80xi32, #tpu.memory_space<hbm>>
      %dma_start3A_55 = tpu.memref_slice %arg8[%add3A_53] : memref<320000xi32, #tpu.memory_space<hbm>> -> memref<80xi32, #tpu.memory_space<hbm>>
      tpu.enqueue_dma source(%dma_start3A_55 : memref<80xi32, #tpu.memory_space<hbm>>) target(%arg17 : memref<80xi32, #tpu.memory_space<vmem>>) target_semaphore(%arg26 : memref<!tpu.dma_semaphore, #tpu.memory_space<semaphore_mem>>)
      %scan3A = arith.constant 0 : i32
      %scan3A_56 = arith.constant 0 : i32
      %scan3A_57 = arith.constant 125 : i32
      %scan3A_58 = arith.addi %scan3A_56, %scan3A_57 : i32
      %scan3A_59 = arith.constant 1 : i32
      %scan3A_60 = scf.for %scan3A_67 = %scan3A_56 to %scan3A_58 step %scan3A_59 iter_args(%scan3A_68 = %scan3A) -> (i32)  : i32 {
        %mul3A_69 = arith.constant 2 : i32
        %mul3A_70 = arith.muli %mul3A_69, %scan3A_67 : i32
        %mul3A_71 = arith.constant 80 : i32
        %mul3A_72 = arith.muli %mul3A_70, %mul3A_71 : i32
        %add3A_73 = arith.addi %mul3A_15, %mul3A_72 : i32
        %dma_wait3A_74 = arith.constant 0 : i32
        %dma_wait3A_75 = arith.constant 0 : i32
        %dma_wait3A_76 = tpu.memref_slice %arg9[%dma_wait3A_74, %dma_wait3A_75] : memref<10000x128xf32, #tpu.memory_space<hbm>> -> memref<10000x128xf32, #tpu.memory_space<hbm>>
        tpu.wait_indirect_dma semaphore(%arg27 : memref<!tpu.dma_semaphore, #tpu.memory_space<semaphore_mem>>) src(%dma_wait3A_76 : memref<10000x128xf32, #tpu.memory_space<hbm>>) dst(%arg20 : memref<80x128xf32, #tpu.memory_space<vmem>>)
        %dma_wait3A_77 = arith.constant 0 : i32
        %dma_wait3A_78 = tpu.memref_slice %arg6[%add3A_73, %dma_wait3A_77] : memref<320000x128xf32, #tpu.memory_space<hbm>> -> memref<80x128xf32, #tpu.memory_space<hbm>>
        %dma_wait3A_79 = arith.constant 0 : i32
        %dma_wait3A_80 = tpu.memref_slice %arg6[%add3A_73, %dma_wait3A_79] : memref<320000x128xf32, #tpu.memory_space<hbm>> -> memref<80x128xf32, #tpu.memory_space<hbm>>
        tpu.wait_dma2 semaphore(%arg27 : memref<!tpu.dma_semaphore, #tpu.memory_space<semaphore_mem>>) src(%dma_wait3A_80 : memref<80x128xf32, #tpu.memory_space<hbm>>) dst(%arg22 : memref<80x128xf32, #tpu.memory_space<vmem>>)
        %add3A_81 = arith.constant 1 : i32
        %add3A_82 = arith.addi %mul3A_70, %add3A_81 : i32
        %lt3A = arith.constant 250 : i32
        %lt3A_83 = arith.cmpi slt, %add3A_82, %lt3A : i32
        %convert_element_type3A_84 = arith.extui %lt3A_83 : i1 to i32
        %cond3A_85 = arith.constant 0 : i32
        %cond3A_86 = arith.cmpi ne, %convert_element_type3A_84, %cond3A_85 : i32
        scf.if %cond3A_86 {
          %ge3A = arith.constant 1 : i32
          %ge3A_125 = arith.cmpi sge, %mul3A_70, %ge3A : i32
          %convert_element_type3A_126 = arith.extui %ge3A_125 : i1 to i32
          %cond3A_127 = arith.constant 0 : i32
          %cond3A_128 = arith.cmpi ne, %convert_element_type3A_126, %cond3A_127 : i32
          scf.if %cond3A_128 {
            %dma_wait3A_155 = arith.constant 0 : i32
            %dma_wait3A_156 = arith.constant 0 : i32
            %dma_wait3A_157 = tpu.memref_slice %arg24[%dma_wait3A_155, %dma_wait3A_156] : memref<10240x128xf32, #tpu.memory_space<vmem_shared>> -> memref<10240x128xf32, #tpu.memory_space<vmem_shared>>
            tpu.wait_indirect_dma semaphore(%arg30 : memref<!tpu.dma_semaphore, #tpu.memory_space<semaphore_mem>>) src(%arg21 : memref<80x128xf32, #tpu.memory_space<vmem>>) dst(%dma_wait3A_157 : memref<10240x128xf32, #tpu.memory_space<vmem_shared>>)
          } else {
          }
          %add3A_129 = arith.constant 1 : i32
          %add3A_130 = arith.addi %mul3A_70, %add3A_129 : i32
          %mul3A_131 = arith.constant 80 : i32
          %mul3A_132 = arith.muli %add3A_130, %mul3A_131 : i32
          %add3A_133 = arith.addi %mul3A_15, %mul3A_132 : i32
          %dma_wait3A_134 = tpu.memref_slice %arg7[%add3A_133] : memref<320000xi32, #tpu.memory_space<hbm>> -> memref<80xi32, #tpu.memory_space<hbm>>
          %dma_wait3A_135 = tpu.memref_slice %arg7[%add3A_133] : memref<320000xi32, #tpu.memory_space<hbm>> -> memref<80xi32, #tpu.memory_space<hbm>>
          tpu.wait_dma2 semaphore(%arg26 : memref<!tpu.dma_semaphore, #tpu.memory_space<semaphore_mem>>) src(%dma_wait3A_135 : memref<80xi32, #tpu.memory_space<hbm>>) dst(%arg15 : memref<80xi32, #tpu.memory_space<vmem>>)
          %add3A_136 = arith.constant 1 : i32
          %add3A_137 = arith.addi %mul3A_70, %add3A_136 : i32
          %mul3A_138 = arith.constant 80 : i32
          %mul3A_139 = arith.muli %add3A_137, %mul3A_138 : i32
          %add3A_140 = arith.addi %mul3A_15, %mul3A_139 : i32
          %dma_wait3A_141 = tpu.memref_slice %arg8[%add3A_140] : memref<320000xi32, #tpu.memory_space<hbm>> -> memref<80xi32, #tpu.memory_space<hbm>>
          %dma_wait3A_142 = tpu.memref_slice %arg8[%add3A_140] : memref<320000xi32, #tpu.memory_space<hbm>> -> memref<80xi32, #tpu.memory_space<hbm>>
          tpu.wait_dma2 semaphore(%arg26 : memref<!tpu.dma_semaphore, #tpu.memory_space<semaphore_mem>>) src(%dma_wait3A_142 : memref<80xi32, #tpu.memory_space<hbm>>) dst(%arg17 : memref<80xi32, #tpu.memory_space<vmem>>)
          %dma_start3A_143 = arith.constant 0 : i32
          %dma_start3A_144 = arith.constant 0 : i32
          %dma_start3A_145 = tpu.memref_slice %arg9[%dma_start3A_143, %dma_start3A_144] : memref<10000x128xf32, #tpu.memory_space<hbm>> -> memref<10000x128xf32, #tpu.memory_space<hbm>>
          tpu.enqueue_indirect_dma source(%dma_start3A_145 : memref<10000x128xf32, #tpu.memory_space<hbm>>) target(%arg21 : memref<80x128xf32, #tpu.memory_space<vmem>>) offsets(%arg15 : memref<80xi32, #tpu.memory_space<vmem>>) semaphore(%arg28 : memref<!tpu.dma_semaphore, #tpu.memory_space<semaphore_mem>>)
          %add3A_146 = arith.constant 1 : i32
          %add3A_147 = arith.addi %mul3A_70, %add3A_146 : i32
          %mul3A_148 = arith.constant 80 : i32
          %mul3A_149 = arith.muli %add3A_147, %mul3A_148 : i32
          %add3A_150 = arith.addi %mul3A_15, %mul3A_149 : i32
          %dma_start3A_151 = arith.constant 0 : i32
          %dma_start3A_152 = tpu.memref_slice %arg6[%add3A_150, %dma_start3A_151] : memref<320000x128xf32, #tpu.memory_space<hbm>> -> memref<80x128xf32, #tpu.memory_space<hbm>>
          %dma_start3A_153 = arith.constant 0 : i32
          %dma_start3A_154 = tpu.memref_slice %arg6[%add3A_150, %dma_start3A_153] : memref<320000x128xf32, #tpu.memory_space<hbm>> -> memref<80x128xf32, #tpu.memory_space<hbm>>
          tpu.enqueue_dma source(%dma_start3A_154 : memref<80x128xf32, #tpu.memory_space<hbm>>) target(%arg23 : memref<80x128xf32, #tpu.memory_space<vmem>>) target_semaphore(%arg28 : memref<!tpu.dma_semaphore, #tpu.memory_space<semaphore_mem>>)
        } else {
        }
        %parallel_loop3A = arith.constant 0 : i32
        %parallel_loop3A_87 = arith.constant 80 : i32
        %parallel_loop3A_88 = arith.constant 1 : i32
        scf.for %parallel_loop3A_125 = %parallel_loop3A to %parallel_loop3A_87 step %parallel_loop3A_88  : i32 {
          %parallel_loop3A_126 = arith.index_cast %parallel_loop3A_125 : i32 to index
          %parallel_loop3A_127 = arith.constant 0 : index
          %parallel_loop3A_128 = tpu.vector_load %arg20[%parallel_loop3A_126, %parallel_loop3A_127] {strides = array<i32>} : memref<80x128xf32, #tpu.memory_space<vmem>>, vector<16xf32>,
          %parallel_loop3A_129 = arith.index_cast %parallel_loop3A_125 : i32 to index
          %parallel_loop3A_130 = arith.constant 0 : index
          %parallel_loop3A_131 = tpu.vector_load %arg22[%parallel_loop3A_129, %parallel_loop3A_130] {strides = array<i32>} : memref<80x128xf32, #tpu.memory_space<vmem>>, vector<16xf32>,
          %parallel_loop3A_132 = arith.mulf %parallel_loop3A_128, %parallel_loop3A_131 : vector<16xf32>
          %parallel_loop3A_133 = arith.index_cast %parallel_loop3A_125 : i32 to index
          %parallel_loop3A_134 = arith.constant 0 : index
          %parallel_loop3A_135 = tpu.vector_load %arg20[%parallel_loop3A_133, %parallel_loop3A_134] {strides = array<i32>} : memref<80x128xf32, #tpu.memory_space<vmem>>, vector<16xf32>,
          tpu.vector_store %arg20[%parallel_loop3A_133, %parallel_loop3A_134], %parallel_loop3A_132 {strides = array<i32>} : memref<80x128xf32, #tpu.memory_space<vmem>>, vector<16xf32>,
          %parallel_loop3A_136 = arith.index_cast %parallel_loop3A_125 : i32 to index
          %parallel_loop3A_137 = arith.constant 16 : index
          %parallel_loop3A_138 = tpu.vector_load %arg20[%parallel_loop3A_136, %parallel_loop3A_137] {strides = array<i32>} : memref<80x128xf32, #tpu.memory_space<vmem>>, vector<16xf32>,
          %parallel_loop3A_139 = arith.index_cast %parallel_loop3A_125 : i32 to index
          %parallel_loop3A_140 = arith.constant 16 : index
          %parallel_loop3A_141 = tpu.vector_load %arg22[%parallel_loop3A_139, %parallel_loop3A_140] {strides = array<i32>} : memref<80x128xf32, #tpu.memory_space<vmem>>, vector<16xf32>,
          %parallel_loop3A_142 = arith.mulf %parallel_loop3A_138, %parallel_loop3A_141 : vector<16xf32>
          %parallel_loop3A_143 = arith.index_cast %parallel_loop3A_125 : i32 to index
          %parallel_loop3A_144 = arith.constant 16 : index
          %parallel_loop3A_145 = tpu.vector_load %arg20[%parallel_loop3A_143, %parallel_loop3A_144] {strides = array<i32>} : memref<80x128xf32, #tpu.memory_space<vmem>>, vector<16xf32>,
          tpu.vector_store %arg20[%parallel_loop3A_143, %parallel_loop3A_144], %parallel_loop3A_142 {strides = array<i32>} : memref<80x128xf32, #tpu.memory_space<vmem>>, vector<16xf32>,
          %parallel_loop3A_146 = arith.index_cast %parallel_loop3A_125 : i32 to index
          %parallel_loop3A_147 = arith.constant 32 : index
          %parallel_loop3A_148 = tpu.vector_load %arg20[%parallel_loop3A_146, %parallel_loop3A_147] {strides = array<i32>} : memref<80x128xf32, #tpu.memory_space<vmem>>, vector<16xf32>,
          %parallel_loop3A_149 = arith.index_cast %parallel_loop3A_125 : i32 to index
          %parallel_loop3A_150 = arith.constant 32 : index
          %parallel_loop3A_151 = tpu.vector_load %arg22[%parallel_loop3A_149, %parallel_loop3A_150] {strides = array<i32>} : memref<80x128xf32, #tpu.memory_space<vmem>>, vector<16xf32>,
          %parallel_loop3A_152 = arith.mulf %parallel_loop3A_148, %parallel_loop3A_151 : vector<16xf32>
          %parallel_loop3A_153 = arith.index_cast %parallel_loop3A_125 : i32 to index
          %parallel_loop3A_154 = arith.constant 32 : index
          %parallel_loop3A_155 = tpu.vector_load %arg20[%parallel_loop3A_153, %parallel_loop3A_154] {strides = array<i32>} : memref<80x128xf32, #tpu.memory_space<vmem>>, vector<16xf32>,
          tpu.vector_store %arg20[%parallel_loop3A_153, %parallel_loop3A_154], %parallel_loop3A_152 {strides = array<i32>} : memref<80x128xf32, #tpu.memory_space<vmem>>, vector<16xf32>,
          %parallel_loop3A_156 = arith.index_cast %parallel_loop3A_125 : i32 to index
          %parallel_loop3A_157 = arith.constant 48 : index
          %parallel_loop3A_158 = tpu.vector_load %arg20[%parallel_loop3A_156, %parallel_loop3A_157] {strides = array<i32>} : memref<80x128xf32, #tpu.memory_space<vmem>>, vector<16xf32>,
          %parallel_loop3A_159 = arith.index_cast %parallel_loop3A_125 : i32 to index
          %parallel_loop3A_160 = arith.constant 48 : index
          %parallel_loop3A_161 = tpu.vector_load %arg22[%parallel_loop3A_159, %parallel_loop3A_160] {strides = array<i32>} : memref<80x128xf32, #tpu.memory_space<vmem>>, vector<16xf32>,
          %parallel_loop3A_162 = arith.mulf %parallel_loop3A_158, %parallel_loop3A_161 : vector<16xf32>
          %parallel_loop3A_163 = arith.index_cast %parallel_loop3A_125 : i32 to index
          %parallel_loop3A_164 = arith.constant 48 : index
          %parallel_loop3A_165 = tpu.vector_load %arg20[%parallel_loop3A_163, %parallel_loop3A_164] {strides = array<i32>} : memref<80x128xf32, #tpu.memory_space<vmem>>, vector<16xf32>,
          tpu.vector_store %arg20[%parallel_loop3A_163, %parallel_loop3A_164], %parallel_loop3A_162 {strides = array<i32>} : memref<80x128xf32, #tpu.memory_space<vmem>>, vector<16xf32>,
          %parallel_loop3A_166 = arith.index_cast %parallel_loop3A_125 : i32 to index
          %parallel_loop3A_167 = arith.constant 64 : index
          %parallel_loop3A_168 = tpu.vector_load %arg20[%parallel_loop3A_166, %parallel_loop3A_167] {strides = array<i32>} : memref<80x128xf32, #tpu.memory_space<vmem>>, vector<16xf32>,
          %parallel_loop3A_169 = arith.index_cast %parallel_loop3A_125 : i32 to index
          %parallel_loop3A_170 = arith.constant 64 : index
          %parallel_loop3A_171 = tpu.vector_load %arg22[%parallel_loop3A_169, %parallel_loop3A_170] {strides = array<i32>} : memref<80x128xf32, #tpu.memory_space<vmem>>, vector<16xf32>,
          %parallel_loop3A_172 = arith.mulf %parallel_loop3A_168, %parallel_loop3A_171 : vector<16xf32>
          %parallel_loop3A_173 = arith.index_cast %parallel_loop3A_125 : i32 to index
          %parallel_loop3A_174 = arith.constant 64 : index
          %parallel_loop3A_175 = tpu.vector_load %arg20[%parallel_loop3A_173, %parallel_loop3A_174] {strides = array<i32>} : memref<80x128xf32, #tpu.memory_space<vmem>>, vector<16xf32>,
          tpu.vector_store %arg20[%parallel_loop3A_173, %parallel_loop3A_174], %parallel_loop3A_172 {strides = array<i32>} : memref<80x128xf32, #tpu.memory_space<vmem>>, vector<16xf32>,
          %parallel_loop3A_176 = arith.index_cast %parallel_loop3A_125 : i32 to index
          %parallel_loop3A_177 = arith.constant 80 : index
          %parallel_loop3A_178 = tpu.vector_load %arg20[%parallel_loop3A_176, %parallel_loop3A_177] {strides = array<i32>} : memref<80x128xf32, #tpu.memory_space<vmem>>, vector<16xf32>,
          %parallel_loop3A_179 = arith.index_cast %parallel_loop3A_125 : i32 to index
          %parallel_loop3A_180 = arith.constant 80 : index
          %parallel_loop3A_181 = tpu.vector_load %arg22[%parallel_loop3A_179, %parallel_loop3A_180] {strides = array<i32>} : memref<80x128xf32, #tpu.memory_space<vmem>>, vector<16xf32>,
          %parallel_loop3A_182 = arith.mulf %parallel_loop3A_178, %parallel_loop3A_181 : vector<16xf32>
          %parallel_loop3A_183 = arith.index_cast %parallel_loop3A_125 : i32 to index
          %parallel_loop3A_184 = arith.constant 80 : index
          %parallel_loop3A_185 = tpu.vector_load %arg20[%parallel_loop3A_183, %parallel_loop3A_184] {strides = array<i32>} : memref<80x128xf32, #tpu.memory_space<vmem>>, vector<16xf32>,
          tpu.vector_store %arg20[%parallel_loop3A_183, %parallel_loop3A_184], %parallel_loop3A_182 {strides = array<i32>} : memref<80x128xf32, #tpu.memory_space<vmem>>, vector<16xf32>,
          %parallel_loop3A_186 = arith.index_cast %parallel_loop3A_125 : i32 to index
          %parallel_loop3A_187 = arith.constant 96 : index
          %parallel_loop3A_188 = tpu.vector_load %arg20[%parallel_loop3A_186, %parallel_loop3A_187] {strides = array<i32>} : memref<80x128xf32, #tpu.memory_space<vmem>>, vector<16xf32>,
          %parallel_loop3A_189 = arith.index_cast %parallel_loop3A_125 : i32 to index
          %parallel_loop3A_190 = arith.constant 96 : index
          %parallel_loop3A_191 = tpu.vector_load %arg22[%parallel_loop3A_189, %parallel_loop3A_190] {strides = array<i32>} : memref<80x128xf32, #tpu.memory_space<vmem>>, vector<16xf32>,
          %parallel_loop3A_192 = arith.mulf %parallel_loop3A_188, %parallel_loop3A_191 : vector<16xf32>
          %parallel_loop3A_193 = arith.index_cast %parallel_loop3A_125 : i32 to index
          %parallel_loop3A_194 = arith.constant 96 : index
          %parallel_loop3A_195 = tpu.vector_load %arg20[%parallel_loop3A_193, %parallel_loop3A_194] {strides = array<i32>} : memref<80x128xf32, #tpu.memory_space<vmem>>, vector<16xf32>,
          tpu.vector_store %arg20[%parallel_loop3A_193, %parallel_loop3A_194], %parallel_loop3A_192 {strides = array<i32>} : memref<80x128xf32, #tpu.memory_space<vmem>>, vector<16xf32>,
          %parallel_loop3A_196 = arith.index_cast %parallel_loop3A_125 : i32 to index
          %parallel_loop3A_197 = arith.constant 112 : index
          %parallel_loop3A_198 = tpu.vector_load %arg20[%parallel_loop3A_196, %parallel_loop3A_197] {strides = array<i32>} : memref<80x128xf32, #tpu.memory_space<vmem>>, vector<16xf32>,
          %parallel_loop3A_199 = arith.index_cast %parallel_loop3A_125 : i32 to index
          %parallel_loop3A_200 = arith.constant 112 : index
          %parallel_loop3A_201 = tpu.vector_load %arg22[%parallel_loop3A_199, %parallel_loop3A_200] {strides = array<i32>} : memref<80x128xf32, #tpu.memory_space<vmem>>, vector<16xf32>,
          %parallel_loop3A_202 = arith.mulf %parallel_loop3A_198, %parallel_loop3A_201 : vector<16xf32>
          %parallel_loop3A_203 = arith.index_cast %parallel_loop3A_125 : i32 to index
          %parallel_loop3A_204 = arith.constant 112 : index
          %parallel_loop3A_205 = tpu.vector_load %arg20[%parallel_loop3A_203, %parallel_loop3A_204] {strides = array<i32>} : memref<80x128xf32, #tpu.memory_space<vmem>>, vector<16xf32>,
          tpu.vector_store %arg20[%parallel_loop3A_203, %parallel_loop3A_204], %parallel_loop3A_202 {strides = array<i32>} : memref<80x128xf32, #tpu.memory_space<vmem>>, vector<16xf32>,
        } {sc.loop_unroll_factor = 4 : i64, sc.parallel_access}
        %get3A = arith.constant 0 : index
        %get3A_89 = tpu.vector_load %arg16[%get3A] {strides = array<i32>} : memref<80xi32, #tpu.memory_space<vmem>>, vector<16xi32>,
        %swap3A = arith.constant 0 : index
        %swap3A_90 = tpu.vector_load %arg18[%swap3A] {strides = array<i32>} : memref<80xi32, #tpu.memory_space<vmem>>, vector<16xi32>,
        tpu.vector_store %arg18[%swap3A], %get3A_89 {strides = array<i32>} : memref<80xi32, #tpu.memory_space<vmem>>, vector<16xi32>,
        %get3A_91 = arith.constant 16 : index
        %get3A_92 = tpu.vector_load %arg16[%get3A_91] {strides = array<i32>} : memref<80xi32, #tpu.memory_space<vmem>>, vector<16xi32>,
        %swap3A_93 = arith.constant 16 : index
        %swap3A_94 = tpu.vector_load %arg18[%swap3A_93] {strides = array<i32>} : memref<80xi32, #tpu.memory_space<vmem>>, vector<16xi32>,
        tpu.vector_store %arg18[%swap3A_93], %get3A_92 {strides = array<i32>} : memref<80xi32, #tpu.memory_space<vmem>>, vector<16xi32>,
        %get3A_95 = arith.constant 32 : index
        %get3A_96 = tpu.vector_load %arg16[%get3A_95] {strides = array<i32>} : memref<80xi32, #tpu.memory_space<vmem>>, vector<16xi32>,
        %swap3A_97 = arith.constant 32 : index
        %swap3A_98 = tpu.vector_load %arg18[%swap3A_97] {strides = array<i32>} : memref<80xi32, #tpu.memory_space<vmem>>, vector<16xi32>,
        tpu.vector_store %arg18[%swap3A_97], %get3A_96 {strides = array<i32>} : memref<80xi32, #tpu.memory_space<vmem>>, vector<16xi32>,
        %get3A_99 = arith.constant 48 : index
        %get3A_100 = tpu.vector_load %arg16[%get3A_99] {strides = array<i32>} : memref<80xi32, #tpu.memory_space<vmem>>, vector<16xi32>,
        %swap3A_101 = arith.constant 48 : index
        %swap3A_102 = tpu.vector_load %arg18[%swap3A_101] {strides = array<i32>} : memref<80xi32, #tpu.memory_space<vmem>>, vector<16xi32>,
        tpu.vector_store %arg18[%swap3A_101], %get3A_100 {strides = array<i32>} : memref<80xi32, #tpu.memory_space<vmem>>, vector<16xi32>,
        %get3A_103 = arith.constant 64 : index
        %get3A_104 = tpu.vector_load %arg16[%get3A_103] {strides = array<i32>} : memref<80xi32, #tpu.memory_space<vmem>>, vector<16xi32>,
        %swap3A_105 = arith.constant 64 : index
        %swap3A_106 = tpu.vector_load %arg18[%swap3A_105] {strides = array<i32>} : memref<80xi32, #tpu.memory_space<vmem>>, vector<16xi32>,
        tpu.vector_store %arg18[%swap3A_105], %get3A_104 {strides = array<i32>} : memref<80xi32, #tpu.memory_space<vmem>>, vector<16xi32>,
        %dma_start3A_107 = arith.constant 0 : i32
        %dma_start3A_108 = arith.constant 0 : i32
        %dma_start3A_109 = tpu.memref_slice %arg24[%dma_start3A_107, %dma_start3A_108] : memref<10240x128xf32, #tpu.memory_space<vmem_shared>> -> memref<10240x128xf32, #tpu.memory_space<vmem_shared>>
        tpu.enqueue_indirect_dma source(%arg20 : memref<80x128xf32, #tpu.memory_space<vmem>>) target(%dma_start3A_109 : memref<10240x128xf32, #tpu.memory_space<vmem_shared>>) offsets(%arg18 : memref<80xi32, #tpu.memory_space<vmem>>) semaphore(%arg29 : memref<!tpu.dma_semaphore, #tpu.memory_space<semaphore_mem>>) {add = true}
        %add3A_110 = arith.constant 2 : i32
        %add3A_111 = arith.addi %mul3A_70, %add3A_110 : i32
        %lt3A_112 = arith.constant 250 : i32
        %lt3A_113 = arith.cmpi slt, %add3A_111, %lt3A_112 : i32
        %convert_element_type3A_114 = arith.extui %lt3A_113 : i1 to i32
        %cond3A_115 = arith.constant 0 : i32
        %cond3A_116 = arith.cmpi ne, %convert_element_type3A_114, %cond3A_115 : i32
        scf.if %cond3A_116 {
          %add3A_125 = arith.constant 2 : i32
          %add3A_126 = arith.addi %mul3A_70, %add3A_125 : i32
          %mul3A_127 = arith.constant 80 : i32
          %mul3A_128 = arith.muli %add3A_126, %mul3A_127 : i32
          %add3A_129 = arith.addi %mul3A_15, %mul3A_128 : i32
          %dma_start3A_130 = tpu.memref_slice %arg7[%add3A_129] : memref<320000xi32, #tpu.memory_space<hbm>> -> memref<80xi32, #tpu.memory_space<hbm>>
          %dma_start3A_131 = tpu.memref_slice %arg7[%add3A_129] : memref<320000xi32, #tpu.memory_space<hbm>> -> memref<80xi32, #tpu.memory_space<hbm>>
          tpu.enqueue_dma source(%dma_start3A_131 : memref<80xi32, #tpu.memory_space<hbm>>) target(%arg14 : memref<80xi32, #tpu.memory_space<vmem>>) target_semaphore(%arg25 : memref<!tpu.dma_semaphore, #tpu.memory_space<semaphore_mem>>)
          %add3A_132 = arith.constant 2 : i32
          %add3A_133 = arith.addi %mul3A_70, %add3A_132 : i32
          %mul3A_134 = arith.constant 80 : i32
          %mul3A_135 = arith.muli %add3A_133, %mul3A_134 : i32
          %add3A_136 = arith.addi %mul3A_15, %mul3A_135 : i32
          %dma_start3A_137 = tpu.memref_slice %arg8[%add3A_136] : memref<320000xi32, #tpu.memory_space<hbm>> -> memref<80xi32, #tpu.memory_space<hbm>>
          %dma_start3A_138 = tpu.memref_slice %arg8[%add3A_136] : memref<320000xi32, #tpu.memory_space<hbm>> -> memref<80xi32, #tpu.memory_space<hbm>>
          tpu.enqueue_dma source(%dma_start3A_138 : memref<80xi32, #tpu.memory_space<hbm>>) target(%arg16 : memref<80xi32, #tpu.memory_space<vmem>>) target_semaphore(%arg25 : memref<!tpu.dma_semaphore, #tpu.memory_space<semaphore_mem>>)
        } else {
        }
        %add3A_117 = arith.constant 1 : i32
        %add3A_118 = arith.addi %mul3A_70, %add3A_117 : i32
        %lt3A_119 = arith.constant 250 : i32
        %lt3A_120 = arith.cmpi slt, %add3A_118, %lt3A_119 : i32
        %convert_element_type3A_121 = arith.extui %lt3A_120 : i1 to i32
        %cond3A_122 = arith.constant 0 : i32
        %cond3A_123 = arith.cmpi ne, %convert_element_type3A_121, %cond3A_122 : i32
        scf.if %cond3A_123 {
          %add3A_125 = arith.constant 1 : i32
          %add3A_126 = arith.addi %mul3A_70, %add3A_125 : i32
          %mul3A_127 = arith.constant 80 : i32
          %mul3A_128 = arith.muli %add3A_126, %mul3A_127 : i32
          %add3A_129 = arith.addi %mul3A_15, %mul3A_128 : i32
          %dma_wait3A_130 = arith.constant 0 : i32
          %dma_wait3A_131 = arith.constant 0 : i32
          %dma_wait3A_132 = tpu.memref_slice %arg9[%dma_wait3A_130, %dma_wait3A_131] : memref<10000x128xf32, #tpu.memory_space<hbm>> -> memref<10000x128xf32, #tpu.memory_space<hbm>>
          tpu.wait_indirect_dma semaphore(%arg28 : memref<!tpu.dma_semaphore, #tpu.memory_space<semaphore_mem>>) src(%dma_wait3A_132 : memref<10000x128xf32, #tpu.memory_space<hbm>>) dst(%arg21 : memref<80x128xf32, #tpu.memory_space<vmem>>)
          %dma_wait3A_133 = arith.constant 0 : i32
          %dma_wait3A_134 = tpu.memref_slice %arg6[%add3A_129, %dma_wait3A_133] : memref<320000x128xf32, #tpu.memory_space<hbm>> -> memref<80x128xf32, #tpu.memory_space<hbm>>
          %dma_wait3A_135 = arith.constant 0 : i32
          %dma_wait3A_136 = tpu.memref_slice %arg6[%add3A_129, %dma_wait3A_135] : memref<320000x128xf32, #tpu.memory_space<hbm>> -> memref<80x128xf32, #tpu.memory_space<hbm>>
          tpu.wait_dma2 semaphore(%arg28 : memref<!tpu.dma_semaphore, #tpu.memory_space<semaphore_mem>>) src(%dma_wait3A_136 : memref<80x128xf32, #tpu.memory_space<hbm>>) dst(%arg23 : memref<80x128xf32, #tpu.memory_space<vmem>>)
          %add3A_137 = arith.constant 1 : i32
          %add3A_138 = arith.addi %add3A_126, %add3A_137 : i32
          %lt3A_139 = arith.constant 250 : i32
          %lt3A_140 = arith.cmpi slt, %add3A_138, %lt3A_139 : i32
          %convert_element_type3A_141 = arith.extui %lt3A_140 : i1 to i32
          %cond3A_142 = arith.constant 0 : i32
          %cond3A_143 = arith.cmpi ne, %convert_element_type3A_141, %cond3A_142 : i32
          scf.if %cond3A_143 {
            %ge3A = arith.constant 1 : i32
            %ge3A_177 = arith.cmpi sge, %add3A_126, %ge3A : i32
            %convert_element_type3A_178 = arith.extui %ge3A_177 : i1 to i32
            %cond3A_179 = arith.constant 0 : i32
            %cond3A_180 = arith.cmpi ne, %convert_element_type3A_178, %cond3A_179 : i32
            scf.if %cond3A_180 {
              %dma_wait3A_207 = arith.constant 0 : i32
              %dma_wait3A_208 = arith.constant 0 : i32
              %dma_wait3A_209 = tpu.memref_slice %arg24[%dma_wait3A_207, %dma_wait3A_208] : memref<10240x128xf32, #tpu.memory_space<vmem_shared>> -> memref<10240x128xf32, #tpu.memory_space<vmem_shared>>
              tpu.wait_indirect_dma semaphore(%arg29 : memref<!tpu.dma_semaphore, #tpu.memory_space<semaphore_mem>>) src(%arg20 : memref<80x128xf32, #tpu.memory_space<vmem>>) dst(%dma_wait3A_209 : memref<10240x128xf32, #tpu.memory_space<vmem_shared>>)
            } else {
            }
            %add3A_181 = arith.constant 1 : i32
            %add3A_182 = arith.addi %add3A_126, %add3A_181 : i32
            %mul3A_183 = arith.constant 80 : i32
            %mul3A_184 = arith.muli %add3A_182, %mul3A_183 : i32
            %add3A_185 = arith.addi %mul3A_15, %mul3A_184 : i32
            %dma_wait3A_186 = tpu.memref_slice %arg7[%add3A_185] : memref<320000xi32, #tpu.memory_space<hbm>> -> memref<80xi32, #tpu.memory_space<hbm>>
            %dma_wait3A_187 = tpu.memref_slice %arg7[%add3A_185] : memref<320000xi32, #tpu.memory_space<hbm>> -> memref<80xi32, #tpu.memory_space<hbm>>
            tpu.wait_dma2 semaphore(%arg25 : memref<!tpu.dma_semaphore, #tpu.memory_space<semaphore_mem>>) src(%dma_wait3A_187 : memref<80xi32, #tpu.memory_space<hbm>>) dst(%arg14 : memref<80xi32, #tpu.memory_space<vmem>>)
            %add3A_188 = arith.constant 1 : i32
            %add3A_189 = arith.addi %add3A_126, %add3A_188 : i32
            %mul3A_190 = arith.constant 80 : i32
            %mul3A_191 = arith.muli %add3A_189, %mul3A_190 : i32
            %add3A_192 = arith.addi %mul3A_15, %mul3A_191 : i32
            %dma_wait3A_193 = tpu.memref_slice %arg8[%add3A_192] : memref<320000xi32, #tpu.memory_space<hbm>> -> memref<80xi32, #tpu.memory_space<hbm>>
            %dma_wait3A_194 = tpu.memref_slice %arg8[%add3A_192] : memref<320000xi32, #tpu.memory_space<hbm>> -> memref<80xi32, #tpu.memory_space<hbm>>
            tpu.wait_dma2 semaphore(%arg25 : memref<!tpu.dma_semaphore, #tpu.memory_space<semaphore_mem>>) src(%dma_wait3A_194 : memref<80xi32, #tpu.memory_space<hbm>>) dst(%arg16 : memref<80xi32, #tpu.memory_space<vmem>>)
            %dma_start3A_195 = arith.constant 0 : i32
            %dma_start3A_196 = arith.constant 0 : i32
            %dma_start3A_197 = tpu.memref_slice %arg9[%dma_start3A_195, %dma_start3A_196] : memref<10000x128xf32, #tpu.memory_space<hbm>> -> memref<10000x128xf32, #tpu.memory_space<hbm>>
            tpu.enqueue_indirect_dma source(%dma_start3A_197 : memref<10000x128xf32, #tpu.memory_space<hbm>>) target(%arg20 : memref<80x128xf32, #tpu.memory_space<vmem>>) offsets(%arg14 : memref<80xi32, #tpu.memory_space<vmem>>) semaphore(%arg27 : memref<!tpu.dma_semaphore, #tpu.memory_space<semaphore_mem>>)
            %add3A_198 = arith.constant 1 : i32
            %add3A_199 = arith.addi %add3A_126, %add3A_198 : i32
            %mul3A_200 = arith.constant 80 : i32
            %mul3A_201 = arith.muli %add3A_199, %mul3A_200 : i32
            %add3A_202 = arith.addi %mul3A_15, %mul3A_201 : i32
            %dma_start3A_203 = arith.constant 0 : i32
            %dma_start3A_204 = tpu.memref_slice %arg6[%add3A_202, %dma_start3A_203] : memref<320000x128xf32, #tpu.memory_space<hbm>> -> memref<80x128xf32, #tpu.memory_space<hbm>>
            %dma_start3A_205 = arith.constant 0 : i32
            %dma_start3A_206 = tpu.memref_slice %arg6[%add3A_202, %dma_start3A_205] : memref<320000x128xf32, #tpu.memory_space<hbm>> -> memref<80x128xf32, #tpu.memory_space<hbm>>
            tpu.enqueue_dma source(%dma_start3A_206 : memref<80x128xf32, #tpu.memory_space<hbm>>) target(%arg22 : memref<80x128xf32, #tpu.memory_space<vmem>>) target_semaphore(%arg27 : memref<!tpu.dma_semaphore, #tpu.memory_space<semaphore_mem>>)
          } else {
          }
          %parallel_loop3A_144 = arith.constant 0 : i32
          %parallel_loop3A_145 = arith.constant 80 : i32
          %parallel_loop3A_146 = arith.constant 1 : i32
          scf.for %parallel_loop3A_177 = %parallel_loop3A_144 to %parallel_loop3A_145 step %parallel_loop3A_146  : i32 {
            %parallel_loop3A_178 = arith.index_cast %parallel_loop3A_177 : i32 to index
            %parallel_loop3A_179 = arith.constant 0 : index
            %parallel_loop3A_180 = tpu.vector_load %arg21[%parallel_loop3A_178, %parallel_loop3A_179] {strides = array<i32>} : memref<80x128xf32, #tpu.memory_space<vmem>>, vector<16xf32>,
            %parallel_loop3A_181 = arith.index_cast %parallel_loop3A_177 : i32 to index
            %parallel_loop3A_182 = arith.constant 0 : index
            %parallel_loop3A_183 = tpu.vector_load %arg23[%parallel_loop3A_181, %parallel_loop3A_182] {strides = array<i32>} : memref<80x128xf32, #tpu.memory_space<vmem>>, vector<16xf32>,
            %parallel_loop3A_184 = arith.mulf %parallel_loop3A_180, %parallel_loop3A_183 : vector<16xf32>
            %parallel_loop3A_185 = arith.index_cast %parallel_loop3A_177 : i32 to index
            %parallel_loop3A_186 = arith.constant 0 : index
            %parallel_loop3A_187 = tpu.vector_load %arg21[%parallel_loop3A_185, %parallel_loop3A_186] {strides = array<i32>} : memref<80x128xf32, #tpu.memory_space<vmem>>, vector<16xf32>,
            tpu.vector_store %arg21[%parallel_loop3A_185, %parallel_loop3A_186], %parallel_loop3A_184 {strides = array<i32>} : memref<80x128xf32, #tpu.memory_space<vmem>>, vector<16xf32>,
            %parallel_loop3A_188 = arith.index_cast %parallel_loop3A_177 : i32 to index
            %parallel_loop3A_189 = arith.constant 16 : index
            %parallel_loop3A_190 = tpu.vector_load %arg21[%parallel_loop3A_188, %parallel_loop3A_189] {strides = array<i32>} : memref<80x128xf32, #tpu.memory_space<vmem>>, vector<16xf32>,
            %parallel_loop3A_191 = arith.index_cast %parallel_loop3A_177 : i32 to index
            %parallel_loop3A_192 = arith.constant 16 : index
            %parallel_loop3A_193 = tpu.vector_load %arg23[%parallel_loop3A_191, %parallel_loop3A_192] {strides = array<i32>} : memref<80x128xf32, #tpu.memory_space<vmem>>, vector<16xf32>,
            %parallel_loop3A_194 = arith.mulf %parallel_loop3A_190, %parallel_loop3A_193 : vector<16xf32>
            %parallel_loop3A_195 = arith.index_cast %parallel_loop3A_177 : i32 to index
            %parallel_loop3A_196 = arith.constant 16 : index
            %parallel_loop3A_197 = tpu.vector_load %arg21[%parallel_loop3A_195, %parallel_loop3A_196] {strides = array<i32>} : memref<80x128xf32, #tpu.memory_space<vmem>>, vector<16xf32>,
            tpu.vector_store %arg21[%parallel_loop3A_195, %parallel_loop3A_196], %parallel_loop3A_194 {strides = array<i32>} : memref<80x128xf32, #tpu.memory_space<vmem>>, vector<16xf32>,
            %parallel_loop3A_198 = arith.index_cast %parallel_loop3A_177 : i32 to index
            %parallel_loop3A_199 = arith.constant 32 : index
            %parallel_loop3A_200 = tpu.vector_load %arg21[%parallel_loop3A_198, %parallel_loop3A_199] {strides = array<i32>} : memref<80x128xf32, #tpu.memory_space<vmem>>, vector<16xf32>,
            %parallel_loop3A_201 = arith.index_cast %parallel_loop3A_177 : i32 to index
            %parallel_loop3A_202 = arith.constant 32 : index
            %parallel_loop3A_203 = tpu.vector_load %arg23[%parallel_loop3A_201, %parallel_loop3A_202] {strides = array<i32>} : memref<80x128xf32, #tpu.memory_space<vmem>>, vector<16xf32>,
            %parallel_loop3A_204 = arith.mulf %parallel_loop3A_200, %parallel_loop3A_203 : vector<16xf32>
            %parallel_loop3A_205 = arith.index_cast %parallel_loop3A_177 : i32 to index
            %parallel_loop3A_206 = arith.constant 32 : index
            %parallel_loop3A_207 = tpu.vector_load %arg21[%parallel_loop3A_205, %parallel_loop3A_206] {strides = array<i32>} : memref<80x128xf32, #tpu.memory_space<vmem>>, vector<16xf32>,
            tpu.vector_store %arg21[%parallel_loop3A_205, %parallel_loop3A_206], %parallel_loop3A_204 {strides = array<i32>} : memref<80x128xf32, #tpu.memory_space<vmem>>, vector<16xf32>,
            %parallel_loop3A_208 = arith.index_cast %parallel_loop3A_177 : i32 to index
            %parallel_loop3A_209 = arith.constant 48 : index
            %parallel_loop3A_210 = tpu.vector_load %arg21[%parallel_loop3A_208, %parallel_loop3A_209] {strides = array<i32>} : memref<80x128xf32, #tpu.memory_space<vmem>>, vector<16xf32>,
            %parallel_loop3A_211 = arith.index_cast %parallel_loop3A_177 : i32 to index
            %parallel_loop3A_212 = arith.constant 48 : index
            %parallel_loop3A_213 = tpu.vector_load %arg23[%parallel_loop3A_211, %parallel_loop3A_212] {strides = array<i32>} : memref<80x128xf32, #tpu.memory_space<vmem>>, vector<16xf32>,
            %parallel_loop3A_214 = arith.mulf %parallel_loop3A_210, %parallel_loop3A_213 : vector<16xf32>
            %parallel_loop3A_215 = arith.index_cast %parallel_loop3A_177 : i32 to index
            %parallel_loop3A_216 = arith.constant 48 : index
            %parallel_loop3A_217 = tpu.vector_load %arg21[%parallel_loop3A_215, %parallel_loop3A_216] {strides = array<i32>} : memref<80x128xf32, #tpu.memory_space<vmem>>, vector<16xf32>,
            tpu.vector_store %arg21[%parallel_loop3A_215, %parallel_loop3A_216], %parallel_loop3A_214 {strides = array<i32>} : memref<80x128xf32, #tpu.memory_space<vmem>>, vector<16xf32>,
            %parallel_loop3A_218 = arith.index_cast %parallel_loop3A_177 : i32 to index
            %parallel_loop3A_219 = arith.constant 64 : index
            %parallel_loop3A_220 = tpu.vector_load %arg21[%parallel_loop3A_218, %parallel_loop3A_219] {strides = array<i32>} : memref<80x128xf32, #tpu.memory_space<vmem>>, vector<16xf32>,
            %parallel_loop3A_221 = arith.index_cast %parallel_loop3A_177 : i32 to index
            %parallel_loop3A_222 = arith.constant 64 : index
            %parallel_loop3A_223 = tpu.vector_load %arg23[%parallel_loop3A_221, %parallel_loop3A_222] {strides = array<i32>} : memref<80x128xf32, #tpu.memory_space<vmem>>, vector<16xf32>,
            %parallel_loop3A_224 = arith.mulf %parallel_loop3A_220, %parallel_loop3A_223 : vector<16xf32>
            %parallel_loop3A_225 = arith.index_cast %parallel_loop3A_177 : i32 to index
            %parallel_loop3A_226 = arith.constant 64 : index
            %parallel_loop3A_227 = tpu.vector_load %arg21[%parallel_loop3A_225, %parallel_loop3A_226] {strides = array<i32>} : memref<80x128xf32, #tpu.memory_space<vmem>>, vector<16xf32>,
            tpu.vector_store %arg21[%parallel_loop3A_225, %parallel_loop3A_226], %parallel_loop3A_224 {strides = array<i32>} : memref<80x128xf32, #tpu.memory_space<vmem>>, vector<16xf32>,
            %parallel_loop3A_228 = arith.index_cast %parallel_loop3A_177 : i32 to index
            %parallel_loop3A_229 = arith.constant 80 : index
            %parallel_loop3A_230 = tpu.vector_load %arg21[%parallel_loop3A_228, %parallel_loop3A_229] {strides = array<i32>} : memref<80x128xf32, #tpu.memory_space<vmem>>, vector<16xf32>,
            %parallel_loop3A_231 = arith.index_cast %parallel_loop3A_177 : i32 to index
            %parallel_loop3A_232 = arith.constant 80 : index
            %parallel_loop3A_233 = tpu.vector_load %arg23[%parallel_loop3A_231, %parallel_loop3A_232] {strides = array<i32>} : memref<80x128xf32, #tpu.memory_space<vmem>>, vector<16xf32>,
            %parallel_loop3A_234 = arith.mulf %parallel_loop3A_230, %parallel_loop3A_233 : vector<16xf32>
            %parallel_loop3A_235 = arith.index_cast %parallel_loop3A_177 : i32 to index
            %parallel_loop3A_236 = arith.constant 80 : index
            %parallel_loop3A_237 = tpu.vector_load %arg21[%parallel_loop3A_235, %parallel_loop3A_236] {strides = array<i32>} : memref<80x128xf32, #tpu.memory_space<vmem>>, vector<16xf32>,
            tpu.vector_store %arg21[%parallel_loop3A_235, %parallel_loop3A_236], %parallel_loop3A_234 {strides = array<i32>} : memref<80x128xf32, #tpu.memory_space<vmem>>, vector<16xf32>,
            %parallel_loop3A_238 = arith.index_cast %parallel_loop3A_177 : i32 to index
            %parallel_loop3A_239 = arith.constant 96 : index
            %parallel_loop3A_240 = tpu.vector_load %arg21[%parallel_loop3A_238, %parallel_loop3A_239] {strides = array<i32>} : memref<80x128xf32, #tpu.memory_space<vmem>>, vector<16xf32>,
            %parallel_loop3A_241 = arith.index_cast %parallel_loop3A_177 : i32 to index
            %parallel_loop3A_242 = arith.constant 96 : index
            %parallel_loop3A_243 = tpu.vector_load %arg23[%parallel_loop3A_241, %parallel_loop3A_242] {strides = array<i32>} : memref<80x128xf32, #tpu.memory_space<vmem>>, vector<16xf32>,
            %parallel_loop3A_244 = arith.mulf %parallel_loop3A_240, %parallel_loop3A_243 : vector<16xf32>
            %parallel_loop3A_245 = arith.index_cast %parallel_loop3A_177 : i32 to index
            %parallel_loop3A_246 = arith.constant 96 : index
            %parallel_loop3A_247 = tpu.vector_load %arg21[%parallel_loop3A_245, %parallel_loop3A_246] {strides = array<i32>} : memref<80x128xf32, #tpu.memory_space<vmem>>, vector<16xf32>,
            tpu.vector_store %arg21[%parallel_loop3A_245, %parallel_loop3A_246], %parallel_loop3A_244 {strides = array<i32>} : memref<80x128xf32, #tpu.memory_space<vmem>>, vector<16xf32>,
            %parallel_loop3A_248 = arith.index_cast %parallel_loop3A_177 : i32 to index
            %parallel_loop3A_249 = arith.constant 112 : index
            %parallel_loop3A_250 = tpu.vector_load %arg21[%parallel_loop3A_248, %parallel_loop3A_249] {strides = array<i32>} : memref<80x128xf32, #tpu.memory_space<vmem>>, vector<16xf32>,
            %parallel_loop3A_251 = arith.index_cast %parallel_loop3A_177 : i32 to index
            %parallel_loop3A_252 = arith.constant 112 : index
            %parallel_loop3A_253 = tpu.vector_load %arg23[%parallel_loop3A_251, %parallel_loop3A_252] {strides = array<i32>} : memref<80x128xf32, #tpu.memory_space<vmem>>, vector<16xf32>,
            %parallel_loop3A_254 = arith.mulf %parallel_loop3A_250, %parallel_loop3A_253 : vector<16xf32>
            %parallel_loop3A_255 = arith.index_cast %parallel_loop3A_177 : i32 to index
            %parallel_loop3A_256 = arith.constant 112 : index
            %parallel_loop3A_257 = tpu.vector_load %arg21[%parallel_loop3A_255, %parallel_loop3A_256] {strides = array<i32>} : memref<80x128xf32, #tpu.memory_space<vmem>>, vector<16xf32>,
            tpu.vector_store %arg21[%parallel_loop3A_255, %parallel_loop3A_256], %parallel_loop3A_254 {strides = array<i32>} : memref<80x128xf32, #tpu.memory_space<vmem>>, vector<16xf32>,
          } {sc.loop_unroll_factor = 4 : i64, sc.parallel_access}
          %get3A_147 = arith.constant 0 : index
          %get3A_148 = tpu.vector_load %arg17[%get3A_147] {strides = array<i32>} : memref<80xi32, #tpu.memory_space<vmem>>, vector<16xi32>,
          %swap3A_149 = arith.constant 0 : index
          %swap3A_150 = tpu.vector_load %arg19[%swap3A_149] {strides = array<i32>} : memref<80xi32, #tpu.memory_space<vmem>>, vector<16xi32>,
          tpu.vector_store %arg19[%swap3A_149], %get3A_148 {strides = array<i32>} : memref<80xi32, #tpu.memory_space<vmem>>, vector<16xi32>,
          %get3A_151 = arith.constant 16 : index
          %get3A_152 = tpu.vector_load %arg17[%get3A_151] {strides = array<i32>} : memref<80xi32, #tpu.memory_space<vmem>>, vector<16xi32>,
          %swap3A_153 = arith.constant 16 : index
          %swap3A_154 = tpu.vector_load %arg19[%swap3A_153] {strides = array<i32>} : memref<80xi32, #tpu.memory_space<vmem>>, vector<16xi32>,
          tpu.vector_store %arg19[%swap3A_153], %get3A_152 {strides = array<i32>} : memref<80xi32, #tpu.memory_space<vmem>>, vector<16xi32>,
          %get3A_155 = arith.constant 32 : index
          %get3A_156 = tpu.vector_load %arg17[%get3A_155] {strides = array<i32>} : memref<80xi32, #tpu.memory_space<vmem>>, vector<16xi32>,
          %swap3A_157 = arith.constant 32 : index
          %swap3A_158 = tpu.vector_load %arg19[%swap3A_157] {strides = array<i32>} : memref<80xi32, #tpu.memory_space<vmem>>, vector<16xi32>,
          tpu.vector_store %arg19[%swap3A_157], %get3A_156 {strides = array<i32>} : memref<80xi32, #tpu.memory_space<vmem>>, vector<16xi32>,
          %get3A_159 = arith.constant 48 : index
          %get3A_160 = tpu.vector_load %arg17[%get3A_159] {strides = array<i32>} : memref<80xi32, #tpu.memory_space<vmem>>, vector<16xi32>,
          %swap3A_161 = arith.constant 48 : index
          %swap3A_162 = tpu.vector_load %arg19[%swap3A_161] {strides = array<i32>} : memref<80xi32, #tpu.memory_space<vmem>>, vector<16xi32>,
          tpu.vector_store %arg19[%swap3A_161], %get3A_160 {strides = array<i32>} : memref<80xi32, #tpu.memory_space<vmem>>, vector<16xi32>,
          %get3A_163 = arith.constant 64 : index
          %get3A_164 = tpu.vector_load %arg17[%get3A_163] {strides = array<i32>} : memref<80xi32, #tpu.memory_space<vmem>>, vector<16xi32>,
          %swap3A_165 = arith.constant 64 : index
          %swap3A_166 = tpu.vector_load %arg19[%swap3A_165] {strides = array<i32>} : memref<80xi32, #tpu.memory_space<vmem>>, vector<16xi32>,
          tpu.vector_store %arg19[%swap3A_165], %get3A_164 {strides = array<i32>} : memref<80xi32, #tpu.memory_space<vmem>>, vector<16xi32>,
          %dma_start3A_167 = arith.constant 0 : i32
          %dma_start3A_168 = arith.constant 0 : i32
          %dma_start3A_169 = tpu.memref_slice %arg24[%dma_start3A_167, %dma_start3A_168] : memref<10240x128xf32, #tpu.memory_space<vmem_shared>> -> memref<10240x128xf32, #tpu.memory_space<vmem_shared>>
          tpu.enqueue_indirect_dma source(%arg21 : memref<80x128xf32, #tpu.memory_space<vmem>>) target(%dma_start3A_169 : memref<10240x128xf32, #tpu.memory_space<vmem_shared>>) offsets(%arg19 : memref<80xi32, #tpu.memory_space<vmem>>) semaphore(%arg30 : memref<!tpu.dma_semaphore, #tpu.memory_space<semaphore_mem>>) {add = true}
          %add3A_170 = arith.constant 2 : i32
          %add3A_171 = arith.addi %add3A_126, %add3A_170 : i32
          %lt3A_172 = arith.constant 250 : i32
          %lt3A_173 = arith.cmpi slt, %add3A_171, %lt3A_172 : i32
          %convert_element_type3A_174 = arith.extui %lt3A_173 : i1 to i32
          %cond3A_175 = arith.constant 0 : i32
          %cond3A_176 = arith.cmpi ne, %convert_element_type3A_174, %cond3A_175 : i32
          scf.if %cond3A_176 {
            %add3A_177 = arith.constant 2 : i32
            %add3A_178 = arith.addi %add3A_126, %add3A_177 : i32
            %mul3A_179 = arith.constant 80 : i32
            %mul3A_180 = arith.muli %add3A_178, %mul3A_179 : i32
            %add3A_181 = arith.addi %mul3A_15, %mul3A_180 : i32
            %dma_start3A_182 = tpu.memref_slice %arg7[%add3A_181] : memref<320000xi32, #tpu.memory_space<hbm>> -> memref<80xi32, #tpu.memory_space<hbm>>
            %dma_start3A_183 = tpu.memref_slice %arg7[%add3A_181] : memref<320000xi32, #tpu.memory_space<hbm>> -> memref<80xi32, #tpu.memory_space<hbm>>
            tpu.enqueue_dma source(%dma_start3A_183 : memref<80xi32, #tpu.memory_space<hbm>>) target(%arg15 : memref<80xi32, #tpu.memory_space<vmem>>) target_semaphore(%arg26 : memref<!tpu.dma_semaphore, #tpu.memory_space<semaphore_mem>>)
            %add3A_184 = arith.constant 2 : i32
            %add3A_185 = arith.addi %add3A_126, %add3A_184 : i32
            %mul3A_186 = arith.constant 80 : i32
            %mul3A_187 = arith.muli %add3A_185, %mul3A_186 : i32
            %add3A_188 = arith.addi %mul3A_15, %mul3A_187 : i32
            %dma_start3A_189 = tpu.memref_slice %arg8[%add3A_188] : memref<320000xi32, #tpu.memory_space<hbm>> -> memref<80xi32, #tpu.memory_space<hbm>>
            %dma_start3A_190 = tpu.memref_slice %arg8[%add3A_188] : memref<320000xi32, #tpu.memory_space<hbm>> -> memref<80xi32, #tpu.memory_space<hbm>>
            tpu.enqueue_dma source(%dma_start3A_190 : memref<80xi32, #tpu.memory_space<hbm>>) target(%arg17 : memref<80xi32, #tpu.memory_space<vmem>>) target_semaphore(%arg26 : memref<!tpu.dma_semaphore, #tpu.memory_space<semaphore_mem>>)
          } else {
          }
        } else {
        }
        %scan3A_124 = arith.constant 0 : i32
        scf.yield %scan3A_124 : i32
      }
      %scan3A_61 = arith.constant 125 : i32
      %dma_wait3A = arith.constant 0 : i32
      %dma_wait3A_62 = arith.constant 0 : i32
      %dma_wait3A_63 = tpu.memref_slice %arg24[%dma_wait3A, %dma_wait3A_62] : memref<10240x128xf32, #tpu.memory_space<vmem_shared>> -> memref<10240x128xf32, #tpu.memory_space<vmem_shared>>
      tpu.wait_indirect_dma semaphore(%arg29 : memref<!tpu.dma_semaphore, #tpu.memory_space<semaphore_mem>>) src(%arg20 : memref<80x128xf32, #tpu.memory_space<vmem>>) dst(%dma_wait3A_63 : memref<10240x128xf32, #tpu.memory_space<vmem_shared>>)
      %dma_wait3A_64 = arith.constant 0 : i32
      %dma_wait3A_65 = arith.constant 0 : i32
      %dma_wait3A_66 = tpu.memref_slice %arg24[%dma_wait3A_64, %dma_wait3A_65] : memref<10240x128xf32, #tpu.memory_space<vmem_shared>> -> memref<10240x128xf32, #tpu.memory_space<vmem_shared>>
      tpu.wait_indirect_dma semaphore(%arg30 : memref<!tpu.dma_semaphore, #tpu.memory_space<semaphore_mem>>) src(%arg21 : memref<80x128xf32, #tpu.memory_space<vmem>>) dst(%dma_wait3A_66 : memref<10240x128xf32, #tpu.memory_space<vmem_shared>>)
    } else {
    }
    %eq3A_21 = arith.constant 1 : i32
    %eq3A_22 = arith.cmpi eq, %arg0, %eq3A_21 : i32
    %convert_element_type3A_23 = arith.extui %eq3A_22 : i1 to i32
    %cond3A_24 = arith.constant 0 : i32
    %cond3A_25 = arith.cmpi ne, %convert_element_type3A_23, %cond3A_24 : i32
    scf.if %cond3A_25 {
      %add3A = arith.constant 0 : i32
      %add3A_37 = arith.addi %mul3A_15, %add3A : i32
      "tpu.region"() ({
        %run_scoped3A = tpu.sem_alloc : memref<!tpu.dma_semaphore, #tpu.memory_space<semaphore_mem>>
        %dma_start3A_78 = tpu.memref_slice %arg8[%add3A_37] : memref<320000xi32, #tpu.memory_space<hbm>> -> memref<80xi32, #tpu.memory_space<hbm>>
        %dma_start3A_79 = tpu.memref_slice %arg8[%add3A_37] : memref<320000xi32, #tpu.memory_space<hbm>> -> memref<80xi32, #tpu.memory_space<hbm>>
        tpu.enqueue_dma source(%dma_start3A_79 : memref<80xi32, #tpu.memory_space<hbm>>) target(%arg16 : memref<80xi32, #tpu.memory_space<vmem>>) target_semaphore(%run_scoped3A : memref<!tpu.dma_semaphore, #tpu.memory_space<semaphore_mem>>)
        %dma_wait3A_80 = tpu.memref_slice %arg8[%add3A_37] : memref<320000xi32, #tpu.memory_space<hbm>> -> memref<80xi32, #tpu.memory_space<hbm>>
        %dma_wait3A_81 = tpu.memref_slice %arg8[%add3A_37] : memref<320000xi32, #tpu.memory_space<hbm>> -> memref<80xi32, #tpu.memory_space<hbm>>
        tpu.wait_dma2 semaphore(%run_scoped3A : memref<!tpu.dma_semaphore, #tpu.memory_space<semaphore_mem>>) src(%dma_wait3A_81 : memref<80xi32, #tpu.memory_space<hbm>>) dst(%arg16 : memref<80xi32, #tpu.memory_space<vmem>>)
        tpu.yield
      }) : () -> ()
      %add3A_38 = arith.constant 0 : i32
      %add3A_39 = arith.addi %mul3A_15, %add3A_38 : i32
      "tpu.region"() ({
        %run_scoped3A = tpu.sem_alloc : memref<!tpu.dma_semaphore, #tpu.memory_space<semaphore_mem>>
        %dma_start3A_78 = arith.constant 0 : i32
        %dma_start3A_79 = arith.constant 0 : i32
        %dma_start3A_80 = tpu.memref_slice %arg22[%dma_start3A_78, %dma_start3A_79] : memref<80x128xf32, #tpu.memory_space<vmem>> -> memref<80x128xf32, #tpu.memory_space<vmem>>
        %dma_start3A_81 = arith.constant 0 : i32
        %dma_start3A_82 = tpu.memref_slice %arg6[%add3A_39, %dma_start3A_81] : memref<320000x128xf32, #tpu.memory_space<hbm>> -> memref<80x128xf32, #tpu.memory_space<hbm>>
        %dma_start3A_83 = arith.constant 0 : i32
        %dma_start3A_84 = arith.constant 0 : i32
        %dma_start3A_85 = tpu.memref_slice %arg22[%dma_start3A_83, %dma_start3A_84] : memref<80x128xf32, #tpu.memory_space<vmem>> -> memref<80x128xf32, #tpu.memory_space<vmem>>
        %dma_start3A_86 = arith.constant 0 : i32
        %dma_start3A_87 = tpu.memref_slice %arg6[%add3A_39, %dma_start3A_86] : memref<320000x128xf32, #tpu.memory_space<hbm>> -> memref<80x128xf32, #tpu.memory_space<hbm>>
        tpu.enqueue_dma source(%dma_start3A_87 : memref<80x128xf32, #tpu.memory_space<hbm>>) target(%dma_start3A_85 : memref<80x128xf32, #tpu.memory_space<vmem>>) target_semaphore(%run_scoped3A : memref<!tpu.dma_semaphore, #tpu.memory_space<semaphore_mem>>)
        %dma_wait3A_88 = arith.constant 0 : i32
        %dma_wait3A_89 = arith.constant 0 : i32
        %dma_wait3A_90 = tpu.memref_slice %arg22[%dma_wait3A_88, %dma_wait3A_89] : memref<80x128xf32, #tpu.memory_space<vmem>> -> memref<80x128xf32, #tpu.memory_space<vmem>>
        %dma_wait3A_91 = arith.constant 0 : i32
        %dma_wait3A_92 = tpu.memref_slice %arg6[%add3A_39, %dma_wait3A_91] : memref<320000x128xf32, #tpu.memory_space<hbm>> -> memref<80x128xf32, #tpu.memory_space<hbm>>
        %dma_wait3A_93 = arith.constant 0 : i32
        %dma_wait3A_94 = arith.constant 0 : i32
        %dma_wait3A_95 = tpu.memref_slice %arg22[%dma_wait3A_93, %dma_wait3A_94] : memref<80x128xf32, #tpu.memory_space<vmem>> -> memref<80x128xf32, #tpu.memory_space<vmem>>
        %dma_wait3A_96 = arith.constant 0 : i32
        %dma_wait3A_97 = tpu.memref_slice %arg6[%add3A_39, %dma_wait3A_96] : memref<320000x128xf32, #tpu.memory_space<hbm>> -> memref<80x128xf32, #tpu.memory_space<hbm>>
        tpu.wait_dma2 semaphore(%run_scoped3A : memref<!tpu.dma_semaphore, #tpu.memory_space<semaphore_mem>>) src(%dma_wait3A_97 : memref<80x128xf32, #tpu.memory_space<hbm>>) dst(%dma_wait3A_95 : memref<80x128xf32, #tpu.memory_space<vmem>>)
        tpu.yield
      }) : () -> ()
      %add3A_40 = arith.constant 80 : i32
      %add3A_41 = arith.addi %mul3A_15, %add3A_40 : i32
      %dma_start3A = tpu.memref_slice %arg8[%add3A_41] : memref<320000xi32, #tpu.memory_space<hbm>> -> memref<80xi32, #tpu.memory_space<hbm>>
      %dma_start3A_42 = tpu.memref_slice %arg8[%add3A_41] : memref<320000xi32, #tpu.memory_space<hbm>> -> memref<80xi32, #tpu.memory_space<hbm>>
      tpu.enqueue_dma source(%dma_start3A_42 : memref<80xi32, #tpu.memory_space<hbm>>) target(%arg17 : memref<80xi32, #tpu.memory_space<vmem>>) target_semaphore(%arg28 : memref<!tpu.dma_semaphore, #tpu.memory_space<semaphore_mem>>)
      %add3A_43 = arith.constant 80 : i32
      %add3A_44 = arith.addi %mul3A_15, %add3A_43 : i32
      %dma_start3A_45 = arith.constant 0 : i32
      %dma_start3A_46 = arith.constant 0 : i32
      %dma_start3A_47 = tpu.memref_slice %arg23[%dma_start3A_45, %dma_start3A_46] : memref<80x128xf32, #tpu.memory_space<vmem>> -> memref<80x128xf32, #tpu.memory_space<vmem>>
      %dma_start3A_48 = arith.constant 0 : i32
      %dma_start3A_49 = tpu.memref_slice %arg6[%add3A_44, %dma_start3A_48] : memref<320000x128xf32, #tpu.memory_space<hbm>> -> memref<80x128xf32, #tpu.memory_space<hbm>>
      %dma_start3A_50 = arith.constant 0 : i32
      %dma_start3A_51 = arith.constant 0 : i32
      %dma_start3A_52 = tpu.memref_slice %arg23[%dma_start3A_50, %dma_start3A_51] : memref<80x128xf32, #tpu.memory_space<vmem>> -> memref<80x128xf32, #tpu.memory_space<vmem>>
      %dma_start3A_53 = arith.constant 0 : i32
      %dma_start3A_54 = tpu.memref_slice %arg6[%add3A_44, %dma_start3A_53] : memref<320000x128xf32, #tpu.memory_space<hbm>> -> memref<80x128xf32, #tpu.memory_space<hbm>>
      tpu.enqueue_dma source(%dma_start3A_54 : memref<80x128xf32, #tpu.memory_space<hbm>>) target(%dma_start3A_52 : memref<80x128xf32, #tpu.memory_space<vmem>>) target_semaphore(%arg28 : memref<!tpu.dma_semaphore, #tpu.memory_space<semaphore_mem>>)
      %scan3A = arith.constant 0 : i32
      %scan3A_55 = arith.constant 0 : i32
      %scan3A_56 = arith.constant 84 : i32
      %scan3A_57 = arith.addi %scan3A_55, %scan3A_56 : i32
      %scan3A_58 = arith.constant 1 : i32
      %scan3A_59 = scf.for %scan3A_78 = %scan3A_55 to %scan3A_57 step %scan3A_58 iter_args(%scan3A_79 = %scan3A) -> (i32)  : i32 {
        %mul3A_80 = arith.constant 3 : i32
        %mul3A_81 = arith.muli %mul3A_80, %scan3A_78 : i32
        %add3A_82 = arith.constant 0 : i32
        %add3A_83 = arith.addi %mul3A_81, %add3A_82 : i32
        %lt3A = arith.constant 250 : i32
        %lt3A_84 = arith.cmpi slt, %add3A_83, %lt3A : i32
        %convert_element_type3A_85 = arith.extui %lt3A_84 : i1 to i32
        %cond3A_86 = arith.constant 0 : i32
        %cond3A_87 = arith.cmpi ne, %convert_element_type3A_85, %cond3A_86 : i32
        scf.if %cond3A_87 {
          %add3A_103 = arith.constant 0 : i32
          %add3A_104 = arith.addi %mul3A_81, %add3A_103 : i32
          %ge3A = arith.constant 1 : i32
          %ge3A_105 = arith.cmpi sge, %add3A_104, %ge3A : i32
          %convert_element_type3A_106 = arith.extui %ge3A_105 : i1 to i32
          %cond3A_107 = arith.constant 0 : i32
          %cond3A_108 = arith.cmpi ne, %convert_element_type3A_106, %cond3A_107 : i32
          scf.if %cond3A_108 {
            %mul3A_122 = arith.constant 80 : i32
            %mul3A_123 = arith.muli %add3A_104, %mul3A_122 : i32
            %add3A_124 = arith.addi %mul3A_15, %mul3A_123 : i32
            %dma_wait3A_125 = tpu.memref_slice %arg8[%add3A_124] : memref<320000xi32, #tpu.memory_space<hbm>> -> memref<80xi32, #tpu.memory_space<hbm>>
            %dma_wait3A_126 = tpu.memref_slice %arg8[%add3A_124] : memref<320000xi32, #tpu.memory_space<hbm>> -> memref<80xi32, #tpu.memory_space<hbm>>
            tpu.wait_dma2 semaphore(%arg27 : memref<!tpu.dma_semaphore, #tpu.memory_space<semaphore_mem>>) src(%dma_wait3A_126 : memref<80xi32, #tpu.memory_space<hbm>>) dst(%arg16 : memref<80xi32, #tpu.memory_space<vmem>>)
            %mul3A_127 = arith.constant 80 : i32
            %mul3A_128 = arith.muli %add3A_104, %mul3A_127 : i32
            %add3A_129 = arith.addi %mul3A_15, %mul3A_128 : i32
            %dma_wait3A_130 = arith.constant 0 : i32
            %dma_wait3A_131 = arith.constant 0 : i32
            %dma_wait3A_132 = tpu.memref_slice %arg22[%dma_wait3A_130, %dma_wait3A_131] : memref<80x128xf32, #tpu.memory_space<vmem>> -> memref<80x128xf32, #tpu.memory_space<vmem>>
            %dma_wait3A_133 = arith.constant 0 : i32
            %dma_wait3A_134 = tpu.memref_slice %arg6[%add3A_129, %dma_wait3A_133] : memref<320000x128xf32, #tpu.memory_space<hbm>> -> memref<80x128xf32, #tpu.memory_space<hbm>>
            %dma_wait3A_135 = arith.constant 0 : i32
            %dma_wait3A_136 = arith.constant 0 : i32
            %dma_wait3A_137 = tpu.memref_slice %arg22[%dma_wait3A_135, %dma_wait3A_136] : memref<80x128xf32, #tpu.memory_space<vmem>> -> memref<80x128xf32, #tpu.memory_space<vmem>>
            %dma_wait3A_138 = arith.constant 0 : i32
            %dma_wait3A_139 = tpu.memref_slice %arg6[%add3A_129, %dma_wait3A_138] : memref<320000x128xf32, #tpu.memory_space<hbm>> -> memref<80x128xf32, #tpu.memory_space<hbm>>
            tpu.wait_dma2 semaphore(%arg27 : memref<!tpu.dma_semaphore, #tpu.memory_space<semaphore_mem>>) src(%dma_wait3A_139 : memref<80x128xf32, #tpu.memory_space<hbm>>) dst(%dma_wait3A_137 : memref<80x128xf32, #tpu.memory_space<vmem>>)
          } else {
          }
          %dma_start3A_109 = arith.constant 0 : i32
          %dma_start3A_110 = arith.constant 0 : i32
          %dma_start3A_111 = tpu.memref_slice %arg22[%dma_start3A_109, %dma_start3A_110] : memref<80x128xf32, #tpu.memory_space<vmem>> -> memref<80x128xf32, #tpu.memory_space<vmem>>
          %dma_start3A_112 = arith.constant 0 : i32
          %dma_start3A_113 = arith.constant 0 : i32
          %dma_start3A_114 = tpu.memref_slice %arg24[%dma_start3A_112, %dma_start3A_113] : memref<10240x128xf32, #tpu.memory_space<vmem_shared>> -> memref<10240x128xf32, #tpu.memory_space<vmem_shared>>
          tpu.enqueue_indirect_dma source(%dma_start3A_111 : memref<80x128xf32, #tpu.memory_space<vmem>>) target(%dma_start3A_114 : memref<10240x128xf32, #tpu.memory_space<vmem_shared>>) offsets(%arg16 : memref<80xi32, #tpu.memory_space<vmem>>) semaphore(%arg29 : memref<!tpu.dma_semaphore, #tpu.memory_space<semaphore_mem>>) {add = true}
          %add3A_115 = arith.constant 2 : i32
          %add3A_116 = arith.addi %add3A_104, %add3A_115 : i32
          %lt3A_117 = arith.constant 250 : i32
          %lt3A_118 = arith.cmpi slt, %add3A_116, %lt3A_117 : i32
          %convert_element_type3A_119 = arith.extui %lt3A_118 : i1 to i32
          %cond3A_120 = arith.constant 0 : i32
          %cond3A_121 = arith.cmpi ne, %convert_element_type3A_119, %cond3A_120 : i32
          scf.if %cond3A_121 {
            %ge3A_122 = arith.constant 1 : i32
            %ge3A_123 = arith.cmpi sge, %add3A_104, %ge3A_122 : i32
            %convert_element_type3A_124 = arith.extui %ge3A_123 : i1 to i32
            %cond3A_125 = arith.constant 0 : i32
            %cond3A_126 = arith.cmpi ne, %convert_element_type3A_124, %cond3A_125 : i32
            scf.if %cond3A_126 {
              %dma_wait3A_149 = arith.constant 0 : i32
              %dma_wait3A_150 = arith.constant 0 : i32
              %dma_wait3A_151 = tpu.memref_slice %arg20[%dma_wait3A_149, %dma_wait3A_150] : memref<80x128xf32, #tpu.memory_space<vmem>> -> memref<80x128xf32, #tpu.memory_space<vmem>>
              %dma_wait3A_152 = arith.constant 0 : i32
              %dma_wait3A_153 = arith.constant 0 : i32
              %dma_wait3A_154 = tpu.memref_slice %arg24[%dma_wait3A_152, %dma_wait3A_153] : memref<10240x128xf32, #tpu.memory_space<vmem_shared>> -> memref<10240x128xf32, #tpu.memory_space<vmem_shared>>
              tpu.wait_indirect_dma semaphore(%arg26 : memref<!tpu.dma_semaphore, #tpu.memory_space<semaphore_mem>>) src(%dma_wait3A_151 : memref<80x128xf32, #tpu.memory_space<vmem>>) dst(%dma_wait3A_154 : memref<10240x128xf32, #tpu.memory_space<vmem_shared>>)
            } else {
            }
            %add3A_127 = arith.constant 2 : i32
            %add3A_128 = arith.addi %add3A_104, %add3A_127 : i32
            %mul3A_129 = arith.constant 80 : i32
            %mul3A_130 = arith.muli %add3A_128, %mul3A_129 : i32
            %add3A_131 = arith.addi %mul3A_15, %mul3A_130 : i32
            %dma_start3A_132 = tpu.memref_slice %arg8[%add3A_131] : memref<320000xi32, #tpu.memory_space<hbm>> -> memref<80xi32, #tpu.memory_space<hbm>>
            %dma_start3A_133 = tpu.memref_slice %arg8[%add3A_131] : memref<320000xi32, #tpu.memory_space<hbm>> -> memref<80xi32, #tpu.memory_space<hbm>>
            tpu.enqueue_dma source(%dma_start3A_133 : memref<80xi32, #tpu.memory_space<hbm>>) target(%arg14 : memref<80xi32, #tpu.memory_space<vmem>>) target_semaphore(%arg25 : memref<!tpu.dma_semaphore, #tpu.memory_space<semaphore_mem>>)
            %add3A_134 = arith.constant 2 : i32
            %add3A_135 = arith.addi %add3A_104, %add3A_134 : i32
            %mul3A_136 = arith.constant 80 : i32
            %mul3A_137 = arith.muli %add3A_135, %mul3A_136 : i32
            %add3A_138 = arith.addi %mul3A_15, %mul3A_137 : i32
            %dma_start3A_139 = arith.constant 0 : i32
            %dma_start3A_140 = arith.constant 0 : i32
            %dma_start3A_141 = tpu.memref_slice %arg20[%dma_start3A_139, %dma_start3A_140] : memref<80x128xf32, #tpu.memory_space<vmem>> -> memref<80x128xf32, #tpu.memory_space<vmem>>
            %dma_start3A_142 = arith.constant 0 : i32
            %dma_start3A_143 = tpu.memref_slice %arg6[%add3A_138, %dma_start3A_142] : memref<320000x128xf32, #tpu.memory_space<hbm>> -> memref<80x128xf32, #tpu.memory_space<hbm>>
            %dma_start3A_144 = arith.constant 0 : i32
            %dma_start3A_145 = arith.constant 0 : i32
            %dma_start3A_146 = tpu.memref_slice %arg20[%dma_start3A_144, %dma_start3A_145] : memref<80x128xf32, #tpu.memory_space<vmem>> -> memref<80x128xf32, #tpu.memory_space<vmem>>
            %dma_start3A_147 = arith.constant 0 : i32
            %dma_start3A_148 = tpu.memref_slice %arg6[%add3A_138, %dma_start3A_147] : memref<320000x128xf32, #tpu.memory_space<hbm>> -> memref<80x128xf32, #tpu.memory_space<hbm>>
            tpu.enqueue_dma source(%dma_start3A_148 : memref<80x128xf32, #tpu.memory_space<hbm>>) target(%dma_start3A_146 : memref<80x128xf32, #tpu.memory_space<vmem>>) target_semaphore(%arg25 : memref<!tpu.dma_semaphore, #tpu.memory_space<semaphore_mem>>)
          } else {
          }
        } else {
        }
        %add3A_88 = arith.constant 1 : i32
        %add3A_89 = arith.addi %mul3A_81, %add3A_88 : i32
        %lt3A_90 = arith.constant 250 : i32
        %lt3A_91 = arith.cmpi slt, %add3A_89, %lt3A_90 : i32
        %convert_element_type3A_92 = arith.extui %lt3A_91 : i1 to i32
        %cond3A_93 = arith.constant 0 : i32
        %cond3A_94 = arith.cmpi ne, %convert_element_type3A_92, %cond3A_93 : i32
        scf.if %cond3A_94 {
          %add3A_103 = arith.constant 1 : i32
          %add3A_104 = arith.addi %mul3A_81, %add3A_103 : i32
          %ge3A = arith.constant 1 : i32
          %ge3A_105 = arith.cmpi sge, %add3A_104, %ge3A : i32
          %convert_element_type3A_106 = arith.extui %ge3A_105 : i1 to i32
          %cond3A_107 = arith.constant 0 : i32
          %cond3A_108 = arith.cmpi ne, %convert_element_type3A_106, %cond3A_107 : i32
          scf.if %cond3A_108 {
            %mul3A_122 = arith.constant 80 : i32
            %mul3A_123 = arith.muli %add3A_104, %mul3A_122 : i32
            %add3A_124 = arith.addi %mul3A_15, %mul3A_123 : i32
            %dma_wait3A_125 = tpu.memref_slice %arg8[%add3A_124] : memref<320000xi32, #tpu.memory_space<hbm>> -> memref<80xi32, #tpu.memory_space<hbm>>
            %dma_wait3A_126 = tpu.memref_slice %arg8[%add3A_124] : memref<320000xi32, #tpu.memory_space<hbm>> -> memref<80xi32, #tpu.memory_space<hbm>>
            tpu.wait_dma2 semaphore(%arg28 : memref<!tpu.dma_semaphore, #tpu.memory_space<semaphore_mem>>) src(%dma_wait3A_126 : memref<80xi32, #tpu.memory_space<hbm>>) dst(%arg17 : memref<80xi32, #tpu.memory_space<vmem>>)
            %mul3A_127 = arith.constant 80 : i32
            %mul3A_128 = arith.muli %add3A_104, %mul3A_127 : i32
            %add3A_129 = arith.addi %mul3A_15, %mul3A_128 : i32
            %dma_wait3A_130 = arith.constant 0 : i32
            %dma_wait3A_131 = arith.constant 0 : i32
            %dma_wait3A_132 = tpu.memref_slice %arg23[%dma_wait3A_130, %dma_wait3A_131] : memref<80x128xf32, #tpu.memory_space<vmem>> -> memref<80x128xf32, #tpu.memory_space<vmem>>
            %dma_wait3A_133 = arith.constant 0 : i32
            %dma_wait3A_134 = tpu.memref_slice %arg6[%add3A_129, %dma_wait3A_133] : memref<320000x128xf32, #tpu.memory_space<hbm>> -> memref<80x128xf32, #tpu.memory_space<hbm>>
            %dma_wait3A_135 = arith.constant 0 : i32
            %dma_wait3A_136 = arith.constant 0 : i32
            %dma_wait3A_137 = tpu.memref_slice %arg23[%dma_wait3A_135, %dma_wait3A_136] : memref<80x128xf32, #tpu.memory_space<vmem>> -> memref<80x128xf32, #tpu.memory_space<vmem>>
            %dma_wait3A_138 = arith.constant 0 : i32
            %dma_wait3A_139 = tpu.memref_slice %arg6[%add3A_129, %dma_wait3A_138] : memref<320000x128xf32, #tpu.memory_space<hbm>> -> memref<80x128xf32, #tpu.memory_space<hbm>>
            tpu.wait_dma2 semaphore(%arg28 : memref<!tpu.dma_semaphore, #tpu.memory_space<semaphore_mem>>) src(%dma_wait3A_139 : memref<80x128xf32, #tpu.memory_space<hbm>>) dst(%dma_wait3A_137 : memref<80x128xf32, #tpu.memory_space<vmem>>)
          } else {
          }
          %dma_start3A_109 = arith.constant 0 : i32
          %dma_start3A_110 = arith.constant 0 : i32
          %dma_start3A_111 = tpu.memref_slice %arg23[%dma_start3A_109, %dma_start3A_110] : memref<80x128xf32, #tpu.memory_space<vmem>> -> memref<80x128xf32, #tpu.memory_space<vmem>>
          %dma_start3A_112 = arith.constant 0 : i32
          %dma_start3A_113 = arith.constant 0 : i32
          %dma_start3A_114 = tpu.memref_slice %arg24[%dma_start3A_112, %dma_start3A_113] : memref<10240x128xf32, #tpu.memory_space<vmem_shared>> -> memref<10240x128xf32, #tpu.memory_space<vmem_shared>>
          tpu.enqueue_indirect_dma source(%dma_start3A_111 : memref<80x128xf32, #tpu.memory_space<vmem>>) target(%dma_start3A_114 : memref<10240x128xf32, #tpu.memory_space<vmem_shared>>) offsets(%arg17 : memref<80xi32, #tpu.memory_space<vmem>>) semaphore(%arg30 : memref<!tpu.dma_semaphore, #tpu.memory_space<semaphore_mem>>) {add = true}
          %add3A_115 = arith.constant 2 : i32
          %add3A_116 = arith.addi %add3A_104, %add3A_115 : i32
          %lt3A_117 = arith.constant 250 : i32
          %lt3A_118 = arith.cmpi slt, %add3A_116, %lt3A_117 : i32
          %convert_element_type3A_119 = arith.extui %lt3A_118 : i1 to i32
          %cond3A_120 = arith.constant 0 : i32
          %cond3A_121 = arith.cmpi ne, %convert_element_type3A_119, %cond3A_120 : i32
          scf.if %cond3A_121 {
            %ge3A_122 = arith.constant 1 : i32
            %ge3A_123 = arith.cmpi sge, %add3A_104, %ge3A_122 : i32
            %convert_element_type3A_124 = arith.extui %ge3A_123 : i1 to i32
            %cond3A_125 = arith.constant 0 : i32
            %cond3A_126 = arith.cmpi ne, %convert_element_type3A_124, %cond3A_125 : i32
            scf.if %cond3A_126 {
              %dma_wait3A_149 = arith.constant 0 : i32
              %dma_wait3A_150 = arith.constant 0 : i32
              %dma_wait3A_151 = tpu.memref_slice %arg22[%dma_wait3A_149, %dma_wait3A_150] : memref<80x128xf32, #tpu.memory_space<vmem>> -> memref<80x128xf32, #tpu.memory_space<vmem>>
              %dma_wait3A_152 = arith.constant 0 : i32
              %dma_wait3A_153 = arith.constant 0 : i32
              %dma_wait3A_154 = tpu.memref_slice %arg24[%dma_wait3A_152, %dma_wait3A_153] : memref<10240x128xf32, #tpu.memory_space<vmem_shared>> -> memref<10240x128xf32, #tpu.memory_space<vmem_shared>>
              tpu.wait_indirect_dma semaphore(%arg29 : memref<!tpu.dma_semaphore, #tpu.memory_space<semaphore_mem>>) src(%dma_wait3A_151 : memref<80x128xf32, #tpu.memory_space<vmem>>) dst(%dma_wait3A_154 : memref<10240x128xf32, #tpu.memory_space<vmem_shared>>)
            } else {
            }
            %add3A_127 = arith.constant 2 : i32
            %add3A_128 = arith.addi %add3A_104, %add3A_127 : i32
            %mul3A_129 = arith.constant 80 : i32
            %mul3A_130 = arith.muli %add3A_128, %mul3A_129 : i32
            %add3A_131 = arith.addi %mul3A_15, %mul3A_130 : i32
            %dma_start3A_132 = tpu.memref_slice %arg8[%add3A_131] : memref<320000xi32, #tpu.memory_space<hbm>> -> memref<80xi32, #tpu.memory_space<hbm>>
            %dma_start3A_133 = tpu.memref_slice %arg8[%add3A_131] : memref<320000xi32, #tpu.memory_space<hbm>> -> memref<80xi32, #tpu.memory_space<hbm>>
            tpu.enqueue_dma source(%dma_start3A_133 : memref<80xi32, #tpu.memory_space<hbm>>) target(%arg16 : memref<80xi32, #tpu.memory_space<vmem>>) target_semaphore(%arg27 : memref<!tpu.dma_semaphore, #tpu.memory_space<semaphore_mem>>)
            %add3A_134 = arith.constant 2 : i32
            %add3A_135 = arith.addi %add3A_104, %add3A_134 : i32
            %mul3A_136 = arith.constant 80 : i32
            %mul3A_137 = arith.muli %add3A_135, %mul3A_136 : i32
            %add3A_138 = arith.addi %mul3A_15, %mul3A_137 : i32
            %dma_start3A_139 = arith.constant 0 : i32
            %dma_start3A_140 = arith.constant 0 : i32
            %dma_start3A_141 = tpu.memref_slice %arg22[%dma_start3A_139, %dma_start3A_140] : memref<80x128xf32, #tpu.memory_space<vmem>> -> memref<80x128xf32, #tpu.memory_space<vmem>>
            %dma_start3A_142 = arith.constant 0 : i32
            %dma_start3A_143 = tpu.memref_slice %arg6[%add3A_138, %dma_start3A_142] : memref<320000x128xf32, #tpu.memory_space<hbm>> -> memref<80x128xf32, #tpu.memory_space<hbm>>
            %dma_start3A_144 = arith.constant 0 : i32
            %dma_start3A_145 = arith.constant 0 : i32
            %dma_start3A_146 = tpu.memref_slice %arg22[%dma_start3A_144, %dma_start3A_145] : memref<80x128xf32, #tpu.memory_space<vmem>> -> memref<80x128xf32, #tpu.memory_space<vmem>>
            %dma_start3A_147 = arith.constant 0 : i32
            %dma_start3A_148 = tpu.memref_slice %arg6[%add3A_138, %dma_start3A_147] : memref<320000x128xf32, #tpu.memory_space<hbm>> -> memref<80x128xf32, #tpu.memory_space<hbm>>
            tpu.enqueue_dma source(%dma_start3A_148 : memref<80x128xf32, #tpu.memory_space<hbm>>) target(%dma_start3A_146 : memref<80x128xf32, #tpu.memory_space<vmem>>) target_semaphore(%arg27 : memref<!tpu.dma_semaphore, #tpu.memory_space<semaphore_mem>>)
          } else {
          }
        } else {
        }
        %add3A_95 = arith.constant 2 : i32
        %add3A_96 = arith.addi %mul3A_81, %add3A_95 : i32
        %lt3A_97 = arith.constant 250 : i32
        %lt3A_98 = arith.cmpi slt, %add3A_96, %lt3A_97 : i32
        %convert_element_type3A_99 = arith.extui %lt3A_98 : i1 to i32
        %cond3A_100 = arith.constant 0 : i32
        %cond3A_101 = arith.cmpi ne, %convert_element_type3A_99, %cond3A_100 : i32
        scf.if %cond3A_101 {
          %add3A_103 = arith.constant 2 : i32
          %add3A_104 = arith.addi %mul3A_81, %add3A_103 : i32
          %ge3A = arith.constant 1 : i32
          %ge3A_105 = arith.cmpi sge, %add3A_104, %ge3A : i32
          %convert_element_type3A_106 = arith.extui %ge3A_105 : i1 to i32
          %cond3A_107 = arith.constant 0 : i32
          %cond3A_108 = arith.cmpi ne, %convert_element_type3A_106, %cond3A_107 : i32
          scf.if %cond3A_108 {
            %mul3A_122 = arith.constant 80 : i32
            %mul3A_123 = arith.muli %add3A_104, %mul3A_122 : i32
            %add3A_124 = arith.addi %mul3A_15, %mul3A_123 : i32
            %dma_wait3A_125 = tpu.memref_slice %arg8[%add3A_124] : memref<320000xi32, #tpu.memory_space<hbm>> -> memref<80xi32, #tpu.memory_space<hbm>>
            %dma_wait3A_126 = tpu.memref_slice %arg8[%add3A_124] : memref<320000xi32, #tpu.memory_space<hbm>> -> memref<80xi32, #tpu.memory_space<hbm>>
            tpu.wait_dma2 semaphore(%arg25 : memref<!tpu.dma_semaphore, #tpu.memory_space<semaphore_mem>>) src(%dma_wait3A_126 : memref<80xi32, #tpu.memory_space<hbm>>) dst(%arg14 : memref<80xi32, #tpu.memory_space<vmem>>)
            %mul3A_127 = arith.constant 80 : i32
            %mul3A_128 = arith.muli %add3A_104, %mul3A_127 : i32
            %add3A_129 = arith.addi %mul3A_15, %mul3A_128 : i32
            %dma_wait3A_130 = arith.constant 0 : i32
            %dma_wait3A_131 = arith.constant 0 : i32
            %dma_wait3A_132 = tpu.memref_slice %arg20[%dma_wait3A_130, %dma_wait3A_131] : memref<80x128xf32, #tpu.memory_space<vmem>> -> memref<80x128xf32, #tpu.memory_space<vmem>>
            %dma_wait3A_133 = arith.constant 0 : i32
            %dma_wait3A_134 = tpu.memref_slice %arg6[%add3A_129, %dma_wait3A_133] : memref<320000x128xf32, #tpu.memory_space<hbm>> -> memref<80x128xf32, #tpu.memory_space<hbm>>
            %dma_wait3A_135 = arith.constant 0 : i32
            %dma_wait3A_136 = arith.constant 0 : i32
            %dma_wait3A_137 = tpu.memref_slice %arg20[%dma_wait3A_135, %dma_wait3A_136] : memref<80x128xf32, #tpu.memory_space<vmem>> -> memref<80x128xf32, #tpu.memory_space<vmem>>
            %dma_wait3A_138 = arith.constant 0 : i32
            %dma_wait3A_139 = tpu.memref_slice %arg6[%add3A_129, %dma_wait3A_138] : memref<320000x128xf32, #tpu.memory_space<hbm>> -> memref<80x128xf32, #tpu.memory_space<hbm>>
            tpu.wait_dma2 semaphore(%arg25 : memref<!tpu.dma_semaphore, #tpu.memory_space<semaphore_mem>>) src(%dma_wait3A_139 : memref<80x128xf32, #tpu.memory_space<hbm>>) dst(%dma_wait3A_137 : memref<80x128xf32, #tpu.memory_space<vmem>>)
          } else {
          }
          %dma_start3A_109 = arith.constant 0 : i32
          %dma_start3A_110 = arith.constant 0 : i32
          %dma_start3A_111 = tpu.memref_slice %arg20[%dma_start3A_109, %dma_start3A_110] : memref<80x128xf32, #tpu.memory_space<vmem>> -> memref<80x128xf32, #tpu.memory_space<vmem>>
          %dma_start3A_112 = arith.constant 0 : i32
          %dma_start3A_113 = arith.constant 0 : i32
          %dma_start3A_114 = tpu.memref_slice %arg24[%dma_start3A_112, %dma_start3A_113] : memref<10240x128xf32, #tpu.memory_space<vmem_shared>> -> memref<10240x128xf32, #tpu.memory_space<vmem_shared>>
          tpu.enqueue_indirect_dma source(%dma_start3A_111 : memref<80x128xf32, #tpu.memory_space<vmem>>) target(%dma_start3A_114 : memref<10240x128xf32, #tpu.memory_space<vmem_shared>>) offsets(%arg14 : memref<80xi32, #tpu.memory_space<vmem>>) semaphore(%arg26 : memref<!tpu.dma_semaphore, #tpu.memory_space<semaphore_mem>>) {add = true}
          %add3A_115 = arith.constant 2 : i32
          %add3A_116 = arith.addi %add3A_104, %add3A_115 : i32
          %lt3A_117 = arith.constant 250 : i32
          %lt3A_118 = arith.cmpi slt, %add3A_116, %lt3A_117 : i32
          %convert_element_type3A_119 = arith.extui %lt3A_118 : i1 to i32
          %cond3A_120 = arith.constant 0 : i32
          %cond3A_121 = arith.cmpi ne, %convert_element_type3A_119, %cond3A_120 : i32
          scf.if %cond3A_121 {
            %ge3A_122 = arith.constant 1 : i32
            %ge3A_123 = arith.cmpi sge, %add3A_104, %ge3A_122 : i32
            %convert_element_type3A_124 = arith.extui %ge3A_123 : i1 to i32
            %cond3A_125 = arith.constant 0 : i32
            %cond3A_126 = arith.cmpi ne, %convert_element_type3A_124, %cond3A_125 : i32
            scf.if %cond3A_126 {
              %dma_wait3A_149 = arith.constant 0 : i32
              %dma_wait3A_150 = arith.constant 0 : i32
              %dma_wait3A_151 = tpu.memref_slice %arg23[%dma_wait3A_149, %dma_wait3A_150] : memref<80x128xf32, #tpu.memory_space<vmem>> -> memref<80x128xf32, #tpu.memory_space<vmem>>
              %dma_wait3A_152 = arith.constant 0 : i32
              %dma_wait3A_153 = arith.constant 0 : i32
              %dma_wait3A_154 = tpu.memref_slice %arg24[%dma_wait3A_152, %dma_wait3A_153] : memref<10240x128xf32, #tpu.memory_space<vmem_shared>> -> memref<10240x128xf32, #tpu.memory_space<vmem_shared>>
              tpu.wait_indirect_dma semaphore(%arg30 : memref<!tpu.dma_semaphore, #tpu.memory_space<semaphore_mem>>) src(%dma_wait3A_151 : memref<80x128xf32, #tpu.memory_space<vmem>>) dst(%dma_wait3A_154 : memref<10240x128xf32, #tpu.memory_space<vmem_shared>>)
            } else {
            }
            %add3A_127 = arith.constant 2 : i32
            %add3A_128 = arith.addi %add3A_104, %add3A_127 : i32
            %mul3A_129 = arith.constant 80 : i32
            %mul3A_130 = arith.muli %add3A_128, %mul3A_129 : i32
            %add3A_131 = arith.addi %mul3A_15, %mul3A_130 : i32
            %dma_start3A_132 = tpu.memref_slice %arg8[%add3A_131] : memref<320000xi32, #tpu.memory_space<hbm>> -> memref<80xi32, #tpu.memory_space<hbm>>
            %dma_start3A_133 = tpu.memref_slice %arg8[%add3A_131] : memref<320000xi32, #tpu.memory_space<hbm>> -> memref<80xi32, #tpu.memory_space<hbm>>
            tpu.enqueue_dma source(%dma_start3A_133 : memref<80xi32, #tpu.memory_space<hbm>>) target(%arg17 : memref<80xi32, #tpu.memory_space<vmem>>) target_semaphore(%arg28 : memref<!tpu.dma_semaphore, #tpu.memory_space<semaphore_mem>>)
            %add3A_134 = arith.constant 2 : i32
            %add3A_135 = arith.addi %add3A_104, %add3A_134 : i32
            %mul3A_136 = arith.constant 80 : i32
            %mul3A_137 = arith.muli %add3A_135, %mul3A_136 : i32
            %add3A_138 = arith.addi %mul3A_15, %mul3A_137 : i32
            %dma_start3A_139 = arith.constant 0 : i32
            %dma_start3A_140 = arith.constant 0 : i32
            %dma_start3A_141 = tpu.memref_slice %arg23[%dma_start3A_139, %dma_start3A_140] : memref<80x128xf32, #tpu.memory_space<vmem>> -> memref<80x128xf32, #tpu.memory_space<vmem>>
            %dma_start3A_142 = arith.constant 0 : i32
            %dma_start3A_143 = tpu.memref_slice %arg6[%add3A_138, %dma_start3A_142] : memref<320000x128xf32, #tpu.memory_space<hbm>> -> memref<80x128xf32, #tpu.memory_space<hbm>>
            %dma_start3A_144 = arith.constant 0 : i32
            %dma_start3A_145 = arith.constant 0 : i32
            %dma_start3A_146 = tpu.memref_slice %arg23[%dma_start3A_144, %dma_start3A_145] : memref<80x128xf32, #tpu.memory_space<vmem>> -> memref<80x128xf32, #tpu.memory_space<vmem>>
            %dma_start3A_147 = arith.constant 0 : i32
            %dma_start3A_148 = tpu.memref_slice %arg6[%add3A_138, %dma_start3A_147] : memref<320000x128xf32, #tpu.memory_space<hbm>> -> memref<80x128xf32, #tpu.memory_space<hbm>>
            tpu.enqueue_dma source(%dma_start3A_148 : memref<80x128xf32, #tpu.memory_space<hbm>>) target(%dma_start3A_146 : memref<80x128xf32, #tpu.memory_space<vmem>>) target_semaphore(%arg28 : memref<!tpu.dma_semaphore, #tpu.memory_space<semaphore_mem>>)
          } else {
          }
        } else {
        }
        %scan3A_102 = arith.constant 0 : i32
        scf.yield %scan3A_102 : i32
      }
      %scan3A_60 = arith.constant 84 : i32
      %dma_wait3A = arith.constant 0 : i32
      %dma_wait3A_61 = arith.constant 0 : i32
      %dma_wait3A_62 = tpu.memref_slice %arg22[%dma_wait3A, %dma_wait3A_61] : memref<80x128xf32, #tpu.memory_space<vmem>> -> memref<80x128xf32, #tpu.memory_space<vmem>>
      %dma_wait3A_63 = arith.constant 0 : i32
      %dma_wait3A_64 = arith.constant 0 : i32
      %dma_wait3A_65 = tpu.memref_slice %arg24[%dma_wait3A_63, %dma_wait3A_64] : memref<10240x128xf32, #tpu.memory_space<vmem_shared>> -> memref<10240x128xf32, #tpu.memory_space<vmem_shared>>
      tpu.wait_indirect_dma semaphore(%arg29 : memref<!tpu.dma_semaphore, #tpu.memory_space<semaphore_mem>>) src(%dma_wait3A_62 : memref<80x128xf32, #tpu.memory_space<vmem>>) dst(%dma_wait3A_65 : memref<10240x128xf32, #tpu.memory_space<vmem_shared>>)
      %dma_wait3A_66 = arith.constant 0 : i32
      %dma_wait3A_67 = arith.constant 0 : i32
      %dma_wait3A_68 = tpu.memref_slice %arg23[%dma_wait3A_66, %dma_wait3A_67] : memref<80x128xf32, #tpu.memory_space<vmem>> -> memref<80x128xf32, #tpu.memory_space<vmem>>
      %dma_wait3A_69 = arith.constant 0 : i32
      %dma_wait3A_70 = arith.constant 0 : i32
      %dma_wait3A_71 = tpu.memref_slice %arg24[%dma_wait3A_69, %dma_wait3A_70] : memref<10240x128xf32, #tpu.memory_space<vmem_shared>> -> memref<10240x128xf32, #tpu.memory_space<vmem_shared>>
      tpu.wait_indirect_dma semaphore(%arg30 : memref<!tpu.dma_semaphore, #tpu.memory_space<semaphore_mem>>) src(%dma_wait3A_68 : memref<80x128xf32, #tpu.memory_space<vmem>>) dst(%dma_wait3A_71 : memref<10240x128xf32, #tpu.memory_space<vmem_shared>>)
      %dma_wait3A_72 = arith.constant 0 : i32
      %dma_wait3A_73 = arith.constant 0 : i32
      %dma_wait3A_74 = tpu.memref_slice %arg20[%dma_wait3A_72, %dma_wait3A_73] : memref<80x128xf32, #tpu.memory_space<vmem>> -> memref<80x128xf32, #tpu.memory_space<vmem>>
      %dma_wait3A_75 = arith.constant 0 : i32
      %dma_wait3A_76 = arith.constant 0 : i32
      %dma_wait3A_77 = tpu.memref_slice %arg24[%dma_wait3A_75, %dma_wait3A_76] : memref<10240x128xf32, #tpu.memory_space<vmem_shared>> -> memref<10240x128xf32, #tpu.memory_space<vmem_shared>>
      tpu.wait_indirect_dma semaphore(%arg26 : memref<!tpu.dma_semaphore, #tpu.memory_space<semaphore_mem>>) src(%dma_wait3A_74 : memref<80x128xf32, #tpu.memory_space<vmem>>) dst(%dma_wait3A_77 : memref<10240x128xf32, #tpu.memory_space<vmem_shared>>)
    } else {
    }
    %barrier3A_26 = arith.constant 0 : index
    tpu.barrier barrier_id(%barrier3A_26)
    %eq3A_27 = arith.constant 0 : i32
    %eq3A_28 = arith.cmpi eq, %arg0, %eq3A_27 : i32
    %convert_element_type3A_29 = arith.extui %eq3A_28 : i1 to i32
    %cond3A_30 = arith.constant 0 : i32
    %cond3A_31 = arith.cmpi ne, %convert_element_type3A_29, %cond3A_30 : i32
    scf.if %cond3A_31 {
      %mul3A_37 = arith.constant 640 : i32
      %mul3A_38 = arith.muli %arg1, %mul3A_37 : i32
      "tpu.region"() ({
        %run_scoped3A = tpu.sem_alloc : memref<!tpu.dma_semaphore, #tpu.memory_space<semaphore_mem>>
        %dma_start3A = arith.constant 0 : i32
        %dma_start3A_39 = tpu.memref_slice %arg12[%mul3A_38, %dma_start3A] : memref<10240x128xf32, #tpu.memory_space<hbm>> -> memref<640x128xf32, #tpu.memory_space<hbm>>
        %dma_start3A_40 = arith.constant 0 : i32
        %dma_start3A_41 = tpu.memref_slice %arg24[%mul3A_38, %dma_start3A_40] : memref<10240x128xf32, #tpu.memory_space<vmem_shared>> -> memref<640x128xf32, #tpu.memory_space<vmem_shared>>
        tpu.enqueue_dma source(%dma_start3A_41 : memref<640x128xf32, #tpu.memory_space<vmem_shared>>) target(%dma_start3A_39 : memref<640x128xf32, #tpu.memory_space<hbm>>) target_semaphore(%run_scoped3A : memref<!tpu.dma_semaphore, #tpu.memory_space<semaphore_mem>>)
        %dma_wait3A = arith.constant 0 : i32
        %dma_wait3A_42 = tpu.memref_slice %arg12[%mul3A_38, %dma_wait3A] : memref<10240x128xf32, #tpu.memory_space<hbm>> -> memref<640x128xf32, #tpu.memory_space<hbm>>
        %dma_wait3A_43 = arith.constant 0 : i32
        %dma_wait3A_44 = tpu.memref_slice %arg24[%mul3A_38, %dma_wait3A_43] : memref<10240x128xf32, #tpu.memory_space<vmem_shared>> -> memref<640x128xf32, #tpu.memory_space<vmem_shared>>
        tpu.wait_dma2 semaphore(%run_scoped3A : memref<!tpu.dma_semaphore, #tpu.memory_space<semaphore_mem>>) src(%dma_wait3A_44 : memref<640x128xf32, #tpu.memory_space<vmem_shared>>) dst(%dma_wait3A_42 : memref<640x128xf32, #tpu.memory_space<hbm>>)
        tpu.yield
      }) : () -> ()
    } else {
    }
    %eq3A_32 = arith.constant 1 : i32
    %eq3A_33 = arith.cmpi eq, %arg0, %eq3A_32 : i32
    %convert_element_type3A_34 = arith.extui %eq3A_33 : i1 to i32
    %cond3A_35 = arith.constant 0 : i32
    %cond3A_36 = arith.cmpi ne, %convert_element_type3A_34, %cond3A_35 : i32
    scf.if %cond3A_36 {
      %mul3A_37 = arith.constant 640 : i32
      %mul3A_38 = arith.muli %arg1, %mul3A_37 : i32
      "tpu.region"() ({
        %run_scoped3A = tpu.sem_alloc : memref<!tpu.dma_semaphore, #tpu.memory_space<semaphore_mem>>
        %dma_start3A = arith.constant 0 : i32
        %dma_start3A_39 = tpu.memref_slice %arg13[%mul3A_38, %dma_start3A] : memref<10240x128xf32, #tpu.memory_space<hbm>> -> memref<640x128xf32, #tpu.memory_space<hbm>>
        %dma_start3A_40 = arith.constant 0 : i32
        %dma_start3A_41 = tpu.memref_slice %arg24[%mul3A_38, %dma_start3A_40] : memref<10240x128xf32, #tpu.memory_space<vmem_shared>> -> memref<640x128xf32, #tpu.memory_space<vmem_shared>>
        tpu.enqueue_dma source(%dma_start3A_41 : memref<640x128xf32, #tpu.memory_space<vmem_shared>>) target(%dma_start3A_39 : memref<640x128xf32, #tpu.memory_space<hbm>>) target_semaphore(%run_scoped3A : memref<!tpu.dma_semaphore, #tpu.memory_space<semaphore_mem>>)
        %dma_wait3A = arith.constant 0 : i32
        %dma_wait3A_42 = tpu.memref_slice %arg13[%mul3A_38, %dma_wait3A] : memref<10240x128xf32, #tpu.memory_space<hbm>> -> memref<640x128xf32, #tpu.memory_space<hbm>>
        %dma_wait3A_43 = arith.constant 0 : i32
        %dma_wait3A_44 = tpu.memref_slice %arg24[%mul3A_38, %dma_wait3A_43] : memref<10240x128xf32, #tpu.memory_space<vmem_shared>> -> memref<640x128xf32, #tpu.memory_space<vmem_shared>>
        tpu.wait_dma2 semaphore(%run_scoped3A : memref<!tpu.dma_semaphore, #tpu.memory_space<semaphore_mem>>) src(%dma_wait3A_44 : memref<640x128xf32, #tpu.memory_space<vmem_shared>>) dst(%dma_wait3A_42 : memref<640x128xf32, #tpu.memory_space<hbm>>)
        tpu.yield
      }) : () -> ()
    } else {
    }
    return
  }
}

module attributes {stable_mosaic.version = 14 : i64} {
  func.func @_node_mlp_body(%arg0: i32, %arg1: memref<2000x128xf32, #tpu.memory_space<vmem>>, %arg2: memref<2000x128xf32, #tpu.memory_space<vmem>>, %arg3: memref<128x64xf32, #tpu.memory_space<vmem>>, %arg4: memref<64x64xf32, #tpu.memory_space<vmem>>, %arg5: memref<64x128xf32, #tpu.memory_space<vmem>>, %arg6: memref<128x64xf32, #tpu.memory_space<vmem>>, %arg7: memref<64xf32, #tpu.memory_space<vmem>>, %arg8: memref<64x64xf32, #tpu.memory_space<vmem>>, %arg9: memref<64xf32, #tpu.memory_space<vmem>>, %arg10: memref<64x128xf32, #tpu.memory_space<vmem>>, %arg11: memref<128xf32, #tpu.memory_space<vmem>>, %arg12: memref<2000x128xf32, #tpu.memory_space<vmem>>, %arg13: memref<2000x128xf32, #tpu.memory_space<vmem>>) attributes {dimension_semantics = [#tpu.dimension_semantics<arbitrary>], iteration_bounds = array<i64: 5>, scalar_prefetch = 0 : i64, scratch_operands = 0 : i64, tpu.core_type = #tpu.core_type<tc>, window_params = [{transform_indices = @transform_0, window_bounds = array<i64: 2000, 128>}, {transform_indices = @transform_1, window_bounds = array<i64: 2000, 128>}, {pipeline_mode = #tpu.pipeline_mode<synchronous>, transform_indices = @transform_2, window_bounds = array<i64: 128, 64>}, {pipeline_mode = #tpu.pipeline_mode<synchronous>, transform_indices = @transform_3, window_bounds = array<i64: 64, 64>}, {pipeline_mode = #tpu.pipeline_mode<synchronous>, transform_indices = @transform_4, window_bounds = array<i64: 64, 128>}, {pipeline_mode = #tpu.pipeline_mode<synchronous>, transform_indices = @transform_5, window_bounds = array<i64: 128, 64>}, {pipeline_mode = #tpu.pipeline_mode<synchronous>, transform_indices = @transform_6, window_bounds = array<i64: 64>}, {pipeline_mode = #tpu.pipeline_mode<synchronous>, transform_indices = @transform_7, window_bounds = array<i64: 64, 64>}, {pipeline_mode = #tpu.pipeline_mode<synchronous>, transform_indices = @transform_8, window_bounds = array<i64: 64>}, {pipeline_mode = #tpu.pipeline_mode<synchronous>, transform_indices = @transform_9, window_bounds = array<i64: 64, 128>}, {pipeline_mode = #tpu.pipeline_mode<synchronous>, transform_indices = @transform_10, window_bounds = array<i64: 128>}, {transform_indices = @transform_11, window_bounds = array<i64: 2000, 128>}, {transform_indices = @transform_12, window_bounds = array<i64: 2000, 128>}]} {
    %get3A = arith.constant 0 : index
    %get3A_0 = arith.constant 0 : index
    %get3A_1 = vector.load %arg1[%get3A, %get3A_0] : memref<2000x128xf32, #tpu.memory_space<vmem>>, vector<2000x128xf32>
    %get3A_2 = arith.constant 0 : index
    %get3A_3 = arith.constant 0 : index
    %get3A_4 = vector.load %arg3[%get3A_2, %get3A_3] : memref<128x64xf32, #tpu.memory_space<vmem>>, vector<128x64xf32>
    %dot_general3A = arith.constant dense<0.000000e+00> : vector<2000x64xf32>
    %dot_general3A_5 = tpu.matmul %get3A_1, %get3A_4, %dot_general3A {dimension_numbers = #tpu.dot_dimension_numbers<[1], [0], [0], [1], [0, 0, 1, 1], [], []>, transpose_lhs_hint = false} : vector<2000x128xf32>, vector<128x64xf32>, vector<2000x64xf32> -> vector<2000x64xf32>
    %tanh3A = math.tanh %dot_general3A_5 : vector<2000x64xf32>
    %get3A_6 = arith.constant 0 : index
    %get3A_7 = arith.constant 0 : index
    %get3A_8 = vector.load %arg4[%get3A_6, %get3A_7] : memref<64x64xf32, #tpu.memory_space<vmem>>, vector<64x64xf32>
    %dot_general3A_9 = arith.constant dense<0.000000e+00> : vector<2000x64xf32>
    %dot_general3A_10 = tpu.matmul %tanh3A, %get3A_8, %dot_general3A_9 {dimension_numbers = #tpu.dot_dimension_numbers<[1], [0], [0], [1], [0, 0, 1, 1], [], []>, transpose_lhs_hint = false} : vector<2000x64xf32>, vector<64x64xf32>, vector<2000x64xf32> -> vector<2000x64xf32>
    %tanh3A_11 = math.tanh %dot_general3A_10 : vector<2000x64xf32>
    %get3A_12 = arith.constant 0 : index
    %get3A_13 = arith.constant 0 : index
    %get3A_14 = vector.load %arg5[%get3A_12, %get3A_13] : memref<64x128xf32, #tpu.memory_space<vmem>>, vector<64x128xf32>
    %dot_general3A_15 = arith.constant dense<0.000000e+00> : vector<2000x128xf32>
    %dot_general3A_16 = tpu.matmul %tanh3A_11, %get3A_14, %dot_general3A_15 {dimension_numbers = #tpu.dot_dimension_numbers<[1], [0], [0], [1], [0, 0, 1, 1], [], []>, transpose_lhs_hint = false} : vector<2000x64xf32>, vector<64x128xf32>, vector<2000x128xf32> -> vector<2000x128xf32>
    %swap3A = arith.constant 0 : index
    %swap3A_17 = arith.constant 0 : index
    %swap3A_18 = vector.load %arg12[%swap3A, %swap3A_17] : memref<2000x128xf32, #tpu.memory_space<vmem>>, vector<2000x128xf32>
    tpu.vector_store %arg12[%swap3A, %swap3A_17], %dot_general3A_16 {strides = array<i32>} : memref<2000x128xf32, #tpu.memory_space<vmem>>, vector<2000x128xf32>,
    %get3A_19 = arith.constant 0 : index
    %get3A_20 = arith.constant 0 : index
    %get3A_21 = vector.load %arg2[%get3A_19, %get3A_20] : memref<2000x128xf32, #tpu.memory_space<vmem>>, vector<2000x128xf32>
    %get3A_22 = arith.constant 0 : index
    %get3A_23 = arith.constant 0 : index
    %get3A_24 = vector.load %arg6[%get3A_22, %get3A_23] : memref<128x64xf32, #tpu.memory_space<vmem>>, vector<128x64xf32>
    %dot_general3A_25 = arith.constant dense<0.000000e+00> : vector<2000x64xf32>
    %dot_general3A_26 = tpu.matmul %get3A_21, %get3A_24, %dot_general3A_25 {dimension_numbers = #tpu.dot_dimension_numbers<[1], [0], [0], [1], [0, 0, 1, 1], [], []>, transpose_lhs_hint = false} : vector<2000x128xf32>, vector<128x64xf32>, vector<2000x64xf32> -> vector<2000x64xf32>
    %get3A_27 = arith.constant 0 : index
    %get3A_28 = vector.load %arg7[%get3A_27] : memref<64xf32, #tpu.memory_space<vmem>>, vector<64xf32>
    %broadcast_in_dim3A = vector.shape_cast %get3A_28 : vector<64xf32> to vector<1x64xf32>
    %add3A = vector.broadcast %broadcast_in_dim3A : vector<1x64xf32> to vector<2000x64xf32>
    %add3A_29 = arith.addf %dot_general3A_26, %add3A : vector<2000x64xf32>
    %tanh3A_30 = math.tanh %add3A_29 : vector<2000x64xf32>
    %get3A_31 = arith.constant 0 : index
    %get3A_32 = arith.constant 0 : index
    %get3A_33 = vector.load %arg8[%get3A_31, %get3A_32] : memref<64x64xf32, #tpu.memory_space<vmem>>, vector<64x64xf32>
    %dot_general3A_34 = arith.constant dense<0.000000e+00> : vector<2000x64xf32>
    %dot_general3A_35 = tpu.matmul %tanh3A_30, %get3A_33, %dot_general3A_34 {dimension_numbers = #tpu.dot_dimension_numbers<[1], [0], [0], [1], [0, 0, 1, 1], [], []>, transpose_lhs_hint = false} : vector<2000x64xf32>, vector<64x64xf32>, vector<2000x64xf32> -> vector<2000x64xf32>
    %get3A_36 = arith.constant 0 : index
    %get3A_37 = vector.load %arg9[%get3A_36] : memref<64xf32, #tpu.memory_space<vmem>>, vector<64xf32>
    %broadcast_in_dim3A_38 = vector.shape_cast %get3A_37 : vector<64xf32> to vector<1x64xf32>
    %add3A_39 = vector.broadcast %broadcast_in_dim3A_38 : vector<1x64xf32> to vector<2000x64xf32>
    %add3A_40 = arith.addf %dot_general3A_35, %add3A_39 : vector<2000x64xf32>
    %tanh3A_41 = math.tanh %add3A_40 : vector<2000x64xf32>
    %get3A_42 = arith.constant 0 : index
    %get3A_43 = arith.constant 0 : index
    %get3A_44 = vector.load %arg10[%get3A_42, %get3A_43] : memref<64x128xf32, #tpu.memory_space<vmem>>, vector<64x128xf32>
    %dot_general3A_45 = arith.constant dense<0.000000e+00> : vector<2000x128xf32>
    %dot_general3A_46 = tpu.matmul %tanh3A_41, %get3A_44, %dot_general3A_45 {dimension_numbers = #tpu.dot_dimension_numbers<[1], [0], [0], [1], [0, 0, 1, 1], [], []>, transpose_lhs_hint = false} : vector<2000x64xf32>, vector<64x128xf32>, vector<2000x128xf32> -> vector<2000x128xf32>
    %get3A_47 = arith.constant 0 : index
    %get3A_48 = vector.load %arg11[%get3A_47] : memref<128xf32, #tpu.memory_space<vmem>>, vector<128xf32>
    %broadcast_in_dim3A_49 = vector.shape_cast %get3A_48 : vector<128xf32> to vector<1x128xf32>
    %add3A_50 = vector.broadcast %broadcast_in_dim3A_49 : vector<1x128xf32> to vector<2000x128xf32>
    %add3A_51 = arith.addf %dot_general3A_46, %add3A_50 : vector<2000x128xf32>
    %swap3A_52 = arith.constant 0 : index
    %swap3A_53 = arith.constant 0 : index
    %swap3A_54 = vector.load %arg13[%swap3A_52, %swap3A_53] : memref<2000x128xf32, #tpu.memory_space<vmem>>, vector<2000x128xf32>
    tpu.vector_store %arg13[%swap3A_52, %swap3A_53], %add3A_51 {strides = array<i32>} : memref<2000x128xf32, #tpu.memory_space<vmem>>, vector<2000x128xf32>,
    return
  }
  func.func @transform_0(%arg0: i32) -> (i32, i32) {
    %c0_i32 = arith.constant 0 : i32
    %c0_i32_0 = arith.constant 0 : i32
    return %arg0, %c0_i32 : i32, i32
  }
  func.func @transform_1(%arg0: i32) -> (i32, i32) {
    %c0_i32 = arith.constant 0 : i32
    %c0_i32_0 = arith.constant 0 : i32
    return %arg0, %c0_i32 : i32, i32
  }
  func.func @transform_2(%arg0: i32) -> (i32, i32) {
    %c0_i32 = arith.constant 0 : i32
    %c0_i32_0 = arith.constant 0 : i32
    %c0_i32_1 = arith.constant 0 : i32
    return %c0_i32, %c0_i32_0 : i32, i32
  }
  func.func @transform_3(%arg0: i32) -> (i32, i32) {
    %c0_i32 = arith.constant 0 : i32
    %c0_i32_0 = arith.constant 0 : i32
    %c0_i32_1 = arith.constant 0 : i32
    return %c0_i32, %c0_i32_0 : i32, i32
  }
  func.func @transform_4(%arg0: i32) -> (i32, i32) {
    %c0_i32 = arith.constant 0 : i32
    %c0_i32_0 = arith.constant 0 : i32
    %c0_i32_1 = arith.constant 0 : i32
    return %c0_i32, %c0_i32_0 : i32, i32
  }
  func.func @transform_5(%arg0: i32) -> (i32, i32) {
    %c0_i32 = arith.constant 0 : i32
    %c0_i32_0 = arith.constant 0 : i32
    %c0_i32_1 = arith.constant 0 : i32
    return %c0_i32, %c0_i32_0 : i32, i32
  }
  func.func @transform_6(%arg0: i32) -> i32 {
    %c0_i32 = arith.constant 0 : i32
    %c0_i32_0 = arith.constant 0 : i32
    return %c0_i32 : i32
  }
  func.func @transform_7(%arg0: i32) -> (i32, i32) {
    %c0_i32 = arith.constant 0 : i32
    %c0_i32_0 = arith.constant 0 : i32
    %c0_i32_1 = arith.constant 0 : i32
    return %c0_i32, %c0_i32_0 : i32, i32
  }
  func.func @transform_8(%arg0: i32) -> i32 {
    %c0_i32 = arith.constant 0 : i32
    %c0_i32_0 = arith.constant 0 : i32
    return %c0_i32 : i32
  }
  func.func @transform_9(%arg0: i32) -> (i32, i32) {
    %c0_i32 = arith.constant 0 : i32
    %c0_i32_0 = arith.constant 0 : i32
    %c0_i32_1 = arith.constant 0 : i32
    return %c0_i32, %c0_i32_0 : i32, i32
  }
  func.func @transform_10(%arg0: i32) -> i32 {
    %c0_i32 = arith.constant 0 : i32
    %c0_i32_0 = arith.constant 0 : i32
    return %c0_i32 : i32
  }
  func.func @transform_11(%arg0: i32) -> (i32, i32) {
    %c0_i32 = arith.constant 0 : i32
    %c0_i32_0 = arith.constant 0 : i32
    return %arg0, %c0_i32 : i32, i32
  }
  func.func @transform_12(%arg0: i32) -> (i32, i32) {
    %c0_i32 = arith.constant 0 : i32
    %c0_i32_0 = arith.constant 0 : i32
    return %arg0, %c0_i32 : i32, i32
  }
}

module attributes {stable_mosaic.version = 14 : i64} {
  func.func @_edge_mlp_body(%arg0: i32, %arg1: memref<5x12800xf32, #tpu.memory_space<vmem>>, %arg2: memref<5x64xf32, #tpu.memory_space<vmem>>, %arg3: memref<64xf32, #tpu.memory_space<vmem>>, %arg4: memref<64x64xf32, #tpu.memory_space<vmem>>, %arg5: memref<64xf32, #tpu.memory_space<vmem>>, %arg6: memref<64x128xf32, #tpu.memory_space<vmem>>, %arg7: memref<128xf32, #tpu.memory_space<vmem>>, %arg8: memref<12800x128xf32, #tpu.memory_space<vmem>>) attributes {dimension_semantics = [#tpu.dimension_semantics<arbitrary>], iteration_bounds = array<i64: 25>, scalar_prefetch = 0 : i64, scratch_operands = 0 : i64, tpu.core_type = #tpu.core_type<tc>, window_params = [{transform_indices = @transform_0, window_bounds = array<i64: 5, 12800>}, {pipeline_mode = #tpu.pipeline_mode<synchronous>, transform_indices = @transform_1, window_bounds = array<i64: 5, 64>}, {pipeline_mode = #tpu.pipeline_mode<synchronous>, transform_indices = @transform_2, window_bounds = array<i64: 64>}, {pipeline_mode = #tpu.pipeline_mode<synchronous>, transform_indices = @transform_3, window_bounds = array<i64: 64, 64>}, {pipeline_mode = #tpu.pipeline_mode<synchronous>, transform_indices = @transform_4, window_bounds = array<i64: 64>}, {pipeline_mode = #tpu.pipeline_mode<synchronous>, transform_indices = @transform_5, window_bounds = array<i64: 64, 128>}, {pipeline_mode = #tpu.pipeline_mode<synchronous>, transform_indices = @transform_6, window_bounds = array<i64: 128>}, {transform_indices = @transform_7, window_bounds = array<i64: 12800, 128>}]} {
    %get3A = arith.constant 0 : index
    %get3A_0 = arith.constant 0 : index
    %get3A_1 = vector.load %arg1[%get3A, %get3A_0] : memref<5x12800xf32, #tpu.memory_space<vmem>>, vector<5x12800xf32>
    %get3A_2 = arith.constant 0 : index
    %get3A_3 = arith.constant 0 : index
    %get3A_4 = vector.load %arg2[%get3A_2, %get3A_3] : memref<5x64xf32, #tpu.memory_space<vmem>>, vector<5x64xf32>
    %dot_general3A = arith.constant dense<0.000000e+00> : vector<12800x64xf32>
    %dot_general3A_5 = tpu.matmul %get3A_1, %get3A_4, %dot_general3A {dimension_numbers = #tpu.dot_dimension_numbers<[0], [0], [1], [1], [0, 1, 1, 1], [], []>, transpose_lhs_hint = false} : vector<5x12800xf32>, vector<5x64xf32>, vector<12800x64xf32> -> vector<12800x64xf32>
    %get3A_6 = arith.constant 0 : index
    %get3A_7 = vector.load %arg3[%get3A_6] : memref<64xf32, #tpu.memory_space<vmem>>, vector<64xf32>
    %broadcast_in_dim3A = vector.shape_cast %get3A_7 : vector<64xf32> to vector<1x64xf32>
    %add3A = vector.broadcast %broadcast_in_dim3A : vector<1x64xf32> to vector<12800x64xf32>
    %add3A_8 = arith.addf %dot_general3A_5, %add3A : vector<12800x64xf32>
    %tanh3A = math.tanh %add3A_8 : vector<12800x64xf32>
    %get3A_9 = arith.constant 0 : index
    %get3A_10 = arith.constant 0 : index
    %get3A_11 = vector.load %arg4[%get3A_9, %get3A_10] : memref<64x64xf32, #tpu.memory_space<vmem>>, vector<64x64xf32>
    %dot_general3A_12 = arith.constant dense<0.000000e+00> : vector<12800x64xf32>
    %dot_general3A_13 = tpu.matmul %tanh3A, %get3A_11, %dot_general3A_12 {dimension_numbers = #tpu.dot_dimension_numbers<[1], [0], [0], [1], [0, 0, 1, 1], [], []>, transpose_lhs_hint = false} : vector<12800x64xf32>, vector<64x64xf32>, vector<12800x64xf32> -> vector<12800x64xf32>
    %get3A_14 = arith.constant 0 : index
    %get3A_15 = vector.load %arg5[%get3A_14] : memref<64xf32, #tpu.memory_space<vmem>>, vector<64xf32>
    %broadcast_in_dim3A_16 = vector.shape_cast %get3A_15 : vector<64xf32> to vector<1x64xf32>
    %add3A_17 = vector.broadcast %broadcast_in_dim3A_16 : vector<1x64xf32> to vector<12800x64xf32>
    %add3A_18 = arith.addf %dot_general3A_13, %add3A_17 : vector<12800x64xf32>
    %tanh3A_19 = math.tanh %add3A_18 : vector<12800x64xf32>
    %get3A_20 = arith.constant 0 : index
    %get3A_21 = arith.constant 0 : index
    %get3A_22 = vector.load %arg6[%get3A_20, %get3A_21] : memref<64x128xf32, #tpu.memory_space<vmem>>, vector<64x128xf32>
    %dot_general3A_23 = arith.constant dense<0.000000e+00> : vector<12800x128xf32>
    %dot_general3A_24 = tpu.matmul %tanh3A_19, %get3A_22, %dot_general3A_23 {dimension_numbers = #tpu.dot_dimension_numbers<[1], [0], [0], [1], [0, 0, 1, 1], [], []>, transpose_lhs_hint = false} : vector<12800x64xf32>, vector<64x128xf32>, vector<12800x128xf32> -> vector<12800x128xf32>
    %get3A_25 = arith.constant 0 : index
    %get3A_26 = vector.load %arg7[%get3A_25] : memref<128xf32, #tpu.memory_space<vmem>>, vector<128xf32>
    %broadcast_in_dim3A_27 = vector.shape_cast %get3A_26 : vector<128xf32> to vector<1x128xf32>
    %add3A_28 = vector.broadcast %broadcast_in_dim3A_27 : vector<1x128xf32> to vector<12800x128xf32>
    %add3A_29 = arith.addf %dot_general3A_24, %add3A_28 : vector<12800x128xf32>
    %logistic3A = arith.negf %add3A_29 : vector<12800x128xf32>
    %logistic3A_30 = math.exp %logistic3A : vector<12800x128xf32>
    %logistic3A_31 = arith.constant 1.000000e+00 : f32
    %logistic3A_32 = vector.broadcast %logistic3A_31 : f32 to vector<12800x128xf32>
    %logistic3A_33 = arith.addf %logistic3A_32, %logistic3A_30 : vector<12800x128xf32>
    %logistic3A_34 = arith.divf %logistic3A_32, %logistic3A_33 : vector<12800x128xf32>
    %swap3A = arith.constant 0 : index
    %swap3A_35 = arith.constant 0 : index
    %swap3A_36 = vector.load %arg8[%swap3A, %swap3A_35] : memref<12800x128xf32, #tpu.memory_space<vmem>>, vector<12800x128xf32>
    tpu.vector_store %arg8[%swap3A, %swap3A_35], %logistic3A_34 {strides = array<i32>} : memref<12800x128xf32, #tpu.memory_space<vmem>>, vector<12800x128xf32>,
    return
  }
  func.func @transform_0(%arg0: i32) -> (i32, i32) {
    %c0_i32 = arith.constant 0 : i32
    %c0_i32_0 = arith.constant 0 : i32
    return %c0_i32, %arg0 : i32, i32
  }
  func.func @transform_1(%arg0: i32) -> (i32, i32) {
    %c0_i32 = arith.constant 0 : i32
    %c0_i32_0 = arith.constant 0 : i32
    %c0_i32_1 = arith.constant 0 : i32
    return %c0_i32, %c0_i32_0 : i32, i32
  }
  func.func @transform_2(%arg0: i32) -> i32 {
    %c0_i32 = arith.constant 0 : i32
    %c0_i32_0 = arith.constant 0 : i32
    return %c0_i32 : i32
  }
  func.func @transform_3(%arg0: i32) -> (i32, i32) {
    %c0_i32 = arith.constant 0 : i32
    %c0_i32_0 = arith.constant 0 : i32
    %c0_i32_1 = arith.constant 0 : i32
    return %c0_i32, %c0_i32_0 : i32, i32
  }
  func.func @transform_4(%arg0: i32) -> i32 {
    %c0_i32 = arith.constant 0 : i32
    %c0_i32_0 = arith.constant 0 : i32
    return %c0_i32 : i32
  }
  func.func @transform_5(%arg0: i32) -> (i32, i32) {
    %c0_i32 = arith.constant 0 : i32
    %c0_i32_0 = arith.constant 0 : i32
    %c0_i32_1 = arith.constant 0 : i32
    return %c0_i32, %c0_i32_0 : i32, i32
  }
  func.func @transform_6(%arg0: i32) -> i32 {
    %c0_i32 = arith.constant 0 : i32
    %c0_i32_0 = arith.constant 0 : i32
    return %c0_i32 : i32
  }
  func.func @transform_7(%arg0: i32) -> (i32, i32) {
    %c0_i32 = arith.constant 0 : i32
    %c0_i32_0 = arith.constant 0 : i32
    return %arg0, %c0_i32 : i32, i32
  }
}

module attributes {stable_mosaic.version = 14 : i64} {
  func.func @_edge_mlp_body(%arg0: i32, %arg1: memref<5x12800xf32, #tpu.memory_space<vmem>>, %arg2: memref<5x64xf32, #tpu.memory_space<vmem>>, %arg3: memref<64xf32, #tpu.memory_space<vmem>>, %arg4: memref<64x64xf32, #tpu.memory_space<vmem>>, %arg5: memref<64xf32, #tpu.memory_space<vmem>>, %arg6: memref<64x128xf32, #tpu.memory_space<vmem>>, %arg7: memref<128xf32, #tpu.memory_space<vmem>>, %arg8: memref<12800x128xf32, #tpu.memory_space<vmem>>) attributes {dimension_semantics = [#tpu.dimension_semantics<arbitrary>], iteration_bounds = array<i64: 25>, scalar_prefetch = 0 : i64, scratch_operands = 0 : i64, tpu.core_type = #tpu.core_type<tc>, window_params = [{transform_indices = @transform_0, window_bounds = array<i64: 5, 12800>}, {pipeline_mode = #tpu.pipeline_mode<synchronous>, transform_indices = @transform_1, window_bounds = array<i64: 5, 64>}, {pipeline_mode = #tpu.pipeline_mode<synchronous>, transform_indices = @transform_2, window_bounds = array<i64: 64>}, {pipeline_mode = #tpu.pipeline_mode<synchronous>, transform_indices = @transform_3, window_bounds = array<i64: 64, 64>}, {pipeline_mode = #tpu.pipeline_mode<synchronous>, transform_indices = @transform_4, window_bounds = array<i64: 64>}, {pipeline_mode = #tpu.pipeline_mode<synchronous>, transform_indices = @transform_5, window_bounds = array<i64: 64, 128>}, {pipeline_mode = #tpu.pipeline_mode<synchronous>, transform_indices = @transform_6, window_bounds = array<i64: 128>}, {transform_indices = @transform_7, window_bounds = array<i64: 12800, 128>}]} {
    %get3A = arith.constant 0 : index
    %get3A_0 = arith.constant 0 : index
    %get3A_1 = vector.load %arg1[%get3A, %get3A_0] : memref<5x12800xf32, #tpu.memory_space<vmem>>, vector<5x12800xf32>
    %get3A_2 = arith.constant 0 : index
    %get3A_3 = arith.constant 0 : index
    %get3A_4 = vector.load %arg2[%get3A_2, %get3A_3] : memref<5x64xf32, #tpu.memory_space<vmem>>, vector<5x64xf32>
    %dot_general3A = arith.constant dense<0.000000e+00> : vector<12800x64xf32>
    %dot_general3A_5 = tpu.matmul %get3A_1, %get3A_4, %dot_general3A {dimension_numbers = #tpu.dot_dimension_numbers<[0], [0], [1], [1], [0, 1, 1, 1], [], []>, transpose_lhs_hint = false} : vector<5x12800xf32>, vector<5x64xf32>, vector<12800x64xf32> -> vector<12800x64xf32>
    %get3A_6 = arith.constant 0 : index
    %get3A_7 = vector.load %arg3[%get3A_6] : memref<64xf32, #tpu.memory_space<vmem>>, vector<64xf32>
    %broadcast_in_dim3A = vector.shape_cast %get3A_7 : vector<64xf32> to vector<1x64xf32>
    %add3A = vector.broadcast %broadcast_in_dim3A : vector<1x64xf32> to vector<12800x64xf32>
    %add3A_8 = arith.addf %dot_general3A_5, %add3A : vector<12800x64xf32>
    %tanh3A = math.tanh %add3A_8 : vector<12800x64xf32>
    %get3A_9 = arith.constant 0 : index
    %get3A_10 = arith.constant 0 : index
    %get3A_11 = vector.load %arg4[%get3A_9, %get3A_10] : memref<64x64xf32, #tpu.memory_space<vmem>>, vector<64x64xf32>
    %dot_general3A_12 = arith.constant dense<0.000000e+00> : vector<12800x64xf32>
    %dot_general3A_13 = tpu.matmul %tanh3A, %get3A_11, %dot_general3A_12 {dimension_numbers = #tpu.dot_dimension_numbers<[1], [0], [0], [1], [0, 0, 1, 1], [], []>, transpose_lhs_hint = false} : vector<12800x64xf32>, vector<64x64xf32>, vector<12800x64xf32> -> vector<12800x64xf32>
    %get3A_14 = arith.constant 0 : index
    %get3A_15 = vector.load %arg5[%get3A_14] : memref<64xf32, #tpu.memory_space<vmem>>, vector<64xf32>
    %broadcast_in_dim3A_16 = vector.shape_cast %get3A_15 : vector<64xf32> to vector<1x64xf32>
    %add3A_17 = vector.broadcast %broadcast_in_dim3A_16 : vector<1x64xf32> to vector<12800x64xf32>
    %add3A_18 = arith.addf %dot_general3A_13, %add3A_17 : vector<12800x64xf32>
    %tanh3A_19 = math.tanh %add3A_18 : vector<12800x64xf32>
    %get3A_20 = arith.constant 0 : index
    %get3A_21 = arith.constant 0 : index
    %get3A_22 = vector.load %arg6[%get3A_20, %get3A_21] : memref<64x128xf32, #tpu.memory_space<vmem>>, vector<64x128xf32>
    %dot_general3A_23 = arith.constant dense<0.000000e+00> : vector<12800x128xf32>
    %dot_general3A_24 = tpu.matmul %tanh3A_19, %get3A_22, %dot_general3A_23 {dimension_numbers = #tpu.dot_dimension_numbers<[1], [0], [0], [1], [0, 0, 1, 1], [], []>, transpose_lhs_hint = false} : vector<12800x64xf32>, vector<64x128xf32>, vector<12800x128xf32> -> vector<12800x128xf32>
    %get3A_25 = arith.constant 0 : index
    %get3A_26 = vector.load %arg7[%get3A_25] : memref<128xf32, #tpu.memory_space<vmem>>, vector<128xf32>
    %broadcast_in_dim3A_27 = vector.shape_cast %get3A_26 : vector<128xf32> to vector<1x128xf32>
    %add3A_28 = vector.broadcast %broadcast_in_dim3A_27 : vector<1x128xf32> to vector<12800x128xf32>
    %add3A_29 = arith.addf %dot_general3A_24, %add3A_28 : vector<12800x128xf32>
    %exp3A = math.exp %add3A_29 : vector<12800x128xf32>
    %swap3A = arith.constant 0 : index
    %swap3A_30 = arith.constant 0 : index
    %swap3A_31 = vector.load %arg8[%swap3A, %swap3A_30] : memref<12800x128xf32, #tpu.memory_space<vmem>>, vector<12800x128xf32>
    tpu.vector_store %arg8[%swap3A, %swap3A_30], %exp3A {strides = array<i32>} : memref<12800x128xf32, #tpu.memory_space<vmem>>, vector<12800x128xf32>,
    return
  }
  func.func @transform_0(%arg0: i32) -> (i32, i32) {
    %c0_i32 = arith.constant 0 : i32
    %c0_i32_0 = arith.constant 0 : i32
    return %c0_i32, %arg0 : i32, i32
  }
  func.func @transform_1(%arg0: i32) -> (i32, i32) {
    %c0_i32 = arith.constant 0 : i32
    %c0_i32_0 = arith.constant 0 : i32
    %c0_i32_1 = arith.constant 0 : i32
    return %c0_i32, %c0_i32_0 : i32, i32
  }
  func.func @transform_2(%arg0: i32) -> i32 {
    %c0_i32 = arith.constant 0 : i32
    %c0_i32_0 = arith.constant 0 : i32
    return %c0_i32 : i32
  }
  func.func @transform_3(%arg0: i32) -> (i32, i32) {
    %c0_i32 = arith.constant 0 : i32
    %c0_i32_0 = arith.constant 0 : i32
    %c0_i32_1 = arith.constant 0 : i32
    return %c0_i32, %c0_i32_0 : i32, i32
  }
  func.func @transform_4(%arg0: i32) -> i32 {
    %c0_i32 = arith.constant 0 : i32
    %c0_i32_0 = arith.constant 0 : i32
    return %c0_i32 : i32
  }
  func.func @transform_5(%arg0: i32) -> (i32, i32) {
    %c0_i32 = arith.constant 0 : i32
    %c0_i32_0 = arith.constant 0 : i32
    %c0_i32_1 = arith.constant 0 : i32
    return %c0_i32, %c0_i32_0 : i32, i32
  }
  func.func @transform_6(%arg0: i32) -> i32 {
    %c0_i32 = arith.constant 0 : i32
    %c0_i32_0 = arith.constant 0 : i32
    return %c0_i32 : i32
  }
  func.func @transform_7(%arg0: i32) -> (i32, i32) {
    %c0_i32 = arith.constant 0 : i32
    %c0_i32_0 = arith.constant 0 : i32
    return %arg0, %c0_i32 : i32, i32
  }
}

module attributes {stable_mosaic.version = 14 : i64} {
  func.func @_update_body(%arg0: i32, %arg1: memref<2000x2xf32, #tpu.memory_space<vmem>>, %arg2: memref<2000x128xf32, #tpu.memory_space<vmem>>, %arg3: memref<2x2000x128xf32, #tpu.memory_space<vmem>>, %arg4: memref<2000x128xf32, #tpu.memory_space<vmem>>, %arg5: memref<2000x128xf32, #tpu.memory_space<vmem>>, %arg6: memref<2x64xf32, #tpu.memory_space<vmem>>, %arg7: memref<128x64xf32, #tpu.memory_space<vmem>>, %arg8: memref<128x64xf32, #tpu.memory_space<vmem>>, %arg9: memref<128x64xf32, #tpu.memory_space<vmem>>, %arg10: memref<64xf32, #tpu.memory_space<vmem>>, %arg11: memref<64x64xf32, #tpu.memory_space<vmem>>, %arg12: memref<64xf32, #tpu.memory_space<vmem>>, %arg13: memref<64x128xf32, #tpu.memory_space<vmem>>, %arg14: memref<128xf32, #tpu.memory_space<vmem>>, %arg15: memref<2000x128xf32, #tpu.memory_space<vmem>>) attributes {dimension_semantics = [#tpu.dimension_semantics<arbitrary>], iteration_bounds = array<i64: 5>, scalar_prefetch = 0 : i64, scratch_operands = 0 : i64, tpu.core_type = #tpu.core_type<tc>, window_params = [{transform_indices = @transform_0, window_bounds = array<i64: 2000, 2>}, {transform_indices = @transform_1, window_bounds = array<i64: 2000, 128>}, {transform_indices = @transform_2, window_bounds = array<i64: 2, 2000, 128>}, {transform_indices = @transform_3, window_bounds = array<i64: 2000, 128>}, {transform_indices = @transform_4, window_bounds = array<i64: 2000, 128>}, {pipeline_mode = #tpu.pipeline_mode<synchronous>, transform_indices = @transform_5, window_bounds = array<i64: 2, 64>}, {pipeline_mode = #tpu.pipeline_mode<synchronous>, transform_indices = @transform_6, window_bounds = array<i64: 128, 64>}, {pipeline_mode = #tpu.pipeline_mode<synchronous>, transform_indices = @transform_7, window_bounds = array<i64: 128, 64>}, {pipeline_mode = #tpu.pipeline_mode<synchronous>, transform_indices = @transform_8, window_bounds = array<i64: 128, 64>}, {pipeline_mode = #tpu.pipeline_mode<synchronous>, transform_indices = @transform_9, window_bounds = array<i64: 64>}, {pipeline_mode = #tpu.pipeline_mode<synchronous>, transform_indices = @transform_10, window_bounds = array<i64: 64, 64>}, {pipeline_mode = #tpu.pipeline_mode<synchronous>, transform_indices = @transform_11, window_bounds = array<i64: 64>}, {pipeline_mode = #tpu.pipeline_mode<synchronous>, transform_indices = @transform_12, window_bounds = array<i64: 64, 128>}, {pipeline_mode = #tpu.pipeline_mode<synchronous>, transform_indices = @transform_13, window_bounds = array<i64: 128>}, {transform_indices = @transform_14, window_bounds = array<i64: 2000, 128>}]} {
    %get3A = arith.constant 0 : index
    %get3A_0 = arith.constant 0 : index
    %get3A_1 = arith.constant 0 : index
    %get3A_2 = vector.load %arg3[%get3A, %get3A_0, %get3A_1] : memref<2x2000x128xf32, #tpu.memory_space<vmem>>, vector<1x2000x128xf32>
    %get3A_3 = vector.shape_cast %get3A_2 : vector<1x2000x128xf32> to vector<2000x128xf32>
    %get3A_4 = arith.constant 1 : index
    %get3A_5 = arith.constant 0 : index
    %get3A_6 = arith.constant 0 : index
    %get3A_7 = vector.load %arg3[%get3A_4, %get3A_5, %get3A_6] : memref<2x2000x128xf32, #tpu.memory_space<vmem>>, vector<1x2000x128xf32>
    %get3A_8 = vector.shape_cast %get3A_7 : vector<1x2000x128xf32> to vector<2000x128xf32>
    %add3A = arith.addf %get3A_3, %get3A_8 : vector<2000x128xf32>
    %get3A_9 = arith.constant 0 : index
    %get3A_10 = arith.constant 0 : index
    %get3A_11 = vector.load %arg4[%get3A_9, %get3A_10] : memref<2000x128xf32, #tpu.memory_space<vmem>>, vector<2000x128xf32>
    %get3A_12 = arith.constant 0 : index
    %get3A_13 = arith.constant 0 : index
    %get3A_14 = vector.load %arg5[%get3A_12, %get3A_13] : memref<2000x128xf32, #tpu.memory_space<vmem>>, vector<2000x128xf32>
    %add3A_15 = arith.constant 1.000000e-16 : f32
    %add3A_16 = vector.broadcast %add3A_15 : f32 to vector<2000x128xf32>
    %add3A_17 = arith.addf %get3A_14, %add3A_16 : vector<2000x128xf32>
    %div3A = arith.divf %get3A_11, %add3A_17 : vector<2000x128xf32>
    %get3A_18 = arith.constant 0 : index
    %get3A_19 = arith.constant 0 : index
    %get3A_20 = vector.load %arg1[%get3A_18, %get3A_19] : memref<2000x2xf32, #tpu.memory_space<vmem>>, vector<2000x2xf32>
    %get3A_21 = arith.constant 0 : index
    %get3A_22 = arith.constant 0 : index
    %get3A_23 = vector.load %arg6[%get3A_21, %get3A_22] : memref<2x64xf32, #tpu.memory_space<vmem>>, vector<2x64xf32>
    %dot_general3A = arith.constant dense<0.000000e+00> : vector<2000x64xf32>
    %dot_general3A_24 = tpu.matmul %get3A_20, %get3A_23, %dot_general3A {dimension_numbers = #tpu.dot_dimension_numbers<[1], [0], [0], [1], [0, 0, 1, 1], [], []>, transpose_lhs_hint = false} : vector<2000x2xf32>, vector<2x64xf32>, vector<2000x64xf32> -> vector<2000x64xf32>
    %get3A_25 = arith.constant 0 : index
    %get3A_26 = arith.constant 0 : index
    %get3A_27 = vector.load %arg2[%get3A_25, %get3A_26] : memref<2000x128xf32, #tpu.memory_space<vmem>>, vector<2000x128xf32>
    %get3A_28 = arith.constant 0 : index
    %get3A_29 = arith.constant 0 : index
    %get3A_30 = vector.load %arg7[%get3A_28, %get3A_29] : memref<128x64xf32, #tpu.memory_space<vmem>>, vector<128x64xf32>
    %dot_general3A_31 = arith.constant dense<0.000000e+00> : vector<2000x64xf32>
    %dot_general3A_32 = tpu.matmul %get3A_27, %get3A_30, %dot_general3A_31 {dimension_numbers = #tpu.dot_dimension_numbers<[1], [0], [0], [1], [0, 0, 1, 1], [], []>, transpose_lhs_hint = false} : vector<2000x128xf32>, vector<128x64xf32>, vector<2000x64xf32> -> vector<2000x64xf32>
    %add3A_33 = arith.addf %dot_general3A_24, %dot_general3A_32 : vector<2000x64xf32>
    %get3A_34 = arith.constant 0 : index
    %get3A_35 = arith.constant 0 : index
    %get3A_36 = vector.load %arg8[%get3A_34, %get3A_35] : memref<128x64xf32, #tpu.memory_space<vmem>>, vector<128x64xf32>
    %dot_general3A_37 = arith.constant dense<0.000000e+00> : vector<2000x64xf32>
    %dot_general3A_38 = tpu.matmul %add3A, %get3A_36, %dot_general3A_37 {dimension_numbers = #tpu.dot_dimension_numbers<[1], [0], [0], [1], [0, 0, 1, 1], [], []>, transpose_lhs_hint = false} : vector<2000x128xf32>, vector<128x64xf32>, vector<2000x64xf32> -> vector<2000x64xf32>
    %add3A_39 = arith.addf %add3A_33, %dot_general3A_38 : vector<2000x64xf32>
    %get3A_40 = arith.constant 0 : index
    %get3A_41 = arith.constant 0 : index
    %get3A_42 = vector.load %arg9[%get3A_40, %get3A_41] : memref<128x64xf32, #tpu.memory_space<vmem>>, vector<128x64xf32>
    %dot_general3A_43 = arith.constant dense<0.000000e+00> : vector<2000x64xf32>
    %dot_general3A_44 = tpu.matmul %div3A, %get3A_42, %dot_general3A_43 {dimension_numbers = #tpu.dot_dimension_numbers<[1], [0], [0], [1], [0, 0, 1, 1], [], []>, transpose_lhs_hint = false} : vector<2000x128xf32>, vector<128x64xf32>, vector<2000x64xf32> -> vector<2000x64xf32>
    %add3A_45 = arith.addf %add3A_39, %dot_general3A_44 : vector<2000x64xf32>
    %get3A_46 = arith.constant 0 : index
    %get3A_47 = vector.load %arg10[%get3A_46] : memref<64xf32, #tpu.memory_space<vmem>>, vector<64xf32>
    %broadcast_in_dim3A = vector.shape_cast %get3A_47 : vector<64xf32> to vector<1x64xf32>
    %add3A_48 = vector.broadcast %broadcast_in_dim3A : vector<1x64xf32> to vector<2000x64xf32>
    %add3A_49 = arith.addf %add3A_45, %add3A_48 : vector<2000x64xf32>
    %tanh3A = math.tanh %add3A_49 : vector<2000x64xf32>
    %get3A_50 = arith.constant 0 : index
    %get3A_51 = arith.constant 0 : index
    %get3A_52 = vector.load %arg11[%get3A_50, %get3A_51] : memref<64x64xf32, #tpu.memory_space<vmem>>, vector<64x64xf32>
    %dot_general3A_53 = arith.constant dense<0.000000e+00> : vector<2000x64xf32>
    %dot_general3A_54 = tpu.matmul %tanh3A, %get3A_52, %dot_general3A_53 {dimension_numbers = #tpu.dot_dimension_numbers<[1], [0], [0], [1], [0, 0, 1, 1], [], []>, transpose_lhs_hint = false} : vector<2000x64xf32>, vector<64x64xf32>, vector<2000x64xf32> -> vector<2000x64xf32>
    %get3A_55 = arith.constant 0 : index
    %get3A_56 = vector.load %arg12[%get3A_55] : memref<64xf32, #tpu.memory_space<vmem>>, vector<64xf32>
    %broadcast_in_dim3A_57 = vector.shape_cast %get3A_56 : vector<64xf32> to vector<1x64xf32>
    %add3A_58 = vector.broadcast %broadcast_in_dim3A_57 : vector<1x64xf32> to vector<2000x64xf32>
    %add3A_59 = arith.addf %dot_general3A_54, %add3A_58 : vector<2000x64xf32>
    %tanh3A_60 = math.tanh %add3A_59 : vector<2000x64xf32>
    %get3A_61 = arith.constant 0 : index
    %get3A_62 = arith.constant 0 : index
    %get3A_63 = vector.load %arg13[%get3A_61, %get3A_62] : memref<64x128xf32, #tpu.memory_space<vmem>>, vector<64x128xf32>
    %dot_general3A_64 = arith.constant dense<0.000000e+00> : vector<2000x128xf32>
    %dot_general3A_65 = tpu.matmul %tanh3A_60, %get3A_63, %dot_general3A_64 {dimension_numbers = #tpu.dot_dimension_numbers<[1], [0], [0], [1], [0, 0, 1, 1], [], []>, transpose_lhs_hint = false} : vector<2000x64xf32>, vector<64x128xf32>, vector<2000x128xf32> -> vector<2000x128xf32>
    %get3A_66 = arith.constant 0 : index
    %get3A_67 = vector.load %arg14[%get3A_66] : memref<128xf32, #tpu.memory_space<vmem>>, vector<128xf32>
    %broadcast_in_dim3A_68 = vector.shape_cast %get3A_67 : vector<128xf32> to vector<1x128xf32>
    %add3A_69 = vector.broadcast %broadcast_in_dim3A_68 : vector<1x128xf32> to vector<2000x128xf32>
    %add3A_70 = arith.addf %dot_general3A_65, %add3A_69 : vector<2000x128xf32>
    %swap3A = arith.constant 0 : index
    %swap3A_71 = arith.constant 0 : index
    %swap3A_72 = vector.load %arg15[%swap3A, %swap3A_71] : memref<2000x128xf32, #tpu.memory_space<vmem>>, vector<2000x128xf32>
    tpu.vector_store %arg15[%swap3A, %swap3A_71], %add3A_70 {strides = array<i32>} : memref<2000x128xf32, #tpu.memory_space<vmem>>, vector<2000x128xf32>,
    return
  }
  func.func @transform_0(%arg0: i32) -> (i32, i32) {
    %c0_i32 = arith.constant 0 : i32
    %c0_i32_0 = arith.constant 0 : i32
    return %arg0, %c0_i32 : i32, i32
  }
  func.func @transform_1(%arg0: i32) -> (i32, i32) {
    %c0_i32 = arith.constant 0 : i32
    %c0_i32_0 = arith.constant 0 : i32
    return %arg0, %c0_i32 : i32, i32
  }
  func.func @transform_2(%arg0: i32) -> (i32, i32, i32) {
    %c0_i32 = arith.constant 0 : i32
    %c0_i32_0 = arith.constant 0 : i32
    %c0_i32_1 = arith.constant 0 : i32
    return %c0_i32, %arg0, %c0_i32_0 : i32, i32, i32
  }
  func.func @transform_3(%arg0: i32) -> (i32, i32) {
    %c0_i32 = arith.constant 0 : i32
    %c0_i32_0 = arith.constant 0 : i32
    return %arg0, %c0_i32 : i32, i32
  }
  func.func @transform_4(%arg0: i32) -> (i32, i32) {
    %c0_i32 = arith.constant 0 : i32
    %c0_i32_0 = arith.constant 0 : i32
    return %arg0, %c0_i32 : i32, i32
  }
  func.func @transform_5(%arg0: i32) -> (i32, i32) {
    %c0_i32 = arith.constant 0 : i32
    %c0_i32_0 = arith.constant 0 : i32
    %c0_i32_1 = arith.constant 0 : i32
    return %c0_i32, %c0_i32_0 : i32, i32
  }
  func.func @transform_6(%arg0: i32) -> (i32, i32) {
    %c0_i32 = arith.constant 0 : i32
    %c0_i32_0 = arith.constant 0 : i32
    %c0_i32_1 = arith.constant 0 : i32
    return %c0_i32, %c0_i32_0 : i32, i32
  }
  func.func @transform_7(%arg0: i32) -> (i32, i32) {
    %c0_i32 = arith.constant 0 : i32
    %c0_i32_0 = arith.constant 0 : i32
    %c0_i32_1 = arith.constant 0 : i32
    return %c0_i32, %c0_i32_0 : i32, i32
  }
  func.func @transform_8(%arg0: i32) -> (i32, i32) {
    %c0_i32 = arith.constant 0 : i32
    %c0_i32_0 = arith.constant 0 : i32
    %c0_i32_1 = arith.constant 0 : i32
    return %c0_i32, %c0_i32_0 : i32, i32
  }
  func.func @transform_9(%arg0: i32) -> i32 {
    %c0_i32 = arith.constant 0 : i32
    %c0_i32_0 = arith.constant 0 : i32
    return %c0_i32 : i32
  }
  func.func @transform_10(%arg0: i32) -> (i32, i32) {
    %c0_i32 = arith.constant 0 : i32
    %c0_i32_0 = arith.constant 0 : i32
    %c0_i32_1 = arith.constant 0 : i32
    return %c0_i32, %c0_i32_0 : i32, i32
  }
  func.func @transform_11(%arg0: i32) -> i32 {
    %c0_i32 = arith.constant 0 : i32
    %c0_i32_0 = arith.constant 0 : i32
    return %c0_i32 : i32
  }
  func.func @transform_12(%arg0: i32) -> (i32, i32) {
    %c0_i32 = arith.constant 0 : i32
    %c0_i32_0 = arith.constant 0 : i32
    %c0_i32_1 = arith.constant 0 : i32
    return %c0_i32, %c0_i32_0 : i32, i32
  }
  func.func @transform_13(%arg0: i32) -> i32 {
    %c0_i32 = arith.constant 0 : i32
    %c0_i32_0 = arith.constant 0 : i32
    return %c0_i32 : i32
  }
  func.func @transform_14(%arg0: i32) -> (i32, i32) {
    %c0_i32 = arith.constant 0 : i32
    %c0_i32_0 = arith.constant 0 : i32
    return %arg0, %c0_i32 : i32, i32
  }
}

</mosaic_0001>

<sc_bundles>
// kernel: kernel.12.cloned.1.call-start
scs
__scs_entry_jumppad:
0x0: {  	(pc) =	sbr.rel $0x88, $3  }
0x1: {  	(tag) =	ssettag $0x0;
	lr =	simm.s32 $0x1  }
0x2: {  	[smem:$0x3F7C] =	sst lr;
	_ =	strace $0xD0000000  }
0x3: {  	_ = 	snop  }
0x4: {  	_ = 	snop  }
0x5: {  	_ = 	snop  }
0x6: {  	_ = 	snop  }
0x7: {  	_ = 	snop  }
__scs_overlays_trampoline_lowered:
0x8: {  	[smem:$0x3F8B] =	sst s0  }
0x9: {  	[smem:$0x3F8C] =	sst s1  }
0xa: {  	[smem:$0x3F8D] =	sst s2  }
0xb: {  	[smem:$0x3F8E] =	sst s3  }
0xc: {  	[smem:$0x3F8F] =	sst s4  }
0xd: {  	[smem:$0x3F90] =	sst s5  }
0xe: {  	[smem:$0x3F91] =	sst s6  }
0xf: {  	[smem:$0x3F92] =	sst s7  }
0x10: {  	[smem:$0x3F93] =	sst s8  }
0x11: {  	[smem:$0x3F94] =	sst s9;
	s0 =	simm.s32 @!p0 $0x0  }
0x12: {  	s1 =	sld [smem:$0x3F7A];
	s0 =	simm.s32 @p0 $0x1  }
0x13: {  	[smem:$0x3F95] =	sst s0;
	s0 =	simm.s32 @!p1 $0x0  }
0x14: {  	s2 =	sld [smem:$0x3F79];
	s0 =	simm.s32 @p1 $0x1  }
0x15: {  	[smem:$0x3F96] =	sst s0;
	s0 =	simm.s32 @!p2 $0x0  }
0x16: {  	s3 =	sld [smem:$0x3FDB];
	s0 =	simm.s32 @p2 $0x1  }
0x17: {  	s4 =	simm.s32 $0x1BF5;
	[smem:$0x3F98] =	sst s0  }
0x18: {  	s0 =	sld [smem:$0x3F7B];
	_ =	swait.ge [sflag:s4], $0x0  }
0x19: {  	s7 =	sld [smem:$0x3F7C]  }
0x1a: {  	s8 =	sadd.s32 $0xFFFFE003, lr  }
0x1b: {  	s9 =	sadd.s32 $0xFFFFFEF7, lr;
	s5 =	simm.s32 $0xFFFFFFFF;
	p2 =	slt.u32 s8, $0xFFFFF086  }
0x1c: {  	p1 =	slt.u32 s9, $0xF7A;
	s5 =	simm.s32 @!p2 $0x0  }
0x1d: {  	s5 =	simm.s32 @p1 $0x1;
	p0 =	seq.s32 s7, s2  }
0x1e: {  	s7 =	smul.u32 @!p0 $0xF7A, s2;
	p2 =	seq.s32 @!p0 s5, $0x0  }
0x1f: {  	s9 =	smul.u32 $0xF7A, s1;
	s8 =	simm.s32 @!p0 $0x1BF5;
	p2 =	por !p2, p0  }
0x20: {  	[sflag:s8] =	ssyncset.s32 @!p0 $0xFFFFF086;
	s6 =	sadd.s32 @!p0 s3, s7;
	s7 =	simm.s32 @!p0 $0x108  }
0x21: {  	s3 =	sadd.s32 s3, s9;
	s6 =	sadd.s32 @!p0 $0x88, s6;
	s7 =	simm.s32 @p2 $0x1082  }
0x22: {  	[simem:s7], [sflag:s8] =	dma.local @!p0 [hbm:s6], $0xF7A  }
0x23: {  	s9 =	sor.u32 $0xD0000000, s2;
	s6 =	simm.s32 $0x108;
	_ =	swait.ge @!p0 [sflag:s8], $0x0  }
0x24: {  	s3 =	sadd.s32 $0x88, s3;
	s6 =	simm.s32 @!p1 $0x1082;
	[sflag:s4] =	ssyncset.s32 $0xFFFFF086  }
0x25: {  	[simem:s6], [sflag:s4] =	dma.local [hbm:s3], $0xF7A  }
0x26: {  	[smem:$0x3F7C] =	sst s1;
	(tag) =	ssettag s2;
	_ =	strace s9  }
0x27: {  	s1 =	sld [smem:$0x3F8C]  }
0x28: {  	s2 =	sld [smem:$0x3F8D]  }
0x29: {  	s4 =	sld [smem:$0x3F8F]  }
0x2a: {  	p0 =	seq.s32 s5, $0x0;
	s5 =	sld [smem:$0x3F90]  }
0x2b: {  	s6 =	sld [smem:$0x3F91]  }
0x2c: {  	s7 =	sld [smem:$0x3F92]  }
0x2d: {  	s3 =	simm.s32 $0x108;
	s8 =	sld [smem:$0x3F93]  }
0x2e: {  	s3 =	simm.s32 @!p0 $0x1082;
	s9 =	sld [smem:$0x3F94]  }
0x2f: {  	lr =	sadd.s32 s0, s3;
	s0 =	sld [smem:$0x3F8B]  }
0x30: {  	s3 =	sld [smem:$0x3F8E]  }
0x31: {  	[smem:$0x3F97] =	sst s10  }
0x32: {  	s10 =	sld [smem:$0x3F95];
	_ =	sdelay $0x3  }
0x33: {  	p0 =	seq.s32 s10, $0x1;
	s10 =	sld [smem:$0x3F97];
	_ =	sdelay $0x3  }
0x34: {  	[smem:$0x3F97] =	sst s10  }
0x35: {  	s10 =	sld [smem:$0x3F96];
	_ =	sdelay $0x3  }
0x36: {  	p1 =	seq.s32 s10, $0x1;
	s10 =	sld [smem:$0x3F97];
	_ =	sdelay $0x3  }
0x37: {  	[smem:$0x3F97] =	sst s10  }
0x38: {  	s10 =	sld [smem:$0x3F98]  }
0x39: {  	_ = 	snop;
	(pc) =	sbr.ind lr, $3  }
0x3a: {  	_ = 	snop  }
0x3b: {  	_ = 	snop  }
0x3c: {  	p2 =	seq.s32 s10, $0x1;
	s10 =	sld [smem:$0x3F97]  }
0x3d: {  	_ =	shalt  }
0x3e: {  	_ =	shalt  }
0x3f: {  	_ =	shalt  }
0x40: {  	_ =	shalt  }
0x41: {  	_ =	shalt  }
0x42: {  	_ =	shalt  }
0x43: {  	_ =	shalt  }
0x44: {  	_ =	shalt  }
0x45: {  	_ =	shalt  }
0x46: {  	_ =	shalt  }
0x47: {  	_ =	shalt  }
0x48: {  	_ =	shalt  }
0x49: {  	_ =	shalt  }
0x4a: {  	_ =	shalt  }
0x4b: {  	_ =	shalt  }
0x4c: {  	_ =	shalt  }
0x4d: {  	_ =	shalt  }
0x4e: {  	_ =	shalt  }
0x4f: {  	_ =	shalt  }
0x50: {  	_ =	shalt  }
0x51: {  	_ =	shalt  }
0x52: {  	_ =	shalt  }
0x53: {  	_ =	shalt  }
0x54: {  	_ =	shalt  }
0x55: {  	_ =	shalt  }
0x56: {  	_ =	shalt  }
0x57: {  	_ =	shalt  }
0x58: {  	_ =	shalt  }
0x59: {  	_ =	shalt  }
0x5a: {  	_ =	shalt  }
0x5b: {  	_ =	shalt  }
0x5c: {  	_ =	shalt  }
0x5d: {  	_ =	shalt  }
0x5e: {  	_ =	shalt  }
0x5f: {  	_ =	shalt  }
0x60: {  	_ =	shalt  }
0x61: {  	_ =	shalt  }
0x62: {  	_ =	shalt  }
0x63: {  	_ =	shalt  }
0x64: {  	_ =	shalt  }
0x65: {  	_ =	shalt  }
0x66: {  	_ =	shalt  }
0x67: {  	_ =	shalt  }
0x68: {  	_ =	shalt  }
0x69: {  	_ =	shalt  }
0x6a: {  	_ =	shalt  }
0x6b: {  	_ =	shalt  }
0x6c: {  	_ =	shalt  }
0x6d: {  	_ =	shalt  }
0x6e: {  	_ =	shalt  }
0x6f: {  	_ =	shalt  }
0x70: {  	_ =	shalt  }
0x71: {  	_ =	shalt  }
0x72: {  	_ =	shalt  }
0x73: {  	_ =	shalt  }
0x74: {  	_ =	shalt  }
0x75: {  	_ =	shalt  }
0x76: {  	_ =	shalt  }
0x77: {  	_ =	shalt  }
0x78: {  	_ =	shalt  }
0x79: {  	_ =	shalt  }
0x7a: {  	_ =	shalt  }
0x7b: {  	_ =	shalt  }
0x7c: {  	_ =	shalt  }
0x7d: {  	_ =	shalt  }
0x7e: {  	_ =	shalt  }
0x7f: {  	_ =	shalt  }
0x80: {  	_ =	shalt  }
0x81: {  	_ =	shalt  }
0x82: {  	_ =	shalt  }
0x83: {  	_ =	shalt  }
0x84: {  	_ =	shalt  }
0x85: {  	_ =	shalt  }
0x86: {  	_ =	shalt  }
0x87: {  	_ =	shalt  }
.Lfunc_end0:
.L_simem_size_0:
called_computation.1_lowered:
.L_overlay_start_0:
0x88: {  	s2 =	sld [smem:$0x3FD9]  }
0x89: {  	s3 =	sld [smem:$0x3FFE];
	_ =	sdelay $0x1  }
0x8a: {  	s1 =	srdreg.scid  }
0x8b: {  	s0 =	sand.u32 $0x1, s1  }
0x8c: {  	s17 =	sshll.u32 s0, $0xA;
	s2 =	sadd.s32 s3, s2  }
0x8d: {  	s2 =	sadd.s32 s2, s17  }
0x8e: {  	[smem:$0x3FA3] =	sst s2  }
0x8f: {  	_ = 	snop  }
0x90: {  	s18 =	sld [smem:$0x3FC2]  }
0x91: {  	s4 =	sld [smem:$0x3FC1];
	(tm) =	ssettm $0x1  }
0x92: {  	s19 =	sld [smem:$0x3FFB];
	_ =	sdelay $0x3  }
0x93: {  	_ =	strace s19  }
0x94: {  	s2 =	sld [smem:$0x3FFC];
	_ =	sdelay $0x3  }
0x95: {  	_ =	strace s2  }
0x96: {  	s2 =	sld [smem:$0x3FFD];
	_ =	sdelay $0x3  }
0x97: {  	_ =	strace s2  }
0x98: {  	_ =	strace $0x8FFFFFFF  }
0x99: {  	s20 =	sld [smem:$0x3FDB];
	_ =	sdelay $0x1  }
0x9a: {  	s5 =	simm.s32 $_scs_section_size  }
0x9b: {  	s6 =	simm.s32 $_size__tile_overlayer_lowered;
	s7 =	simm.s32 $_tile_overlayer_lowered  }
0x9c: {  	s8 =	simm.s32 $0x1BFF;
	s21 =	sshll.u32 s7, $0x1;
	s5 =	sadd.s32 s5, s20  }
0x9d: {  	s22 =	simm.s32 $0x0;
	s6 =	sshll.u32 s6, $0x1;
	s7 =	sadd.s32 s21, s5  }
0x9e: {  	[timem:s22], [sflag:s8] =	dma.local [hbm:s7], s6  }
0x9f: {  	_ =	swait.ge [sflag:s8], s6  }
0xa0: {  	s6 =	ssub.s32 $0x0, s6;
	[sflag:s8] =	ssyncset.done $0x0  }
0xa1: {  	[sflag:s8] =	ssyncadd.s32 s6;
	_ =	sdelay $0x1  }
0xa2: {  	s23 =	simm.s32 $0x1B8B  }
0xa3: {  	_ =	swait.ge [sflag:s23], $0x1  }
0xa4: {  	[sflag:s23] =	ssyncset.done $0x0  }
0xa5: {  	[sflag:s23] =	ssyncadd.s32 $0xFFFFFFFF  }
0xa6: {  	s6 =	sld [smem:$0x0]  }
0xa7: {  	s7 =	sand.u32 $0xFFFFFFFE, s1  }
0xa8: {  	p0 =	sne.s32 s1, s7  }
0xa9: {  	s7 =	sshll.u32 @p0 s7, $0xE  }
0xaa: {  	s7 =	sadd.s32 @p0 $0x11B8D, s7;
	s8 =	sshll.u32 @p0 s6, $0x11  }
0xab: {  	s7 =	sor.u32 @p0 s8, s7  }
0xac: {  	[sflag:s7] =	ssyncadd.remote.s32 @p0 $0x1;
	_ =	sdelay $0x1  }
0xad: {  	s7 =	simm.s32 @p0 $0x1B8D  }
0xae: {  	_ =	swait.eq @p0 [sflag:s7], $0x1  }
0xaf: {  	[sflag:s7] =	ssyncadd.s32 @p0 $0xFFFFFFFF  }
0xb0: {  	s8 =	sshll.u32 @!p0 s1, $0xE  }
0xb1: {  	s8 =	sor.u32 @!p0 $0x4000, s8;
	s7 =	simm.s32 @!p0 $0x1B8D  }
0xb2: {  	s6 =	sshll.u32 @!p0 s6, $0x11;
	s8 =	sadd.s32 @!p0 $0x11B8D, s8;
	_ =	swait.eq @!p0 [sflag:s7], $0x1  }
0xb3: {  	s6 =	sor.u32 @!p0 s6, s8;
	[sflag:s7] =	ssyncadd.s32 @!p0 $0xFFFFFFFF  }
0xb4: {  	s25 =	simm.s32 $0x1B8E;
	s24 =	sld [smem:$0x3FFE];
	[sflag:s6] =	ssyncadd.remote.s32 @!p0 $0x1  }
0xb5: {  	s26 =	simm.s32 $execute0_lowered;
	[smem:$0x3FD2] =	sst s25  }
0xb6: {  	s7 =	sshll.u32 s26, $0x1;
	_ =	strace $0x80000049;
	[dreg:$0x1] =	wrdreg $0xFFFFFFFF  }
0xb7: {  	s28 =	simm.s32 $_size_execute0_lowered;
	s5 =	sadd.s32 s5, s7;
	[dreg:$0x0] =	wrdreg $0x0  }
0xb8: {  	s7 =	sshll.u32 s28, $0x1;
	[dreg:$0x2] =	wrdreg s5  }
0xb9: {  	[dreg:$0x3] =	wrdreg s7  }
0xba: {  	[dreg:$0x4] =	wrdreg $0xC0  }
0xbb: {  	_ =	task [dreg:s22], $0x5FFFF  }
0xbc: {  	[dreg:$0x1] =	wrdreg $0xFFFFFFFF  }
0xbd: {  	[dreg:$0x0] =	wrdreg $0x60  }
0xbe: {  	[dreg:$0x2] =	wrdreg s24  }
0xbf: {  	[dreg:$0x3] =	wrdreg s18  }
0xc0: {  	[dreg:$0x4] =	wrdreg s4  }
0xc1: {  	[dreg:$0x5] =	wrdreg $0xA  }
0xc2: {  	_ =	task.clear_ibuf [dreg:s22], $0x6FFFF;
	_ =	strace $0x90000049  }
0xc3: {  	s29 =	simm.s32 $0xA;
	_ =	strace $0x8000004B  }
0xc4: {  	_ =	swait.ge [sflag:s29], $0x1  }
0xc5: {  	[sflag:s29] =	ssyncadd.s32 $0xFFFFFFFF  }
0xc6: {  	_ =	strace $0x9000004B  }
0xc7: {  	_ =	sfence  }
0xc8: {  	s30 =	sld [smem:$0x0];
	_ =	sdelay $0x2  }
0xc9: {  	s31 =	sshll.u32 s1, $0xD;
	s1 =	sshrl.u32 s1, $0x2  }
0xca: {  	s4 =	sand.u32 $0x4000, s31;
	s1 =	sadd.s32 s1, s30  }
0xcb: {  	s0 =	sor.u32 s4, s0;
	s1 =	sshll.u32 s1, $0x11  }
0xcc: {  	s0 =	sor.u32 s1, s0  }
0xcd: {  	s0 =	sadd.s32 $0x8F2B, s0  }
0xce: {  	[sflag:s0] =	ssyncadd.remote.s32 $0x1  }
0xcf: {  	_ =	sfence.sel $0xFFFF  }
0xd0: {  	[dreg:$0x0] =	wrdreg $0xFFFFFFFF;
	(pc) =	sbr.abs _section_cstart, $3  }
0xd1: {  	[dreg:$0x1] =	wrdreg $0xFFFFFFFF  }
0xd2: {  	_ =	task.clear_ibuf [dreg:s22], $0x2FFFF;
	_ =	strace $0x9FFFFFFF  }
0xd3: {  	(tm) =	ssettm $0x7FFFFFFF  }
tec
execute0_lowered:
.L_overlay_start_1:
0x0: {  	(tag) =	ssettag $0x1  }
0x1: {  	s7 =	rddreg [dreg:$0x0]  }
0x2: {  	s1 =	rddreg [dreg:$0x1]  }
0x3: {  	s2 =	rddreg [dreg:$0x2]  }
0x4: {  	s0 =	rddreg [dreg:$0x3];
	s3 =	simm.s32 $0x0;
	s4 =	srdreg.scid  }
0x5: {  	s12 =	simm.s32 $0x6E50;
	s13 =	simm.s32 $0x7620;
	s14 =	simm.s32 $0x7DF0  }
0x6: {  	s15 =	simm.s32 $0x85C0;
	s16 =	simm.s32 $0x0;
	[smem:$0x7FF] =	sst s3  }
0x7: {  	s8 =	sand.u32 $0x1, s4;
	s5 =	sadd.s32 $0x6800, s7;
	s4 =	stileid.u32  }
0x8: {  	s6 =	sadd.s32 $0x42800, s7;
	s7 =	sadd.s32 $0x4C600, s7;
	s9 =	ssub.s32 $0x2, s8  }
0x9: {  	v0 =	vlaneseq.u32;
	_ =	strace $0x8000004A;
	s11 =	sshll.u32 s4, $0x1;
	s10 =	sshrl.u32 s9, $0x1  }
0xa: {  	v1 =	vor.u32 $0x7D0, v0;
	s8 =	sor.u32 s8, s11;
	s11 =	simm.s32 $0x6680;
	s9 =	ssub.s32 s9, s10  }
0xb: {  	v2 =	vor.u32 $0xFA0, v0;
	v3 =	vor.u32 $0x1770, v0;
	v4 =	vor.u32 $0x1F40, v0;
	s8 =	smul.u32 $0x2710, s8;
	s10 =	simm.s32 $0x1;
	s9 =	smax.u32 s9, $0x1  }
.LBB2_1:
0xc: {  	[tilespmem:s3], [sflag:$0x1] =	stream.linear.gather [hbm4b:s5+s3], $0x4E80, $0x38;
	[tilespmem:$0x8E00] =	vst v63  }
0xd: {  	_ =	swait.ge [sflag:s10], $0x4E80  }
0xe: {  	[sflag:s10] =	ssyncset.done $0x0  }
0xf: {  	s17 =	simm.s32 $0x0;
	[sflag:s10] =	ssyncadd.s32 $0xFFFFB180  }
.LBB2_2:
0x10: {  	s18 =	smul.u32 $0x7D0, s17;
	_ =	sdelay $0x1  }
0x11: {  	s18 =	sadd.s32 s8, s18  }
0x12: {  	s18 =	sshrl.u32 s18, $0x3  }
0x13: {  	s23 =	simm.s32 $0x0;
	s19 =	simm.s32 $0x4E80;
	s20 =	sadd.s32 s1, s18  }
0x14: {  	[tilespmem:s19], [sflag:$0x1] =	stream.linear.gather [hbm4b:s20+s23], $0x7D0, $0x38;
	[tilespmem:$0x8E00] =	vst v63  }
0x15: {  	_ =	swait.ge [sflag:s10], $0x7D0  }
0x16: {  	[sflag:s10] =	ssyncset.done $0x0  }
0x17: {  	s21 =	sadd.s32 s2, s18;
	s20 =	simm.s32 $0x5680;
	[sflag:s10] =	ssyncadd.s32 $0xFFFFF830  }
0x18: {  	[tilespmem:s20], [sflag:$0x1] =	stream.linear.gather [hbm4b:s21+s23], $0x7D0, $0x38;
	[tilespmem:$0x8E00] =	vst v63  }
0x19: {  	_ =	swait.ge [sflag:s10], $0x7D0  }
0x1a: {  	[sflag:s10] =	ssyncset.done $0x0  }
0x1b: {  	s22 =	sadd.s32 s6, s18;
	s21 =	simm.s32 $0x5E80;
	[sflag:s10] =	ssyncadd.s32 $0xFFFFF830  }
0x1c: {  	[tilespmem:s21], [sflag:$0x1] =	stream.linear.gather [hbm4b:s22+s23], $0x7D0, $0x38;
	[tilespmem:$0x8E00] =	vst v63  }
0x1d: {  	_ =	swait.ge [sflag:s10], $0x7D0  }
0x1e: {  	[sflag:s10] =	ssyncset.done $0x0  }
0x1f: {  	[sflag:s10] =	ssyncadd.s32 $0xFFFFF830  }
0x20: {  	v5 =	vld [tilespmem:s19+$0x0];
	_ =	sdelay $0x1  }
0x21: {  	v6 =	vld [tilespmem:s20+$0x0];
	_ =	sdelay $0x2  }
0x22: {  	v5 =	vshll.u32 v5, $0x1  }
0x23: {  	v7 =	vor.u32 $0x1, v5  }
0x24: {  	v6 =	vshll.u32 v6, $0x1;
	_ =	sdelay $0x2  }
0x25: {  	v10 =	vor.u32 s23, v0;
	v8 =	vor.u32 $0x1, v6;
	v9 =	vld.idx.msk [tilespmem:v5+s3+$0x0], $0xffff  }
0x26: {  	v11 =	vadd.s32 s23, v1;
	v7 =	vld.idx.msk [tilespmem:v7+s3+$0x0], $0xffff  }
0x27: {  	v12 =	vadd.s32 s23, v2;
	v6 =	vld.idx.msk [tilespmem:v6+s3+$0x0], $0xffff;
	_ =	sdelay $0x1  }
0x28: {  	v5 =	vld [tilespmem:s21+$0x0]  }
0x29: {  	v8 =	vld.idx.msk [tilespmem:v8+s3+$0x0], $0xffff;
	[tilespmem:v10+s11+$0x0] =	vst.idx.msk $0xffff, v9  }
0x2a: {  	v13 =	vadd.s32 s23, v3;
	[tilespmem:v11+s11+$0x0] =	vst.idx.msk $0xffff, v7  }
0x2b: {  	[tilespmem:v12+s11+$0x0] =	vst.idx.msk $0xffff, v6;
	v6 =	vadd.s32 s23, v4;
	_ =	sdelay $0x3  }
0x2c: {  	s22 =	simm.s32 $0x10;
	[tilespmem:v13+s11+$0x0] =	vst.idx.msk $0xffff, v8  }
.LBB2_3:
0x2d: {  	[tilespmem:v6+s11+$0x0] =	vst.idx.msk $0xffff, v5;
	s19 =	sadd.s32 $0x10, s19;
	s20 =	sadd.s32 $0x10, s20;
	s21 =	sadd.s32 $0x10, s21  }
0x2e: {  	p0 =	sne.s32 s22, $0x7C0;
	s23 =	smov.u32 s22;
	s22 =	sadd.s32 $0x10, s22;
	v5 =	vld [tilespmem:s19+$0x0]  }
0x2f: {  	_ = 	snop  }
0x30: {  	v6 =	vld [tilespmem:s20+$0x0];
	_ =	sdelay $0x2  }
0x31: {  	v5 =	vshll.u32 v5, $0x1  }
0x32: {  	v7 =	vor.u32 $0x1, v5  }
0x33: {  	v6 =	vshll.u32 v6, $0x1  }
0x34: {  	v8 =	vor.u32 $0x1, v6;
	_ =	sdelay $0x1  }
0x35: {  	v9 =	vld.idx.msk [tilespmem:v5+s3+$0x0], $0xffff  }
0x36: {  	v10 =	vor.u32 s23, v0;
	v7 =	vld.idx.msk [tilespmem:v7+s3+$0x0], $0xffff  }
0x37: {  	v12 =	vadd.s32 s23, v1;
	v11 =	vld.idx.msk [tilespmem:v6+s3+$0x0], $0xffff  }
0x38: {  	v13 =	vadd.s32 s23, v2;
	v8 =	vld.idx.msk [tilespmem:v8+s3+$0x0], $0xffff  }
0x39: {  	v14 =	vadd.s32 s23, v3  }
.Ltmp0:
0x3a: {  	v6 =	vadd.s32 s23, v4;
	v5 =	vld [tilespmem:s21+$0x0];
	(pc) =	sbr.rel @p0 .LBB2_3-.Ltmp0, $4  }
0x3b: {  	[tilespmem:v10+s11+$0x0] =	vst.idx.msk $0xffff, v9  }
0x3c: {  	[tilespmem:v12+s11+$0x0] =	vst.idx.msk $0xffff, v7  }
0x3d: {  	[tilespmem:v13+s11+$0x0] =	vst.idx.msk $0xffff, v11  }
0x3e: {  	[tilespmem:v14+s11+$0x0] =	vst.idx.msk $0xffff, v8  }
0x3f: {  	_ =	sdelay $0x3  }
0x40: {  	[tilespmem:v6+s11+$0x0] =	vst.idx.msk $0xffff, v5;
	s18 =	sadd.s32 s7, s18  }
0x41: {  	[hbm4b:s18+s3] =	stream.linear.scatter [tilespmem:s11], [sflag:$0x1], $0x7D0, $0x38;
	[tilespmem:$0x8E00] =	vst v63  }
0x42: {  	_ =	swait.ge [sflag:s10], $0x7D0  }
0x43: {  	[sflag:s10] =	ssyncset.done $0x0  }
0x44: {  	s19 =	sadd.s32 $0x9C40, s18;
	[sflag:s10] =	ssyncadd.s32 $0xFFFFF830  }
0x45: {  	[hbm4b:s19+s3] =	stream.linear.scatter [tilespmem:s12], [sflag:$0x1], $0x7D0, $0x38;
	[tilespmem:$0x8E00] =	vst v63  }
0x46: {  	_ =	swait.ge [sflag:s10], $0x7D0  }
0x47: {  	[sflag:s10] =	ssyncset.done $0x0  }
0x48: {  	s30 =	sadd.s32 $0x13880, s18;
	[sflag:s10] =	ssyncadd.s32 $0xFFFFF830  }
0x49: {  	[hbm4b:s30+s3] =	stream.linear.scatter [tilespmem:s13], [sflag:$0x1], $0x7D0, $0x38;
	[tilespmem:$0x8E00] =	vst v63  }
0x4a: {  	_ =	swait.ge [sflag:s10], $0x7D0  }
0x4b: {  	[sflag:s10] =	ssyncset.done $0x0  }
0x4c: {  	s31 =	sadd.s32 $0x1D4C0, s18;
	[sflag:s10] =	ssyncadd.s32 $0xFFFFF830  }
0x4d: {  	[hbm4b:s31+s3] =	stream.linear.scatter [tilespmem:s14], [sflag:$0x1], $0x7D0, $0x38;
	[tilespmem:$0x8E00] =	vst v63  }
0x4e: {  	s17 =	sadd.s32 $0x1, s17;
	_ =	swait.ge [sflag:s10], $0x7D0  }
0x4f: {  	p0 =	sne.s32 s17, $0x5;
	[sflag:s10] =	ssyncset.done $0x0  }
.Ltmp1:
0x50: {  	s18 =	sadd.s32 $0x27100, s18;
	[sflag:s10] =	ssyncadd.s32 $0xFFFFF830;
	(pc) =	sbr.rel @p0 .LBB2_2-.Ltmp1, $4  }
0x51: {  	[hbm4b:s18+s3] =	stream.linear.scatter [tilespmem:s15], [sflag:$0x1], $0x7D0, $0x38;
	[tilespmem:$0x8E00] =	vst v63  }
0x52: {  	_ =	swait.ge [sflag:s10], $0x7D0  }
0x53: {  	[sflag:s10] =	ssyncset.done $0x0  }
0x54: {  	[sflag:s10] =	ssyncadd.s32 $0xFFFFF830  }
0x55: {  	s16 =	sadd.s32 $0x1, s16  }
0x56: {  	p0 =	sne.s32 s16, s9  }
.Ltmp2:
0x57: {  	_ = 	snop;
	(pc) =	sbr.rel @p0 .LBB2_1-.Ltmp2, $1  }
0x58: {  	_ =	sdelay $0x3  }
0x59: {  	_ =	sfence.sel $0x180000  }
0x5a: {  	[bflag:$0x0] =	sbarrier.arrive $0xFFFF  }
0x5b: {  	p0 =	sne.s32 s4, $0x0;
	_ =	strace $0x9000004A  }
0x5c: {  	s0 =	sadd.s32 @!p0 $0x100000, s0;
	[bflag:$0x2] =	sbarrier.arrive $0xFFFF  }
0x5d: {  	[sflag:s0] =	ssyncadd.tile.s32 @!p0 $0x1;
	_ =	shalt  }
.Lfunc_end2:
_tile_overlayer_lowered:
.L_overlay_start_2:
0x5e: {  	(tag) =	ssettag $0x2  }
0x5f: {  	s0 =	rddreg [dreg:$0x0];
	s2 =	stileid.u32  }
0x60: {  	s1 =	rddreg [dreg:$0x1];
	p0 =	sne.s32 s2, $0x0  }
0x61: {  	s3 =	rddreg [dreg:$0x2];
	[bflag:$0x3] =	sbarrier.arrive $0xFFFF;
	s2 =	simm.s32 @!p0 $0x1C01  }
0x62: {  	[timem:s3], [sflag:s2] =	dma.local @!p0 [hbm:s0], s1  }
0x63: {  	s0 =	simm.s32 @!p0 $0x1  }
0x64: {  	_ =	swait.ge @!p0 [sflag:s0], s1  }
0x65: {  	s1 =	ssub.s32 @!p0 $0x0, s1;
	[sflag:s0] =	ssyncset.done @!p0 $0x0  }
0x66: {  	[sflag:s0] =	ssyncadd.s32 @!p0 s1  }
0x67: {  	[bflag:$0x3] =	sbarrier.arrive $0xFFFF  }
0x68: {  	_ =	shalt  }

// kernel: kernel.15.cloned.1.call-start
scs
__scs_entry_jumppad:
0x0: {  	(pc) =	sbr.rel $0x88, $3  }
0x1: {  	(tag) =	ssettag $0x0;
	lr =	simm.s32 $0x1  }
0x2: {  	[smem:$0x3F7C] =	sst lr;
	_ =	strace $0xD0000000  }
0x3: {  	_ = 	snop  }
0x4: {  	_ = 	snop  }
0x5: {  	_ = 	snop  }
0x6: {  	_ = 	snop  }
0x7: {  	_ = 	snop  }
__scs_overlays_trampoline_lowered:
0x8: {  	[smem:$0x3F8B] =	sst s0  }
0x9: {  	[smem:$0x3F8C] =	sst s1  }
0xa: {  	[smem:$0x3F8D] =	sst s2  }
0xb: {  	[smem:$0x3F8E] =	sst s3  }
0xc: {  	[smem:$0x3F8F] =	sst s4  }
0xd: {  	[smem:$0x3F90] =	sst s5  }
0xe: {  	[smem:$0x3F91] =	sst s6  }
0xf: {  	[smem:$0x3F92] =	sst s7  }
0x10: {  	[smem:$0x3F93] =	sst s8  }
0x11: {  	[smem:$0x3F94] =	sst s9;
	s0 =	simm.s32 @!p0 $0x0  }
0x12: {  	s1 =	sld [smem:$0x3F7A];
	s0 =	simm.s32 @p0 $0x1  }
0x13: {  	[smem:$0x3F95] =	sst s0;
	s0 =	simm.s32 @!p1 $0x0  }
0x14: {  	s2 =	sld [smem:$0x3F79];
	s0 =	simm.s32 @p1 $0x1  }
0x15: {  	[smem:$0x3F96] =	sst s0;
	s0 =	simm.s32 @!p2 $0x0  }
0x16: {  	s3 =	sld [smem:$0x3FDB];
	s0 =	simm.s32 @p2 $0x1  }
0x17: {  	s4 =	simm.s32 $0x1BF5;
	[smem:$0x3F98] =	sst s0  }
0x18: {  	s0 =	sld [smem:$0x3F7B];
	_ =	swait.ge [sflag:s4], $0x0  }
0x19: {  	s7 =	sld [smem:$0x3F7C]  }
0x1a: {  	s8 =	sadd.s32 $0xFFFFE003, lr  }
0x1b: {  	s9 =	sadd.s32 $0xFFFFFEF7, lr;
	s5 =	simm.s32 $0xFFFFFFFF;
	p2 =	slt.u32 s8, $0xFFFFF086  }
0x1c: {  	p1 =	slt.u32 s9, $0xF7A;
	s5 =	simm.s32 @!p2 $0x0  }
0x1d: {  	s5 =	simm.s32 @p1 $0x1;
	p0 =	seq.s32 s7, s2  }
0x1e: {  	s7 =	smul.u32 @!p0 $0xF7A, s2;
	p2 =	seq.s32 @!p0 s5, $0x0  }
0x1f: {  	s9 =	smul.u32 $0xF7A, s1;
	s8 =	simm.s32 @!p0 $0x1BF5;
	p2 =	por !p2, p0  }
0x20: {  	[sflag:s8] =	ssyncset.s32 @!p0 $0xFFFFF086;
	s6 =	sadd.s32 @!p0 s3, s7;
	s7 =	simm.s32 @!p0 $0x108  }
0x21: {  	s3 =	sadd.s32 s3, s9;
	s6 =	sadd.s32 @!p0 $0x88, s6;
	s7 =	simm.s32 @p2 $0x1082  }
0x22: {  	[simem:s7], [sflag:s8] =	dma.local @!p0 [hbm:s6], $0xF7A  }
0x23: {  	s9 =	sor.u32 $0xD0000000, s2;
	s6 =	simm.s32 $0x108;
	_ =	swait.ge @!p0 [sflag:s8], $0x0  }
0x24: {  	s3 =	sadd.s32 $0x88, s3;
	s6 =	simm.s32 @!p1 $0x1082;
	[sflag:s4] =	ssyncset.s32 $0xFFFFF086  }
0x25: {  	[simem:s6], [sflag:s4] =	dma.local [hbm:s3], $0xF7A  }
0x26: {  	[smem:$0x3F7C] =	sst s1;
	(tag) =	ssettag s2;
	_ =	strace s9  }
0x27: {  	s1 =	sld [smem:$0x3F8C]  }
0x28: {  	s2 =	sld [smem:$0x3F8D]  }
0x29: {  	s4 =	sld [smem:$0x3F8F]  }
0x2a: {  	p0 =	seq.s32 s5, $0x0;
	s5 =	sld [smem:$0x3F90]  }
0x2b: {  	s6 =	sld [smem:$0x3F91]  }
0x2c: {  	s7 =	sld [smem:$0x3F92]  }
0x2d: {  	s3 =	simm.s32 $0x108;
	s8 =	sld [smem:$0x3F93]  }
0x2e: {  	s3 =	simm.s32 @!p0 $0x1082;
	s9 =	sld [smem:$0x3F94]  }
0x2f: {  	lr =	sadd.s32 s0, s3;
	s0 =	sld [smem:$0x3F8B]  }
0x30: {  	s3 =	sld [smem:$0x3F8E]  }
0x31: {  	[smem:$0x3F97] =	sst s10  }
0x32: {  	s10 =	sld [smem:$0x3F95];
	_ =	sdelay $0x3  }
0x33: {  	p0 =	seq.s32 s10, $0x1;
	s10 =	sld [smem:$0x3F97];
	_ =	sdelay $0x3  }
0x34: {  	[smem:$0x3F97] =	sst s10  }
0x35: {  	s10 =	sld [smem:$0x3F96];
	_ =	sdelay $0x3  }
0x36: {  	p1 =	seq.s32 s10, $0x1;
	s10 =	sld [smem:$0x3F97];
	_ =	sdelay $0x3  }
0x37: {  	[smem:$0x3F97] =	sst s10  }
0x38: {  	s10 =	sld [smem:$0x3F98]  }
0x39: {  	_ = 	snop;
	(pc) =	sbr.ind lr, $3  }
0x3a: {  	_ = 	snop  }
0x3b: {  	_ = 	snop  }
0x3c: {  	p2 =	seq.s32 s10, $0x1;
	s10 =	sld [smem:$0x3F97]  }
0x3d: {  	_ =	shalt  }
0x3e: {  	_ =	shalt  }
0x3f: {  	_ =	shalt  }
0x40: {  	_ =	shalt  }
0x41: {  	_ =	shalt  }
0x42: {  	_ =	shalt  }
0x43: {  	_ =	shalt  }
0x44: {  	_ =	shalt  }
0x45: {  	_ =	shalt  }
0x46: {  	_ =	shalt  }
0x47: {  	_ =	shalt  }
0x48: {  	_ =	shalt  }
0x49: {  	_ =	shalt  }
0x4a: {  	_ =	shalt  }
0x4b: {  	_ =	shalt  }
0x4c: {  	_ =	shalt  }
0x4d: {  	_ =	shalt  }
0x4e: {  	_ =	shalt  }
0x4f: {  	_ =	shalt  }
0x50: {  	_ =	shalt  }
0x51: {  	_ =	shalt  }
0x52: {  	_ =	shalt  }
0x53: {  	_ =	shalt  }
0x54: {  	_ =	shalt  }
0x55: {  	_ =	shalt  }
0x56: {  	_ =	shalt  }
0x57: {  	_ =	shalt  }
0x58: {  	_ =	shalt  }
0x59: {  	_ =	shalt  }
0x5a: {  	_ =	shalt  }
0x5b: {  	_ =	shalt  }
0x5c: {  	_ =	shalt  }
0x5d: {  	_ =	shalt  }
0x5e: {  	_ =	shalt  }
0x5f: {  	_ =	shalt  }
0x60: {  	_ =	shalt  }
0x61: {  	_ =	shalt  }
0x62: {  	_ =	shalt  }
0x63: {  	_ =	shalt  }
0x64: {  	_ =	shalt  }
0x65: {  	_ =	shalt  }
0x66: {  	_ =	shalt  }
0x67: {  	_ =	shalt  }
0x68: {  	_ =	shalt  }
0x69: {  	_ =	shalt  }
0x6a: {  	_ =	shalt  }
0x6b: {  	_ =	shalt  }
0x6c: {  	_ =	shalt  }
0x6d: {  	_ =	shalt  }
0x6e: {  	_ =	shalt  }
0x6f: {  	_ =	shalt  }
0x70: {  	_ =	shalt  }
0x71: {  	_ =	shalt  }
0x72: {  	_ =	shalt  }
0x73: {  	_ =	shalt  }
0x74: {  	_ =	shalt  }
0x75: {  	_ =	shalt  }
0x76: {  	_ =	shalt  }
0x77: {  	_ =	shalt  }
0x78: {  	_ =	shalt  }
0x79: {  	_ =	shalt  }
0x7a: {  	_ =	shalt  }
0x7b: {  	_ =	shalt  }
0x7c: {  	_ =	shalt  }
0x7d: {  	_ =	shalt  }
0x7e: {  	_ =	shalt  }
0x7f: {  	_ =	shalt  }
0x80: {  	_ =	shalt  }
0x81: {  	_ =	shalt  }
0x82: {  	_ =	shalt  }
0x83: {  	_ =	shalt  }
0x84: {  	_ =	shalt  }
0x85: {  	_ =	shalt  }
0x86: {  	_ =	shalt  }
0x87: {  	_ =	shalt  }
.Lfunc_end0:
.L_simem_size_0:
called_computation.2_lowered:
.L_overlay_start_0:
0x88: {  	s2 =	sld [smem:$0x3FD9]  }
0x89: {  	s3 =	sld [smem:$0x3FFE];
	_ =	sdelay $0x1  }
0x8a: {  	s1 =	srdreg.scid  }
0x8b: {  	s0 =	sand.u32 $0x1, s1  }
0x8c: {  	s17 =	sshll.u32 s0, $0xA;
	s2 =	sadd.s32 s3, s2  }
0x8d: {  	s2 =	sadd.s32 s2, s17  }
0x8e: {  	[smem:$0x3FA3] =	sst s2  }
0x8f: {  	_ = 	snop  }
0x90: {  	s2 =	sld [smem:$0x3FC5]  }
0x91: {  	s18 =	sld [smem:$0x3FC4]  }
0x92: {  	s4 =	sld [smem:$0x3FC2]  }
0x93: {  	s5 =	sld [smem:$0x3FC1];
	(tm) =	ssettm $0x1  }
0x94: {  	s6 =	sld [smem:$0x3FFB];
	_ =	sdelay $0x3  }
0x95: {  	_ =	strace s6  }
0x96: {  	s6 =	sld [smem:$0x3FFC];
	_ =	sdelay $0x3  }
0x97: {  	_ =	strace s6  }
0x98: {  	s6 =	sld [smem:$0x3FFD];
	_ =	sdelay $0x3  }
0x99: {  	_ =	strace s6  }
0x9a: {  	_ =	strace $0x8FFFFFFF  }
0x9b: {  	s19 =	sld [smem:$0x3FDB];
	_ =	sdelay $0x1  }
0x9c: {  	s7 =	simm.s32 $_scs_section_size  }
0x9d: {  	s8 =	simm.s32 $_size__tile_overlayer_lowered;
	s9 =	simm.s32 $_tile_overlayer_lowered  }
0x9e: {  	s22 =	simm.s32 $0x1BFF;
	s21 =	sshll.u32 s9, $0x1;
	s6 =	sadd.s32 s7, s19  }
0x9f: {  	s10 =	simm.s32 $0x0;
	s20 =	sshll.u32 s8, $0x1;
	s8 =	sadd.s32 s21, s6  }
0xa0: {  	[timem:s10], [sflag:s22] =	dma.local [hbm:s8], s20  }
0xa1: {  	_ =	swait.ge [sflag:s22], s20  }
0xa2: {  	s7 =	ssub.s32 $0x0, s20;
	[sflag:s22] =	ssyncset.done $0x0  }
0xa3: {  	[sflag:s22] =	ssyncadd.s32 s7;
	_ =	sdelay $0x1  }
0xa4: {  	s23 =	simm.s32 $0x1B8B  }
0xa5: {  	_ =	swait.ge [sflag:s23], $0x1  }
0xa6: {  	[sflag:s23] =	ssyncset.done $0x0  }
0xa7: {  	s25 =	simm.s32 $0x1B8E;
	s24 =	sld [smem:$0x3FFE];
	[sflag:s23] =	ssyncadd.s32 $0xFFFFFFFF  }
0xa8: {  	s26 =	simm.s32 $execute0_lowered;
	[smem:$0x3FD2] =	sst s25  }
0xa9: {  	s8 =	sshll.u32 s26, $0x1;
	_ =	strace $0x8000004C;
	[dreg:$0x1] =	wrdreg $0xFFFFFFFF  }
0xaa: {  	s28 =	simm.s32 $_size_execute0_lowered;
	s6 =	sadd.s32 s6, s8;
	[dreg:$0x0] =	wrdreg $0x0  }
0xab: {  	s8 =	sshll.u32 s28, $0x1;
	[dreg:$0x2] =	wrdreg s6  }
0xac: {  	[dreg:$0x3] =	wrdreg s8  }
0xad: {  	[dreg:$0x4] =	wrdreg $0xC0  }
0xae: {  	_ =	task [dreg:s10], $0x5FFFF  }
0xaf: {  	[dreg:$0x1] =	wrdreg $0xFFFFFFFF  }
0xb0: {  	[dreg:$0x0] =	wrdreg $0x60  }
0xb1: {  	[dreg:$0x2] =	wrdreg s24  }
0xb2: {  	[dreg:$0x3] =	wrdreg s2  }
0xb3: {  	[dreg:$0x4] =	wrdreg s18  }
0xb4: {  	[dreg:$0x5] =	wrdreg s4  }
0xb5: {  	[dreg:$0x6] =	wrdreg s5  }
0xb6: {  	[dreg:$0x7] =	wrdreg $0xA3000  }
0xb7: {  	[dreg:$0x8] =	wrdreg $0x9  }
0xb8: {  	_ =	task.clear_ibuf [dreg:s10], $0x9FFFF;
	_ =	strace $0x9000004C  }
0xb9: {  	s29 =	simm.s32 $0x9;
	_ =	strace $0x8000004E  }
0xba: {  	_ =	swait.ge [sflag:s29], $0x1  }
0xbb: {  	[sflag:s29] =	ssyncadd.s32 $0xFFFFFFFF  }
0xbc: {  	_ =	strace $0x9000004E  }
0xbd: {  	_ =	sfence  }
0xbe: {  	s30 =	sld [smem:$0x0];
	_ =	sdelay $0x2  }
0xbf: {  	s31 =	sshll.u32 s1, $0xD;
	s1 =	sshrl.u32 s1, $0x2  }
0xc0: {  	s3 =	sand.u32 $0x4000, s31;
	s1 =	sadd.s32 s1, s30  }
0xc1: {  	s0 =	sor.u32 s3, s0;
	s1 =	sshll.u32 s1, $0x11  }
0xc2: {  	s0 =	sor.u32 s1, s0  }
0xc3: {  	s0 =	sadd.s32 $0x8F2B, s0  }
0xc4: {  	[sflag:s0] =	ssyncadd.remote.s32 $0x1  }
0xc5: {  	_ =	sfence.sel $0xFFFF  }
0xc6: {  	[dreg:$0x0] =	wrdreg $0xFFFFFFFF;
	(pc) =	sbr.abs _section_cstart, $3  }
0xc7: {  	[dreg:$0x1] =	wrdreg $0xFFFFFFFF  }
0xc8: {  	_ =	task.clear_ibuf [dreg:s10], $0x2FFFF;
	_ =	strace $0x9FFFFFFF  }
0xc9: {  	(tm) =	ssettm $0x7FFFFFFF  }
tec
execute0_lowered:
.L_overlay_start_1:
0x0: {  	(tag) =	ssettag $0x1  }
0x1: {  	s0 =	rddreg [dreg:$0x0]  }
0x2: {  	s1 =	rddreg [dreg:$0x1]  }
0x3: {  	s2 =	rddreg [dreg:$0x2]  }
0x4: {  	s17 =	rddreg [dreg:$0x3]  }
0x5: {  	s21 =	rddreg [dreg:$0x4]  }
0x6: {  	s6 =	rddreg [dreg:$0x5]  }
0x7: {  	s3 =	srdreg.scid;
	s18 =	stileid.u32;
	s7 =	simm.s32 $0x0  }
0x8: {  	s28 =	simm.s32 $0x5;
	s29 =	simm.s32 $0x2;
	s3 =	sand.u32 $0x1, s3  }
0x9: {  	s5 =	smul.u32 $0x14000, s18;
	[smem:$0x7FF] =	sst s7;
	s8 =	sadd.s32 $0xCB800, s0  }
0xa: {  	s9 =	sadd.s32 $0x7D400, s0;
	s10 =	sadd.s32 $0x5AD800, s0;
	s13 =	smul.u32 $0x3E30, s18  }
0xb: {  	s11 =	sadd.s32 $0xA4600, s0;
	s12 =	sadd.s32 $0x6800, s0;
	s16 =	smul.u32 $0x50000, s18  }
0xc: {  	s14 =	sadd.s32 $0x9000, s0;
	s26 =	sshll.u32 s18, $0x6;
	s4 =	smul.u32 $0x140000, s3  }
0xd: {  	_ =	strace $0x8000004D;
	[dreg:$0x7] =	wrdreg s12;
	s23 =	ssub.s32 $0x2, s3  }
0xe: {  	[dreg:$0x8] =	wrdreg s14;
	s14 =	sor.u32 $0x1C07, s26;
	p0 =	sne.s32 s3, $0x0  }
0xf: {  	s24 =	sshrl.u32 s23, $0x1;
	s15 =	sadd.s32 $0xFF00, s13;
	s25 =	sshrl.u32 s16, $0x2  }
0x10: {  	s22 =	sshrl.u32 s13, $0x3;
	s26 =	sadd.s32 $0xFFF0, s13;
	s4 =	sadd.s32 s5, s4  }
0x11: {  	s30 =	sshrl.u32 s15, $0x3;
	s12 =	sadd.s32 s25, s6;
	[dreg:$0x11] =	wrdreg s26  }
0x12: {  	s4 =	sshrl.u32 s4, $0x3;
	[dreg:$0xa] =	wrdreg s12;
	s19 =	sadd.s32 s1, s30  }
0x13: {  	s20 =	sadd.s32 s2, s30;
	s12 =	sadd.s32 $0x1FEA, s22;
	[dreg:$0xc] =	wrdreg s19  }
0x14: {  	s4 =	sadd.s32 s4, s0;
	s0 =	sadd.s32 $0x31000, s0;
	[dreg:$0xd] =	wrdreg s20  }
0x15: {  	[dreg:$0x9] =	wrdreg s0;
	s0 =	ssub.s32 s23, s24;
	s24 =	sadd.s32 s1, s12  }
0x16: {  	s25 =	smul.u32 $0xFF00, s18;
	s12 =	sadd.s32 s2, s12;
	[dreg:$0xf] =	wrdreg s24  }
0x17: {  	s23 =	sshll.u32 s15, $0x4;
	s4 =	sadd.s32 $0xA8F800, s4;
	[dreg:$0x10] =	wrdreg s12  }
0x18: {  	s20 =	smul.u32 $0xFF0, s18;
	s3 =	sadd.s32 s8, s23;
	[dreg:$0x17] =	wrdreg s4  }
0x19: {  	s13 =	simm.s32 $0x300;
	s0 =	smax.u32 s0, $0x1;
	[dreg:$0xe] =	wrdreg s3  }
0x1a: {  	s30 =	sshrl.u32 s20, $0x3;
	s3 =	sadd.s32 s8, s25;
	[dreg:$0x1f] =	wrdreg s0  }
0x1b: {  	s19 =	smul.u32 $0x4E20, s18;
	s16 =	sadd.s32 s1, s30;
	[dreg:$0x12] =	wrdreg s3  }
0x1c: {  	s23 =	smul.u32 $0x4E200, s18;
	s22 =	sadd.s32 s2, s30;
	[dreg:$0x13] =	wrdreg s16  }
0x1d: {  	s12 =	sadd.s32 $0xA, s30;
	s30 =	sadd.s32 $0xA0, s19;
	[dreg:$0x14] =	wrdreg s22  }
0x1e: {  	s31 =	sadd.s32 $0x50, s19;
	s24 =	sadd.s32 s1, s12;
	[smem:$0x7FB] =	sst s30  }
0x1f: {  	s26 =	sshrl.u32 s19, $0x3;
	s12 =	sadd.s32 s2, s12;
	[dreg:$0x15] =	wrdreg s24  }
0x20: {  	s25 =	sshll.u32 s31, $0x4;
	s3 =	sadd.s32 $0xF0, s19;
	[dreg:$0x16] =	wrdreg s12  }
0x21: {  	s4 =	sadd.s32 s10, s23;
	s16 =	sshrl.u32 s5, $0x3;
	[dreg:$0x19] =	wrdreg s3  }
0x22: {  	s19 =	smul.u32 $0x9C4, s18;
	s22 =	sadd.s32 s21, s26;
	[dreg:$0x1a] =	wrdreg s16  }
0x23: {  	s23 =	sadd.s32 s17, s26;
	s30 =	sadd.s32 $0xF0, s20;
	[dreg:$0x1b] =	wrdreg s22  }
0x24: {  	s18 =	simm.s32 $0x0;
	s12 =	sadd.s32 s10, s25;
	[dreg:$0x1c] =	wrdreg s23  }
0x25: {  	s24 =	sshrl.u32 s31, $0x3;
	[smem:$0x7FD] =	sst s30;
	s16 =	simm.s32 $0x80  }
0x26: {  	s22 =	simm.s32 $0x3;
	s23 =	simm.s32 $0x200;
	[dreg:$0x18] =	wrdreg s12  }
0x27: {  	s25 =	sadd.s32 s21, s24;
	s5 =	sadd.s32 s17, s24;
	s3 =	sadd.s32 s19, s21  }
.Ltmp0:
0x28: {  	s12 =	simm.s32 $0x1;
	s17 =	simm.s32 $0x280;
	(pc) =	sbr.rel .LBB2_1-.Ltmp0, $4  }
0x29: {  	s24 =	simm.s32 $0x2B00;
	s19 =	simm.s32 $0x7B00;
	[dreg:$0x1d] =	wrdreg s25  }
0x2a: {  	[dreg:$0x1e] =	wrdreg s5;
	s26 =	sadd.s32 $0x28, s3;
	s3 =	smov.u32 s14  }
0x2b: {  	s5 =	simm.s32 $0x7;
	s25 =	simm.s32 $0x50;
	[smem:$0x7FC] =	sst s26  }
0x2c: {  	s14 =	simm.s32 $0x5300;
	s26 =	simm.s32 $0x4;
	[dreg:$0xb] =	wrdreg s3  }
.LBB2_33:
0x2d: {  	_ =	swait.ge [sflag:s28], $0x2800  }
0x2e: {  	s0 =	simm.s32 $0x2;
	[sflag:s28] =	ssyncset.done $0x0;
	s3 =	rddreg [dreg:$0x9]  }
0x2f: {  	s5 =	simm.s32 $0x6;
	s18 =	sld [smem:$0x7F9];
	[sflag:s28] =	ssyncadd.s32 $0xFFFFD800  }
.LBB2_34:
0x30: {  	_ =	swait.ge [sflag:s5], $0x2800  }
0x31: {  	[sflag:s5] =	ssyncset.done $0x0  }
0x32: {  	[sflag:s5] =	ssyncadd.s32 $0xFFFFD800  }
0x33: {  	_ =	swait.ge [sflag:s0], $0x2800  }
0x34: {  	[sflag:s0] =	ssyncset.done $0x0  }
0x35: {  	[sflag:s0] =	ssyncadd.s32 $0xFFFFD800  }
0x36: {  	s5 =	rddreg [dreg:$0x1a];
	[bflag:$0x0] =	sbarrier.arrive $0xFFFF  }
0x37: {  	s21 =	sld [smem:$0x7FA];
	_ =	sdelay $0x1  }
0x38: {  	s0 =	sadd.s32 s3, s5;
	s5 =	simm.s32 $0x7;
	s3 =	rddreg [dreg:$0xb]  }
0x39: {  	[hbm:s0], [sflag:s3] =	dma.local [spmem:s21], $0x2800  }
0x3a: {  	_ =	swait.ge [sflag:s5], $0x2800  }
0x3b: {  	s18 =	sadd.s32 $0x1, s18;
	s30 =	rddreg [dreg:$0x1f]  }
0x3c: {  	p1 =	sne.s32 s18, s30  }
.Ltmp1:
0x3d: {  	_ = 	snop;
	(pc) =	sbr.rel @!p1 .LBB2_35-.Ltmp1, $3  }
0x3e: {  	_ =	sdelay $0x1  }
0x3f: {  	[sflag:s5] =	ssyncset.done $0x0  }
0x40: {  	[sflag:s5] =	ssyncadd.s32 $0xFFFFD800  }
.LBB2_1:
0x41: {  	[smem:$0x7F9] =	sst s18  }
0x42: {  	s0 =	rddreg [dreg:$0xa]  }
0x43: {  	s21 =	rddreg [dreg:$0x7];
	s0 =	sshrl.u32 s0, $0x3  }
0x44: {  	[smem:$0x7FA] =	sst s0  }
0x45: {  	[spmem:s0], [sflag:s3] =	dma.local [hbm:s21], $0x2800  }
.Ltmp2:
0x46: {  	_ =	swait.ge [sflag:s5], $0x2800;
	(pc) =	sbr.rel @p0 .LBB2_10-.Ltmp2, $4  }
0x47: {  	[sflag:s5] =	ssyncset.done $0x0  }
0x48: {  	[sflag:s5] =	ssyncadd.s32 $0xFFFFD800  }
0x49: {  	[bflag:$0x0] =	sbarrier.arrive $0xFFFF  }
0x4a: {  	s30 =	simm.s32 $0x0  }
0x4b: {  	s0 =	rddreg [dreg:$0x13]  }
0x4c: {  	[tilespmem:s30], [sflag:$0x7] =	stream.linear.gather [hbm4b:s0+s30], $0x50, $0x38;
	[tilespmem:$0x1E300] =	vst v63  }
0x4d: {  	_ =	swait.ge [sflag:s5], $0x50  }
0x4e: {  	[sflag:s5] =	ssyncset.done $0x0  }
0x4f: {  	s3 =	simm.s32 $0x100;
	s21 =	rddreg [dreg:$0x14];
	[sflag:s5] =	ssyncadd.s32 $0xFFFFFFB0  }
0x50: {  	[tilespmem:s3], [sflag:$0x7] =	stream.linear.gather [hbm4b:s21+s30], $0x50, $0x38;
	[tilespmem:$0x1E300] =	vst v63  }
0x51: {  	_ =	swait.ge [sflag:s5], $0x50  }
0x52: {  	[sflag:s5] =	ssyncset.done $0x0  }
0x53: {  	[sflag:s5] =	ssyncadd.s32 $0xFFFFFFB0  }
0x54: {  	[tilespmem:s13], [sflag:$0x3] =	stream.indirect.gather [hbm4b:s9+s25], $0x80, s30, s25, $0xb8;
	[tilespmem:$0x1E300] =	vst v63  }
0x55: {  	s3 =	rddreg [dreg:$0x12]  }
0x56: {  	[tilespmem:s14], [sflag:$0x3] =	stream.linear.gather [hbm4b:s3+s30], $0x2800, $0x38;
	[tilespmem:$0x1E300] =	vst v63  }
.Ltmp3:
0x57: {  	_ = 	snop;
	(pc) =	sbr.rel .LBB2_3-.Ltmp3, $4  }
0x58: {  	s5 =	rddreg [dreg:$0x15]  }
0x59: {  	[tilespmem:s16], [sflag:$0x2] =	stream.linear.gather [hbm4b:s5+s30], $0x50, $0x38;
	[tilespmem:$0x1E300] =	vst v63  }
0x5a: {  	s21 =	simm.s32 $0x180;
	s18 =	rddreg [dreg:$0x16]  }
0x5b: {  	[tilespmem:s21], [sflag:$0x2] =	stream.linear.gather [hbm4b:s18+s30], $0x50, $0x38;
	[tilespmem:$0x1E300] =	vst v63  }
.LBB2_9:
0x5c: {  	s30 =	sadd.s32 $0x1, s30  }
0x5d: {  	p1 =	seq.s32 s30, $0x1A  }
.Ltmp4:
0x5e: {  	_ = 	snop;
	(pc) =	sbr.rel @p1 .LBB2_18-.Ltmp4, $1  }
0x5f: {  	_ =	sdelay $0x3  }
.LBB2_3:
0x60: {  	_ =	swait.ge [sflag:s22], $0x2800  }
0x61: {  	s0 =	sshllo.u32 s30, $0x1;
	[sflag:s22] =	ssyncset.done $0x0  }
0x62: {  	p1 =	sgt.u32 s0, $0x32;
	[sflag:s22] =	ssyncadd.s32 $0xFFFFD800  }
0x63: {  	p2 =	seq.s32 @!p1 s30, $0x0;
	_ =	swait.ge [sflag:s22], $0x2800  }
0x64: {  	p2 =	por p2, p1;
	[sflag:s22] =	ssyncset.done $0x0  }
0x65: {  	s3 =	simm.s32 @!p2 $0x6;
	[sflag:s22] =	ssyncadd.s32 $0xFFFFD800  }
0x66: {  	_ =	swait.ge @!p2 [sflag:s3], $0x2800  }
0x67: {  	[sflag:s3] =	ssyncset.done @!p2 $0x0  }
0x68: {  	[sflag:s3] =	ssyncadd.s32 @!p2 $0xFFFFD800;
	s3 =	simm.s32 @!p1 $0x2  }
0x69: {  	_ =	swait.ge @!p1 [sflag:s3], $0x50  }
0x6a: {  	s0 =	smul.u32 @!p1 $0x50, s0;
	[sflag:s3] =	ssyncset.done @!p1 $0x0  }
0x6b: {  	[sflag:s3] =	ssyncadd.s32 @!p1 $0xFFFFFFB0  }
0x6c: {  	s5 =	simm.s32 @!p1 $0x80;
	s0 =	sadd.s32 @!p1 s20, s0;
	_ =	swait.ge @!p1 [sflag:s3], $0x50  }
0x6d: {  	s18 =	simm.s32 @!p1 $0x2B00;
	s0 =	sshll.u32 @!p1 s0, $0x4;
	[sflag:s3] =	ssyncset.done @!p1 $0x0  }
0x6e: {  	s0 =	sadd.s32 @!p1 s8, s0;
	[sflag:s3] =	ssyncadd.s32 @!p1 $0xFFFFFFB0;
	s3 =	simm.s32 @!p1 $0x50  }
0x6f: {  	[tilespmem:s18], [sflag:$0x4] =	stream.indirect.gather @!p1 [hbm4b:s9+s3], $0x80, s5, s3, $0xb8;
	[tilespmem:$0x1E300] =	vst v63  }
0x70: {  	s3 =	simm.s32 @!p1 $0x0;
	s5 =	simm.s32 @!p1 $0x7B00;
	s18 =	simm.s32 $0x400  }
0x71: {  	[tilespmem:s5], [sflag:$0x4] =	stream.linear.gather @!p1 [hbm4b:s0+s3], $0x2800, $0x38;
	[tilespmem:$0x1E300] =	vst v63  }
0x72: {  	s0 =	simm.s32 $0x5400;
	v0 =	vld [tilespmem:s18+$0x80]  }
0x73: {  	v1 =	vld [tilespmem:s0+$0x80]  }
0x74: {  	v2 =	vld [tilespmem:s18+$0xFFFFFF80]  }
0x75: {  	v3 =	vld [tilespmem:s0+$0xFFFFFF80]  }
0x76: {  	v4 =	vld [tilespmem:s18+$0x0]  }
0x77: {  	v5 =	vld [tilespmem:s0+$0x0]  }
0x78: {  	v6 =	vld [tilespmem:s18+$0xFFFFFF00];
	v0 =	vmul.f32 v1, v0  }
0x79: {  	v1 =	vld [tilespmem:s0+$0xFFFFFF00]  }
0x7a: {  	[tilespmem:s18+$0x80] =	vst v0;
	v0 =	vld [tilespmem:s18+$0x90]  }
0x7b: {  	v2 =	vmul.f32 v3, v2;
	v3 =	vld [tilespmem:s0+$0x90]  }
0x7c: {  	v7 =	vld [tilespmem:s18+$0xFFFFFF10]  }
0x7d: {  	[tilespmem:s18+$0xFFFFFF80] =	vst v2;
	v2 =	vmul.f32 v5, v4;
	v4 =	vld [tilespmem:s18+$0xFFFFFF90]  }
0x7e: {  	v5 =	vld [tilespmem:s0+$0xFFFFFF90];
	v1 =	vmul.f32 v1, v6  }
0x7f: {  	[tilespmem:s18+$0x0] =	vst v2;
	v2 =	vld [tilespmem:s18+$0x10]  }
0x80: {  	v6 =	vld [tilespmem:s0+$0x10];
	[tilespmem:s18+$0xFFFFFF00] =	vst v1;
	v0 =	vmul.f32 v3, v0  }
0x81: {  	v1 =	vld [tilespmem:s0+$0xFFFFFF10]  }
0x82: {  	[tilespmem:s18+$0x90] =	vst v0;
	v0 =	vld [tilespmem:s18+$0xA0]  }
0x83: {  	v3 =	vmul.f32 v5, v4;
	v4 =	vld [tilespmem:s0+$0xA0]  }
0x84: {  	v5 =	vld [tilespmem:s18+$0xFFFFFF20]  }
0x85: {  	[tilespmem:s18+$0xFFFFFF90] =	vst v3;
	v2 =	vmul.f32 v6, v2;
	v3 =	vld [tilespmem:s18+$0xFFFFFFA0]  }
0x86: {  	v6 =	vld [tilespmem:s0+$0xFFFFFFA0];
	v1 =	vmul.f32 v1, v7  }
0x87: {  	[tilespmem:s18+$0x10] =	vst v2;
	v2 =	vld [tilespmem:s18+$0x20]  }
0x88: {  	v7 =	vld [tilespmem:s0+$0x20];
	[tilespmem:s18+$0xFFFFFF10] =	vst v1;
	v0 =	vmul.f32 v4, v0  }
0x89: {  	v1 =	vld [tilespmem:s0+$0xFFFFFF20]  }
0x8a: {  	[tilespmem:s18+$0xA0] =	vst v0;
	v0 =	vld [tilespmem:s18+$0xB0]  }
0x8b: {  	v3 =	vmul.f32 v6, v3;
	v4 =	vld [tilespmem:s0+$0xB0]  }
0x8c: {  	v6 =	vld [tilespmem:s18+$0xFFFFFF30]  }
0x8d: {  	[tilespmem:s18+$0xFFFFFFA0] =	vst v3;
	v2 =	vmul.f32 v7, v2;
	v3 =	vld [tilespmem:s18+$0xFFFFFFB0]  }
0x8e: {  	v7 =	vld [tilespmem:s0+$0xFFFFFFB0];
	v1 =	vmul.f32 v1, v5  }
0x8f: {  	[tilespmem:s18+$0x20] =	vst v2;
	v2 =	vld [tilespmem:s18+$0x30]  }
0x90: {  	v5 =	vld [tilespmem:s0+$0x30];
	[tilespmem:s18+$0xFFFFFF20] =	vst v1;
	v0 =	vmul.f32 v4, v0  }
0x91: {  	v1 =	vld [tilespmem:s0+$0xFFFFFF30]  }
0x92: {  	[tilespmem:s18+$0xB0] =	vst v0;
	v0 =	vld [tilespmem:s18+$0xC0]  }
0x93: {  	v3 =	vmul.f32 v7, v3;
	v4 =	vld [tilespmem:s0+$0xC0]  }
0x94: {  	v7 =	vld [tilespmem:s18+$0xFFFFFF40]  }
0x95: {  	[tilespmem:s18+$0xFFFFFFB0] =	vst v3;
	v2 =	vmul.f32 v5, v2;
	v3 =	vld [tilespmem:s18+$0xFFFFFFC0]  }
0x96: {  	v5 =	vld [tilespmem:s0+$0xFFFFFFC0];
	v1 =	vmul.f32 v1, v6  }
0x97: {  	[tilespmem:s18+$0x30] =	vst v2;
	v2 =	vld [tilespmem:s18+$0x40]  }
0x98: {  	v6 =	vld [tilespmem:s0+$0x40];
	[tilespmem:s18+$0xFFFFFF30] =	vst v1;
	v0 =	vmul.f32 v4, v0  }
0x99: {  	v1 =	vld [tilespmem:s0+$0xFFFFFF40]  }
0x9a: {  	[tilespmem:s18+$0xC0] =	vst v0;
	v0 =	vld [tilespmem:s18+$0xD0]  }
0x9b: {  	v3 =	vmul.f32 v5, v3;
	v4 =	vld [tilespmem:s0+$0xD0]  }
0x9c: {  	v5 =	vld [tilespmem:s18+$0xFFFFFF50]  }
0x9d: {  	[tilespmem:s18+$0xFFFFFFC0] =	vst v3;
	v2 =	vmul.f32 v6, v2;
	v3 =	vld [tilespmem:s18+$0xFFFFFFD0]  }
0x9e: {  	v6 =	vld [tilespmem:s0+$0xFFFFFFD0];
	v1 =	vmul.f32 v1, v7  }
0x9f: {  	[tilespmem:s18+$0x40] =	vst v2;
	v2 =	vld [tilespmem:s18+$0x50]  }
0xa0: {  	v7 =	vld [tilespmem:s0+$0x50];
	[tilespmem:s18+$0xFFFFFF40] =	vst v1;
	v0 =	vmul.f32 v4, v0  }
0xa1: {  	v1 =	vld [tilespmem:s0+$0xFFFFFF50]  }
0xa2: {  	[tilespmem:s18+$0xD0] =	vst v0;
	v0 =	vld [tilespmem:s18+$0xE0]  }
0xa3: {  	v3 =	vmul.f32 v6, v3;
	v4 =	vld [tilespmem:s0+$0xE0]  }
0xa4: {  	v6 =	vld [tilespmem:s18+$0xFFFFFF60]  }
0xa5: {  	[tilespmem:s18+$0xFFFFFFD0] =	vst v3;
	v2 =	vmul.f32 v7, v2;
	v3 =	vld [tilespmem:s18+$0xFFFFFFE0]  }
0xa6: {  	v7 =	vld [tilespmem:s0+$0xFFFFFFE0];
	v1 =	vmul.f32 v1, v5  }
0xa7: {  	[tilespmem:s18+$0x50] =	vst v2;
	v2 =	vld [tilespmem:s18+$0x60]  }
0xa8: {  	v5 =	vld [tilespmem:s0+$0x60];
	[tilespmem:s18+$0xFFFFFF50] =	vst v1;
	v0 =	vmul.f32 v4, v0  }
0xa9: {  	v4 =	vld [tilespmem:s0+$0xFFFFFF60]  }
0xaa: {  	v8 =	vld [tilespmem:s18+$0xF0];
	[tilespmem:s18+$0xE0] =	vst v0  }
0xab: {  	v1 =	vmul.f32 v7, v3;
	v7 =	vld [tilespmem:s0+$0xF0]  }
0xac: {  	v0 =	vld [tilespmem:s18+$0xFFFFFF70]  }
0xad: {  	[tilespmem:s18+$0xFFFFFFE0] =	vst v1;
	v2 =	vmul.f32 v5, v2;
	v1 =	vld [tilespmem:s18+$0xFFFFFFF0]  }
0xae: {  	v3 =	vld [tilespmem:s0+$0xFFFFFFF0];
	v4 =	vmul.f32 v4, v6  }
0xaf: {  	[tilespmem:s18+$0x60] =	vst v2;
	v2 =	vld [tilespmem:s18+$0x70]  }
0xb0: {  	[tilespmem:s18+$0xFFFFFF60] =	vst v4;
	v4 =	vld [tilespmem:s0+$0x70];
	v6 =	vmul.f32 v7, v8  }
0xb1: {  	s21 =	simm.s32 $0x600;
	s3 =	sshll.u32 s30, $0x1;
	s5 =	simm.s32 $0x0;
	v5 =	vld [tilespmem:s0+$0xFFFFFF70]  }
.LBB2_4:
0xb2: {  	v7 =	vld [tilespmem:s21+$0x80];
	[tilespmem:s18+$0xF0] =	vst v6;
	s0 =	sadd.s32 $0x200, s0  }
0xb3: {  	s5 =	sadd.s32 $0x4, s5;
	v6 =	vld [tilespmem:s0+$0x80];
	v1 =	vmul.f32 v3, v1  }
0xb4: {  	p2 =	slt.u32 s5, $0x4C;
	v3 =	vld [tilespmem:s0+$0xFFFFFF00]  }
0xb5: {  	v8 =	vld [tilespmem:s21+$0xFFFFFF80];
	[tilespmem:s18+$0xFFFFFFF0] =	vst v1;
	v1 =	vmul.f32 v4, v2  }
0xb6: {  	v2 =	vld [tilespmem:s0+$0xFFFFFF80];
	v0 =	vmul.f32 v5, v0  }
0xb7: {  	v4 =	vld [tilespmem:s21+$0x0];
	[tilespmem:s18+$0x70] =	vst v1  }
0xb8: {  	v1 =	vld [tilespmem:s0+$0x0];
	v5 =	vmul.f32 v6, v7;
	[tilespmem:s18+$0xFFFFFF70] =	vst v0;
	s18 =	smov.u32 s21  }
0xb9: {  	v0 =	vld [tilespmem:s21+$0xFFFFFF00]  }
0xba: {  	[tilespmem:s21+$0x80] =	vst v5;
	v5 =	vld [tilespmem:s21+$0x90]  }
0xbb: {  	v2 =	vmul.f32 v2, v8;
	v6 =	vld [tilespmem:s0+$0x90]  }
0xbc: {  	v7 =	vld [tilespmem:s21+$0xFFFFFF10]  }
0xbd: {  	[tilespmem:s21+$0xFFFFFF80] =	vst v2;
	v2 =	vld [tilespmem:s21+$0xFFFFFF90];
	v1 =	vmul.f32 v1, v4  }
0xbe: {  	v0 =	vmul.f32 v3, v0;
	v3 =	vld [tilespmem:s0+$0xFFFFFF90]  }
0xbf: {  	[tilespmem:s21+$0x0] =	vst v1;
	v1 =	vld [tilespmem:s21+$0x10]  }
0xc0: {  	[tilespmem:s21+$0xFFFFFF00] =	vst v0;
	v0 =	vld [tilespmem:s0+$0x10];
	v4 =	vmul.f32 v6, v5  }
0xc1: {  	v5 =	vld [tilespmem:s0+$0xFFFFFF10]  }
0xc2: {  	[tilespmem:s21+$0x90] =	vst v4;
	v4 =	vld [tilespmem:s21+$0xA0]  }
0xc3: {  	v2 =	vmul.f32 v3, v2;
	v3 =	vld [tilespmem:s0+$0xA0]  }
0xc4: {  	v6 =	vld [tilespmem:s21+$0xFFFFFF20]  }
0xc5: {  	[tilespmem:s21+$0xFFFFFF90] =	vst v2;
	v2 =	vld [tilespmem:s21+$0xFFFFFFA0];
	v0 =	vmul.f32 v0, v1  }
0xc6: {  	v1 =	vmul.f32 v5, v7;
	v5 =	vld [tilespmem:s0+$0xFFFFFFA0]  }
0xc7: {  	[tilespmem:s21+$0x10] =	vst v0;
	v0 =	vld [tilespmem:s21+$0x20]  }
0xc8: {  	[tilespmem:s21+$0xFFFFFF10] =	vst v1;
	v1 =	vld [tilespmem:s0+$0x20];
	v3 =	vmul.f32 v3, v4  }
0xc9: {  	v4 =	vld [tilespmem:s0+$0xFFFFFF20]  }
0xca: {  	[tilespmem:s21+$0xA0] =	vst v3;
	v3 =	vld [tilespmem:s21+$0xB0]  }
0xcb: {  	v2 =	vmul.f32 v5, v2;
	v5 =	vld [tilespmem:s0+$0xB0]  }
0xcc: {  	v7 =	vld [tilespmem:s21+$0xFFFFFF30]  }
0xcd: {  	[tilespmem:s21+$0xFFFFFFA0] =	vst v2;
	v2 =	vld [tilespmem:s21+$0xFFFFFFB0];
	v0 =	vmul.f32 v1, v0  }
0xce: {  	v1 =	vmul.f32 v4, v6;
	v4 =	vld [tilespmem:s0+$0xFFFFFFB0]  }
0xcf: {  	[tilespmem:s21+$0x20] =	vst v0;
	v0 =	vld [tilespmem:s21+$0x30]  }
0xd0: {  	[tilespmem:s21+$0xFFFFFF20] =	vst v1;
	v1 =	vld [tilespmem:s0+$0x30];
	v3 =	vmul.f32 v5, v3  }
0xd1: {  	v5 =	vld [tilespmem:s0+$0xFFFFFF30]  }
0xd2: {  	[tilespmem:s21+$0xB0] =	vst v3;
	v3 =	vld [tilespmem:s21+$0xC0]  }
0xd3: {  	v2 =	vmul.f32 v4, v2;
	v4 =	vld [tilespmem:s0+$0xC0]  }
0xd4: {  	v6 =	vld [tilespmem:s21+$0xFFFFFF40]  }
0xd5: {  	[tilespmem:s21+$0xFFFFFFB0] =	vst v2;
	v2 =	vld [tilespmem:s21+$0xFFFFFFC0];
	v0 =	vmul.f32 v1, v0  }
0xd6: {  	v1 =	vmul.f32 v5, v7;
	v5 =	vld [tilespmem:s0+$0xFFFFFFC0]  }
0xd7: {  	[tilespmem:s21+$0x30] =	vst v0;
	v0 =	vld [tilespmem:s21+$0x40]  }
0xd8: {  	[tilespmem:s21+$0xFFFFFF30] =	vst v1;
	v1 =	vld [tilespmem:s0+$0x40];
	v3 =	vmul.f32 v4, v3  }
0xd9: {  	v4 =	vld [tilespmem:s0+$0xFFFFFF40]  }
0xda: {  	[tilespmem:s21+$0xC0] =	vst v3;
	v3 =	vld [tilespmem:s21+$0xD0]  }
0xdb: {  	v2 =	vmul.f32 v5, v2;
	v5 =	vld [tilespmem:s0+$0xD0]  }
0xdc: {  	v7 =	vld [tilespmem:s21+$0xFFFFFF50]  }
0xdd: {  	[tilespmem:s21+$0xFFFFFFC0] =	vst v2;
	v2 =	vld [tilespmem:s21+$0xFFFFFFD0];
	v0 =	vmul.f32 v1, v0  }
0xde: {  	v1 =	vmul.f32 v4, v6;
	v4 =	vld [tilespmem:s0+$0xFFFFFFD0]  }
0xdf: {  	[tilespmem:s21+$0x40] =	vst v0;
	v0 =	vld [tilespmem:s21+$0x50]  }
0xe0: {  	[tilespmem:s21+$0xFFFFFF40] =	vst v1;
	v1 =	vld [tilespmem:s0+$0x50];
	v3 =	vmul.f32 v5, v3  }
0xe1: {  	v5 =	vld [tilespmem:s0+$0xFFFFFF50]  }
0xe2: {  	[tilespmem:s21+$0xD0] =	vst v3;
	v3 =	vld [tilespmem:s21+$0xE0]  }
0xe3: {  	v2 =	vmul.f32 v4, v2;
	v4 =	vld [tilespmem:s0+$0xE0]  }
0xe4: {  	v6 =	vld [tilespmem:s21+$0xFFFFFF60]  }
0xe5: {  	[tilespmem:s21+$0xFFFFFFD0] =	vst v2;
	v2 =	vld [tilespmem:s21+$0xFFFFFFE0];
	v0 =	vmul.f32 v1, v0  }
0xe6: {  	v1 =	vmul.f32 v5, v7;
	v5 =	vld [tilespmem:s0+$0xFFFFFFE0]  }
0xe7: {  	[tilespmem:s21+$0x50] =	vst v0;
	v7 =	vld [tilespmem:s21+$0x60]  }
0xe8: {  	[tilespmem:s21+$0xFFFFFF50] =	vst v1;
	v8 =	vld [tilespmem:s0+$0x60];
	v0 =	vmul.f32 v4, v3  }
0xe9: {  	v3 =	vld [tilespmem:s0+$0xFFFFFF60]  }
0xea: {  	[tilespmem:s21+$0xE0] =	vst v0;
	v9 =	vld [tilespmem:s21+$0xF0]  }
0xeb: {  	v1 =	vmul.f32 v5, v2;
	v5 =	vld [tilespmem:s0+$0xF0]  }
0xec: {  	v0 =	vld [tilespmem:s21+$0xFFFFFF70]  }
.Ltmp5:
0xed: {  	[tilespmem:s21+$0xFFFFFFE0] =	vst v1;
	v1 =	vld [tilespmem:s21+$0xFFFFFFF0];
	v2 =	vmul.f32 v8, v7;
	(pc) =	sbr.rel @p2 .LBB2_4-.Ltmp5, $4  }
0xee: {  	v4 =	vmul.f32 v3, v6;
	v3 =	vld [tilespmem:s0+$0xFFFFFFF0]  }
0xef: {  	[tilespmem:s21+$0x60] =	vst v2;
	v2 =	vld [tilespmem:s21+$0x70]  }
0xf0: {  	[tilespmem:s21+$0xFFFFFF60] =	vst v4;
	v4 =	vld [tilespmem:s0+$0x70];
	v6 =	vmul.f32 v5, v9  }
0xf1: {  	s21 =	sadd.s32 $0x200, s21;
	v5 =	vld [tilespmem:s0+$0xFFFFFF70]  }
0xf2: {  	_ =	sdelay $0x1  }
0xf3: {  	v1 =	vmul.f32 v3, v1  }
0xf4: {  	[tilespmem:s18+$0xF0] =	vst v6;
	v2 =	vmul.f32 v4, v2  }
0xf5: {  	[tilespmem:s18+$0xFFFFFFF0] =	vst v1;
	v0 =	vmul.f32 v5, v0  }
0xf6: {  	[tilespmem:s18+$0x70] =	vst v2  }
0xf7: {  	[tilespmem:s18+$0xFFFFFF70] =	vst v0  }
0xf8: {  	v0 =	vld [tilespmem:$0x100]  }
0xf9: {  	v1 =	vld [tilespmem:$0x110]  }
0xfa: {  	v2 =	vld [tilespmem:$0x120]  }
0xfb: {  	v62 =	vld [tilespmem:$0x130]  }
0xfc: {  	v63 =	vld [tilespmem:$0x140]  }
0xfd: {  	[tilespmem:$0x200] =	vst v0  }
0xfe: {  	s0 =	sadd.s32 $0x2, s3;
	p2 =	seq.s32 s30, $0x19;
	[tilespmem:$0x210] =	vst v1  }
0xff: {  	s3 =	smul.u32 @!p2 $0x50, s0;
	[tilespmem:$0x220] =	vst v2  }
0x100: {  	[tilespmem:$0x230] =	vst v62  }
0x101: {  	s3 =	sadd.s32 @!p2 s20, s3;
	[tilespmem:$0x240] =	vst v63  }
0x102: {  	[spmem:s6] =	stream.indirect.scatter.add.f32 [tilespmem:s13], [sflag:$0x5], $0x80, s23, s25, $0xb8;
	[tilespmem:$0x1E300] =	vst v63  }
.Ltmp6:
0x103: {  	s3 =	sshrl.u32 @!p2 s3, $0x3;
	(pc) =	sbr.rel @p1 .LBB2_9-.Ltmp6, $4  }
0x104: {  	s5 =	sadd.s32 @!p2 s1, s3;
	s18 =	simm.s32 @!p2 $0x0  }
0x105: {  	[tilespmem:s18], [sflag:$0x1] =	stream.linear.gather @!p2 [hbm4b:s5+s18], $0x50, $0x38;
	[tilespmem:$0x1E300] =	vst v63  }
0x106: {  	s3 =	sadd.s32 @!p2 s2, s3;
	s5 =	simm.s32 @!p2 $0x100  }
0x107: {  	[tilespmem:s5], [sflag:$0x1] =	stream.linear.gather @!p2 [hbm4b:s3+s18], $0x50, $0x38;
	[tilespmem:$0x1E300] =	vst v63  }
0x108: {  	_ =	swait.ge [sflag:s26], $0x2800  }
0x109: {  	[sflag:s26] =	ssyncset.done $0x0  }
0x10a: {  	[sflag:s26] =	ssyncadd.s32 $0xFFFFD800  }
0x10b: {  	_ =	swait.ge [sflag:s26], $0x2800  }
0x10c: {  	[sflag:s26] =	ssyncset.done $0x0  }
0x10d: {  	[sflag:s26] =	ssyncadd.s32 $0xFFFFD800  }
0x10e: {  	_ =	swait.ge [sflag:s28], $0x2800  }
0x10f: {  	[sflag:s28] =	ssyncset.done $0x0  }
0x110: {  	[sflag:s28] =	ssyncadd.s32 $0xFFFFD800  }
0x111: {  	_ =	swait.ge [sflag:s12], $0x50  }
0x112: {  	[sflag:s12] =	ssyncset.done $0x0  }
0x113: {  	s0 =	smul.u32 $0x50, s0;
	[sflag:s12] =	ssyncadd.s32 $0xFFFFFFB0  }
0x114: {  	_ =	swait.ge [sflag:s12], $0x50  }
0x115: {  	s0 =	sadd.s32 s20, s0;
	[sflag:s12] =	ssyncset.done $0x0  }
0x116: {  	s0 =	sshll.u32 s0, $0x4;
	[sflag:s12] =	ssyncadd.s32 $0xFFFFFFB0  }
0x117: {  	[tilespmem:s13], [sflag:$0x3] =	stream.indirect.gather [hbm4b:s9+s25], $0x80, s7, s25, $0xb8;
	[tilespmem:$0x1E300] =	vst v63  }
0x118: {  	s18 =	simm.s32 $0x2C00;
	s0 =	sadd.s32 s8, s0  }
0x119: {  	[tilespmem:s14], [sflag:$0x3] =	stream.linear.gather [hbm4b:s0+s7], $0x2800, $0x38;
	[tilespmem:$0x1E300] =	vst v63  }
0x11a: {  	s0 =	simm.s32 $0x7C00;
	v0 =	vld [tilespmem:s18+$0x80]  }
0x11b: {  	v1 =	vld [tilespmem:s0+$0x80]  }
0x11c: {  	v2 =	vld [tilespmem:s18+$0xFFFFFF80]  }
0x11d: {  	v3 =	vld [tilespmem:s0+$0xFFFFFF80]  }
0x11e: {  	v4 =	vld [tilespmem:s18+$0x0]  }
0x11f: {  	v5 =	vld [tilespmem:s0+$0x0]  }
0x120: {  	v6 =	vld [tilespmem:s18+$0xFFFFFF00];
	v0 =	vmul.f32 v1, v0  }
0x121: {  	v1 =	vld [tilespmem:s0+$0xFFFFFF00]  }
0x122: {  	[tilespmem:s18+$0x80] =	vst v0;
	v0 =	vld [tilespmem:s18+$0x90]  }
0x123: {  	v2 =	vmul.f32 v3, v2;
	v3 =	vld [tilespmem:s0+$0x90]  }
0x124: {  	v7 =	vld [tilespmem:s18+$0xFFFFFF10]  }
0x125: {  	[tilespmem:s18+$0xFFFFFF80] =	vst v2;
	v2 =	vmul.f32 v5, v4;
	v4 =	vld [tilespmem:s18+$0xFFFFFF90]  }
0x126: {  	v5 =	vld [tilespmem:s0+$0xFFFFFF90];
	v1 =	vmul.f32 v1, v6  }
0x127: {  	[tilespmem:s18+$0x0] =	vst v2;
	v2 =	vld [tilespmem:s18+$0x10]  }
0x128: {  	v6 =	vld [tilespmem:s0+$0x10];
	[tilespmem:s18+$0xFFFFFF00] =	vst v1;
	v0 =	vmul.f32 v3, v0  }
0x129: {  	v1 =	vld [tilespmem:s0+$0xFFFFFF10]  }
0x12a: {  	[tilespmem:s18+$0x90] =	vst v0;
	v0 =	vld [tilespmem:s18+$0xA0]  }
0x12b: {  	v3 =	vmul.f32 v5, v4;
	v4 =	vld [tilespmem:s0+$0xA0]  }
0x12c: {  	v5 =	vld [tilespmem:s18+$0xFFFFFF20]  }
0x12d: {  	[tilespmem:s18+$0xFFFFFF90] =	vst v3;
	v2 =	vmul.f32 v6, v2;
	v3 =	vld [tilespmem:s18+$0xFFFFFFA0]  }
0x12e: {  	v6 =	vld [tilespmem:s0+$0xFFFFFFA0];
	v1 =	vmul.f32 v1, v7  }
0x12f: {  	[tilespmem:s18+$0x10] =	vst v2;
	v2 =	vld [tilespmem:s18+$0x20]  }
0x130: {  	v7 =	vld [tilespmem:s0+$0x20];
	[tilespmem:s18+$0xFFFFFF10] =	vst v1;
	v0 =	vmul.f32 v4, v0  }
0x131: {  	v1 =	vld [tilespmem:s0+$0xFFFFFF20]  }
0x132: {  	[tilespmem:s18+$0xA0] =	vst v0;
	v0 =	vld [tilespmem:s18+$0xB0]  }
0x133: {  	v3 =	vmul.f32 v6, v3;
	v4 =	vld [tilespmem:s0+$0xB0]  }
0x134: {  	v6 =	vld [tilespmem:s18+$0xFFFFFF30]  }
0x135: {  	[tilespmem:s18+$0xFFFFFFA0] =	vst v3;
	v2 =	vmul.f32 v7, v2;
	v3 =	vld [tilespmem:s18+$0xFFFFFFB0]  }
0x136: {  	v7 =	vld [tilespmem:s0+$0xFFFFFFB0];
	v1 =	vmul.f32 v1, v5  }
0x137: {  	[tilespmem:s18+$0x20] =	vst v2;
	v2 =	vld [tilespmem:s18+$0x30]  }
0x138: {  	v5 =	vld [tilespmem:s0+$0x30];
	[tilespmem:s18+$0xFFFFFF20] =	vst v1;
	v0 =	vmul.f32 v4, v0  }
0x139: {  	v1 =	vld [tilespmem:s0+$0xFFFFFF30]  }
0x13a: {  	[tilespmem:s18+$0xB0] =	vst v0;
	v0 =	vld [tilespmem:s18+$0xC0]  }
0x13b: {  	v3 =	vmul.f32 v7, v3;
	v4 =	vld [tilespmem:s0+$0xC0]  }
0x13c: {  	v7 =	vld [tilespmem:s18+$0xFFFFFF40]  }
0x13d: {  	[tilespmem:s18+$0xFFFFFFB0] =	vst v3;
	v2 =	vmul.f32 v5, v2;
	v3 =	vld [tilespmem:s18+$0xFFFFFFC0]  }
0x13e: {  	v5 =	vld [tilespmem:s0+$0xFFFFFFC0];
	v1 =	vmul.f32 v1, v6  }
0x13f: {  	[tilespmem:s18+$0x30] =	vst v2;
	v2 =	vld [tilespmem:s18+$0x40]  }
0x140: {  	v6 =	vld [tilespmem:s0+$0x40];
	[tilespmem:s18+$0xFFFFFF30] =	vst v1;
	v0 =	vmul.f32 v4, v0  }
0x141: {  	v1 =	vld [tilespmem:s0+$0xFFFFFF40]  }
0x142: {  	[tilespmem:s18+$0xC0] =	vst v0;
	v0 =	vld [tilespmem:s18+$0xD0]  }
0x143: {  	v3 =	vmul.f32 v5, v3;
	v4 =	vld [tilespmem:s0+$0xD0]  }
0x144: {  	v5 =	vld [tilespmem:s18+$0xFFFFFF50]  }
0x145: {  	[tilespmem:s18+$0xFFFFFFC0] =	vst v3;
	v2 =	vmul.f32 v6, v2;
	v3 =	vld [tilespmem:s18+$0xFFFFFFD0]  }
0x146: {  	v6 =	vld [tilespmem:s0+$0xFFFFFFD0];
	v1 =	vmul.f32 v1, v7  }
0x147: {  	[tilespmem:s18+$0x40] =	vst v2;
	v2 =	vld [tilespmem:s18+$0x50]  }
0x148: {  	v7 =	vld [tilespmem:s0+$0x50];
	[tilespmem:s18+$0xFFFFFF40] =	vst v1;
	v0 =	vmul.f32 v4, v0  }
0x149: {  	v1 =	vld [tilespmem:s0+$0xFFFFFF50]  }
0x14a: {  	[tilespmem:s18+$0xD0] =	vst v0;
	v0 =	vld [tilespmem:s18+$0xE0]  }
0x14b: {  	v3 =	vmul.f32 v6, v3;
	v4 =	vld [tilespmem:s0+$0xE0]  }
0x14c: {  	v6 =	vld [tilespmem:s18+$0xFFFFFF60]  }
0x14d: {  	[tilespmem:s18+$0xFFFFFFD0] =	vst v3;
	v2 =	vmul.f32 v7, v2;
	v3 =	vld [tilespmem:s18+$0xFFFFFFE0]  }
0x14e: {  	v7 =	vld [tilespmem:s0+$0xFFFFFFE0];
	v1 =	vmul.f32 v1, v5  }
0x14f: {  	[tilespmem:s18+$0x50] =	vst v2;
	v2 =	vld [tilespmem:s18+$0x60]  }
0x150: {  	v5 =	vld [tilespmem:s0+$0x60];
	[tilespmem:s18+$0xFFFFFF50] =	vst v1;
	v0 =	vmul.f32 v4, v0  }
0x151: {  	v4 =	vld [tilespmem:s0+$0xFFFFFF60]  }
0x152: {  	v8 =	vld [tilespmem:s18+$0xF0];
	[tilespmem:s18+$0xE0] =	vst v0  }
0x153: {  	v1 =	vmul.f32 v7, v3;
	v7 =	vld [tilespmem:s0+$0xF0]  }
0x154: {  	v0 =	vld [tilespmem:s18+$0xFFFFFF70]  }
0x155: {  	[tilespmem:s18+$0xFFFFFFE0] =	vst v1;
	v2 =	vmul.f32 v5, v2;
	v1 =	vld [tilespmem:s18+$0xFFFFFFF0]  }
0x156: {  	v3 =	vld [tilespmem:s0+$0xFFFFFFF0];
	v4 =	vmul.f32 v4, v6  }
0x157: {  	[tilespmem:s18+$0x60] =	vst v2;
	v2 =	vld [tilespmem:s18+$0x70]  }
0x158: {  	[tilespmem:s18+$0xFFFFFF60] =	vst v4;
	v4 =	vld [tilespmem:s0+$0x70];
	v6 =	vmul.f32 v7, v8  }
0x159: {  	s3 =	simm.s32 $0x0;
	s5 =	simm.s32 $0x2E00;
	v5 =	vld [tilespmem:s0+$0xFFFFFF70]  }
.LBB2_7:
0x15a: {  	v7 =	vld [tilespmem:s5+$0x80];
	[tilespmem:s18+$0xF0] =	vst v6;
	s0 =	sadd.s32 $0x200, s0  }
0x15b: {  	s3 =	sadd.s32 $0x4, s3;
	v6 =	vld [tilespmem:s0+$0x80];
	v1 =	vmul.f32 v3, v1  }
0x15c: {  	p1 =	slt.u32 s3, $0x4C;
	v3 =	vld [tilespmem:s0+$0xFFFFFF00]  }
0x15d: {  	v8 =	vld [tilespmem:s5+$0xFFFFFF80];
	[tilespmem:s18+$0xFFFFFFF0] =	vst v1;
	v1 =	vmul.f32 v4, v2  }
0x15e: {  	v2 =	vld [tilespmem:s0+$0xFFFFFF80];
	v0 =	vmul.f32 v5, v0  }
0x15f: {  	v4 =	vld [tilespmem:s5+$0x0];
	[tilespmem:s18+$0x70] =	vst v1  }
0x160: {  	v1 =	vld [tilespmem:s0+$0x0];
	v5 =	vmul.f32 v6, v7;
	[tilespmem:s18+$0xFFFFFF70] =	vst v0;
	s18 =	smov.u32 s5  }
0x161: {  	v0 =	vld [tilespmem:s5+$0xFFFFFF00]  }
0x162: {  	[tilespmem:s5+$0x80] =	vst v5;
	v5 =	vld [tilespmem:s5+$0x90]  }
0x163: {  	v2 =	vmul.f32 v2, v8;
	v6 =	vld [tilespmem:s0+$0x90]  }
0x164: {  	v7 =	vld [tilespmem:s5+$0xFFFFFF10]  }
0x165: {  	[tilespmem:s5+$0xFFFFFF80] =	vst v2;
	v2 =	vld [tilespmem:s5+$0xFFFFFF90];
	v1 =	vmul.f32 v1, v4  }
0x166: {  	v0 =	vmul.f32 v3, v0;
	v3 =	vld [tilespmem:s0+$0xFFFFFF90]  }
0x167: {  	[tilespmem:s5+$0x0] =	vst v1;
	v1 =	vld [tilespmem:s5+$0x10]  }
0x168: {  	[tilespmem:s5+$0xFFFFFF00] =	vst v0;
	v0 =	vld [tilespmem:s0+$0x10];
	v4 =	vmul.f32 v6, v5  }
0x169: {  	v5 =	vld [tilespmem:s0+$0xFFFFFF10]  }
0x16a: {  	[tilespmem:s5+$0x90] =	vst v4;
	v4 =	vld [tilespmem:s5+$0xA0]  }
0x16b: {  	v2 =	vmul.f32 v3, v2;
	v3 =	vld [tilespmem:s0+$0xA0]  }
0x16c: {  	v6 =	vld [tilespmem:s5+$0xFFFFFF20]  }
0x16d: {  	[tilespmem:s5+$0xFFFFFF90] =	vst v2;
	v2 =	vld [tilespmem:s5+$0xFFFFFFA0];
	v0 =	vmul.f32 v0, v1  }
0x16e: {  	v1 =	vmul.f32 v5, v7;
	v5 =	vld [tilespmem:s0+$0xFFFFFFA0]  }
0x16f: {  	[tilespmem:s5+$0x10] =	vst v0;
	v0 =	vld [tilespmem:s5+$0x20]  }
0x170: {  	[tilespmem:s5+$0xFFFFFF10] =	vst v1;
	v1 =	vld [tilespmem:s0+$0x20];
	v3 =	vmul.f32 v3, v4  }
0x171: {  	v4 =	vld [tilespmem:s0+$0xFFFFFF20]  }
0x172: {  	[tilespmem:s5+$0xA0] =	vst v3;
	v3 =	vld [tilespmem:s5+$0xB0]  }
0x173: {  	v2 =	vmul.f32 v5, v2;
	v5 =	vld [tilespmem:s0+$0xB0]  }
0x174: {  	v7 =	vld [tilespmem:s5+$0xFFFFFF30]  }
0x175: {  	[tilespmem:s5+$0xFFFFFFA0] =	vst v2;
	v2 =	vld [tilespmem:s5+$0xFFFFFFB0];
	v0 =	vmul.f32 v1, v0  }
0x176: {  	v1 =	vmul.f32 v4, v6;
	v4 =	vld [tilespmem:s0+$0xFFFFFFB0]  }
0x177: {  	[tilespmem:s5+$0x20] =	vst v0;
	v0 =	vld [tilespmem:s5+$0x30]  }
0x178: {  	[tilespmem:s5+$0xFFFFFF20] =	vst v1;
	v1 =	vld [tilespmem:s0+$0x30];
	v3 =	vmul.f32 v5, v3  }
0x179: {  	v5 =	vld [tilespmem:s0+$0xFFFFFF30]  }
0x17a: {  	[tilespmem:s5+$0xB0] =	vst v3;
	v3 =	vld [tilespmem:s5+$0xC0]  }
0x17b: {  	v2 =	vmul.f32 v4, v2;
	v4 =	vld [tilespmem:s0+$0xC0]  }
0x17c: {  	v6 =	vld [tilespmem:s5+$0xFFFFFF40]  }
0x17d: {  	[tilespmem:s5+$0xFFFFFFB0] =	vst v2;
	v2 =	vld [tilespmem:s5+$0xFFFFFFC0];
	v0 =	vmul.f32 v1, v0  }
0x17e: {  	v1 =	vmul.f32 v5, v7;
	v5 =	vld [tilespmem:s0+$0xFFFFFFC0]  }
0x17f: {  	[tilespmem:s5+$0x30] =	vst v0;
	v0 =	vld [tilespmem:s5+$0x40]  }
0x180: {  	[tilespmem:s5+$0xFFFFFF30] =	vst v1;
	v1 =	vld [tilespmem:s0+$0x40];
	v3 =	vmul.f32 v4, v3  }
0x181: {  	v4 =	vld [tilespmem:s0+$0xFFFFFF40]  }
0x182: {  	[tilespmem:s5+$0xC0] =	vst v3;
	v3 =	vld [tilespmem:s5+$0xD0]  }
0x183: {  	v2 =	vmul.f32 v5, v2;
	v5 =	vld [tilespmem:s0+$0xD0]  }
0x184: {  	v7 =	vld [tilespmem:s5+$0xFFFFFF50]  }
0x185: {  	[tilespmem:s5+$0xFFFFFFC0] =	vst v2;
	v2 =	vld [tilespmem:s5+$0xFFFFFFD0];
	v0 =	vmul.f32 v1, v0  }
0x186: {  	v1 =	vmul.f32 v4, v6;
	v4 =	vld [tilespmem:s0+$0xFFFFFFD0]  }
0x187: {  	[tilespmem:s5+$0x40] =	vst v0;
	v0 =	vld [tilespmem:s5+$0x50]  }
0x188: {  	[tilespmem:s5+$0xFFFFFF40] =	vst v1;
	v1 =	vld [tilespmem:s0+$0x50];
	v3 =	vmul.f32 v5, v3  }
0x189: {  	v5 =	vld [tilespmem:s0+$0xFFFFFF50]  }
0x18a: {  	[tilespmem:s5+$0xD0] =	vst v3;
	v3 =	vld [tilespmem:s5+$0xE0]  }
0x18b: {  	v2 =	vmul.f32 v4, v2;
	v4 =	vld [tilespmem:s0+$0xE0]  }
0x18c: {  	v6 =	vld [tilespmem:s5+$0xFFFFFF60]  }
0x18d: {  	[tilespmem:s5+$0xFFFFFFD0] =	vst v2;
	v2 =	vld [tilespmem:s5+$0xFFFFFFE0];
	v0 =	vmul.f32 v1, v0  }
0x18e: {  	v1 =	vmul.f32 v5, v7;
	v5 =	vld [tilespmem:s0+$0xFFFFFFE0]  }
0x18f: {  	[tilespmem:s5+$0x50] =	vst v0;
	v7 =	vld [tilespmem:s5+$0x60]  }
0x190: {  	[tilespmem:s5+$0xFFFFFF50] =	vst v1;
	v8 =	vld [tilespmem:s0+$0x60];
	v0 =	vmul.f32 v4, v3  }
0x191: {  	v3 =	vld [tilespmem:s0+$0xFFFFFF60]  }
0x192: {  	[tilespmem:s5+$0xE0] =	vst v0;
	v9 =	vld [tilespmem:s5+$0xF0]  }
0x193: {  	v1 =	vmul.f32 v5, v2;
	v5 =	vld [tilespmem:s0+$0xF0]  }
0x194: {  	v0 =	vld [tilespmem:s5+$0xFFFFFF70]  }
.Ltmp7:
0x195: {  	[tilespmem:s5+$0xFFFFFFE0] =	vst v1;
	v1 =	vld [tilespmem:s5+$0xFFFFFFF0];
	v2 =	vmul.f32 v8, v7;
	(pc) =	sbr.rel @p1 .LBB2_7-.Ltmp7, $4  }
0x196: {  	v4 =	vmul.f32 v3, v6;
	v3 =	vld [tilespmem:s0+$0xFFFFFFF0]  }
0x197: {  	[tilespmem:s5+$0x60] =	vst v2;
	v2 =	vld [tilespmem:s5+$0x70]  }
0x198: {  	[tilespmem:s5+$0xFFFFFF60] =	vst v4;
	v4 =	vld [tilespmem:s0+$0x70];
	v6 =	vmul.f32 v5, v9  }
0x199: {  	s5 =	sadd.s32 $0x200, s5;
	v5 =	vld [tilespmem:s0+$0xFFFFFF70]  }
0x19a: {  	_ =	sdelay $0x1  }
0x19b: {  	v1 =	vmul.f32 v3, v1  }
0x19c: {  	[tilespmem:s18+$0xF0] =	vst v6;
	v2 =	vmul.f32 v4, v2  }
0x19d: {  	[tilespmem:s18+$0xFFFFFFF0] =	vst v1;
	v0 =	vmul.f32 v5, v0  }
0x19e: {  	[tilespmem:s18+$0x70] =	vst v2  }
0x19f: {  	[tilespmem:s18+$0xFFFFFF70] =	vst v0  }
0x1a0: {  	v0 =	vld [tilespmem:$0x180]  }
0x1a1: {  	v1 =	vld [tilespmem:$0x190]  }
0x1a2: {  	v2 =	vld [tilespmem:$0x1A0]  }
0x1a3: {  	v62 =	vld [tilespmem:$0x1B0]  }
0x1a4: {  	v63 =	vld [tilespmem:$0x1C0]  }
0x1a5: {  	[tilespmem:$0x280] =	vst v0  }
0x1a6: {  	p1 =	sgt.u32 s30, $0x17;
	s3 =	sld [smem:$0x7FD];
	[tilespmem:$0x290] =	vst v1  }
0x1a7: {  	s0 =	smul.u32 @!p1 $0xA0, s30;
	[tilespmem:$0x2A0] =	vst v2  }
0x1a8: {  	[tilespmem:$0x2B0] =	vst v62  }
0x1a9: {  	s0 =	sadd.s32 @!p1 s0, s3;
	[tilespmem:$0x2C0] =	vst v63  }
0x1aa: {  	[spmem:s6] =	stream.indirect.scatter.add.f32 [tilespmem:s24], [sflag:$0x6], $0x80, s17, s25, $0xb8;
	[tilespmem:$0x1E300] =	vst v63  }
.Ltmp8:
0x1ab: {  	s0 =	sshrl.u32 @!p1 s0, $0x3;
	(pc) =	sbr.rel .LBB2_9-.Ltmp8, $4  }
0x1ac: {  	s5 =	simm.s32 @!p1 $0x0;
	s18 =	simm.s32 @!p1 $0x80;
	s3 =	sadd.s32 @!p1 s1, s0  }
0x1ad: {  	[tilespmem:s18], [sflag:$0x2] =	stream.linear.gather @!p1 [hbm4b:s3+s5], $0x50, $0x38;
	[tilespmem:$0x1E300] =	vst v63  }
0x1ae: {  	s0 =	sadd.s32 @!p1 s2, s0;
	s3 =	simm.s32 @!p1 $0x180  }
0x1af: {  	[tilespmem:s3], [sflag:$0x2] =	stream.linear.gather @!p1 [hbm4b:s0+s5], $0x50, $0x38;
	[tilespmem:$0x1E300] =	vst v63  }
.LBB2_10:
0x1b0: {  	s0 =	rddreg [dreg:$0xc]  }
0x1b1: {  	[tilespmem:s30], [sflag:$0x7] =	stream.linear.gather [hbm4b:s0+s30], $0x50, $0x38;
	[tilespmem:$0x1E300] =	vst v63  }
0x1b2: {  	_ =	swait.ge [sflag:s5], $0x50  }
0x1b3: {  	[sflag:s5] =	ssyncset.done $0x0  }
0x1b4: {  	s3 =	simm.s32 $0x100;
	s21 =	rddreg [dreg:$0xd];
	[sflag:s5] =	ssyncadd.s32 $0xFFFFFFB0  }
0x1b5: {  	[tilespmem:s3], [sflag:$0x7] =	stream.linear.gather [hbm4b:s21+s30], $0x50, $0x38;
	[tilespmem:$0x1E300] =	vst v63  }
0x1b6: {  	_ =	swait.ge [sflag:s5], $0x50  }
0x1b7: {  	[sflag:s5] =	ssyncset.done $0x0  }
0x1b8: {  	[sflag:s5] =	ssyncadd.s32 $0xFFFFFFB0  }
0x1b9: {  	[tilespmem:s13], [sflag:$0x3] =	stream.indirect.gather [hbm4b:s9+s25], $0x80, s30, s25, $0xb8;
	[tilespmem:$0x1E300] =	vst v63  }
0x1ba: {  	s3 =	rddreg [dreg:$0xe]  }
0x1bb: {  	[tilespmem:s14], [sflag:$0x3] =	stream.linear.gather [hbm4b:s3+s30], $0x2800, $0x38;
	[tilespmem:$0x1E300] =	vst v63  }
.Ltmp9:
0x1bc: {  	_ = 	snop;
	(pc) =	sbr.rel .LBB2_11-.Ltmp9, $4  }
0x1bd: {  	s5 =	rddreg [dreg:$0xf]  }
0x1be: {  	[tilespmem:s16], [sflag:$0x2] =	stream.linear.gather [hbm4b:s5+s30], $0x50, $0x38;
	[tilespmem:$0x1E300] =	vst v63  }
0x1bf: {  	s21 =	simm.s32 $0x180;
	s18 =	rddreg [dreg:$0x10]  }
0x1c0: {  	[tilespmem:s21], [sflag:$0x2] =	stream.linear.gather [hbm4b:s18+s30], $0x50, $0x38;
	[tilespmem:$0x1E300] =	vst v63  }
.LBB2_16:
0x1c1: {  	v1 =	vmul.f32 v3, v1  }
0x1c2: {  	[tilespmem:s18+$0xF0] =	vst v6;
	v2 =	vmul.f32 v4, v2  }
0x1c3: {  	v0 =	vmul.f32 v5, v0;
	[tilespmem:s18+$0xFFFFFFF0] =	vst v1  }
0x1c4: {  	[tilespmem:s18+$0x70] =	vst v2  }
0x1c5: {  	[tilespmem:s18+$0xFFFFFF70] =	vst v0  }
0x1c6: {  	v0 =	vld [tilespmem:$0x180]  }
0x1c7: {  	v1 =	vld [tilespmem:$0x190]  }
0x1c8: {  	v2 =	vld [tilespmem:$0x1A0]  }
0x1c9: {  	v62 =	vld [tilespmem:$0x1B0]  }
0x1ca: {  	v63 =	vld [tilespmem:$0x1C0]  }
0x1cb: {  	p1 =	sgt.u32 s30, $0x61;
	[tilespmem:$0x280] =	vst v0  }
0x1cc: {  	s0 =	smul.u32 @!p1 $0xA0, s30;
	[tilespmem:$0x290] =	vst v1  }
0x1cd: {  	s3 =	rddreg [dreg:$0x11];
	[tilespmem:$0x2A0] =	vst v2  }
0x1ce: {  	s0 =	sadd.s32 @!p1 s0, s3;
	[tilespmem:$0x2B0] =	vst v62  }
0x1cf: {  	s0 =	sshrl.u32 @!p1 s0, $0x3;
	[tilespmem:$0x2C0] =	vst v63  }
0x1d0: {  	[spmem:s6] =	stream.indirect.scatter.add.f32 [tilespmem:s24], [sflag:$0x6], $0x80, s17, s25, $0xb8;
	[tilespmem:$0x1E300] =	vst v63  }
0x1d1: {  	s5 =	simm.s32 @!p1 $0x0;
	s18 =	simm.s32 @!p1 $0x80;
	s3 =	sadd.s32 @!p1 s1, s0  }
0x1d2: {  	[tilespmem:s18], [sflag:$0x2] =	stream.linear.gather @!p1 [hbm4b:s3+s5], $0x50, $0x38;
	[tilespmem:$0x1E300] =	vst v63  }
0x1d3: {  	s0 =	sadd.s32 @!p1 s2, s0;
	s3 =	simm.s32 @!p1 $0x180  }
0x1d4: {  	[tilespmem:s3], [sflag:$0x2] =	stream.linear.gather @!p1 [hbm4b:s0+s5], $0x50, $0x38;
	[tilespmem:$0x1E300] =	vst v63  }
.LBB2_17:
0x1d5: {  	s30 =	sadd.s32 $0x1, s30  }
0x1d6: {  	p1 =	sne.s32 s30, $0x64  }
.Ltmp10:
0x1d7: {  	_ = 	snop;
	(pc) =	sbr.rel @!p1 .LBB2_18-.Ltmp10, $1  }
0x1d8: {  	_ =	sdelay $0x3  }
.LBB2_11:
0x1d9: {  	_ =	swait.ge [sflag:s22], $0x2800  }
0x1da: {  	s0 =	sshllo.u32 s30, $0x1;
	[sflag:s22] =	ssyncset.done $0x0  }
0x1db: {  	p1 =	sgt.u32 s0, $0xC6;
	[sflag:s22] =	ssyncadd.s32 $0xFFFFD800  }
0x1dc: {  	p2 =	seq.s32 @!p1 s30, $0x0;
	_ =	swait.ge [sflag:s22], $0x2800  }
0x1dd: {  	p2 =	por p2, p1;
	[sflag:s22] =	ssyncset.done $0x0  }
0x1de: {  	s3 =	simm.s32 @!p2 $0x6;
	[sflag:s22] =	ssyncadd.s32 $0xFFFFD800  }
0x1df: {  	_ =	swait.ge @!p2 [sflag:s3], $0x2800  }
0x1e0: {  	[sflag:s3] =	ssyncset.done @!p2 $0x0  }
0x1e1: {  	[sflag:s3] =	ssyncadd.s32 @!p2 $0xFFFFD800;
	s3 =	simm.s32 @!p1 $0x2  }
0x1e2: {  	_ =	swait.ge @!p1 [sflag:s3], $0x50  }
0x1e3: {  	s0 =	smul.u32 @!p1 $0x50, s0;
	[sflag:s3] =	ssyncset.done @!p1 $0x0  }
0x1e4: {  	[sflag:s3] =	ssyncadd.s32 @!p1 $0xFFFFFFB0  }
0x1e5: {  	s5 =	simm.s32 @!p1 $0x80;
	s0 =	sadd.s32 @!p1 s15, s0;
	_ =	swait.ge @!p1 [sflag:s3], $0x50  }
0x1e6: {  	s18 =	simm.s32 @!p1 $0x2B00;
	s0 =	sshll.u32 @!p1 s0, $0x4;
	[sflag:s3] =	ssyncset.done @!p1 $0x0  }
0x1e7: {  	s0 =	sadd.s32 @!p1 s8, s0;
	[sflag:s3] =	ssyncadd.s32 @!p1 $0xFFFFFFB0;
	s3 =	simm.s32 @!p1 $0x50  }
0x1e8: {  	[tilespmem:s18], [sflag:$0x4] =	stream.indirect.gather @!p1 [hbm4b:s9+s3], $0x80, s5, s3, $0xb8;
	[tilespmem:$0x1E300] =	vst v63  }
0x1e9: {  	s3 =	simm.s32 @!p1 $0x0;
	s5 =	simm.s32 @!p1 $0x7B00;
	s18 =	simm.s32 $0x400  }
0x1ea: {  	[tilespmem:s5], [sflag:$0x4] =	stream.linear.gather @!p1 [hbm4b:s0+s3], $0x2800, $0x38;
	[tilespmem:$0x1E300] =	vst v63  }
0x1eb: {  	s0 =	simm.s32 $0x5400;
	v0 =	vld [tilespmem:s18+$0x80]  }
0x1ec: {  	v1 =	vld [tilespmem:s0+$0x80]  }
0x1ed: {  	v2 =	vld [tilespmem:s18+$0xFFFFFF80]  }
0x1ee: {  	v3 =	vld [tilespmem:s0+$0xFFFFFF80]  }
0x1ef: {  	v4 =	vld [tilespmem:s18+$0x0]  }
0x1f0: {  	v5 =	vld [tilespmem:s0+$0x0]  }
0x1f1: {  	v6 =	vld [tilespmem:s18+$0xFFFFFF00];
	v0 =	vmul.f32 v1, v0  }
0x1f2: {  	v1 =	vld [tilespmem:s0+$0xFFFFFF00]  }
0x1f3: {  	[tilespmem:s18+$0x80] =	vst v0;
	v0 =	vld [tilespmem:s18+$0x90]  }
0x1f4: {  	v2 =	vmul.f32 v3, v2;
	v3 =	vld [tilespmem:s0+$0x90]  }
0x1f5: {  	v7 =	vld [tilespmem:s18+$0xFFFFFF10]  }
0x1f6: {  	[tilespmem:s18+$0xFFFFFF80] =	vst v2;
	v2 =	vmul.f32 v5, v4;
	v4 =	vld [tilespmem:s18+$0xFFFFFF90]  }
0x1f7: {  	v5 =	vld [tilespmem:s0+$0xFFFFFF90];
	v1 =	vmul.f32 v1, v6  }
0x1f8: {  	[tilespmem:s18+$0x0] =	vst v2;
	v2 =	vld [tilespmem:s18+$0x10]  }
0x1f9: {  	v6 =	vld [tilespmem:s0+$0x10];
	[tilespmem:s18+$0xFFFFFF00] =	vst v1;
	v0 =	vmul.f32 v3, v0  }
0x1fa: {  	v1 =	vld [tilespmem:s0+$0xFFFFFF10]  }
0x1fb: {  	[tilespmem:s18+$0x90] =	vst v0;
	v0 =	vld [tilespmem:s18+$0xA0]  }
0x1fc: {  	v3 =	vmul.f32 v5, v4;
	v4 =	vld [tilespmem:s0+$0xA0]  }
0x1fd: {  	v5 =	vld [tilespmem:s18+$0xFFFFFF20]  }
0x1fe: {  	[tilespmem:s18+$0xFFFFFF90] =	vst v3;
	v2 =	vmul.f32 v6, v2;
	v3 =	vld [tilespmem:s18+$0xFFFFFFA0]  }
0x1ff: {  	v6 =	vld [tilespmem:s0+$0xFFFFFFA0];
	v1 =	vmul.f32 v1, v7  }
0x200: {  	[tilespmem:s18+$0x10] =	vst v2;
	v2 =	vld [tilespmem:s18+$0x20]  }
0x201: {  	v7 =	vld [tilespmem:s0+$0x20];
	[tilespmem:s18+$0xFFFFFF10] =	vst v1;
	v0 =	vmul.f32 v4, v0  }
0x202: {  	v1 =	vld [tilespmem:s0+$0xFFFFFF20]  }
0x203: {  	[tilespmem:s18+$0xA0] =	vst v0;
	v0 =	vld [tilespmem:s18+$0xB0]  }
0x204: {  	v3 =	vmul.f32 v6, v3;
	v4 =	vld [tilespmem:s0+$0xB0]  }
0x205: {  	v6 =	vld [tilespmem:s18+$0xFFFFFF30]  }
0x206: {  	[tilespmem:s18+$0xFFFFFFA0] =	vst v3;
	v2 =	vmul.f32 v7, v2;
	v3 =	vld [tilespmem:s18+$0xFFFFFFB0]  }
0x207: {  	v7 =	vld [tilespmem:s0+$0xFFFFFFB0];
	v1 =	vmul.f32 v1, v5  }
0x208: {  	[tilespmem:s18+$0x20] =	vst v2;
	v2 =	vld [tilespmem:s18+$0x30]  }
0x209: {  	v5 =	vld [tilespmem:s0+$0x30];
	[tilespmem:s18+$0xFFFFFF20] =	vst v1;
	v0 =	vmul.f32 v4, v0  }
0x20a: {  	v1 =	vld [tilespmem:s0+$0xFFFFFF30]  }
0x20b: {  	[tilespmem:s18+$0xB0] =	vst v0;
	v0 =	vld [tilespmem:s18+$0xC0]  }
0x20c: {  	v3 =	vmul.f32 v7, v3;
	v4 =	vld [tilespmem:s0+$0xC0]  }
0x20d: {  	v7 =	vld [tilespmem:s18+$0xFFFFFF40]  }
0x20e: {  	[tilespmem:s18+$0xFFFFFFB0] =	vst v3;
	v2 =	vmul.f32 v5, v2;
	v3 =	vld [tilespmem:s18+$0xFFFFFFC0]  }
0x20f: {  	v5 =	vld [tilespmem:s0+$0xFFFFFFC0];
	v1 =	vmul.f32 v1, v6  }
0x210: {  	[tilespmem:s18+$0x30] =	vst v2;
	v2 =	vld [tilespmem:s18+$0x40]  }
0x211: {  	v6 =	vld [tilespmem:s0+$0x40];
	[tilespmem:s18+$0xFFFFFF30] =	vst v1;
	v0 =	vmul.f32 v4, v0  }
0x212: {  	v1 =	vld [tilespmem:s0+$0xFFFFFF40]  }
0x213: {  	[tilespmem:s18+$0xC0] =	vst v0;
	v0 =	vld [tilespmem:s18+$0xD0]  }
0x214: {  	v3 =	vmul.f32 v5, v3;
	v4 =	vld [tilespmem:s0+$0xD0]  }
0x215: {  	v5 =	vld [tilespmem:s18+$0xFFFFFF50]  }
0x216: {  	[tilespmem:s18+$0xFFFFFFC0] =	vst v3;
	v2 =	vmul.f32 v6, v2;
	v3 =	vld [tilespmem:s18+$0xFFFFFFD0]  }
0x217: {  	v6 =	vld [tilespmem:s0+$0xFFFFFFD0];
	v1 =	vmul.f32 v1, v7  }
0x218: {  	[tilespmem:s18+$0x40] =	vst v2;
	v2 =	vld [tilespmem:s18+$0x50]  }
0x219: {  	v7 =	vld [tilespmem:s0+$0x50];
	[tilespmem:s18+$0xFFFFFF40] =	vst v1;
	v0 =	vmul.f32 v4, v0  }
0x21a: {  	v1 =	vld [tilespmem:s0+$0xFFFFFF50]  }
0x21b: {  	[tilespmem:s18+$0xD0] =	vst v0;
	v0 =	vld [tilespmem:s18+$0xE0]  }
0x21c: {  	v3 =	vmul.f32 v6, v3;
	v4 =	vld [tilespmem:s0+$0xE0]  }
0x21d: {  	v6 =	vld [tilespmem:s18+$0xFFFFFF60]  }
0x21e: {  	[tilespmem:s18+$0xFFFFFFD0] =	vst v3;
	v2 =	vmul.f32 v7, v2;
	v3 =	vld [tilespmem:s18+$0xFFFFFFE0]  }
0x21f: {  	v7 =	vld [tilespmem:s0+$0xFFFFFFE0];
	v1 =	vmul.f32 v1, v5  }
0x220: {  	[tilespmem:s18+$0x50] =	vst v2;
	v2 =	vld [tilespmem:s18+$0x60]  }
0x221: {  	v5 =	vld [tilespmem:s0+$0x60];
	[tilespmem:s18+$0xFFFFFF50] =	vst v1;
	v0 =	vmul.f32 v4, v0  }
0x222: {  	v4 =	vld [tilespmem:s0+$0xFFFFFF60]  }
0x223: {  	v8 =	vld [tilespmem:s18+$0xF0];
	[tilespmem:s18+$0xE0] =	vst v0  }
0x224: {  	v1 =	vmul.f32 v7, v3;
	v7 =	vld [tilespmem:s0+$0xF0]  }
0x225: {  	v0 =	vld [tilespmem:s18+$0xFFFFFF70]  }
0x226: {  	[tilespmem:s18+$0xFFFFFFE0] =	vst v1;
	v2 =	vmul.f32 v5, v2;
	v1 =	vld [tilespmem:s18+$0xFFFFFFF0]  }
0x227: {  	v3 =	vld [tilespmem:s0+$0xFFFFFFF0];
	v4 =	vmul.f32 v4, v6  }
0x228: {  	[tilespmem:s18+$0x60] =	vst v2;
	v2 =	vld [tilespmem:s18+$0x70]  }
0x229: {  	[tilespmem:s18+$0xFFFFFF60] =	vst v4;
	v4 =	vld [tilespmem:s0+$0x70];
	v6 =	vmul.f32 v7, v8  }
0x22a: {  	s21 =	simm.s32 $0x600;
	s3 =	sshll.u32 s30, $0x1;
	s5 =	simm.s32 $0x0;
	v5 =	vld [tilespmem:s0+$0xFFFFFF70]  }
.LBB2_12:
0x22b: {  	v7 =	vld [tilespmem:s21+$0x80];
	[tilespmem:s18+$0xF0] =	vst v6;
	s0 =	sadd.s32 $0x200, s0  }
0x22c: {  	s5 =	sadd.s32 $0x4, s5;
	v6 =	vld [tilespmem:s0+$0x80];
	v1 =	vmul.f32 v3, v1  }
0x22d: {  	p2 =	slt.u32 s5, $0x4C;
	v3 =	vld [tilespmem:s0+$0xFFFFFF00]  }
0x22e: {  	v8 =	vld [tilespmem:s21+$0xFFFFFF80];
	[tilespmem:s18+$0xFFFFFFF0] =	vst v1;
	v1 =	vmul.f32 v4, v2  }
0x22f: {  	v2 =	vld [tilespmem:s0+$0xFFFFFF80];
	v0 =	vmul.f32 v5, v0  }
0x230: {  	v4 =	vld [tilespmem:s21+$0x0];
	[tilespmem:s18+$0x70] =	vst v1  }
0x231: {  	v1 =	vld [tilespmem:s0+$0x0];
	v5 =	vmul.f32 v6, v7;
	[tilespmem:s18+$0xFFFFFF70] =	vst v0;
	s18 =	smov.u32 s21  }
0x232: {  	v0 =	vld [tilespmem:s21+$0xFFFFFF00]  }
0x233: {  	[tilespmem:s21+$0x80] =	vst v5;
	v5 =	vld [tilespmem:s21+$0x90]  }
0x234: {  	v2 =	vmul.f32 v2, v8;
	v6 =	vld [tilespmem:s0+$0x90]  }
0x235: {  	v7 =	vld [tilespmem:s21+$0xFFFFFF10]  }
0x236: {  	[tilespmem:s21+$0xFFFFFF80] =	vst v2;
	v2 =	vld [tilespmem:s21+$0xFFFFFF90];
	v1 =	vmul.f32 v1, v4  }
0x237: {  	v0 =	vmul.f32 v3, v0;
	v3 =	vld [tilespmem:s0+$0xFFFFFF90]  }
0x238: {  	[tilespmem:s21+$0x0] =	vst v1;
	v1 =	vld [tilespmem:s21+$0x10]  }
0x239: {  	[tilespmem:s21+$0xFFFFFF00] =	vst v0;
	v0 =	vld [tilespmem:s0+$0x10];
	v4 =	vmul.f32 v6, v5  }
0x23a: {  	v5 =	vld [tilespmem:s0+$0xFFFFFF10]  }
0x23b: {  	[tilespmem:s21+$0x90] =	vst v4;
	v4 =	vld [tilespmem:s21+$0xA0]  }
0x23c: {  	v2 =	vmul.f32 v3, v2;
	v3 =	vld [tilespmem:s0+$0xA0]  }
0x23d: {  	v6 =	vld [tilespmem:s21+$0xFFFFFF20]  }
0x23e: {  	[tilespmem:s21+$0xFFFFFF90] =	vst v2;
	v2 =	vld [tilespmem:s21+$0xFFFFFFA0];
	v0 =	vmul.f32 v0, v1  }
0x23f: {  	v1 =	vmul.f32 v5, v7;
	v5 =	vld [tilespmem:s0+$0xFFFFFFA0]  }
0x240: {  	[tilespmem:s21+$0x10] =	vst v0;
	v0 =	vld [tilespmem:s21+$0x20]  }
0x241: {  	[tilespmem:s21+$0xFFFFFF10] =	vst v1;
	v1 =	vld [tilespmem:s0+$0x20];
	v3 =	vmul.f32 v3, v4  }
0x242: {  	v4 =	vld [tilespmem:s0+$0xFFFFFF20]  }
0x243: {  	[tilespmem:s21+$0xA0] =	vst v3;
	v3 =	vld [tilespmem:s21+$0xB0]  }
0x244: {  	v2 =	vmul.f32 v5, v2;
	v5 =	vld [tilespmem:s0+$0xB0]  }
0x245: {  	v7 =	vld [tilespmem:s21+$0xFFFFFF30]  }
0x246: {  	[tilespmem:s21+$0xFFFFFFA0] =	vst v2;
	v2 =	vld [tilespmem:s21+$0xFFFFFFB0];
	v0 =	vmul.f32 v1, v0  }
0x247: {  	v1 =	vmul.f32 v4, v6;
	v4 =	vld [tilespmem:s0+$0xFFFFFFB0]  }
0x248: {  	[tilespmem:s21+$0x20] =	vst v0;
	v0 =	vld [tilespmem:s21+$0x30]  }
0x249: {  	[tilespmem:s21+$0xFFFFFF20] =	vst v1;
	v1 =	vld [tilespmem:s0+$0x30];
	v3 =	vmul.f32 v5, v3  }
0x24a: {  	v5 =	vld [tilespmem:s0+$0xFFFFFF30]  }
0x24b: {  	[tilespmem:s21+$0xB0] =	vst v3;
	v3 =	vld [tilespmem:s21+$0xC0]  }
0x24c: {  	v2 =	vmul.f32 v4, v2;
	v4 =	vld [tilespmem:s0+$0xC0]  }
0x24d: {  	v6 =	vld [tilespmem:s21+$0xFFFFFF40]  }
0x24e: {  	[tilespmem:s21+$0xFFFFFFB0] =	vst v2;
	v2 =	vld [tilespmem:s21+$0xFFFFFFC0];
	v0 =	vmul.f32 v1, v0  }
0x24f: {  	v1 =	vmul.f32 v5, v7;
	v5 =	vld [tilespmem:s0+$0xFFFFFFC0]  }
0x250: {  	[tilespmem:s21+$0x30] =	vst v0;
	v0 =	vld [tilespmem:s21+$0x40]  }
0x251: {  	[tilespmem:s21+$0xFFFFFF30] =	vst v1;
	v1 =	vld [tilespmem:s0+$0x40];
	v3 =	vmul.f32 v4, v3  }
0x252: {  	v4 =	vld [tilespmem:s0+$0xFFFFFF40]  }
0x253: {  	[tilespmem:s21+$0xC0] =	vst v3;
	v3 =	vld [tilespmem:s21+$0xD0]  }
0x254: {  	v2 =	vmul.f32 v5, v2;
	v5 =	vld [tilespmem:s0+$0xD0]  }
0x255: {  	v7 =	vld [tilespmem:s21+$0xFFFFFF50]  }
0x256: {  	[tilespmem:s21+$0xFFFFFFC0] =	vst v2;
	v2 =	vld [tilespmem:s21+$0xFFFFFFD0];
	v0 =	vmul.f32 v1, v0  }
0x257: {  	v1 =	vmul.f32 v4, v6;
	v4 =	vld [tilespmem:s0+$0xFFFFFFD0]  }
0x258: {  	[tilespmem:s21+$0x40] =	vst v0;
	v0 =	vld [tilespmem:s21+$0x50]  }
0x259: {  	[tilespmem:s21+$0xFFFFFF40] =	vst v1;
	v1 =	vld [tilespmem:s0+$0x50];
	v3 =	vmul.f32 v5, v3  }
0x25a: {  	v5 =	vld [tilespmem:s0+$0xFFFFFF50]  }
0x25b: {  	[tilespmem:s21+$0xD0] =	vst v3;
	v3 =	vld [tilespmem:s21+$0xE0]  }
0x25c: {  	v2 =	vmul.f32 v4, v2;
	v4 =	vld [tilespmem:s0+$0xE0]  }
0x25d: {  	v6 =	vld [tilespmem:s21+$0xFFFFFF60]  }
0x25e: {  	[tilespmem:s21+$0xFFFFFFD0] =	vst v2;
	v2 =	vld [tilespmem:s21+$0xFFFFFFE0];
	v0 =	vmul.f32 v1, v0  }
0x25f: {  	v1 =	vmul.f32 v5, v7;
	v5 =	vld [tilespmem:s0+$0xFFFFFFE0]  }
0x260: {  	[tilespmem:s21+$0x50] =	vst v0;
	v7 =	vld [tilespmem:s21+$0x60]  }
0x261: {  	[tilespmem:s21+$0xFFFFFF50] =	vst v1;
	v8 =	vld [tilespmem:s0+$0x60];
	v0 =	vmul.f32 v4, v3  }
0x262: {  	v3 =	vld [tilespmem:s0+$0xFFFFFF60]  }
0x263: {  	[tilespmem:s21+$0xE0] =	vst v0;
	v9 =	vld [tilespmem:s21+$0xF0]  }
0x264: {  	v1 =	vmul.f32 v5, v2;
	v5 =	vld [tilespmem:s0+$0xF0]  }
0x265: {  	v0 =	vld [tilespmem:s21+$0xFFFFFF70]  }
.Ltmp11:
0x266: {  	[tilespmem:s21+$0xFFFFFFE0] =	vst v1;
	v1 =	vld [tilespmem:s21+$0xFFFFFFF0];
	v2 =	vmul.f32 v8, v7;
	(pc) =	sbr.rel @p2 .LBB2_12-.Ltmp11, $4  }
0x267: {  	v4 =	vmul.f32 v3, v6;
	v3 =	vld [tilespmem:s0+$0xFFFFFFF0]  }
0x268: {  	[tilespmem:s21+$0x60] =	vst v2;
	v2 =	vld [tilespmem:s21+$0x70]  }
0x269: {  	[tilespmem:s21+$0xFFFFFF60] =	vst v4;
	v4 =	vld [tilespmem:s0+$0x70];
	v6 =	vmul.f32 v5, v9  }
0x26a: {  	s21 =	sadd.s32 $0x200, s21;
	v5 =	vld [tilespmem:s0+$0xFFFFFF70]  }
0x26b: {  	_ =	sdelay $0x1  }
0x26c: {  	v1 =	vmul.f32 v3, v1  }
0x26d: {  	[tilespmem:s18+$0xF0] =	vst v6;
	v2 =	vmul.f32 v4, v2  }
0x26e: {  	[tilespmem:s18+$0xFFFFFFF0] =	vst v1;
	v0 =	vmul.f32 v5, v0  }
0x26f: {  	[tilespmem:s18+$0x70] =	vst v2  }
0x270: {  	[tilespmem:s18+$0xFFFFFF70] =	vst v0  }
0x271: {  	v0 =	vld [tilespmem:$0x100]  }
0x272: {  	v1 =	vld [tilespmem:$0x110]  }
0x273: {  	v2 =	vld [tilespmem:$0x120]  }
0x274: {  	v62 =	vld [tilespmem:$0x130]  }
0x275: {  	v63 =	vld [tilespmem:$0x140]  }
0x276: {  	[tilespmem:$0x200] =	vst v0  }
0x277: {  	s0 =	sadd.s32 $0x2, s3;
	p2 =	seq.s32 s30, $0x63;
	[tilespmem:$0x210] =	vst v1  }
0x278: {  	s3 =	smul.u32 @!p2 $0x50, s0;
	[tilespmem:$0x220] =	vst v2  }
0x279: {  	[tilespmem:$0x230] =	vst v62  }
0x27a: {  	s3 =	sadd.s32 @!p2 s15, s3;
	[tilespmem:$0x240] =	vst v63  }
0x27b: {  	[spmem:s6] =	stream.indirect.scatter.add.f32 [tilespmem:s13], [sflag:$0x5], $0x80, s23, s25, $0xb8;
	[tilespmem:$0x1E300] =	vst v63  }
.Ltmp12:
0x27c: {  	s3 =	sshrl.u32 @!p2 s3, $0x3;
	(pc) =	sbr.rel @p1 .LBB2_17-.Ltmp12, $4  }
0x27d: {  	s5 =	sadd.s32 @!p2 s1, s3;
	s18 =	simm.s32 @!p2 $0x0  }
0x27e: {  	[tilespmem:s18], [sflag:$0x1] =	stream.linear.gather @!p2 [hbm4b:s5+s18], $0x50, $0x38;
	[tilespmem:$0x1E300] =	vst v63  }
0x27f: {  	s3 =	sadd.s32 @!p2 s2, s3;
	s5 =	simm.s32 @!p2 $0x100  }
0x280: {  	[tilespmem:s5], [sflag:$0x1] =	stream.linear.gather @!p2 [hbm4b:s3+s18], $0x50, $0x38;
	[tilespmem:$0x1E300] =	vst v63  }
0x281: {  	_ =	swait.ge [sflag:s26], $0x2800  }
0x282: {  	[sflag:s26] =	ssyncset.done $0x0  }
0x283: {  	[sflag:s26] =	ssyncadd.s32 $0xFFFFD800  }
0x284: {  	_ =	swait.ge [sflag:s26], $0x2800  }
0x285: {  	[sflag:s26] =	ssyncset.done $0x0  }
0x286: {  	[sflag:s26] =	ssyncadd.s32 $0xFFFFD800  }
0x287: {  	_ =	swait.ge [sflag:s28], $0x2800  }
0x288: {  	[sflag:s28] =	ssyncset.done $0x0  }
0x289: {  	[sflag:s28] =	ssyncadd.s32 $0xFFFFD800  }
0x28a: {  	_ =	swait.ge [sflag:s12], $0x50  }
0x28b: {  	[sflag:s12] =	ssyncset.done $0x0  }
0x28c: {  	s0 =	smul.u32 $0x50, s0;
	[sflag:s12] =	ssyncadd.s32 $0xFFFFFFB0  }
0x28d: {  	_ =	swait.ge [sflag:s12], $0x50  }
0x28e: {  	s0 =	sadd.s32 s15, s0;
	[sflag:s12] =	ssyncset.done $0x0  }
0x28f: {  	s0 =	sshll.u32 s0, $0x4;
	[sflag:s12] =	ssyncadd.s32 $0xFFFFFFB0  }
0x290: {  	[tilespmem:s13], [sflag:$0x3] =	stream.indirect.gather [hbm4b:s9+s25], $0x80, s7, s25, $0xb8;
	[tilespmem:$0x1E300] =	vst v63  }
0x291: {  	s18 =	simm.s32 $0x2C00;
	s0 =	sadd.s32 s8, s0  }
0x292: {  	[tilespmem:s14], [sflag:$0x3] =	stream.linear.gather [hbm4b:s0+s7], $0x2800, $0x38;
	[tilespmem:$0x1E300] =	vst v63  }
0x293: {  	s0 =	simm.s32 $0x7C00;
	v0 =	vld [tilespmem:s18+$0x80]  }
0x294: {  	v1 =	vld [tilespmem:s0+$0x80]  }
0x295: {  	v2 =	vld [tilespmem:s18+$0xFFFFFF80]  }
0x296: {  	v3 =	vld [tilespmem:s0+$0xFFFFFF80]  }
0x297: {  	v4 =	vld [tilespmem:s18+$0x0]  }
0x298: {  	v5 =	vld [tilespmem:s0+$0x0]  }
0x299: {  	v6 =	vld [tilespmem:s18+$0xFFFFFF00];
	v0 =	vmul.f32 v1, v0  }
0x29a: {  	v1 =	vld [tilespmem:s0+$0xFFFFFF00]  }
0x29b: {  	[tilespmem:s18+$0x80] =	vst v0;
	v0 =	vld [tilespmem:s18+$0x90]  }
0x29c: {  	v2 =	vmul.f32 v3, v2;
	v3 =	vld [tilespmem:s0+$0x90]  }
0x29d: {  	v7 =	vld [tilespmem:s18+$0xFFFFFF10]  }
0x29e: {  	[tilespmem:s18+$0xFFFFFF80] =	vst v2;
	v2 =	vmul.f32 v5, v4;
	v4 =	vld [tilespmem:s18+$0xFFFFFF90]  }
0x29f: {  	v5 =	vld [tilespmem:s0+$0xFFFFFF90];
	v1 =	vmul.f32 v1, v6  }
0x2a0: {  	[tilespmem:s18+$0x0] =	vst v2;
	v2 =	vld [tilespmem:s18+$0x10]  }
0x2a1: {  	v6 =	vld [tilespmem:s0+$0x10];
	[tilespmem:s18+$0xFFFFFF00] =	vst v1;
	v0 =	vmul.f32 v3, v0  }
0x2a2: {  	v1 =	vld [tilespmem:s0+$0xFFFFFF10]  }
0x2a3: {  	[tilespmem:s18+$0x90] =	vst v0;
	v0 =	vld [tilespmem:s18+$0xA0]  }
0x2a4: {  	v3 =	vmul.f32 v5, v4;
	v4 =	vld [tilespmem:s0+$0xA0]  }
0x2a5: {  	v5 =	vld [tilespmem:s18+$0xFFFFFF20]  }
0x2a6: {  	[tilespmem:s18+$0xFFFFFF90] =	vst v3;
	v2 =	vmul.f32 v6, v2;
	v3 =	vld [tilespmem:s18+$0xFFFFFFA0]  }
0x2a7: {  	v6 =	vld [tilespmem:s0+$0xFFFFFFA0];
	v1 =	vmul.f32 v1, v7  }
0x2a8: {  	[tilespmem:s18+$0x10] =	vst v2;
	v2 =	vld [tilespmem:s18+$0x20]  }
0x2a9: {  	v7 =	vld [tilespmem:s0+$0x20];
	[tilespmem:s18+$0xFFFFFF10] =	vst v1;
	v0 =	vmul.f32 v4, v0  }
0x2aa: {  	v1 =	vld [tilespmem:s0+$0xFFFFFF20]  }
0x2ab: {  	[tilespmem:s18+$0xA0] =	vst v0;
	v0 =	vld [tilespmem:s18+$0xB0]  }
0x2ac: {  	v3 =	vmul.f32 v6, v3;
	v4 =	vld [tilespmem:s0+$0xB0]  }
0x2ad: {  	v6 =	vld [tilespmem:s18+$0xFFFFFF30]  }
0x2ae: {  	[tilespmem:s18+$0xFFFFFFA0] =	vst v3;
	v2 =	vmul.f32 v7, v2;
	v3 =	vld [tilespmem:s18+$0xFFFFFFB0]  }
0x2af: {  	v7 =	vld [tilespmem:s0+$0xFFFFFFB0];
	v1 =	vmul.f32 v1, v5  }
0x2b0: {  	[tilespmem:s18+$0x20] =	vst v2;
	v2 =	vld [tilespmem:s18+$0x30]  }
0x2b1: {  	v5 =	vld [tilespmem:s0+$0x30];
	[tilespmem:s18+$0xFFFFFF20] =	vst v1;
	v0 =	vmul.f32 v4, v0  }
0x2b2: {  	v1 =	vld [tilespmem:s0+$0xFFFFFF30]  }
0x2b3: {  	[tilespmem:s18+$0xB0] =	vst v0;
	v0 =	vld [tilespmem:s18+$0xC0]  }
0x2b4: {  	v3 =	vmul.f32 v7, v3;
	v4 =	vld [tilespmem:s0+$0xC0]  }
0x2b5: {  	v7 =	vld [tilespmem:s18+$0xFFFFFF40]  }
0x2b6: {  	[tilespmem:s18+$0xFFFFFFB0] =	vst v3;
	v2 =	vmul.f32 v5, v2;
	v3 =	vld [tilespmem:s18+$0xFFFFFFC0]  }
0x2b7: {  	v5 =	vld [tilespmem:s0+$0xFFFFFFC0];
	v1 =	vmul.f32 v1, v6  }
0x2b8: {  	[tilespmem:s18+$0x30] =	vst v2;
	v2 =	vld [tilespmem:s18+$0x40]  }
0x2b9: {  	v6 =	vld [tilespmem:s0+$0x40];
	[tilespmem:s18+$0xFFFFFF30] =	vst v1;
	v0 =	vmul.f32 v4, v0  }
0x2ba: {  	v1 =	vld [tilespmem:s0+$0xFFFFFF40]  }
0x2bb: {  	[tilespmem:s18+$0xC0] =	vst v0;
	v0 =	vld [tilespmem:s18+$0xD0]  }
0x2bc: {  	v3 =	vmul.f32 v5, v3;
	v4 =	vld [tilespmem:s0+$0xD0]  }
0x2bd: {  	v5 =	vld [tilespmem:s18+$0xFFFFFF50]  }
0x2be: {  	[tilespmem:s18+$0xFFFFFFC0] =	vst v3;
	v2 =	vmul.f32 v6, v2;
	v3 =	vld [tilespmem:s18+$0xFFFFFFD0]  }
0x2bf: {  	v6 =	vld [tilespmem:s0+$0xFFFFFFD0];
	v1 =	vmul.f32 v1, v7  }
0x2c0: {  	[tilespmem:s18+$0x40] =	vst v2;
	v2 =	vld [tilespmem:s18+$0x50]  }
0x2c1: {  	v7 =	vld [tilespmem:s0+$0x50];
	[tilespmem:s18+$0xFFFFFF40] =	vst v1;
	v0 =	vmul.f32 v4, v0  }
0x2c2: {  	v1 =	vld [tilespmem:s0+$0xFFFFFF50]  }
0x2c3: {  	[tilespmem:s18+$0xD0] =	vst v0;
	v0 =	vld [tilespmem:s18+$0xE0]  }
0x2c4: {  	v3 =	vmul.f32 v6, v3;
	v4 =	vld [tilespmem:s0+$0xE0]  }
0x2c5: {  	v6 =	vld [tilespmem:s18+$0xFFFFFF60]  }
0x2c6: {  	[tilespmem:s18+$0xFFFFFFD0] =	vst v3;
	v2 =	vmul.f32 v7, v2;
	v3 =	vld [tilespmem:s18+$0xFFFFFFE0]  }
0x2c7: {  	v7 =	vld [tilespmem:s0+$0xFFFFFFE0];
	v1 =	vmul.f32 v1, v5  }
0x2c8: {  	[tilespmem:s18+$0x50] =	vst v2;
	v2 =	vld [tilespmem:s18+$0x60]  }
0x2c9: {  	v5 =	vld [tilespmem:s0+$0x60];
	[tilespmem:s18+$0xFFFFFF50] =	vst v1;
	v0 =	vmul.f32 v4, v0  }
0x2ca: {  	v4 =	vld [tilespmem:s0+$0xFFFFFF60]  }
0x2cb: {  	v8 =	vld [tilespmem:s18+$0xF0];
	[tilespmem:s18+$0xE0] =	vst v0  }
0x2cc: {  	v1 =	vmul.f32 v7, v3;
	v7 =	vld [tilespmem:s0+$0xF0]  }
0x2cd: {  	v0 =	vld [tilespmem:s18+$0xFFFFFF70]  }
0x2ce: {  	[tilespmem:s18+$0xFFFFFFE0] =	vst v1;
	v2 =	vmul.f32 v5, v2;
	v1 =	vld [tilespmem:s18+$0xFFFFFFF0]  }
0x2cf: {  	v3 =	vld [tilespmem:s0+$0xFFFFFFF0];
	v4 =	vmul.f32 v4, v6  }
0x2d0: {  	[tilespmem:s18+$0x60] =	vst v2;
	v2 =	vld [tilespmem:s18+$0x70]  }
0x2d1: {  	[tilespmem:s18+$0xFFFFFF60] =	vst v4;
	v4 =	vld [tilespmem:s0+$0x70];
	v6 =	vmul.f32 v7, v8  }
0x2d2: {  	s3 =	simm.s32 $0x0;
	s5 =	simm.s32 $0x2E00;
	v5 =	vld [tilespmem:s0+$0xFFFFFF70]  }
.LBB2_15:
0x2d3: {  	v7 =	vld [tilespmem:s5+$0x80];
	[tilespmem:s18+$0xF0] =	vst v6;
	s0 =	sadd.s32 $0x200, s0  }
0x2d4: {  	s3 =	sadd.s32 $0x4, s3;
	v1 =	vmul.f32 v3, v1;
	v6 =	vld [tilespmem:s0+$0x80]  }
0x2d5: {  	p1 =	slt.u32 s3, $0x4C;
	v3 =	vld [tilespmem:s0+$0xFFFFFF00]  }
0x2d6: {  	v8 =	vld [tilespmem:s5+$0xFFFFFF80];
	[tilespmem:s18+$0xFFFFFFF0] =	vst v1;
	v1 =	vmul.f32 v4, v2  }
0x2d7: {  	v0 =	vmul.f32 v5, v0;
	v2 =	vld [tilespmem:s0+$0xFFFFFF80]  }
0x2d8: {  	v4 =	vld [tilespmem:s5+$0x0];
	[tilespmem:s18+$0x70] =	vst v1  }
0x2d9: {  	v1 =	vld [tilespmem:s0+$0x0];
	v5 =	vmul.f32 v6, v7;
	[tilespmem:s18+$0xFFFFFF70] =	vst v0;
	s18 =	smov.u32 s5  }
0x2da: {  	v0 =	vld [tilespmem:s5+$0xFFFFFF00]  }
0x2db: {  	[tilespmem:s5+$0x80] =	vst v5;
	v5 =	vld [tilespmem:s5+$0x90]  }
0x2dc: {  	v2 =	vmul.f32 v2, v8;
	v6 =	vld [tilespmem:s0+$0x90]  }
0x2dd: {  	v7 =	vld [tilespmem:s5+$0xFFFFFF10]  }
0x2de: {  	[tilespmem:s5+$0xFFFFFF80] =	vst v2;
	v2 =	vld [tilespmem:s5+$0xFFFFFF90];
	v1 =	vmul.f32 v1, v4  }
0x2df: {  	v0 =	vmul.f32 v3, v0;
	v3 =	vld [tilespmem:s0+$0xFFFFFF90]  }
0x2e0: {  	[tilespmem:s5+$0x0] =	vst v1;
	v1 =	vld [tilespmem:s5+$0x10]  }
0x2e1: {  	[tilespmem:s5+$0xFFFFFF00] =	vst v0;
	v0 =	vld [tilespmem:s0+$0x10];
	v4 =	vmul.f32 v6, v5  }
0x2e2: {  	v5 =	vld [tilespmem:s0+$0xFFFFFF10]  }
0x2e3: {  	[tilespmem:s5+$0x90] =	vst v4;
	v4 =	vld [tilespmem:s5+$0xA0]  }
0x2e4: {  	v2 =	vmul.f32 v3, v2;
	v3 =	vld [tilespmem:s0+$0xA0]  }
0x2e5: {  	v6 =	vld [tilespmem:s5+$0xFFFFFF20]  }
0x2e6: {  	[tilespmem:s5+$0xFFFFFF90] =	vst v2;
	v2 =	vld [tilespmem:s5+$0xFFFFFFA0];
	v0 =	vmul.f32 v0, v1  }
0x2e7: {  	v1 =	vmul.f32 v5, v7;
	v5 =	vld [tilespmem:s0+$0xFFFFFFA0]  }
0x2e8: {  	[tilespmem:s5+$0x10] =	vst v0;
	v0 =	vld [tilespmem:s5+$0x20]  }
0x2e9: {  	[tilespmem:s5+$0xFFFFFF10] =	vst v1;
	v1 =	vld [tilespmem:s0+$0x20];
	v3 =	vmul.f32 v3, v4  }
0x2ea: {  	v4 =	vld [tilespmem:s0+$0xFFFFFF20]  }
0x2eb: {  	[tilespmem:s5+$0xA0] =	vst v3;
	v3 =	vld [tilespmem:s5+$0xB0]  }
0x2ec: {  	v2 =	vmul.f32 v5, v2;
	v5 =	vld [tilespmem:s0+$0xB0]  }
0x2ed: {  	v7 =	vld [tilespmem:s5+$0xFFFFFF30]  }
0x2ee: {  	[tilespmem:s5+$0xFFFFFFA0] =	vst v2;
	v2 =	vld [tilespmem:s5+$0xFFFFFFB0];
	v0 =	vmul.f32 v1, v0  }
0x2ef: {  	v1 =	vmul.f32 v4, v6;
	v4 =	vld [tilespmem:s0+$0xFFFFFFB0]  }
0x2f0: {  	[tilespmem:s5+$0x20] =	vst v0;
	v0 =	vld [tilespmem:s5+$0x30]  }
0x2f1: {  	[tilespmem:s5+$0xFFFFFF20] =	vst v1;
	v1 =	vld [tilespmem:s0+$0x30];
	v3 =	vmul.f32 v5, v3  }
0x2f2: {  	v5 =	vld [tilespmem:s0+$0xFFFFFF30]  }
0x2f3: {  	[tilespmem:s5+$0xB0] =	vst v3;
	v3 =	vld [tilespmem:s5+$0xC0]  }
0x2f4: {  	v2 =	vmul.f32 v4, v2;
	v4 =	vld [tilespmem:s0+$0xC0]  }
0x2f5: {  	v6 =	vld [tilespmem:s5+$0xFFFFFF40]  }
0x2f6: {  	[tilespmem:s5+$0xFFFFFFB0] =	vst v2;
	v2 =	vld [tilespmem:s5+$0xFFFFFFC0];
	v0 =	vmul.f32 v1, v0  }
0x2f7: {  	v1 =	vmul.f32 v5, v7;
	v5 =	vld [tilespmem:s0+$0xFFFFFFC0]  }
0x2f8: {  	[tilespmem:s5+$0x30] =	vst v0;
	v0 =	vld [tilespmem:s5+$0x40]  }
0x2f9: {  	[tilespmem:s5+$0xFFFFFF30] =	vst v1;
	v1 =	vld [tilespmem:s0+$0x40];
	v3 =	vmul.f32 v4, v3  }
0x2fa: {  	v4 =	vld [tilespmem:s0+$0xFFFFFF40]  }
0x2fb: {  	[tilespmem:s5+$0xC0] =	vst v3;
	v3 =	vld [tilespmem:s5+$0xD0]  }
0x2fc: {  	v2 =	vmul.f32 v5, v2;
	v5 =	vld [tilespmem:s0+$0xD0]  }
0x2fd: {  	v7 =	vld [tilespmem:s5+$0xFFFFFF50]  }
0x2fe: {  	[tilespmem:s5+$0xFFFFFFC0] =	vst v2;
	v2 =	vld [tilespmem:s5+$0xFFFFFFD0];
	v0 =	vmul.f32 v1, v0  }
0x2ff: {  	v1 =	vmul.f32 v4, v6;
	v4 =	vld [tilespmem:s0+$0xFFFFFFD0]  }
0x300: {  	[tilespmem:s5+$0x40] =	vst v0;
	v0 =	vld [tilespmem:s5+$0x50]  }
0x301: {  	[tilespmem:s5+$0xFFFFFF40] =	vst v1;
	v1 =	vld [tilespmem:s0+$0x50];
	v3 =	vmul.f32 v5, v3  }
0x302: {  	v5 =	vld [tilespmem:s0+$0xFFFFFF50]  }
0x303: {  	[tilespmem:s5+$0xD0] =	vst v3;
	v3 =	vld [tilespmem:s5+$0xE0]  }
0x304: {  	v2 =	vmul.f32 v4, v2;
	v4 =	vld [tilespmem:s0+$0xE0]  }
0x305: {  	v6 =	vld [tilespmem:s5+$0xFFFFFF60]  }
0x306: {  	[tilespmem:s5+$0xFFFFFFD0] =	vst v2;
	v2 =	vld [tilespmem:s5+$0xFFFFFFE0];
	v0 =	vmul.f32 v1, v0  }
0x307: {  	v1 =	vmul.f32 v5, v7;
	v5 =	vld [tilespmem:s0+$0xFFFFFFE0]  }
0x308: {  	[tilespmem:s5+$0x50] =	vst v0;
	v7 =	vld [tilespmem:s5+$0x60]  }
0x309: {  	[tilespmem:s5+$0xFFFFFF50] =	vst v1;
	v8 =	vld [tilespmem:s0+$0x60];
	v0 =	vmul.f32 v4, v3  }
0x30a: {  	v3 =	vld [tilespmem:s0+$0xFFFFFF60]  }
0x30b: {  	[tilespmem:s5+$0xE0] =	vst v0;
	v9 =	vld [tilespmem:s5+$0xF0]  }
0x30c: {  	v1 =	vmul.f32 v5, v2;
	v5 =	vld [tilespmem:s0+$0xF0]  }
0x30d: {  	v0 =	vld [tilespmem:s5+$0xFFFFFF70]  }
.Ltmp13:
0x30e: {  	[tilespmem:s5+$0xFFFFFFE0] =	vst v1;
	v1 =	vld [tilespmem:s5+$0xFFFFFFF0];
	v2 =	vmul.f32 v8, v7;
	(pc) =	sbr.rel @p1 .LBB2_15-.Ltmp13, $4  }
0x30f: {  	v4 =	vmul.f32 v3, v6;
	v3 =	vld [tilespmem:s0+$0xFFFFFFF0]  }
0x310: {  	[tilespmem:s5+$0x60] =	vst v2;
	v2 =	vld [tilespmem:s5+$0x70]  }
0x311: {  	[tilespmem:s5+$0xFFFFFF60] =	vst v4;
	v4 =	vld [tilespmem:s0+$0x70];
	v6 =	vmul.f32 v5, v9  }
0x312: {  	s5 =	sadd.s32 $0x200, s5;
	v5 =	vld [tilespmem:s0+$0xFFFFFF70]  }
.Ltmp14:
0x313: {  	_ = 	snop;
	(pc) =	sbr.rel .LBB2_16-.Ltmp14, $1  }
0x314: {  	_ =	sdelay $0x3  }
.LBB2_18:
0x315: {  	_ =	swait.ge [sflag:s28], $0x2800  }
0x316: {  	[sflag:s28] =	ssyncset.done $0x0  }
0x317: {  	s0 =	simm.s32 $0x6;
	[sflag:s28] =	ssyncadd.s32 $0xFFFFD800  }
0x318: {  	_ =	swait.ge [sflag:s0], $0x2800  }
0x319: {  	[sflag:s0] =	ssyncset.done $0x0  }
0x31a: {  	[sflag:s0] =	ssyncadd.s32 $0xFFFFD800  }
0x31b: {  	[bflag:$0x0] =	sbarrier.arrive $0xFFFF  }
0x31c: {  	s18 =	sld [smem:$0x7FA]  }
0x31d: {  	s3 =	rddreg [dreg:$0xb]  }
0x31e: {  	s5 =	simm.s32 $0x7;
	s21 =	rddreg [dreg:$0x17]  }
0x31f: {  	[hbm:s21], [sflag:s3] =	dma.local [spmem:s18], $0x2800  }
0x320: {  	_ =	swait.ge [sflag:s5], $0x2800  }
0x321: {  	[sflag:s5] =	ssyncset.done $0x0  }
0x322: {  	s30 =	rddreg [dreg:$0x7];
	[sflag:s5] =	ssyncadd.s32 $0xFFFFD800  }
0x323: {  	[spmem:s18], [sflag:s3] =	dma.local [hbm:s30], $0x2800  }
.Ltmp15:
0x324: {  	_ =	swait.ge [sflag:s5], $0x2800;
	(pc) =	sbr.rel @p0 .LBB2_27-.Ltmp15, $3  }
0x325: {  	[sflag:s5] =	ssyncset.done $0x0  }
0x326: {  	[sflag:s5] =	ssyncadd.s32 $0xFFFFD800  }
0x327: {  	[bflag:$0x0] =	sbarrier.arrive $0xFFFF;
	_ =	sdelay $0x1  }
0x328: {  	s30 =	simm.s32 $0x0;
	s0 =	rddreg [dreg:$0x1c]  }
0x329: {  	[tilespmem:s30], [sflag:$0x7] =	stream.linear.gather [hbm4b:s0+s30], $0x50, $0x38;
	[tilespmem:$0x1E300] =	vst v63  }
0x32a: {  	_ =	swait.ge [sflag:s5], $0x50  }
0x32b: {  	[sflag:s5] =	ssyncset.done $0x0  }
0x32c: {  	s3 =	simm.s32 $0x100;
	s21 =	rddreg [dreg:$0x1b];
	[sflag:s5] =	ssyncadd.s32 $0xFFFFFFB0  }
0x32d: {  	[tilespmem:s3], [sflag:$0x7] =	stream.linear.gather [hbm4b:s21+s30], $0x50, $0x38;
	[tilespmem:$0x1E300] =	vst v63  }
0x32e: {  	_ =	swait.ge [sflag:s5], $0x50  }
0x32f: {  	[sflag:s5] =	ssyncset.done $0x0  }
0x330: {  	[sflag:s5] =	ssyncadd.s32 $0xFFFFFFB0  }
0x331: {  	[tilespmem:s13], [sflag:$0x3] =	stream.indirect.gather [hbm4b:s11+s25], $0x80, s30, s25, $0xb8;
	[tilespmem:$0x1E300] =	vst v63  }
0x332: {  	_ = 	snop  }
0x333: {  	[tilespmem:s14], [sflag:$0x3] =	stream.linear.gather [hbm4b:s4+s30], $0x2800, $0x38;
	[tilespmem:$0x1E300] =	vst v63  }
0x334: {  	s5 =	rddreg [dreg:$0x1e]  }
0x335: {  	[tilespmem:s16], [sflag:$0x2] =	stream.linear.gather [hbm4b:s5+s30], $0x50, $0x38;
	[tilespmem:$0x1E300] =	vst v63  }
0x336: {  	s21 =	simm.s32 $0x180;
	s18 =	rddreg [dreg:$0x1d]  }
0x337: {  	[tilespmem:s21], [sflag:$0x2] =	stream.linear.gather [hbm4b:s18+s30], $0x50, $0x38;
	[tilespmem:$0x1E300] =	vst v63  }
.LBB2_20:
0x338: {  	_ =	swait.ge [sflag:s22], $0x2800  }
0x339: {  	[sflag:s22] =	ssyncset.done $0x0  }
0x33a: {  	[sflag:s22] =	ssyncadd.s32 $0xFFFFD800  }
0x33b: {  	_ =	swait.ge [sflag:s22], $0x2800  }
0x33c: {  	p1 =	seq.s32 s30, $0x0;
	[sflag:s22] =	ssyncset.done $0x0  }
0x33d: {  	s0 =	simm.s32 @!p1 $0x6;
	[sflag:s22] =	ssyncadd.s32 $0xFFFFD800  }
0x33e: {  	_ =	swait.ge @!p1 [sflag:s0], $0x2800  }
0x33f: {  	[sflag:s0] =	ssyncset.done @!p1 $0x0  }
0x340: {  	[sflag:s0] =	ssyncadd.s32 @!p1 $0xFFFFD800  }
0x341: {  	_ =	swait.ge [sflag:s29], $0x50  }
0x342: {  	[sflag:s29] =	ssyncset.done $0x0  }
0x343: {  	s18 =	smul.u32 $0xA0, s30;
	[sflag:s29] =	ssyncadd.s32 $0xFFFFFFB0  }
0x344: {  	_ =	swait.ge [sflag:s29], $0x50  }
0x345: {  	s21 =	sadd.s32 s18, s31;
	[sflag:s29] =	ssyncset.done $0x0  }
0x346: {  	s0 =	sshll.u32 s21, $0x4;
	[sflag:s29] =	ssyncadd.s32 $0xFFFFFFB0  }
0x347: {  	[tilespmem:s24], [sflag:$0x4] =	stream.indirect.gather [hbm4b:s11+s25], $0x80, s16, s25, $0xb8;
	[tilespmem:$0x1E300] =	vst v63  }
0x348: {  	s3 =	simm.s32 $0x7B00;
	s0 =	sadd.s32 s10, s0  }
0x349: {  	[tilespmem:s3], [sflag:$0x4] =	stream.linear.gather [hbm4b:s0+s7], $0x2800, $0x38;
	[tilespmem:$0x1E300] =	vst v63  }
0x34a: {  	s0 =	simm.s32 $0x400  }
0x34b: {  	s3 =	simm.s32 $0x5400;
	v0 =	vld [tilespmem:s0+$0x80]  }
0x34c: {  	v1 =	vld [tilespmem:s3+$0x80]  }
0x34d: {  	v2 =	vld [tilespmem:s0+$0xFFFFFF80]  }
0x34e: {  	v3 =	vld [tilespmem:s3+$0xFFFFFF80]  }
0x34f: {  	v4 =	vld [tilespmem:s0+$0x0]  }
0x350: {  	v5 =	vld [tilespmem:s3+$0x0]  }
0x351: {  	v6 =	vld [tilespmem:s0+$0xFFFFFF00];
	v0 =	vmul.f32 v1, v0  }
0x352: {  	v1 =	vld [tilespmem:s3+$0xFFFFFF00]  }
0x353: {  	[tilespmem:s0+$0x80] =	vst v0;
	v0 =	vld [tilespmem:s0+$0x90]  }
0x354: {  	v2 =	vmul.f32 v3, v2;
	v3 =	vld [tilespmem:s3+$0x90]  }
0x355: {  	v7 =	vld [tilespmem:s0+$0xFFFFFF10]  }
0x356: {  	[tilespmem:s0+$0xFFFFFF80] =	vst v2;
	v2 =	vmul.f32 v5, v4;
	v4 =	vld [tilespmem:s0+$0xFFFFFF90]  }
0x357: {  	v5 =	vld [tilespmem:s3+$0xFFFFFF90];
	v1 =	vmul.f32 v1, v6  }
0x358: {  	[tilespmem:s0+$0x0] =	vst v2;
	v2 =	vld [tilespmem:s0+$0x10]  }
0x359: {  	v6 =	vld [tilespmem:s3+$0x10];
	[tilespmem:s0+$0xFFFFFF00] =	vst v1;
	v0 =	vmul.f32 v3, v0  }
0x35a: {  	v1 =	vld [tilespmem:s3+$0xFFFFFF10]  }
0x35b: {  	[tilespmem:s0+$0x90] =	vst v0;
	v0 =	vld [tilespmem:s0+$0xA0]  }
0x35c: {  	v3 =	vmul.f32 v5, v4;
	v4 =	vld [tilespmem:s3+$0xA0]  }
0x35d: {  	v5 =	vld [tilespmem:s0+$0xFFFFFF20]  }
0x35e: {  	[tilespmem:s0+$0xFFFFFF90] =	vst v3;
	v2 =	vmul.f32 v6, v2;
	v3 =	vld [tilespmem:s0+$0xFFFFFFA0]  }
0x35f: {  	v6 =	vld [tilespmem:s3+$0xFFFFFFA0];
	v1 =	vmul.f32 v1, v7  }
0x360: {  	[tilespmem:s0+$0x10] =	vst v2;
	v2 =	vld [tilespmem:s0+$0x20]  }
0x361: {  	v7 =	vld [tilespmem:s3+$0x20];
	[tilespmem:s0+$0xFFFFFF10] =	vst v1;
	v0 =	vmul.f32 v4, v0  }
0x362: {  	v1 =	vld [tilespmem:s3+$0xFFFFFF20]  }
0x363: {  	[tilespmem:s0+$0xA0] =	vst v0;
	v0 =	vld [tilespmem:s0+$0xB0]  }
0x364: {  	v3 =	vmul.f32 v6, v3;
	v4 =	vld [tilespmem:s3+$0xB0]  }
0x365: {  	v6 =	vld [tilespmem:s0+$0xFFFFFF30]  }
0x366: {  	[tilespmem:s0+$0xFFFFFFA0] =	vst v3;
	v2 =	vmul.f32 v7, v2;
	v3 =	vld [tilespmem:s0+$0xFFFFFFB0]  }
0x367: {  	v7 =	vld [tilespmem:s3+$0xFFFFFFB0];
	v1 =	vmul.f32 v1, v5  }
0x368: {  	[tilespmem:s0+$0x20] =	vst v2;
	v2 =	vld [tilespmem:s0+$0x30]  }
0x369: {  	v5 =	vld [tilespmem:s3+$0x30];
	[tilespmem:s0+$0xFFFFFF20] =	vst v1;
	v0 =	vmul.f32 v4, v0  }
0x36a: {  	v1 =	vld [tilespmem:s3+$0xFFFFFF30]  }
0x36b: {  	[tilespmem:s0+$0xB0] =	vst v0;
	v0 =	vld [tilespmem:s0+$0xC0]  }
0x36c: {  	v3 =	vmul.f32 v7, v3;
	v4 =	vld [tilespmem:s3+$0xC0]  }
0x36d: {  	v7 =	vld [tilespmem:s0+$0xFFFFFF40]  }
0x36e: {  	[tilespmem:s0+$0xFFFFFFB0] =	vst v3;
	v2 =	vmul.f32 v5, v2;
	v3 =	vld [tilespmem:s0+$0xFFFFFFC0]  }
0x36f: {  	v5 =	vld [tilespmem:s3+$0xFFFFFFC0];
	v1 =	vmul.f32 v1, v6  }
0x370: {  	[tilespmem:s0+$0x30] =	vst v2;
	v2 =	vld [tilespmem:s0+$0x40]  }
0x371: {  	v6 =	vld [tilespmem:s3+$0x40];
	[tilespmem:s0+$0xFFFFFF30] =	vst v1;
	v0 =	vmul.f32 v4, v0  }
0x372: {  	v1 =	vld [tilespmem:s3+$0xFFFFFF40]  }
0x373: {  	[tilespmem:s0+$0xC0] =	vst v0;
	v0 =	vld [tilespmem:s0+$0xD0]  }
0x374: {  	v3 =	vmul.f32 v5, v3;
	v4 =	vld [tilespmem:s3+$0xD0]  }
0x375: {  	v5 =	vld [tilespmem:s0+$0xFFFFFF50]  }
0x376: {  	[tilespmem:s0+$0xFFFFFFC0] =	vst v3;
	v2 =	vmul.f32 v6, v2;
	v3 =	vld [tilespmem:s0+$0xFFFFFFD0]  }
0x377: {  	v6 =	vld [tilespmem:s3+$0xFFFFFFD0];
	v1 =	vmul.f32 v1, v7  }
0x378: {  	[tilespmem:s0+$0x40] =	vst v2;
	v2 =	vld [tilespmem:s0+$0x50]  }
0x379: {  	v7 =	vld [tilespmem:s3+$0x50];
	[tilespmem:s0+$0xFFFFFF40] =	vst v1;
	v0 =	vmul.f32 v4, v0  }
0x37a: {  	v1 =	vld [tilespmem:s3+$0xFFFFFF50]  }
0x37b: {  	[tilespmem:s0+$0xD0] =	vst v0;
	v0 =	vld [tilespmem:s0+$0xE0]  }
0x37c: {  	v3 =	vmul.f32 v6, v3;
	v4 =	vld [tilespmem:s3+$0xE0]  }
0x37d: {  	v6 =	vld [tilespmem:s0+$0xFFFFFF60]  }
0x37e: {  	[tilespmem:s0+$0xFFFFFFD0] =	vst v3;
	v2 =	vmul.f32 v7, v2;
	v3 =	vld [tilespmem:s0+$0xFFFFFFE0]  }
0x37f: {  	v7 =	vld [tilespmem:s3+$0xFFFFFFE0];
	v1 =	vmul.f32 v1, v5  }
0x380: {  	[tilespmem:s0+$0x50] =	vst v2;
	v2 =	vld [tilespmem:s0+$0x60]  }
0x381: {  	v5 =	vld [tilespmem:s3+$0x60];
	[tilespmem:s0+$0xFFFFFF50] =	vst v1;
	v0 =	vmul.f32 v4, v0  }
0x382: {  	v4 =	vld [tilespmem:s3+$0xFFFFFF60]  }
0x383: {  	v8 =	vld [tilespmem:s0+$0xF0];
	[tilespmem:s0+$0xE0] =	vst v0  }
0x384: {  	v1 =	vmul.f32 v7, v3;
	v7 =	vld [tilespmem:s3+$0xF0]  }
0x385: {  	v0 =	vld [tilespmem:s0+$0xFFFFFF70]  }
0x386: {  	[tilespmem:s0+$0xFFFFFFE0] =	vst v1;
	v2 =	vmul.f32 v5, v2;
	v1 =	vld [tilespmem:s0+$0xFFFFFFF0]  }
0x387: {  	v3 =	vld [tilespmem:s3+$0xFFFFFFF0];
	v4 =	vmul.f32 v4, v6  }
0x388: {  	[tilespmem:s0+$0x60] =	vst v2;
	v2 =	vld [tilespmem:s0+$0x70]  }
0x389: {  	[tilespmem:s0+$0xFFFFFF60] =	vst v4;
	v4 =	vld [tilespmem:s3+$0x70];
	v6 =	vmul.f32 v7, v8  }
0x38a: {  	s5 =	simm.s32 $0x0;
	s21 =	simm.s32 $0x600;
	v5 =	vld [tilespmem:s3+$0xFFFFFF70]  }
.LBB2_21:
0x38b: {  	v7 =	vld [tilespmem:s21+$0x80];
	[tilespmem:s0+$0xF0] =	vst v6;
	s3 =	sadd.s32 $0x200, s3  }
0x38c: {  	s5 =	sadd.s32 $0x4, s5;
	v6 =	vld [tilespmem:s3+$0x80];
	v1 =	vmul.f32 v3, v1  }
0x38d: {  	p1 =	slt.u32 s5, $0x4C;
	v3 =	vld [tilespmem:s3+$0xFFFFFF00]  }
0x38e: {  	v8 =	vld [tilespmem:s21+$0xFFFFFF80];
	[tilespmem:s0+$0xFFFFFFF0] =	vst v1;
	v1 =	vmul.f32 v4, v2  }
0x38f: {  	v2 =	vld [tilespmem:s3+$0xFFFFFF80];
	v0 =	vmul.f32 v5, v0  }
0x390: {  	v4 =	vld [tilespmem:s21+$0x0];
	[tilespmem:s0+$0x70] =	vst v1  }
0x391: {  	v1 =	vld [tilespmem:s3+$0x0];
	v5 =	vmul.f32 v6, v7;
	[tilespmem:s0+$0xFFFFFF70] =	vst v0;
	s0 =	smov.u32 s21  }
0x392: {  	v0 =	vld [tilespmem:s21+$0xFFFFFF00]  }
0x393: {  	[tilespmem:s21+$0x80] =	vst v5;
	v5 =	vld [tilespmem:s21+$0x90]  }
0x394: {  	v2 =	vmul.f32 v2, v8;
	v6 =	vld [tilespmem:s3+$0x90]  }
0x395: {  	v7 =	vld [tilespmem:s21+$0xFFFFFF10]  }
0x396: {  	[tilespmem:s21+$0xFFFFFF80] =	vst v2;
	v2 =	vld [tilespmem:s21+$0xFFFFFF90];
	v1 =	vmul.f32 v1, v4  }
0x397: {  	v0 =	vmul.f32 v3, v0;
	v3 =	vld [tilespmem:s3+$0xFFFFFF90]  }
0x398: {  	[tilespmem:s21+$0x0] =	vst v1;
	v1 =	vld [tilespmem:s21+$0x10]  }
0x399: {  	[tilespmem:s21+$0xFFFFFF00] =	vst v0;
	v0 =	vld [tilespmem:s3+$0x10];
	v4 =	vmul.f32 v6, v5  }
0x39a: {  	v5 =	vld [tilespmem:s3+$0xFFFFFF10]  }
0x39b: {  	[tilespmem:s21+$0x90] =	vst v4;
	v4 =	vld [tilespmem:s21+$0xA0]  }
0x39c: {  	v2 =	vmul.f32 v3, v2;
	v3 =	vld [tilespmem:s3+$0xA0]  }
0x39d: {  	v6 =	vld [tilespmem:s21+$0xFFFFFF20]  }
0x39e: {  	[tilespmem:s21+$0xFFFFFF90] =	vst v2;
	v2 =	vld [tilespmem:s21+$0xFFFFFFA0];
	v0 =	vmul.f32 v0, v1  }
0x39f: {  	v1 =	vmul.f32 v5, v7;
	v5 =	vld [tilespmem:s3+$0xFFFFFFA0]  }
0x3a0: {  	[tilespmem:s21+$0x10] =	vst v0;
	v0 =	vld [tilespmem:s21+$0x20]  }
0x3a1: {  	[tilespmem:s21+$0xFFFFFF10] =	vst v1;
	v1 =	vld [tilespmem:s3+$0x20];
	v3 =	vmul.f32 v3, v4  }
0x3a2: {  	v4 =	vld [tilespmem:s3+$0xFFFFFF20]  }
0x3a3: {  	[tilespmem:s21+$0xA0] =	vst v3;
	v3 =	vld [tilespmem:s21+$0xB0]  }
0x3a4: {  	v2 =	vmul.f32 v5, v2;
	v5 =	vld [tilespmem:s3+$0xB0]  }
0x3a5: {  	v7 =	vld [tilespmem:s21+$0xFFFFFF30]  }
0x3a6: {  	[tilespmem:s21+$0xFFFFFFA0] =	vst v2;
	v2 =	vld [tilespmem:s21+$0xFFFFFFB0];
	v0 =	vmul.f32 v1, v0  }
0x3a7: {  	v1 =	vmul.f32 v4, v6;
	v4 =	vld [tilespmem:s3+$0xFFFFFFB0]  }
0x3a8: {  	[tilespmem:s21+$0x20] =	vst v0;
	v0 =	vld [tilespmem:s21+$0x30]  }
0x3a9: {  	[tilespmem:s21+$0xFFFFFF20] =	vst v1;
	v1 =	vld [tilespmem:s3+$0x30];
	v3 =	vmul.f32 v5, v3  }
0x3aa: {  	v5 =	vld [tilespmem:s3+$0xFFFFFF30]  }
0x3ab: {  	[tilespmem:s21+$0xB0] =	vst v3;
	v3 =	vld [tilespmem:s21+$0xC0]  }
0x3ac: {  	v2 =	vmul.f32 v4, v2;
	v4 =	vld [tilespmem:s3+$0xC0]  }
0x3ad: {  	v6 =	vld [tilespmem:s21+$0xFFFFFF40]  }
0x3ae: {  	[tilespmem:s21+$0xFFFFFFB0] =	vst v2;
	v2 =	vld [tilespmem:s21+$0xFFFFFFC0];
	v0 =	vmul.f32 v1, v0  }
0x3af: {  	v1 =	vmul.f32 v5, v7;
	v5 =	vld [tilespmem:s3+$0xFFFFFFC0]  }
0x3b0: {  	[tilespmem:s21+$0x30] =	vst v0;
	v0 =	vld [tilespmem:s21+$0x40]  }
0x3b1: {  	[tilespmem:s21+$0xFFFFFF30] =	vst v1;
	v1 =	vld [tilespmem:s3+$0x40];
	v3 =	vmul.f32 v4, v3  }
0x3b2: {  	v4 =	vld [tilespmem:s3+$0xFFFFFF40]  }
0x3b3: {  	[tilespmem:s21+$0xC0] =	vst v3;
	v3 =	vld [tilespmem:s21+$0xD0]  }
0x3b4: {  	v2 =	vmul.f32 v5, v2;
	v5 =	vld [tilespmem:s3+$0xD0]  }
0x3b5: {  	v7 =	vld [tilespmem:s21+$0xFFFFFF50]  }
0x3b6: {  	[tilespmem:s21+$0xFFFFFFC0] =	vst v2;
	v2 =	vld [tilespmem:s21+$0xFFFFFFD0];
	v0 =	vmul.f32 v1, v0  }
0x3b7: {  	v1 =	vmul.f32 v4, v6;
	v4 =	vld [tilespmem:s3+$0xFFFFFFD0]  }
0x3b8: {  	[tilespmem:s21+$0x40] =	vst v0;
	v0 =	vld [tilespmem:s21+$0x50]  }
0x3b9: {  	[tilespmem:s21+$0xFFFFFF40] =	vst v1;
	v1 =	vld [tilespmem:s3+$0x50];
	v3 =	vmul.f32 v5, v3  }
0x3ba: {  	v5 =	vld [tilespmem:s3+$0xFFFFFF50]  }
0x3bb: {  	[tilespmem:s21+$0xD0] =	vst v3;
	v3 =	vld [tilespmem:s21+$0xE0]  }
0x3bc: {  	v2 =	vmul.f32 v4, v2;
	v4 =	vld [tilespmem:s3+$0xE0]  }
0x3bd: {  	v6 =	vld [tilespmem:s21+$0xFFFFFF60]  }
0x3be: {  	[tilespmem:s21+$0xFFFFFFD0] =	vst v2;
	v2 =	vld [tilespmem:s21+$0xFFFFFFE0];
	v0 =	vmul.f32 v1, v0  }
0x3bf: {  	v1 =	vmul.f32 v5, v7;
	v5 =	vld [tilespmem:s3+$0xFFFFFFE0]  }
0x3c0: {  	[tilespmem:s21+$0x50] =	vst v0;
	v7 =	vld [tilespmem:s21+$0x60]  }
0x3c1: {  	[tilespmem:s21+$0xFFFFFF50] =	vst v1;
	v8 =	vld [tilespmem:s3+$0x60];
	v0 =	vmul.f32 v4, v3  }
0x3c2: {  	v3 =	vld [tilespmem:s3+$0xFFFFFF60]  }
0x3c3: {  	[tilespmem:s21+$0xE0] =	vst v0;
	v9 =	vld [tilespmem:s21+$0xF0]  }
0x3c4: {  	v1 =	vmul.f32 v5, v2;
	v5 =	vld [tilespmem:s3+$0xF0]  }
0x3c5: {  	v0 =	vld [tilespmem:s21+$0xFFFFFF70]  }
.Ltmp16:
0x3c6: {  	[tilespmem:s21+$0xFFFFFFE0] =	vst v1;
	v1 =	vld [tilespmem:s21+$0xFFFFFFF0];
	v2 =	vmul.f32 v8, v7;
	(pc) =	sbr.rel @p1 .LBB2_21-.Ltmp16, $4  }
0x3c7: {  	v4 =	vmul.f32 v3, v6;
	v3 =	vld [tilespmem:s3+$0xFFFFFFF0]  }
0x3c8: {  	[tilespmem:s21+$0x60] =	vst v2;
	v2 =	vld [tilespmem:s21+$0x70]  }
0x3c9: {  	[tilespmem:s21+$0xFFFFFF60] =	vst v4;
	v4 =	vld [tilespmem:s3+$0x70];
	v6 =	vmul.f32 v5, v9  }
0x3ca: {  	s21 =	sadd.s32 $0x200, s21;
	v5 =	vld [tilespmem:s3+$0xFFFFFF70]  }
0x3cb: {  	_ =	sdelay $0x1  }
0x3cc: {  	v1 =	vmul.f32 v3, v1  }
0x3cd: {  	[tilespmem:s0+$0xF0] =	vst v6;
	v2 =	vmul.f32 v4, v2  }
0x3ce: {  	[tilespmem:s0+$0xFFFFFFF0] =	vst v1;
	v0 =	vmul.f32 v5, v0  }
0x3cf: {  	[tilespmem:s0+$0x70] =	vst v2  }
0x3d0: {  	[tilespmem:s0+$0xFFFFFF70] =	vst v0  }
0x3d1: {  	v0 =	vld [tilespmem:$0x100]  }
0x3d2: {  	v1 =	vld [tilespmem:$0x110]  }
0x3d3: {  	v2 =	vld [tilespmem:$0x120]  }
0x3d4: {  	v3 =	vld [tilespmem:$0x130]  }
0x3d5: {  	v4 =	vld [tilespmem:$0x140]  }
0x3d6: {  	[tilespmem:$0x200] =	vst v0  }
0x3d7: {  	[tilespmem:$0x210] =	vst v1  }
0x3d8: {  	[tilespmem:$0x220] =	vst v2  }
0x3d9: {  	p1 =	seq.s32 s30, $0x7C;
	[tilespmem:$0x230] =	vst v3  }
0x3da: {  	s0 =	simm.s32 @p1 $0x4;
	[tilespmem:$0x240] =	vst v4  }
0x3db: {  	[spmem:s6] =	stream.indirect.scatter.add.f32 [tilespmem:s13], [sflag:$0x5], $0x80, s23, s25, $0xb8;
	[tilespmem:$0x1E300] =	vst v63  }
0x3dc: {  	_ =	swait.ge @p1 [sflag:s0], $0x2800  }
0x3dd: {  	[sflag:s0] =	ssyncset.done @p1 $0x0  }
0x3de: {  	[sflag:s0] =	ssyncadd.s32 @p1 $0xFFFFD800  }
0x3df: {  	_ =	swait.ge @p1 [sflag:s0], $0x2800  }
0x3e0: {  	s3 =	sld [smem:$0x7FB];
	_ =	sdelay $0x1  }
0x3e1: {  	[sflag:s0] =	ssyncset.done @p1 $0x0  }
0x3e2: {  	[sflag:s0] =	ssyncadd.s32 @p1 $0xFFFFD800;
	s3 =	sadd.s32 @!p1 s18, s3  }
0x3e3: {  	s0 =	rddreg [dreg:$0x3];
	s5 =	sshrl.u32 @!p1 s3, $0x3  }
0x3e4: {  	s21 =	simm.s32 @!p1 $0x0;
	s0 =	sadd.s32 @!p1 s0, s5  }
0x3e5: {  	[tilespmem:s21], [sflag:$0x1] =	stream.linear.gather @!p1 [hbm4b:s0+s21], $0x50, $0x38;
	[tilespmem:$0x1E300] =	vst v63  }
0x3e6: {  	s0 =	rddreg [dreg:$0x4]  }
0x3e7: {  	s0 =	sadd.s32 @!p1 s0, s5;
	s5 =	simm.s32 @!p1 $0x100  }
0x3e8: {  	[tilespmem:s5], [sflag:$0x1] =	stream.linear.gather @!p1 [hbm4b:s0+s21], $0x50, $0x38;
	[tilespmem:$0x1E300] =	vst v63  }
0x3e9: {  	s0 =	simm.s32 @!p1 $0x4  }
0x3ea: {  	_ =	swait.ge @!p1 [sflag:s0], $0x2800  }
0x3eb: {  	[sflag:s0] =	ssyncset.done @!p1 $0x0  }
0x3ec: {  	[sflag:s0] =	ssyncadd.s32 @!p1 $0xFFFFD800  }
0x3ed: {  	_ =	swait.ge @!p1 [sflag:s0], $0x2800  }
0x3ee: {  	[sflag:s0] =	ssyncset.done @!p1 $0x0  }
0x3ef: {  	[sflag:s0] =	ssyncadd.s32 @!p1 $0xFFFFD800;
	s0 =	simm.s32 @!p1 $0x5  }
0x3f0: {  	_ =	swait.ge @!p1 [sflag:s0], $0x2800  }
0x3f1: {  	[sflag:s0] =	ssyncset.done @!p1 $0x0  }
0x3f2: {  	[sflag:s0] =	ssyncadd.s32 @!p1 $0xFFFFD800;
	s0 =	simm.s32 @!p1 $0x1  }
0x3f3: {  	_ =	swait.ge @!p1 [sflag:s0], $0x50  }
0x3f4: {  	[sflag:s0] =	ssyncset.done @!p1 $0x0  }
0x3f5: {  	[sflag:s0] =	ssyncadd.s32 @!p1 $0xFFFFFFB0  }
0x3f6: {  	_ =	swait.ge @!p1 [sflag:s0], $0x50  }
0x3f7: {  	[sflag:s0] =	ssyncset.done @!p1 $0x0  }
0x3f8: {  	s5 =	simm.s32 @!p1 $0x300;
	[sflag:s0] =	ssyncadd.s32 @!p1 $0xFFFFFFB0;
	s0 =	simm.s32 @!p1 $0x50  }
0x3f9: {  	[tilespmem:s5], [sflag:$0x3] =	stream.indirect.gather @!p1 [hbm4b:s11+s0], $0x80, s21, s0, $0xb8;
	[tilespmem:$0x1E300] =	vst v63  }
0x3fa: {  	s0 =	sshll.u32 @!p1 s3, $0x4  }
0x3fb: {  	s3 =	simm.s32 @!p1 $0x5300;
	s0 =	sadd.s32 @!p1 s10, s0  }
0x3fc: {  	[tilespmem:s3], [sflag:$0x3] =	stream.linear.gather @!p1 [hbm4b:s0+s21], $0x2800, $0x38;
	[tilespmem:$0x1E300] =	vst v63  }
0x3fd: {  	s0 =	simm.s32 $0x2C00  }
0x3fe: {  	s3 =	simm.s32 $0x7C00;
	v0 =	vld [tilespmem:s0+$0x80]  }
0x3ff: {  	v1 =	vld [tilespmem:s3+$0x80]  }
0x400: {  	v2 =	vld [tilespmem:s0+$0xFFFFFF80]  }
0x401: {  	v3 =	vld [tilespmem:s3+$0xFFFFFF80]  }
0x402: {  	v4 =	vld [tilespmem:s0+$0x0]  }
0x403: {  	v5 =	vld [tilespmem:s3+$0x0]  }
0x404: {  	v6 =	vld [tilespmem:s0+$0xFFFFFF00];
	v0 =	vmul.f32 v1, v0  }
0x405: {  	v1 =	vld [tilespmem:s3+$0xFFFFFF00]  }
0x406: {  	[tilespmem:s0+$0x80] =	vst v0;
	v0 =	vld [tilespmem:s0+$0x90]  }
0x407: {  	v2 =	vmul.f32 v3, v2;
	v3 =	vld [tilespmem:s3+$0x90]  }
0x408: {  	v7 =	vld [tilespmem:s0+$0xFFFFFF10]  }
0x409: {  	[tilespmem:s0+$0xFFFFFF80] =	vst v2;
	v2 =	vmul.f32 v5, v4;
	v4 =	vld [tilespmem:s0+$0xFFFFFF90]  }
0x40a: {  	v5 =	vld [tilespmem:s3+$0xFFFFFF90];
	v1 =	vmul.f32 v1, v6  }
0x40b: {  	[tilespmem:s0+$0x0] =	vst v2;
	v2 =	vld [tilespmem:s0+$0x10]  }
0x40c: {  	v6 =	vld [tilespmem:s3+$0x10];
	[tilespmem:s0+$0xFFFFFF00] =	vst v1;
	v0 =	vmul.f32 v3, v0  }
0x40d: {  	v1 =	vld [tilespmem:s3+$0xFFFFFF10]  }
0x40e: {  	[tilespmem:s0+$0x90] =	vst v0;
	v0 =	vld [tilespmem:s0+$0xA0]  }
0x40f: {  	v3 =	vmul.f32 v5, v4;
	v4 =	vld [tilespmem:s3+$0xA0]  }
0x410: {  	v5 =	vld [tilespmem:s0+$0xFFFFFF20]  }
0x411: {  	[tilespmem:s0+$0xFFFFFF90] =	vst v3;
	v2 =	vmul.f32 v6, v2;
	v3 =	vld [tilespmem:s0+$0xFFFFFFA0]  }
0x412: {  	v6 =	vld [tilespmem:s3+$0xFFFFFFA0];
	v1 =	vmul.f32 v1, v7  }
0x413: {  	[tilespmem:s0+$0x10] =	vst v2;
	v2 =	vld [tilespmem:s0+$0x20]  }
0x414: {  	v7 =	vld [tilespmem:s3+$0x20];
	[tilespmem:s0+$0xFFFFFF10] =	vst v1;
	v0 =	vmul.f32 v4, v0  }
0x415: {  	v1 =	vld [tilespmem:s3+$0xFFFFFF20]  }
0x416: {  	[tilespmem:s0+$0xA0] =	vst v0;
	v0 =	vld [tilespmem:s0+$0xB0]  }
0x417: {  	v3 =	vmul.f32 v6, v3;
	v4 =	vld [tilespmem:s3+$0xB0]  }
0x418: {  	v6 =	vld [tilespmem:s0+$0xFFFFFF30]  }
0x419: {  	[tilespmem:s0+$0xFFFFFFA0] =	vst v3;
	v2 =	vmul.f32 v7, v2;
	v3 =	vld [tilespmem:s0+$0xFFFFFFB0]  }
0x41a: {  	v7 =	vld [tilespmem:s3+$0xFFFFFFB0];
	v1 =	vmul.f32 v1, v5  }
0x41b: {  	[tilespmem:s0+$0x20] =	vst v2;
	v2 =	vld [tilespmem:s0+$0x30]  }
0x41c: {  	v5 =	vld [tilespmem:s3+$0x30];
	[tilespmem:s0+$0xFFFFFF20] =	vst v1;
	v0 =	vmul.f32 v4, v0  }
0x41d: {  	v1 =	vld [tilespmem:s3+$0xFFFFFF30]  }
0x41e: {  	[tilespmem:s0+$0xB0] =	vst v0;
	v0 =	vld [tilespmem:s0+$0xC0]  }
0x41f: {  	v3 =	vmul.f32 v7, v3;
	v4 =	vld [tilespmem:s3+$0xC0]  }
0x420: {  	v7 =	vld [tilespmem:s0+$0xFFFFFF40]  }
0x421: {  	[tilespmem:s0+$0xFFFFFFB0] =	vst v3;
	v2 =	vmul.f32 v5, v2;
	v3 =	vld [tilespmem:s0+$0xFFFFFFC0]  }
0x422: {  	v5 =	vld [tilespmem:s3+$0xFFFFFFC0];
	v1 =	vmul.f32 v1, v6  }
0x423: {  	[tilespmem:s0+$0x30] =	vst v2;
	v2 =	vld [tilespmem:s0+$0x40]  }
0x424: {  	v6 =	vld [tilespmem:s3+$0x40];
	[tilespmem:s0+$0xFFFFFF30] =	vst v1;
	v0 =	vmul.f32 v4, v0  }
0x425: {  	v1 =	vld [tilespmem:s3+$0xFFFFFF40]  }
0x426: {  	[tilespmem:s0+$0xC0] =	vst v0;
	v0 =	vld [tilespmem:s0+$0xD0]  }
0x427: {  	v3 =	vmul.f32 v5, v3;
	v4 =	vld [tilespmem:s3+$0xD0]  }
0x428: {  	v5 =	vld [tilespmem:s0+$0xFFFFFF50]  }
0x429: {  	[tilespmem:s0+$0xFFFFFFC0] =	vst v3;
	v2 =	vmul.f32 v6, v2;
	v3 =	vld [tilespmem:s0+$0xFFFFFFD0]  }
0x42a: {  	v6 =	vld [tilespmem:s3+$0xFFFFFFD0];
	v1 =	vmul.f32 v1, v7  }
0x42b: {  	[tilespmem:s0+$0x40] =	vst v2;
	v2 =	vld [tilespmem:s0+$0x50]  }
0x42c: {  	v7 =	vld [tilespmem:s3+$0x50];
	[tilespmem:s0+$0xFFFFFF40] =	vst v1;
	v0 =	vmul.f32 v4, v0  }
0x42d: {  	v1 =	vld [tilespmem:s3+$0xFFFFFF50]  }
0x42e: {  	[tilespmem:s0+$0xD0] =	vst v0;
	v0 =	vld [tilespmem:s0+$0xE0]  }
0x42f: {  	v3 =	vmul.f32 v6, v3;
	v4 =	vld [tilespmem:s3+$0xE0]  }
0x430: {  	v6 =	vld [tilespmem:s0+$0xFFFFFF60]  }
0x431: {  	[tilespmem:s0+$0xFFFFFFD0] =	vst v3;
	v2 =	vmul.f32 v7, v2;
	v3 =	vld [tilespmem:s0+$0xFFFFFFE0]  }
0x432: {  	v7 =	vld [tilespmem:s3+$0xFFFFFFE0];
	v1 =	vmul.f32 v1, v5  }
0x433: {  	[tilespmem:s0+$0x50] =	vst v2;
	v2 =	vld [tilespmem:s0+$0x60]  }
0x434: {  	v5 =	vld [tilespmem:s3+$0x60];
	[tilespmem:s0+$0xFFFFFF50] =	vst v1;
	v0 =	vmul.f32 v4, v0  }
0x435: {  	v4 =	vld [tilespmem:s3+$0xFFFFFF60]  }
0x436: {  	v8 =	vld [tilespmem:s0+$0xF0];
	[tilespmem:s0+$0xE0] =	vst v0  }
0x437: {  	v1 =	vmul.f32 v7, v3;
	v7 =	vld [tilespmem:s3+$0xF0]  }
0x438: {  	v0 =	vld [tilespmem:s0+$0xFFFFFF70]  }
0x439: {  	[tilespmem:s0+$0xFFFFFFE0] =	vst v1;
	v2 =	vmul.f32 v5, v2;
	v1 =	vld [tilespmem:s0+$0xFFFFFFF0]  }
0x43a: {  	v3 =	vld [tilespmem:s3+$0xFFFFFFF0];
	v4 =	vmul.f32 v4, v6  }
0x43b: {  	[tilespmem:s0+$0x60] =	vst v2;
	v2 =	vld [tilespmem:s0+$0x70]  }
0x43c: {  	[tilespmem:s0+$0xFFFFFF60] =	vst v4;
	v4 =	vld [tilespmem:s3+$0x70];
	v6 =	vmul.f32 v7, v8  }
0x43d: {  	s5 =	simm.s32 $0x0;
	s21 =	simm.s32 $0x2E00;
	v5 =	vld [tilespmem:s3+$0xFFFFFF70]  }
.LBB2_23:
0x43e: {  	v7 =	vld [tilespmem:s21+$0x80];
	[tilespmem:s0+$0xF0] =	vst v6;
	s3 =	sadd.s32 $0x200, s3  }
0x43f: {  	s5 =	sadd.s32 $0x4, s5;
	v6 =	vld [tilespmem:s3+$0x80];
	v1 =	vmul.f32 v3, v1  }
0x440: {  	p2 =	slt.u32 s5, $0x4C;
	v3 =	vld [tilespmem:s3+$0xFFFFFF00]  }
0x441: {  	v8 =	vld [tilespmem:s21+$0xFFFFFF80];
	[tilespmem:s0+$0xFFFFFFF0] =	vst v1;
	v1 =	vmul.f32 v4, v2  }
0x442: {  	v2 =	vld [tilespmem:s3+$0xFFFFFF80];
	v0 =	vmul.f32 v5, v0  }
0x443: {  	v4 =	vld [tilespmem:s21+$0x0];
	[tilespmem:s0+$0x70] =	vst v1  }
0x444: {  	v1 =	vld [tilespmem:s3+$0x0];
	v5 =	vmul.f32 v6, v7;
	[tilespmem:s0+$0xFFFFFF70] =	vst v0;
	s0 =	smov.u32 s21  }
0x445: {  	v0 =	vld [tilespmem:s21+$0xFFFFFF00]  }
0x446: {  	[tilespmem:s21+$0x80] =	vst v5;
	v5 =	vld [tilespmem:s21+$0x90]  }
0x447: {  	v2 =	vmul.f32 v2, v8;
	v6 =	vld [tilespmem:s3+$0x90]  }
0x448: {  	v7 =	vld [tilespmem:s21+$0xFFFFFF10]  }
0x449: {  	[tilespmem:s21+$0xFFFFFF80] =	vst v2;
	v2 =	vld [tilespmem:s21+$0xFFFFFF90];
	v1 =	vmul.f32 v1, v4  }
0x44a: {  	v0 =	vmul.f32 v3, v0;
	v3 =	vld [tilespmem:s3+$0xFFFFFF90]  }
0x44b: {  	[tilespmem:s21+$0x0] =	vst v1;
	v1 =	vld [tilespmem:s21+$0x10]  }
0x44c: {  	[tilespmem:s21+$0xFFFFFF00] =	vst v0;
	v0 =	vld [tilespmem:s3+$0x10];
	v4 =	vmul.f32 v6, v5  }
0x44d: {  	v5 =	vld [tilespmem:s3+$0xFFFFFF10]  }
0x44e: {  	[tilespmem:s21+$0x90] =	vst v4;
	v4 =	vld [tilespmem:s21+$0xA0]  }
0x44f: {  	v2 =	vmul.f32 v3, v2;
	v3 =	vld [tilespmem:s3+$0xA0]  }
0x450: {  	v6 =	vld [tilespmem:s21+$0xFFFFFF20]  }
0x451: {  	[tilespmem:s21+$0xFFFFFF90] =	vst v2;
	v2 =	vld [tilespmem:s21+$0xFFFFFFA0];
	v0 =	vmul.f32 v0, v1  }
0x452: {  	v1 =	vmul.f32 v5, v7;
	v5 =	vld [tilespmem:s3+$0xFFFFFFA0]  }
0x453: {  	[tilespmem:s21+$0x10] =	vst v0;
	v0 =	vld [tilespmem:s21+$0x20]  }
0x454: {  	[tilespmem:s21+$0xFFFFFF10] =	vst v1;
	v1 =	vld [tilespmem:s3+$0x20];
	v3 =	vmul.f32 v3, v4  }
0x455: {  	v4 =	vld [tilespmem:s3+$0xFFFFFF20]  }
0x456: {  	[tilespmem:s21+$0xA0] =	vst v3;
	v3 =	vld [tilespmem:s21+$0xB0]  }
0x457: {  	v2 =	vmul.f32 v5, v2;
	v5 =	vld [tilespmem:s3+$0xB0]  }
0x458: {  	v7 =	vld [tilespmem:s21+$0xFFFFFF30]  }
0x459: {  	[tilespmem:s21+$0xFFFFFFA0] =	vst v2;
	v2 =	vld [tilespmem:s21+$0xFFFFFFB0];
	v0 =	vmul.f32 v1, v0  }
0x45a: {  	v1 =	vmul.f32 v4, v6;
	v4 =	vld [tilespmem:s3+$0xFFFFFFB0]  }
0x45b: {  	[tilespmem:s21+$0x20] =	vst v0;
	v0 =	vld [tilespmem:s21+$0x30]  }
0x45c: {  	[tilespmem:s21+$0xFFFFFF20] =	vst v1;
	v1 =	vld [tilespmem:s3+$0x30];
	v3 =	vmul.f32 v5, v3  }
0x45d: {  	v5 =	vld [tilespmem:s3+$0xFFFFFF30]  }
0x45e: {  	[tilespmem:s21+$0xB0] =	vst v3;
	v3 =	vld [tilespmem:s21+$0xC0]  }
0x45f: {  	v2 =	vmul.f32 v4, v2;
	v4 =	vld [tilespmem:s3+$0xC0]  }
0x460: {  	v6 =	vld [tilespmem:s21+$0xFFFFFF40]  }
0x461: {  	[tilespmem:s21+$0xFFFFFFB0] =	vst v2;
	v2 =	vld [tilespmem:s21+$0xFFFFFFC0];
	v0 =	vmul.f32 v1, v0  }
0x462: {  	v1 =	vmul.f32 v5, v7;
	v5 =	vld [tilespmem:s3+$0xFFFFFFC0]  }
0x463: {  	[tilespmem:s21+$0x30] =	vst v0;
	v0 =	vld [tilespmem:s21+$0x40]  }
0x464: {  	[tilespmem:s21+$0xFFFFFF30] =	vst v1;
	v1 =	vld [tilespmem:s3+$0x40];
	v3 =	vmul.f32 v4, v3  }
0x465: {  	v4 =	vld [tilespmem:s3+$0xFFFFFF40]  }
0x466: {  	[tilespmem:s21+$0xC0] =	vst v3;
	v3 =	vld [tilespmem:s21+$0xD0]  }
0x467: {  	v2 =	vmul.f32 v5, v2;
	v5 =	vld [tilespmem:s3+$0xD0]  }
0x468: {  	v7 =	vld [tilespmem:s21+$0xFFFFFF50]  }
0x469: {  	[tilespmem:s21+$0xFFFFFFC0] =	vst v2;
	v2 =	vld [tilespmem:s21+$0xFFFFFFD0];
	v0 =	vmul.f32 v1, v0  }
0x46a: {  	v1 =	vmul.f32 v4, v6;
	v4 =	vld [tilespmem:s3+$0xFFFFFFD0]  }
0x46b: {  	[tilespmem:s21+$0x40] =	vst v0;
	v0 =	vld [tilespmem:s21+$0x50]  }
0x46c: {  	[tilespmem:s21+$0xFFFFFF40] =	vst v1;
	v1 =	vld [tilespmem:s3+$0x50];
	v3 =	vmul.f32 v5, v3  }
0x46d: {  	v5 =	vld [tilespmem:s3+$0xFFFFFF50]  }
0x46e: {  	[tilespmem:s21+$0xD0] =	vst v3;
	v3 =	vld [tilespmem:s21+$0xE0]  }
0x46f: {  	v2 =	vmul.f32 v4, v2;
	v4 =	vld [tilespmem:s3+$0xE0]  }
0x470: {  	v6 =	vld [tilespmem:s21+$0xFFFFFF60]  }
0x471: {  	[tilespmem:s21+$0xFFFFFFD0] =	vst v2;
	v2 =	vld [tilespmem:s21+$0xFFFFFFE0];
	v0 =	vmul.f32 v1, v0  }
0x472: {  	v1 =	vmul.f32 v5, v7;
	v5 =	vld [tilespmem:s3+$0xFFFFFFE0]  }
0x473: {  	[tilespmem:s21+$0x50] =	vst v0;
	v7 =	vld [tilespmem:s21+$0x60]  }
0x474: {  	[tilespmem:s21+$0xFFFFFF50] =	vst v1;
	v8 =	vld [tilespmem:s3+$0x60];
	v0 =	vmul.f32 v4, v3  }
0x475: {  	v3 =	vld [tilespmem:s3+$0xFFFFFF60]  }
0x476: {  	[tilespmem:s21+$0xE0] =	vst v0;
	v9 =	vld [tilespmem:s21+$0xF0]  }
0x477: {  	v1 =	vmul.f32 v5, v2;
	v5 =	vld [tilespmem:s3+$0xF0]  }
0x478: {  	v0 =	vld [tilespmem:s21+$0xFFFFFF70]  }
.Ltmp17:
0x479: {  	[tilespmem:s21+$0xFFFFFFE0] =	vst v1;
	v1 =	vld [tilespmem:s21+$0xFFFFFFF0];
	v2 =	vmul.f32 v8, v7;
	(pc) =	sbr.rel @p2 .LBB2_23-.Ltmp17, $4  }
0x47a: {  	v4 =	vmul.f32 v3, v6;
	v3 =	vld [tilespmem:s3+$0xFFFFFFF0]  }
0x47b: {  	[tilespmem:s21+$0x60] =	vst v2;
	v2 =	vld [tilespmem:s21+$0x70]  }
0x47c: {  	[tilespmem:s21+$0xFFFFFF60] =	vst v4;
	v4 =	vld [tilespmem:s3+$0x70];
	v6 =	vmul.f32 v5, v9  }
0x47d: {  	s21 =	sadd.s32 $0x200, s21;
	v5 =	vld [tilespmem:s3+$0xFFFFFF70]  }
0x47e: {  	_ =	sdelay $0x1  }
0x47f: {  	v1 =	vmul.f32 v3, v1  }
0x480: {  	[tilespmem:s0+$0xF0] =	vst v6;
	v2 =	vmul.f32 v4, v2  }
0x481: {  	[tilespmem:s0+$0xFFFFFFF0] =	vst v1;
	v0 =	vmul.f32 v5, v0  }
0x482: {  	[tilespmem:s0+$0x70] =	vst v2  }
0x483: {  	[tilespmem:s0+$0xFFFFFF70] =	vst v0  }
0x484: {  	v0 =	vld [tilespmem:$0x180]  }
0x485: {  	v1 =	vld [tilespmem:$0x190]  }
0x486: {  	v2 =	vld [tilespmem:$0x1A0]  }
0x487: {  	v62 =	vld [tilespmem:$0x1B0]  }
0x488: {  	v63 =	vld [tilespmem:$0x1C0]  }
0x489: {  	[tilespmem:$0x280] =	vst v0  }
.Ltmp18:
0x48a: {  	[tilespmem:$0x290] =	vst v1;
	(pc) =	sbr.rel @p1 .LBB2_25-.Ltmp18, $4  }
0x48b: {  	[tilespmem:$0x2A0] =	vst v2  }
0x48c: {  	[tilespmem:$0x2B0] =	vst v62  }
0x48d: {  	[tilespmem:$0x2C0] =	vst v63  }
0x48e: {  	[spmem:s6] =	stream.indirect.scatter.add.f32 [tilespmem:s24], [sflag:$0x6], $0x80, s17, s25, $0xb8;
	[tilespmem:$0x1E300] =	vst v63  }
0x48f: {  	s0 =	rddreg [dreg:$0x19]  }
0x490: {  	s0 =	sadd.s32 s18, s0  }
.Ltmp19:
0x491: {  	s3 =	rddreg [dreg:$0x3];
	s0 =	sshrl.u32 s0, $0x3;
	(pc) =	sbr.rel .LBB2_20-.Ltmp19, $4  }
0x492: {  	s18 =	rddreg [dreg:$0x4];
	s3 =	sadd.s32 s3, s0  }
0x493: {  	[tilespmem:s16], [sflag:$0x2] =	stream.linear.gather [hbm4b:s3+s7], $0x50, $0x38;
	[tilespmem:$0x1E300] =	vst v63  }
0x494: {  	s21 =	simm.s32 $0x180;
	s30 =	sadd.s32 $0x1, s30;
	s0 =	sadd.s32 s18, s0  }
0x495: {  	[tilespmem:s21], [sflag:$0x2] =	stream.linear.gather [hbm4b:s0+s7], $0x50, $0x38;
	[tilespmem:$0x1E300] =	vst v63  }
.LBB2_27:
0x496: {  	s0 =	simm.s32 $0x0;
	s3 =	rddreg [dreg:$0x1b];
	s30 =	simm.s32 $0x100  }
0x497: {  	[tilespmem:s30], [sflag:$0x7] =	stream.linear.gather [hbm4b:s3+s0], $0x50, $0x38;
	[tilespmem:$0x1E300] =	vst v63  }
0x498: {  	_ =	swait.ge [sflag:s5], $0x50  }
0x499: {  	[sflag:s5] =	ssyncset.done $0x0  }
0x49a: {  	[sflag:s5] =	ssyncadd.s32 $0xFFFFFFB0  }
0x49b: {  	[tilespmem:s14], [sflag:$0x7] =	stream.linear.gather [hbm4b:s4+s0], $0x2800, $0x38;
	[tilespmem:$0x1E300] =	vst v63  }
0x49c: {  	_ =	swait.ge [sflag:s5], $0x2800  }
.Ltmp20:
0x49d: {  	[sflag:s5] =	ssyncset.done $0x0;
	s18 =	rddreg [dreg:$0x1d];
	(pc) =	sbr.rel .LBB2_28-.Ltmp20, $4  }
0x49e: {  	s21 =	simm.s32 $0x180;
	s3 =	sld [smem:$0x7FC];
	[sflag:s5] =	ssyncadd.s32 $0xFFFFD800  }
0x49f: {  	[tilespmem:s21], [sflag:$0x4] =	stream.linear.gather [hbm4b:s18+s0], $0x50, $0x38;
	[tilespmem:$0x1E300] =	vst v63  }
0x4a0: {  	s5 =	simm.s32 $0x0;
	s18 =	rddreg [dreg:$0x18];
	s21 =	simm.s32 $0x7B00  }
0x4a1: {  	[tilespmem:s21], [sflag:$0x4] =	stream.linear.gather [hbm4b:s18+s0], $0x2800, $0x38;
	[tilespmem:$0x1E300] =	vst v63  }
.LBB2_29:
0x4a2: {  	[spmem:s6] =	stream.indirect.scatter.add.f32 [tilespmem:s14], [sflag:$0x5], $0x80, s30, s25, $0xb8;
	[tilespmem:$0x1E300] =	vst v63  }
.LBB2_32:
0x4a3: {  	s18 =	sadd.s32 $0xFFFFFFEC, s3  }
0x4a4: {  	[tilespmem:s7], [sflag:$0x1] =	stream.linear.gather [hbm4b:s18+s7], $0x50, $0x38;
	[tilespmem:$0x1E300] =	vst v63  }
0x4a5: {  	s18 =	sadd.s32 s0, s4  }
0x4a6: {  	s21 =	sadd.s32 $0xA00, s18  }
0x4a7: {  	[tilespmem:s13], [sflag:$0x1] =	stream.linear.gather [hbm4b:s21+s7], $0x2800, $0x38;
	[tilespmem:$0x1E300] =	vst v63  }
0x4a8: {  	_ =	swait.ge [sflag:s26], $0x50  }
0x4a9: {  	[sflag:s26] =	ssyncset.done $0x0  }
0x4aa: {  	[sflag:s26] =	ssyncadd.s32 $0xFFFFFFB0  }
0x4ab: {  	_ =	swait.ge [sflag:s26], $0x2800  }
0x4ac: {  	[sflag:s26] =	ssyncset.done $0x0  }
0x4ad: {  	s21 =	simm.s32 $0x180;
	[sflag:s26] =	ssyncadd.s32 $0xFFFFD800  }
0x4ae: {  	[spmem:s6] =	stream.indirect.scatter.add.f32 [tilespmem:s19], [sflag:$0x6], $0x80, s21, s25, $0xb8;
	[tilespmem:$0x1E300] =	vst v63  }
0x4af: {  	_ =	swait.ge [sflag:s28], $0x2800  }
0x4b0: {  	[sflag:s28] =	ssyncset.done $0x0  }
0x4b1: {  	s21 =	sadd.s32 $0xFFFFFFF6, s3;
	[sflag:s28] =	ssyncadd.s32 $0xFFFFD800  }
0x4b2: {  	[tilespmem:s30], [sflag:$0x3] =	stream.linear.gather [hbm4b:s21+s7], $0x50, $0x38;
	[tilespmem:$0x1E300] =	vst v63  }
0x4b3: {  	s18 =	sadd.s32 $0xF00, s18  }
0x4b4: {  	[tilespmem:s14], [sflag:$0x3] =	stream.linear.gather [hbm4b:s18+s7], $0x2800, $0x38;
	[tilespmem:$0x1E300] =	vst v63  }
0x4b5: {  	_ =	swait.ge [sflag:s12], $0x50  }
0x4b6: {  	[sflag:s12] =	ssyncset.done $0x0  }
0x4b7: {  	[sflag:s12] =	ssyncadd.s32 $0xFFFFFFB0  }
0x4b8: {  	_ =	swait.ge [sflag:s12], $0x2800  }
0x4b9: {  	p1 =	sgt.u32 s5, $0x51;
	[sflag:s12] =	ssyncset.done $0x0  }
0x4ba: {  	s18 =	simm.s32 @!p1 $0x6;
	[sflag:s12] =	ssyncadd.s32 $0xFFFFD800  }
0x4bb: {  	[spmem:s6] =	stream.indirect.scatter.add.f32 [tilespmem:s13], [sflag:$0x2], $0x80, s7, s25, $0xb8;
	[tilespmem:$0x1E300] =	vst v63  }
0x4bc: {  	_ =	swait.ge @!p1 [sflag:s18], $0x2800  }
0x4bd: {  	[sflag:s18] =	ssyncset.done @!p1 $0x0  }
0x4be: {  	s21 =	simm.s32 @!p1 $0x180;
	[sflag:s18] =	ssyncadd.s32 @!p1 $0xFFFFD800;
	s18 =	simm.s32 @!p1 $0x0  }
0x4bf: {  	[tilespmem:s21], [sflag:$0x4] =	stream.linear.gather @!p1 [hbm4b:s3+s18], $0x50, $0x38;
	[tilespmem:$0x1E300] =	vst v63  }
0x4c0: {  	s21 =	sadd.s32 @!p1 s0, s4  }
0x4c1: {  	s30 =	simm.s32 @!p1 $0x7B00;
	s0 =	sadd.s32 $0xF00, s0;
	s21 =	sadd.s32 @!p1 $0x1400, s21  }
0x4c2: {  	[tilespmem:s30], [sflag:$0x4] =	stream.linear.gather @!p1 [hbm4b:s21+s18], $0x2800, $0x38;
	[tilespmem:$0x1E300] =	vst v63  }
0x4c3: {  	p1 =	sne.s32 s0, $0x4EC00  }
.Ltmp21:
0x4c4: {  	_ = 	snop;
	(pc) =	sbr.rel @!p1 .LBB2_33-.Ltmp21, $2  }
0x4c5: {  	_ =	sdelay $0x2  }
0x4c6: {  	s5 =	sadd.s32 $0x1, s5;
	s3 =	sadd.s32 $0x1E, s3;
	s30 =	simm.s32 $0x100  }
.LBB2_28:
0x4c7: {  	p1 =	sne.s32 s0, $0x0  }
.Ltmp22:
0x4c8: {  	_ = 	snop;
	(pc) =	sbr.rel @!p1 .LBB2_29-.Ltmp22, $1  }
0x4c9: {  	_ =	sdelay $0x3  }
0x4ca: {  	_ =	swait.ge [sflag:s22], $0x50  }
0x4cb: {  	p1 =	seq.s32 s0, $0x4DD00;
	[sflag:s22] =	ssyncset.done $0x0  }
.Ltmp23:
0x4cc: {  	[sflag:s22] =	ssyncadd.s32 $0xFFFFFFB0;
	(pc) =	sbr.rel @p1 .LBB2_33-.Ltmp23, $4  }
0x4cd: {  	_ =	swait.ge [sflag:s22], $0x2800  }
0x4ce: {  	[sflag:s22] =	ssyncset.done $0x0  }
0x4cf: {  	[sflag:s22] =	ssyncadd.s32 $0xFFFFD800  }
0x4d0: {  	[spmem:s6] =	stream.indirect.scatter.add.f32 [tilespmem:s14], [sflag:$0x5], $0x80, s30, s25, $0xb8;
	[tilespmem:$0x1E300] =	vst v63  }
.Ltmp24:
0x4d1: {  	(pc) =	sbr.rel .LBB2_32-.Ltmp24, $4  }
0x4d2: {  	_ = 	snop  }
0x4d3: {  	_ =	swait.ge [sflag:s29], $0x2800  }
0x4d4: {  	[sflag:s29] =	ssyncset.done $0x0  }
0x4d5: {  	[sflag:s29] =	ssyncadd.s32 $0xFFFFD800  }
.LBB2_25:
.Ltmp25:
0x4d6: {  	(pc) =	sbr.rel .LBB2_34-.Ltmp25, $3  }
0x4d7: {  	_ =	sdelay $0x1  }
0x4d8: {  	s3 =	rddreg [dreg:$0x8]  }
0x4d9: {  	s0 =	simm.s32 $0x6;
	s5 =	simm.s32 $0x5;
	s18 =	sld [smem:$0x7F9]  }
.LBB2_35:
0x4da: {  	_ =	sfence.sel $0x180000  }
0x4db: {  	[bflag:$0x0] =	sbarrier.arrive $0xFFFF  }
0x4dc: {  	_ =	strace $0x9000004D  }
0x4dd: {  	s0 =	stileid.u32;
	[bflag:$0x2] =	sbarrier.arrive $0xFFFF  }
0x4de: {  	p0 =	sne.s32 s0, $0x0;
	s0 =	rddreg [dreg:$0x6]  }
0x4df: {  	s0 =	sadd.s32 @!p0 $0x100000, s0  }
0x4e0: {  	[sflag:s0] =	ssyncadd.tile.s32 @!p0 $0x1;
	_ =	shalt  }
.Lfunc_end2:
_tile_overlayer_lowered:
.L_overlay_start_2:
0x4e1: {  	(tag) =	ssettag $0x2  }
0x4e2: {  	s0 =	rddreg [dreg:$0x0];
	s2 =	stileid.u32  }
0x4e3: {  	s1 =	rddreg [dreg:$0x1];
	p0 =	sne.s32 s2, $0x0  }
0x4e4: {  	s3 =	rddreg [dreg:$0x2];
	[bflag:$0x3] =	sbarrier.arrive $0xFFFF;
	s2 =	simm.s32 @!p0 $0x1C07  }
0x4e5: {  	[timem:s3], [sflag:s2] =	dma.local @!p0 [hbm:s0], s1  }
0x4e6: {  	s0 =	simm.s32 @!p0 $0x7  }
0x4e7: {  	_ =	swait.ge @!p0 [sflag:s0], s1  }
0x4e8: {  	s1 =	ssub.s32 @!p0 $0x0, s1;
	[sflag:s0] =	ssyncset.done @!p0 $0x0  }
0x4e9: {  	[sflag:s0] =	ssyncadd.s32 @!p0 s1  }
0x4ea: {  	[bflag:$0x3] =	sbarrier.arrive $0xFFFF  }
0x4eb: {  	_ =	shalt  }

// kernel: kernel.9.cloned.1.call-start
scs
__scs_entry_jumppad:
0x0: {  	(pc) =	sbr.rel $0x88, $3  }
0x1: {  	(tag) =	ssettag $0x0;
	lr =	simm.s32 $0x1  }
0x2: {  	[smem:$0x3F7C] =	sst lr;
	_ =	strace $0xD0000000  }
0x3: {  	_ = 	snop  }
0x4: {  	_ = 	snop  }
0x5: {  	_ = 	snop  }
0x6: {  	_ = 	snop  }
0x7: {  	_ = 	snop  }
__scs_overlays_trampoline_lowered:
0x8: {  	[smem:$0x3F8B] =	sst s0  }
0x9: {  	[smem:$0x3F8C] =	sst s1  }
0xa: {  	[smem:$0x3F8D] =	sst s2  }
0xb: {  	[smem:$0x3F8E] =	sst s3  }
0xc: {  	[smem:$0x3F8F] =	sst s4  }
0xd: {  	[smem:$0x3F90] =	sst s5  }
0xe: {  	[smem:$0x3F91] =	sst s6  }
0xf: {  	[smem:$0x3F92] =	sst s7  }
0x10: {  	[smem:$0x3F93] =	sst s8  }
0x11: {  	[smem:$0x3F94] =	sst s9;
	s0 =	simm.s32 @!p0 $0x0  }
0x12: {  	s1 =	sld [smem:$0x3F7A];
	s0 =	simm.s32 @p0 $0x1  }
0x13: {  	[smem:$0x3F95] =	sst s0;
	s0 =	simm.s32 @!p1 $0x0  }
0x14: {  	s2 =	sld [smem:$0x3F79];
	s0 =	simm.s32 @p1 $0x1  }
0x15: {  	[smem:$0x3F96] =	sst s0;
	s0 =	simm.s32 @!p2 $0x0  }
0x16: {  	s3 =	sld [smem:$0x3FDB];
	s0 =	simm.s32 @p2 $0x1  }
0x17: {  	s4 =	simm.s32 $0x1BF5;
	[smem:$0x3F98] =	sst s0  }
0x18: {  	s0 =	sld [smem:$0x3F7B];
	_ =	swait.ge [sflag:s4], $0x0  }
0x19: {  	s7 =	sld [smem:$0x3F7C]  }
0x1a: {  	s8 =	sadd.s32 $0xFFFFE003, lr  }
0x1b: {  	s9 =	sadd.s32 $0xFFFFFEF7, lr;
	s5 =	simm.s32 $0xFFFFFFFF;
	p2 =	slt.u32 s8, $0xFFFFF086  }
0x1c: {  	p1 =	slt.u32 s9, $0xF7A;
	s5 =	simm.s32 @!p2 $0x0  }
0x1d: {  	s5 =	simm.s32 @p1 $0x1;
	p0 =	seq.s32 s7, s2  }
0x1e: {  	s7 =	smul.u32 @!p0 $0xF7A, s2;
	p2 =	seq.s32 @!p0 s5, $0x0  }
0x1f: {  	s9 =	smul.u32 $0xF7A, s1;
	s8 =	simm.s32 @!p0 $0x1BF5;
	p2 =	por !p2, p0  }
0x20: {  	[sflag:s8] =	ssyncset.s32 @!p0 $0xFFFFF086;
	s6 =	sadd.s32 @!p0 s3, s7;
	s7 =	simm.s32 @!p0 $0x108  }
0x21: {  	s3 =	sadd.s32 s3, s9;
	s6 =	sadd.s32 @!p0 $0x88, s6;
	s7 =	simm.s32 @p2 $0x1082  }
0x22: {  	[simem:s7], [sflag:s8] =	dma.local @!p0 [hbm:s6], $0xF7A  }
0x23: {  	s9 =	sor.u32 $0xD0000000, s2;
	s6 =	simm.s32 $0x108;
	_ =	swait.ge @!p0 [sflag:s8], $0x0  }
0x24: {  	s3 =	sadd.s32 $0x88, s3;
	s6 =	simm.s32 @!p1 $0x1082;
	[sflag:s4] =	ssyncset.s32 $0xFFFFF086  }
0x25: {  	[simem:s6], [sflag:s4] =	dma.local [hbm:s3], $0xF7A  }
0x26: {  	[smem:$0x3F7C] =	sst s1;
	(tag) =	ssettag s2;
	_ =	strace s9  }
0x27: {  	s1 =	sld [smem:$0x3F8C]  }
0x28: {  	s2 =	sld [smem:$0x3F8D]  }
0x29: {  	s4 =	sld [smem:$0x3F8F]  }
0x2a: {  	p0 =	seq.s32 s5, $0x0;
	s5 =	sld [smem:$0x3F90]  }
0x2b: {  	s6 =	sld [smem:$0x3F91]  }
0x2c: {  	s7 =	sld [smem:$0x3F92]  }
0x2d: {  	s3 =	simm.s32 $0x108;
	s8 =	sld [smem:$0x3F93]  }
0x2e: {  	s3 =	simm.s32 @!p0 $0x1082;
	s9 =	sld [smem:$0x3F94]  }
0x2f: {  	lr =	sadd.s32 s0, s3;
	s0 =	sld [smem:$0x3F8B]  }
0x30: {  	s3 =	sld [smem:$0x3F8E]  }
0x31: {  	[smem:$0x3F97] =	sst s10  }
0x32: {  	s10 =	sld [smem:$0x3F95];
	_ =	sdelay $0x3  }
0x33: {  	p0 =	seq.s32 s10, $0x1;
	s10 =	sld [smem:$0x3F97];
	_ =	sdelay $0x3  }
0x34: {  	[smem:$0x3F97] =	sst s10  }
0x35: {  	s10 =	sld [smem:$0x3F96];
	_ =	sdelay $0x3  }
0x36: {  	p1 =	seq.s32 s10, $0x1;
	s10 =	sld [smem:$0x3F97];
	_ =	sdelay $0x3  }
0x37: {  	[smem:$0x3F97] =	sst s10  }
0x38: {  	s10 =	sld [smem:$0x3F98]  }
0x39: {  	_ = 	snop;
	(pc) =	sbr.ind lr, $3  }
0x3a: {  	_ = 	snop  }
0x3b: {  	_ = 	snop  }
0x3c: {  	p2 =	seq.s32 s10, $0x1;
	s10 =	sld [smem:$0x3F97]  }
0x3d: {  	_ =	shalt  }
0x3e: {  	_ =	shalt  }
0x3f: {  	_ =	shalt  }
0x40: {  	_ =	shalt  }
0x41: {  	_ =	shalt  }
0x42: {  	_ =	shalt  }
0x43: {  	_ =	shalt  }
0x44: {  	_ =	shalt  }
0x45: {  	_ =	shalt  }
0x46: {  	_ =	shalt  }
0x47: {  	_ =	shalt  }
0x48: {  	_ =	shalt  }
0x49: {  	_ =	shalt  }
0x4a: {  	_ =	shalt  }
0x4b: {  	_ =	shalt  }
0x4c: {  	_ =	shalt  }
0x4d: {  	_ =	shalt  }
0x4e: {  	_ =	shalt  }
0x4f: {  	_ =	shalt  }
0x50: {  	_ =	shalt  }
0x51: {  	_ =	shalt  }
0x52: {  	_ =	shalt  }
0x53: {  	_ =	shalt  }
0x54: {  	_ =	shalt  }
0x55: {  	_ =	shalt  }
0x56: {  	_ =	shalt  }
0x57: {  	_ =	shalt  }
0x58: {  	_ =	shalt  }
0x59: {  	_ =	shalt  }
0x5a: {  	_ =	shalt  }
0x5b: {  	_ =	shalt  }
0x5c: {  	_ =	shalt  }
0x5d: {  	_ =	shalt  }
0x5e: {  	_ =	shalt  }
0x5f: {  	_ =	shalt  }
0x60: {  	_ =	shalt  }
0x61: {  	_ =	shalt  }
0x62: {  	_ =	shalt  }
0x63: {  	_ =	shalt  }
0x64: {  	_ =	shalt  }
0x65: {  	_ =	shalt  }
0x66: {  	_ =	shalt  }
0x67: {  	_ =	shalt  }
0x68: {  	_ =	shalt  }
0x69: {  	_ =	shalt  }
0x6a: {  	_ =	shalt  }
0x6b: {  	_ =	shalt  }
0x6c: {  	_ =	shalt  }
0x6d: {  	_ =	shalt  }
0x6e: {  	_ =	shalt  }
0x6f: {  	_ =	shalt  }
0x70: {  	_ =	shalt  }
0x71: {  	_ =	shalt  }
0x72: {  	_ =	shalt  }
0x73: {  	_ =	shalt  }
0x74: {  	_ =	shalt  }
0x75: {  	_ =	shalt  }
0x76: {  	_ =	shalt  }
0x77: {  	_ =	shalt  }
0x78: {  	_ =	shalt  }
0x79: {  	_ =	shalt  }
0x7a: {  	_ =	shalt  }
0x7b: {  	_ =	shalt  }
0x7c: {  	_ =	shalt  }
0x7d: {  	_ =	shalt  }
0x7e: {  	_ =	shalt  }
0x7f: {  	_ =	shalt  }
0x80: {  	_ =	shalt  }
0x81: {  	_ =	shalt  }
0x82: {  	_ =	shalt  }
0x83: {  	_ =	shalt  }
0x84: {  	_ =	shalt  }
0x85: {  	_ =	shalt  }
0x86: {  	_ =	shalt  }
0x87: {  	_ =	shalt  }
.Lfunc_end0:
.L_simem_size_0:
called_computation_lowered:
.L_overlay_start_0:
0x88: {  	s2 =	sld [smem:$0x3FD9]  }
0x89: {  	s3 =	sld [smem:$0x3FFE];
	_ =	sdelay $0x1  }
0x8a: {  	s1 =	srdreg.scid  }
0x8b: {  	s0 =	sand.u32 $0x1, s1  }
0x8c: {  	s17 =	sshll.u32 s0, $0xA;
	s2 =	sadd.s32 s3, s2  }
0x8d: {  	s2 =	sadd.s32 s2, s17  }
0x8e: {  	[smem:$0x3FA3] =	sst s2  }
0x8f: {  	_ = 	snop  }
0x90: {  	s2 =	sld [smem:$0x3FC5]  }
0x91: {  	s18 =	sld [smem:$0x3FC4];
	(tm) =	ssettm $0x1  }
0x92: {  	s4 =	sld [smem:$0x3FFB];
	_ =	sdelay $0x3  }
0x93: {  	_ =	strace s4  }
0x94: {  	s4 =	sld [smem:$0x3FFC];
	_ =	sdelay $0x3  }
0x95: {  	_ =	strace s4  }
0x96: {  	s4 =	sld [smem:$0x3FFD];
	_ =	sdelay $0x3  }
0x97: {  	_ =	strace s4  }
0x98: {  	_ =	strace $0x8FFFFFFF  }
0x99: {  	s19 =	sld [smem:$0x3FDB];
	_ =	sdelay $0x1  }
0x9a: {  	s5 =	simm.s32 $_scs_section_size  }
0x9b: {  	s6 =	simm.s32 $_size__tile_overlayer_lowered;
	s7 =	simm.s32 $_tile_overlayer_lowered  }
0x9c: {  	s22 =	simm.s32 $0x1BFF;
	s21 =	sshll.u32 s7, $0x1;
	s4 =	sadd.s32 s5, s19  }
0x9d: {  	s8 =	simm.s32 $0x0;
	s20 =	sshll.u32 s6, $0x1;
	s6 =	sadd.s32 s21, s4  }
0x9e: {  	[timem:s8], [sflag:s22] =	dma.local [hbm:s6], s20  }
0x9f: {  	_ =	swait.ge [sflag:s22], s20  }
0xa0: {  	s5 =	ssub.s32 $0x0, s20;
	[sflag:s22] =	ssyncset.done $0x0  }
0xa1: {  	[sflag:s22] =	ssyncadd.s32 s5;
	_ =	sdelay $0x1  }
0xa2: {  	s23 =	simm.s32 $0x1B8B  }
0xa3: {  	_ =	swait.ge [sflag:s23], $0x1  }
0xa4: {  	[sflag:s23] =	ssyncset.done $0x0  }
0xa5: {  	s25 =	simm.s32 $0x1B8E;
	s24 =	sld [smem:$0x3FFE];
	[sflag:s23] =	ssyncadd.s32 $0xFFFFFFFF  }
0xa6: {  	s26 =	simm.s32 $execute0_lowered;
	[smem:$0x3FD2] =	sst s25  }
0xa7: {  	s6 =	sshll.u32 s26, $0x1;
	_ =	strace $0x80000046;
	[dreg:$0x1] =	wrdreg $0xFFFFFFFF  }
0xa8: {  	s28 =	simm.s32 $_size_execute0_lowered;
	s4 =	sadd.s32 s4, s6;
	[dreg:$0x0] =	wrdreg $0x0  }
0xa9: {  	s6 =	sshll.u32 s28, $0x1;
	[dreg:$0x2] =	wrdreg s4  }
0xaa: {  	[dreg:$0x3] =	wrdreg s6  }
0xab: {  	[dreg:$0x4] =	wrdreg $0xC0  }
0xac: {  	_ =	task [dreg:s8], $0x5FFFF  }
0xad: {  	[dreg:$0x1] =	wrdreg $0xFFFFFFFF  }
0xae: {  	[dreg:$0x0] =	wrdreg $0x60  }
0xaf: {  	[dreg:$0x2] =	wrdreg s24  }
0xb0: {  	[dreg:$0x3] =	wrdreg s2  }
0xb1: {  	[dreg:$0x4] =	wrdreg s18  }
0xb2: {  	[dreg:$0x5] =	wrdreg $0x9  }
0xb3: {  	_ =	task.clear_ibuf [dreg:s8], $0x6FFFF;
	_ =	strace $0x90000046  }
0xb4: {  	s29 =	simm.s32 $0x9;
	_ =	strace $0x80000048  }
0xb5: {  	_ =	swait.ge [sflag:s29], $0x1  }
0xb6: {  	[sflag:s29] =	ssyncadd.s32 $0xFFFFFFFF  }
0xb7: {  	_ =	strace $0x90000048  }
0xb8: {  	_ =	sfence  }
0xb9: {  	s30 =	sld [smem:$0x0];
	_ =	sdelay $0x2  }
0xba: {  	s31 =	sshll.u32 s1, $0xD;
	s1 =	sshrl.u32 s1, $0x2  }
0xbb: {  	s3 =	sand.u32 $0x4000, s31;
	s1 =	sadd.s32 s1, s30  }
0xbc: {  	s0 =	sor.u32 s3, s0;
	s1 =	sshll.u32 s1, $0x11  }
0xbd: {  	s0 =	sor.u32 s1, s0  }
0xbe: {  	s0 =	sadd.s32 $0x8F2B, s0  }
0xbf: {  	[sflag:s0] =	ssyncadd.remote.s32 $0x1  }
0xc0: {  	_ =	sfence.sel $0xFFFF  }
0xc1: {  	[dreg:$0x0] =	wrdreg $0xFFFFFFFF;
	(pc) =	sbr.abs _section_cstart, $3  }
0xc2: {  	[dreg:$0x1] =	wrdreg $0xFFFFFFFF  }
0xc3: {  	_ =	task.clear_ibuf [dreg:s8], $0x2FFFF;
	_ =	strace $0x9FFFFFFF  }
0xc4: {  	(tm) =	ssettm $0x7FFFFFFF  }
0xc5: {  	_ =	shalt  }
tec
execute0_lowered:
.L_overlay_start_1:
0x0: {  	(tag) =	ssettag $0x1  }
0x1: {  	s8 =	rddreg [dreg:$0x0]  }
0x2: {  	s1 =	rddreg [dreg:$0x1]  }
0x3: {  	s2 =	rddreg [dreg:$0x2]  }
0x4: {  	s0 =	rddreg [dreg:$0x3];
	s3 =	simm.s32 $0x0  }
0x5: {  	s6 =	srdreg.scid;
	s4 =	stileid.u32;
	s13 =	simm.s32 $0xB500  }
0x6: {  	s14 =	simm.s32 $0xBCD0;
	s15 =	simm.s32 $0xC4A0;
	s16 =	simm.s32 $0xCC70  }
0x7: {  	s17 =	simm.s32 $0xD440;
	s18 =	simm.s32 $0x0;
	[smem:$0x7FF] =	sst s3  }
0x8: {  	s5 =	sadd.s32 $0x7200, s8;
	s9 =	sand.u32 $0x1, s6;
	s6 =	sadd.s32 $0x6800, s8  }
0x9: {  	s11 =	sshll.u32 s4, $0x1;
	s7 =	sadd.s32 $0x7C00, s8;
	s10 =	ssub.s32 $0x2, s9  }
0xa: {  	v0 =	vlaneseq.u32;
	s8 =	sadd.s32 $0x11A00, s8;
	_ =	strace $0x80000047;
	s12 =	sshrl.u32 s10, $0x1  }
0xb: {  	v1 =	vor.u32 $0x7D0, v0;
	s9 =	sor.u32 s9, s11;
	s11 =	simm.s32 $0x1;
	s10 =	ssub.s32 s10, s12  }
0xc: {  	v2 =	vor.u32 $0xFA0, v0;
	v3 =	vor.u32 $0x1770, v0;
	v4 =	vor.u32 $0x1F40, v0;
	s9 =	smul.u32 $0x2710, s9;
	s12 =	simm.s32 $0x4E80;
	s10 =	smax.u32 s10, $0x1  }
.LBB2_1:
0xd: {  	[tilespmem:s3], [sflag:$0x1] =	stream.linear.gather [hbm4b:s5+s3], $0x4E80, $0x38;
	[tilespmem:$0xDC80] =	vst v63  }
0xe: {  	_ =	swait.ge [sflag:s11], $0x4E80  }
0xf: {  	[sflag:s11] =	ssyncset.done $0x0  }
0x10: {  	[sflag:s11] =	ssyncadd.s32 $0xFFFFB180  }
0x11: {  	[tilespmem:s12], [sflag:$0x1] =	stream.linear.gather [hbm4b:s6+s3], $0x4E80, $0x38;
	[tilespmem:$0xDC80] =	vst v63  }
0x12: {  	_ =	swait.ge [sflag:s11], $0x4E80  }
0x13: {  	[sflag:s11] =	ssyncset.done $0x0  }
0x14: {  	s19 =	simm.s32 $0x0;
	[sflag:s11] =	ssyncadd.s32 $0xFFFFB180  }
.LBB2_2:
0x15: {  	s20 =	smul.u32 $0x7D0, s19;
	_ =	sdelay $0x1  }
0x16: {  	s20 =	sadd.s32 s9, s20  }
0x17: {  	s20 =	sshrl.u32 s20, $0x3  }
0x18: {  	s25 =	simm.s32 $0x0;
	s21 =	simm.s32 $0x9D00;
	s22 =	sadd.s32 s1, s20  }
0x19: {  	[tilespmem:s21], [sflag:$0x1] =	stream.linear.gather [hbm4b:s22+s25], $0x7D0, $0x38;
	[tilespmem:$0xDC80] =	vst v63  }
0x1a: {  	_ =	swait.ge [sflag:s11], $0x7D0  }
0x1b: {  	[sflag:s11] =	ssyncset.done $0x0  }
0x1c: {  	s23 =	sadd.s32 s2, s20;
	s22 =	simm.s32 $0xA500;
	[sflag:s11] =	ssyncadd.s32 $0xFFFFF830  }
0x1d: {  	[tilespmem:s22], [sflag:$0x1] =	stream.linear.gather [hbm4b:s23+s25], $0x7D0, $0x38;
	[tilespmem:$0xDC80] =	vst v63  }
0x1e: {  	_ =	swait.ge [sflag:s11], $0x7D0  }
0x1f: {  	[sflag:s11] =	ssyncset.done $0x0  }
0x20: {  	s24 =	sadd.s32 s7, s20;
	s23 =	simm.s32 $0xAD00;
	[sflag:s11] =	ssyncadd.s32 $0xFFFFF830  }
0x21: {  	[tilespmem:s23], [sflag:$0x1] =	stream.linear.gather [hbm4b:s24+s25], $0x7D0, $0x38;
	[tilespmem:$0xDC80] =	vst v63  }
0x22: {  	_ =	swait.ge [sflag:s11], $0x7D0  }
0x23: {  	[sflag:s11] =	ssyncset.done $0x0  }
0x24: {  	[sflag:s11] =	ssyncadd.s32 $0xFFFFF830  }
0x25: {  	v5 =	vld [tilespmem:s21+$0x0];
	_ =	sdelay $0x1  }
0x26: {  	v6 =	vld [tilespmem:s22+$0x0];
	_ =	sdelay $0x2  }
0x27: {  	v5 =	vshll.u32 v5, $0x1  }
0x28: {  	v7 =	vor.u32 $0x1, v5  }
0x29: {  	v6 =	vshll.u32 v6, $0x1;
	_ =	sdelay $0x2  }
0x2a: {  	v10 =	vor.u32 s25, v0;
	v8 =	vor.u32 $0x1, v6;
	v9 =	vld.idx.msk [tilespmem:v5+s3+$0x0], $0xffff  }
0x2b: {  	v11 =	vadd.s32 s25, v1;
	v7 =	vld.idx.msk [tilespmem:v7+s3+$0x0], $0xffff  }
0x2c: {  	v12 =	vadd.s32 s25, v2;
	v6 =	vld.idx.msk [tilespmem:v6+s12+$0x0], $0xffff;
	_ =	sdelay $0x1  }
0x2d: {  	v5 =	vld [tilespmem:s23+$0x0]  }
0x2e: {  	v8 =	vld.idx.msk [tilespmem:v8+s12+$0x0], $0xffff;
	[tilespmem:v10+s13+$0x0] =	vst.idx.msk $0xffff, v9  }
0x2f: {  	v13 =	vadd.s32 s25, v3;
	[tilespmem:v11+s13+$0x0] =	vst.idx.msk $0xffff, v7  }
0x30: {  	[tilespmem:v12+s13+$0x0] =	vst.idx.msk $0xffff, v6;
	v6 =	vadd.s32 s25, v4;
	_ =	sdelay $0x3  }
0x31: {  	s24 =	simm.s32 $0x10;
	[tilespmem:v13+s13+$0x0] =	vst.idx.msk $0xffff, v8  }
.LBB2_3:
0x32: {  	[tilespmem:v6+s13+$0x0] =	vst.idx.msk $0xffff, v5;
	s21 =	sadd.s32 $0x10, s21;
	s22 =	sadd.s32 $0x10, s22;
	s23 =	sadd.s32 $0x10, s23  }
0x33: {  	p0 =	sne.s32 s24, $0x7C0;
	s25 =	smov.u32 s24;
	s24 =	sadd.s32 $0x10, s24;
	v5 =	vld [tilespmem:s21+$0x0]  }
0x34: {  	_ = 	snop  }
0x35: {  	v6 =	vld [tilespmem:s22+$0x0];
	_ =	sdelay $0x2  }
0x36: {  	v5 =	vshll.u32 v5, $0x1  }
0x37: {  	v7 =	vor.u32 $0x1, v5  }
0x38: {  	v6 =	vshll.u32 v6, $0x1  }
0x39: {  	v8 =	vor.u32 $0x1, v6;
	_ =	sdelay $0x1  }
0x3a: {  	v9 =	vld.idx.msk [tilespmem:v5+s3+$0x0], $0xffff  }
0x3b: {  	v10 =	vor.u32 s25, v0;
	v7 =	vld.idx.msk [tilespmem:v7+s3+$0x0], $0xffff  }
0x3c: {  	v12 =	vadd.s32 s25, v1;
	v11 =	vld.idx.msk [tilespmem:v6+s12+$0x0], $0xffff  }
0x3d: {  	v13 =	vadd.s32 s25, v2;
	v8 =	vld.idx.msk [tilespmem:v8+s12+$0x0], $0xffff  }
0x3e: {  	v14 =	vadd.s32 s25, v3  }
.Ltmp0:
0x3f: {  	v6 =	vadd.s32 s25, v4;
	v5 =	vld [tilespmem:s23+$0x0];
	(pc) =	sbr.rel @p0 .LBB2_3-.Ltmp0, $4  }
0x40: {  	[tilespmem:v10+s13+$0x0] =	vst.idx.msk $0xffff, v9  }
0x41: {  	[tilespmem:v12+s13+$0x0] =	vst.idx.msk $0xffff, v7  }
0x42: {  	[tilespmem:v13+s13+$0x0] =	vst.idx.msk $0xffff, v11  }
0x43: {  	[tilespmem:v14+s13+$0x0] =	vst.idx.msk $0xffff, v8  }
0x44: {  	_ =	sdelay $0x3  }
0x45: {  	[tilespmem:v6+s13+$0x0] =	vst.idx.msk $0xffff, v5;
	s20 =	sadd.s32 s8, s20  }
0x46: {  	[hbm4b:s20+s3] =	stream.linear.scatter [tilespmem:s13], [sflag:$0x1], $0x7D0, $0x38;
	[tilespmem:$0xDC80] =	vst v63  }
0x47: {  	_ =	swait.ge [sflag:s11], $0x7D0  }
0x48: {  	[sflag:s11] =	ssyncset.done $0x0  }
0x49: {  	s21 =	sadd.s32 $0x9C40, s20;
	[sflag:s11] =	ssyncadd.s32 $0xFFFFF830  }
0x4a: {  	[hbm4b:s21+s3] =	stream.linear.scatter [tilespmem:s14], [sflag:$0x1], $0x7D0, $0x38;
	[tilespmem:$0xDC80] =	vst v63  }
0x4b: {  	_ =	swait.ge [sflag:s11], $0x7D0  }
0x4c: {  	[sflag:s11] =	ssyncset.done $0x0  }
0x4d: {  	s30 =	sadd.s32 $0x13880, s20;
	[sflag:s11] =	ssyncadd.s32 $0xFFFFF830  }
0x4e: {  	[hbm4b:s30+s3] =	stream.linear.scatter [tilespmem:s15], [sflag:$0x1], $0x7D0, $0x38;
	[tilespmem:$0xDC80] =	vst v63  }
0x4f: {  	_ =	swait.ge [sflag:s11], $0x7D0  }
0x50: {  	[sflag:s11] =	ssyncset.done $0x0  }
0x51: {  	s31 =	sadd.s32 $0x1D4C0, s20;
	[sflag:s11] =	ssyncadd.s32 $0xFFFFF830  }
0x52: {  	[hbm4b:s31+s3] =	stream.linear.scatter [tilespmem:s16], [sflag:$0x1], $0x7D0, $0x38;
	[tilespmem:$0xDC80] =	vst v63  }
0x53: {  	s19 =	sadd.s32 $0x1, s19;
	_ =	swait.ge [sflag:s11], $0x7D0  }
0x54: {  	p0 =	sne.s32 s19, $0x5;
	[sflag:s11] =	ssyncset.done $0x0  }
.Ltmp1:
0x55: {  	s20 =	sadd.s32 $0x27100, s20;
	[sflag:s11] =	ssyncadd.s32 $0xFFFFF830;
	(pc) =	sbr.rel @p0 .LBB2_2-.Ltmp1, $4  }
0x56: {  	[hbm4b:s20+s3] =	stream.linear.scatter [tilespmem:s17], [sflag:$0x1], $0x7D0, $0x38;
	[tilespmem:$0xDC80] =	vst v63  }
0x57: {  	_ =	swait.ge [sflag:s11], $0x7D0  }
0x58: {  	[sflag:s11] =	ssyncset.done $0x0  }
0x59: {  	[sflag:s11] =	ssyncadd.s32 $0xFFFFF830  }
0x5a: {  	s18 =	sadd.s32 $0x1, s18  }
0x5b: {  	p0 =	sne.s32 s18, s10  }
.Ltmp2:
0x5c: {  	_ = 	snop;
	(pc) =	sbr.rel @p0 .LBB2_1-.Ltmp2, $1  }
0x5d: {  	_ =	sdelay $0x3  }
0x5e: {  	_ =	sfence.sel $0x180000  }
0x5f: {  	[bflag:$0x0] =	sbarrier.arrive $0xFFFF  }
0x60: {  	p0 =	sne.s32 s4, $0x0;
	_ =	strace $0x90000047  }
0x61: {  	s0 =	sadd.s32 @!p0 $0x100000, s0;
	[bflag:$0x2] =	sbarrier.arrive $0xFFFF  }
0x62: {  	[sflag:s0] =	ssyncadd.tile.s32 @!p0 $0x1;
	_ =	shalt  }
.Lfunc_end2:
_tile_overlayer_lowered:
.L_overlay_start_2:
0x63: {  	(tag) =	ssettag $0x2  }
0x64: {  	s0 =	rddreg [dreg:$0x0];
	s2 =	stileid.u32  }
0x65: {  	s1 =	rddreg [dreg:$0x1];
	p0 =	sne.s32 s2, $0x0  }
0x66: {  	s3 =	rddreg [dreg:$0x2];
	[bflag:$0x3] =	sbarrier.arrive $0xFFFF;
	s2 =	simm.s32 @!p0 $0x1C01  }
0x67: {  	[timem:s3], [sflag:s2] =	dma.local @!p0 [hbm:s0], s1  }
0x68: {  	s0 =	simm.s32 @!p0 $0x1  }
0x69: {  	_ =	swait.ge @!p0 [sflag:s0], s1  }
0x6a: {  	s1 =	ssub.s32 @!p0 $0x0, s1;
	[sflag:s0] =	ssyncset.done @!p0 $0x0  }
0x6b: {  	[sflag:s0] =	ssyncadd.s32 @!p0 s1  }
0x6c: {  	[bflag:$0x3] =	sbarrier.arrive $0xFFFF  }
0x6d: {  	_ =	shalt  }

</sc_bundles>
